<compile_context>
chip_gen: v7x
topology: tpu7x:2x2x1
jax: 0.10.2.dev20260603
libtpu: 0.0.44.dev20260713+nightly
codegen_flags: <defaults>
</compile_context>

<pallas_src>
import jax
import jax.numpy as jnp
from jax import lax
from jax.experimental import pallas as pl
from jax.experimental.pallas import tpu as pltpu
from jax.experimental.pallas import tpu_sc as plsc

NC = 2
NS = 16
NW = NC * NS
CHUNK = 125


def _mesh():
    return plsc.VectorSubcoreMesh(
        core_axis_name="c", subcore_axis_name="s", num_cores=NC, num_subcores=NS)


_SC_PARAMS = pltpu.CompilerParams(
    use_tc_tiling_on_sc=False, needs_layout_passes=False)



def _sc_gather(table, idx2):
    n_rows = idx2.shape[0]
    ch = n_rows // NW
    epw = ch * CHUNK
    feat = table.shape[1]
    kk = 8

    def body(table_hbm, idx_hbm, out_hbm, idx_v, rows_v, sem):
        wid = lax.axis_index("c") * NS + lax.axis_index("s")
        rowbase = wid * ch
        base = wid * epw
        pltpu.sync_copy(idx_hbm.at[pl.ds(rowbase, ch)], idx_v)

        def group(g, carry):
            c0 = g * kk
            handles = [
                pltpu.async_copy(table_hbm.at[idx_v.at[c0 + j]],
                                 rows_v.at[pl.ds((c0 + j) * CHUNK, CHUNK)], sem)
                for j in range(kk)
            ]
            for hd in handles:
                hd.wait()
            return carry

        lax.fori_loop(0, ch // kk, group, 0)
        pltpu.sync_copy(rows_v, out_hbm.at[pl.ds(base, epw)])

    return pl.kernel(
        body,
        out_type=jax.ShapeDtypeStruct((n_rows * CHUNK, feat), jnp.float32),
        mesh=_mesh(),
        compiler_params=_SC_PARAMS,
        scratch_types=[
            pltpu.VMEM((ch, CHUNK), jnp.int32),
            pltpu.VMEM((epw, feat), jnp.float32),
            pltpu.SemaphoreType.DMA,
        ],
    )(table, idx2)



def _sc_mega0(m, dst2, src2, nn_bias, gamma, beta, n_nodes):
    e, feat = m.shape
    et = e // NS
    hch = et // 2 // CHUNK
    gch = e // NW // CHUNK
    gpw = gch * CHUNK
    rps = n_nodes // NS
    kk = 8
    inv_n = 1.0 / n_nodes

    def body(m_hbm, dsti_hbm, srci_hbm, bias_hbm, gam_hbm, bet_hbm,
             hs1_hbm, idx_v, m_v, work_v, stats_my, stats_all, pvec,
             acc, stats_sh, sem):
        cid = lax.axis_index("c")
        sid = lax.axis_index("s")
        wid = cid * NS + sid

        def zb(i, c0):
            work_v[i, :] = jnp.zeros((feat,), jnp.float32)
            return c0

        lax.fori_loop(0, rps, zb, 0)
        pltpu.sync_copy(work_v, acc.at[pl.ds(sid * rps, rps)])
        pltpu.sync_copy(bias_hbm, pvec.at[0])
        pltpu.sync_copy(gam_hbm, pvec.at[1])
        pltpu.sync_copy(bet_hbm, pvec.at[2])
        pltpu.sync_copy(dsti_hbm.at[pl.ds(sid * 2 * hch, 2 * hch)], idx_v)
        plsc.subcore_barrier()

        for half in range(2):
            pltpu.sync_copy(
                m_hbm.at[pl.ds(sid * et + half * hch * CHUNK, hch * CHUNK)], m_v)

            def grp(g, c0, _half=half):
                cb = g * kk
                handles = [
                    pltpu.async_copy(m_v.at[pl.ds((cb + j) * CHUNK, CHUNK)],
                                     acc.at[idx_v.at[_half * hch + cb + j]],
                                     sem, add=True)
                    for j in range(kk)
                ]
                for hd in handles:
                    hd.wait()
                return c0

            lax.fori_loop(0, hch // kk, grp, 0)
        plsc.subcore_barrier()

        pltpu.sync_copy(acc.at[pl.ds(sid * rps, rps)], work_v)
        bias_v = pvec[0, :]
        gam_v = pvec[1, :]
        bet_v = pvec[2, :]

        def bn1(i, carry):
            s, ss = carry
            v = jnp.maximum(work_v[i, :] + bias_v, 0.0)
            work_v[i, :] = v
            return (s + v, ss + v * v)

        zv = jnp.zeros((feat,), jnp.float32)
        s, ss = lax.fori_loop(0, rps, bn1, (zv, zv))
        stats_my[pl.ds(0, feat)] = s
        stats_my[pl.ds(feat, feat)] = ss
        pltpu.sync_copy(stats_my, stats_sh.at[sid])
        plsc.subcore_barrier()

        pltpu.sync_copy(stats_sh, stats_all)
        tot = jnp.zeros((feat,), jnp.float32)
        tot2 = jnp.zeros((feat,), jnp.float32)
        for t in range(NS):
            tot = tot + stats_all[t, pl.ds(0, feat)]
            tot2 = tot2 + stats_all[t, pl.ds(feat, feat)]
        mean = tot * inv_n
        var = tot2 * inv_n - mean * mean
        x = var + 1e-5
        yi = jnp.int32(0x5F3759DF) - (plsc.bitcast(x, jnp.int32) >> 1)
        y = plsc.bitcast(yi, jnp.float32)
        for _ in range(3):
            y = y * (1.5 - 0.5 * x * y * y)
        scale = gam_v * y
        shift = bet_v - mean * scale

        def bn2(i, c0):
            work_v[i, :] = work_v[i, :] * scale + shift
            return c0

        lax.fori_loop(0, rps, bn2, 0)
        pltpu.sync_copy(work_v, acc.at[pl.ds(sid * rps, rps)])
        plsc.subcore_barrier()

        pltpu.sync_copy(srci_hbm.at[pl.ds(wid * gch, gch)],
                        idx_v.at[pl.ds(0, gch)])

        def ggrp(g, c0):
            cb = g * kk
            handles = [
                pltpu.async_copy(acc.at[idx_v.at[cb + j]],
                                 m_v.at[pl.ds((cb + j) * CHUNK, CHUNK)], sem)
                for j in range(kk)
            ]
            for hd in handles:
                hd.wait()
            return c0

        lax.fori_loop(0, gch // kk, ggrp, 0)
        pltpu.sync_copy(m_v, hs1_hbm.at[pl.ds(wid * gpw, gpw)])

    return pl.kernel(
        body,
        out_type=jax.ShapeDtypeStruct((e, feat), jnp.float32),
        mesh=_mesh(),
        compiler_params=_SC_PARAMS,
        scratch_types=[
            pltpu.VMEM((2 * hch, CHUNK), jnp.int32),
            pltpu.VMEM((hch * CHUNK, feat), jnp.float32),
            pltpu.VMEM((rps, feat), jnp.float32),
            pltpu.VMEM((2 * feat,), jnp.float32),
            pltpu.VMEM((NS, 2 * feat), jnp.float32),
            pltpu.VMEM((3, feat), jnp.float32),
            pltpu.VMEM_SHARED((n_nodes, feat), jnp.float32),
            pltpu.VMEM_SHARED((NS, 2 * feat), jnp.float32),
            pltpu.SemaphoreType.DMA,
        ],
    )(m, dst2, src2, nn_bias, gamma, beta)



def _sc_mega1(m, dst2, nn_bias, n_nodes):
    e, feat = m.shape
    et = e // NS
    hch = et // 2 // CHUNK
    rps = n_nodes // NS
    half_n = n_nodes // NC
    orow = -(-half_n // NS)
    kk = 8

    def body(m_hbm, dsti_hbm, bias_hbm, out_hbm, idx_v, m_v, work_v, pvec,
             acc, sem):
        cid = lax.axis_index("c")
        sid = lax.axis_index("s")

        def zb(i, c0):
            work_v[i, :] = jnp.zeros((feat,), jnp.float32)
            return c0

        lax.fori_loop(0, rps, zb, 0)
        pltpu.sync_copy(work_v.at[pl.ds(0, rps)], acc.at[pl.ds(sid * rps, rps)])
        pltpu.sync_copy(bias_hbm, pvec.at[0])
        pltpu.sync_copy(dsti_hbm.at[pl.ds(sid * 2 * hch, 2 * hch)], idx_v)
        plsc.subcore_barrier()

        for half in range(2):
            pltpu.sync_copy(
                m_hbm.at[pl.ds(sid * et + half * hch * CHUNK, hch * CHUNK)], m_v)

            def grp(g, c0, _half=half):
                cb = g * kk
                handles = [
                    pltpu.async_copy(m_v.at[pl.ds((cb + j) * CHUNK, CHUNK)],
                                     acc.at[idx_v.at[_half * hch + cb + j]],
                                     sem, add=True)
                    for j in range(kk)
                ]
                for hd in handles:
                    hd.wait()
                return c0

            lax.fori_loop(0, hch // kk, grp, 0)
        plsc.subcore_barrier()

        base = cid * half_n + jnp.minimum(sid * orow, half_n - orow)
        pltpu.sync_copy(acc.at[pl.ds(base, orow)], work_v.at[pl.ds(0, orow)])
        bias_v = pvec[0, :]

        def lrow(i, c0):
            v = work_v[i, :] + bias_v
            mx = jnp.max(v)
            xm = v - mx
            ssum = jnp.sum(jnp.exp(xm))
            sv = jnp.full((feat,), ssum, jnp.float32)
            si = plsc.bitcast(sv, jnp.int32)
            expo = ((si >> 23) - 127).astype(jnp.float32)
            t = plsc.bitcast((si & 0x007FFFFF) | 0x3F800000, jnp.float32) - 1.0
            y = expo * 0.6931472 + t * (1.0 - t * (0.5 - t * 0.33333334))
            for _ in range(3):
                y = y + sv * jnp.exp(-y) - 1.0
            work_v[i, :] = xm - y
            return c0

        lax.fori_loop(0, orow, lrow, 0)
        pltpu.sync_copy(work_v.at[pl.ds(0, orow)], out_hbm.at[pl.ds(base, orow)])

    return pl.kernel(
        body,
        out_type=jax.ShapeDtypeStruct((n_nodes, feat), jnp.float32),
        mesh=_mesh(),
        compiler_params=_SC_PARAMS,
        scratch_types=[
            pltpu.VMEM((2 * hch, CHUNK), jnp.int32),
            pltpu.VMEM((hch * CHUNK, feat), jnp.float32),
            pltpu.VMEM((rps, feat), jnp.float32),
            pltpu.VMEM((1, feat), jnp.float32),
            pltpu.VMEM_SHARED((n_nodes, feat), jnp.float32),
            pltpu.SemaphoreType.DMA,
        ],
    )(m, dst2, nn_bias)



def _tc_dense(ef8, hs8, Wb, bb, S1b, S2b, rblock, real_rows):
    rows, width = ef8.shape
    kdim = S1b.shape[1]
    grid = rows // rblock

    def body(ef_ref, hs_ref, w_ref, b_ref, s1_ref, s2_ref, m_ref):
        ef = ef_ref[...].astype(jnp.bfloat16)
        hb = hs_ref[...].astype(jnp.bfloat16)
        a = jnp.dot(ef, s1_ref[...], preferred_element_type=jnp.float32)
        c = jnp.dot(hb, s2_ref[...], preferred_element_type=jnp.float32)
        z = (a * c).astype(jnp.bfloat16)
        m = jnp.dot(z, w_ref[...], preferred_element_type=jnp.float32) \
            + jnp.dot(hb, b_ref[...], preferred_element_type=jnp.float32)
        if real_rows != rows:
            i = pl.program_id(0)
            rr = i * rblock + lax.broadcasted_iota(jnp.int32, (rblock, width), 0)
            m = jnp.where(rr < real_rows, m, 0.0)
        m_ref[...] = m

    return pl.pallas_call(
        body,
        grid=(grid,),
        in_specs=[
            pl.BlockSpec((rblock, width), lambda i: (i, 0)),
            pl.BlockSpec((rblock, width), lambda i: (i, 0)),
            pl.BlockSpec((kdim, width), lambda i: (0, 0)),
            pl.BlockSpec((width, width), lambda i: (0, 0)),
            pl.BlockSpec((width, kdim), lambda i: (0, 0)),
            pl.BlockSpec((width, kdim), lambda i: (0, 0)),
        ],
        out_specs=pl.BlockSpec((rblock, width), lambda i: (i, 0)),
        out_shape=jax.ShapeDtypeStruct((rows, width), jnp.float32),
    )(ef8, hs8, Wb, bb, S1b, S2b)



def kernel(inputs, edge_features, edge_index, W0, b0, nn_bias0, bn_gamma0,
           bn_beta0, W1, b1, nn_bias1):
    n, nf = inputs.shape
    e = edge_features.shape[0]
    src = edge_index[0]
    dst = edge_index[1]

    gran = NW * CHUNK
    e_pad = ((e + gran - 1) // gran) * gran
    pad = e_pad - e
    if pad:
        src_p = jnp.concatenate([src, jnp.zeros((pad,), jnp.int32)])
        dst_p = jnp.concatenate([dst, jnp.zeros((pad,), jnp.int32)])
        ef_p = jnp.concatenate([edge_features,
                                jnp.zeros((pad, nf), jnp.float32)], axis=0)
    else:
        src_p, dst_p, ef_p = src, dst, edge_features
    src2 = src_p.reshape(e_pad // CHUNK, CHUNK)
    dst2 = dst_p.reshape(e_pad // CHUNK, CHUNK)

    eye = jnp.eye(nf, dtype=jnp.float32)
    S1 = jnp.repeat(eye, nf, axis=1)
    S2 = jnp.tile(eye, (1, nf))
    pk = 128 // nf
    eye8 = jnp.eye(pk, dtype=jnp.float32)
    bf = jnp.bfloat16
    S1b = jnp.kron(eye8, S1).astype(bf)
    S2b = jnp.kron(eye8, S2).astype(bf)
    Wb0 = jnp.kron(eye8, W0.reshape(nf * nf, nf)).astype(bf)
    bb0 = jnp.kron(eye8, b0.reshape(nf, nf)).astype(bf)
    Wb1 = jnp.kron(eye8, W1.reshape(nf * nf, nf)).astype(bf)
    bb1 = jnp.kron(eye8, b1.reshape(nf, nf)).astype(bf)
    ef8 = ef_p.reshape(e_pad // pk, pk * nf)
    rblock = 2000
    real_rows = e // pk

    hs0 = _sc_gather(inputs, src2)
    m0 = _tc_dense(ef8, hs0.reshape(e_pad // pk, pk * nf),
                   Wb0, bb0, S1b, S2b, rblock, real_rows)
    hs1 = _sc_mega0(m0.reshape(e_pad, nf), dst2, src2,
                    nn_bias0, bn_gamma0, bn_beta0, n)

    m1 = _tc_dense(ef8, hs1.reshape(e_pad // pk, pk * nf),
                   Wb1, bb1, S1b, S2b, rblock, real_rows)
    return _sc_mega1(m1.reshape(e_pad, nf), dst2, nn_bias1, n)

# --- scband reference (transcript-rebuilt; emitter-appended) ---
"""Pipeline reference for scband-mpnn-49632642073098 (READ-ONLY COPY).

The authoritative reference and input builder live on the scoring server;
editing this copy changes nothing except your own understanding.
"""

import jax, jax.numpy as jnp
import numpy as np

N = 10000
E = 160000
IN = 16
HID = 16
OUT = 16
EF = 16


def setup_inputs(seed: int = 0) -> dict:
    key = jax.random.key(seed)
    ks = jax.random.split(key, 8)
    inputs = jax.random.normal(ks[0], (N, IN), dtype=jnp.float32)
    edge_index = jax.random.randint(ks[1], (2, E), 0, N, dtype=jnp.int32)
    edge_features = jax.random.normal(ks[2], (E, EF), dtype=jnp.float32)
    # layer 0 params: edge_func Linear(EF, IN*HID), NNConv bias, BatchNorm1d(HID)
    W0 = jax.random.normal(ks[3], (EF, IN * HID), dtype=jnp.float32) * (1.0 / np.sqrt(EF))
    b0 = jnp.zeros((IN * HID,), dtype=jnp.float32)
    nn_bias0 = jnp.zeros((HID,), dtype=jnp.float32)
    bn_gamma0 = jnp.ones((HID,), dtype=jnp.float32)
    bn_beta0 = jnp.zeros((HID,), dtype=jnp.float32)
    # layer 1 params: edge_func Linear(EF, HID*OUT), NNConv bias
    W1 = jax.random.normal(ks[4], (EF, HID * OUT), dtype=jnp.float32) * (1.0 / np.sqrt(EF))
    b1 = jnp.zeros((HID * OUT,), dtype=jnp.float32)
    nn_bias1 = jnp.zeros((OUT,), dtype=jnp.float32)
    return {
        "inputs": inputs,
        "edge_features": edge_features,
        "edge_index": edge_index,
        "W0": W0, "b0": b0, "nn_bias0": nn_bias0,
        "bn_gamma0": bn_gamma0, "bn_beta0": bn_beta0,
        "W1": W1, "b1": b1, "nn_bias1": nn_bias1,
    }


def reference(inputs, edge_features, edge_index, W0, b0, nn_bias0, bn_gamma0, bn_beta0, W1, b1, nn_bias1):
    src = edge_index[0]
    dst = edge_index[1]

    # ---- Layer 0: NNConv(IN -> HID, edge_func=Linear(EF, IN*HID), sum agg) ----
    We0 = (edge_features @ W0 + b0).reshape(E, IN, HID)          # per-edge weight matrix
    h_src = jnp.take(inputs, src, axis=0)                        # gather  (E, IN)
    m0 = jnp.einsum('ei,eio->eo', h_src, We0)                    # message (E, HID)
    agg0 = jax.ops.segment_sum(m0, dst, num_segments=N)          # scatter-add (N, HID)
    h = agg0 + nn_bias0
    h = jax.nn.relu(h)
    # BatchNorm1d (training mode: batch statistics over nodes)
    mean = jnp.mean(h, axis=0)
    var = jnp.var(h, axis=0)
    h = bn_gamma0 * (h - mean) / jnp.sqrt(var + 1e-5) + bn_beta0

    # ---- Layer 1: NNConv(HID -> OUT, edge_func=Linear(EF, HID*OUT), sum agg) ----
    We1 = (edge_features @ W1 + b1).reshape(E, HID, OUT)
    h_src1 = jnp.take(h, src, axis=0)                            # gather  (E, HID)
    m1 = jnp.einsum('ei,eio->eo', h_src1, We1)                   # message (E, OUT)
    agg1 = jax.ops.segment_sum(m1, dst, num_segments=N)          # scatter-add (N, OUT)
    h = agg1 + nn_bias1

    return jax.nn.log_softmax(h, axis=1)

if __name__ == "__main__":
    import jax
    _d = setup_inputs()
    print(jax.jit(kernel)(*tuple(_d.values())))

</pallas_src>

<mosaic_0001>
#map = affine_map<(d0, d1) -> (0, 0)>
#map1 = affine_map<(d0, d1) -> (0)>
module attributes {stable_mosaic.version = 14 : i64} {
  func.func @body(%arg0: i32, %arg1: i32, %arg2: memref<160000x16xf32, #tpu.memory_space<hbm>>, %arg3: memref<1280x125xi32, #tpu.memory_space<hbm>>, %arg4: memref<16xf32, #tpu.memory_space<hbm>>, %arg5: memref<10000x16xf32, #tpu.memory_space<hbm>>, %arg6: memref<80x125xi32, #tpu.memory_space<vmem>>, %arg7: memref<5000x16xf32, #tpu.memory_space<vmem>>, %arg8: memref<625x16xf32, #tpu.memory_space<vmem>>, %arg9: memref<1x16xf32, #tpu.memory_space<vmem>>, %arg10: memref<10000x16xf32, #tpu.memory_space<vmem_shared>>, %arg11: memref<!tpu.dma_semaphore, #tpu.memory_space<semaphore_mem>>) attributes {dimension_semantics = [#tpu.dimension_semantics<core_parallel>, #tpu.dimension_semantics<subcore_parallel>], iteration_bounds = array<i64: 2, 16>, scalar_prefetch = 0 : i64, scratch_operands = 6 : i64, tpu.core_type = #tpu.core_type<sc_vector_subcore>, window_params = [{transform_indices = #map}, {transform_indices = #map}, {transform_indices = #map1}, {transform_indices = #map}]} {
    %scan3A = arith.constant 0 : i32
    %scan3A_0 = arith.constant 0 : i32
    %scan3A_1 = arith.constant 625 : i32
    %scan3A_2 = arith.addi %scan3A_0, %scan3A_1 : i32
    %scan3A_3 = arith.constant 1 : i32
    scf.for %scan3A_45 = %scan3A_0 to %scan3A_2 step %scan3A_3  : i32 {
      %broadcast_in_dim3A = arith.constant 0.000000e+00 : f32
      %broadcast_in_dim3A_46 = vector.broadcast %broadcast_in_dim3A : f32 to vector<16xf32>
      %swap3A = arith.index_cast %scan3A_45 : i32 to index
      %swap3A_47 = arith.constant 0 : index
      %swap3A_48 = tpu.vector_load %arg8[%swap3A, %swap3A_47] {strides = array<i32>} : memref<625x16xf32, #tpu.memory_space<vmem>>, vector<16xf32>,
      tpu.vector_store %arg8[%swap3A, %swap3A_47], %broadcast_in_dim3A_46 {strides = array<i32>} : memref<625x16xf32, #tpu.memory_space<vmem>>, vector<16xf32>,
    }
    %scan3A_4 = arith.constant 625 : i32
    %mul3A = arith.constant 625 : i32
    %mul3A_5 = arith.muli %arg1, %mul3A : i32
    "tpu.region"() ({
      %run_scoped3A_45 = tpu.sem_alloc : memref<!tpu.dma_semaphore, #tpu.memory_space<semaphore_mem>>
      %dma_start3A = arith.constant 0 : i32
      %dma_start3A_46 = arith.constant 0 : i32
      %dma_start3A_47 = tpu.memref_slice %arg8[%dma_start3A, %dma_start3A_46] : memref<625x16xf32, #tpu.memory_space<vmem>> -> memref<625x16xf32, #tpu.memory_space<vmem>>
      %dma_start3A_48 = arith.constant 0 : i32
      %dma_start3A_49 = tpu.memref_slice %arg10[%mul3A_5, %dma_start3A_48] : memref<10000x16xf32, #tpu.memory_space<vmem_shared>> -> memref<625x16xf32, #tpu.memory_space<vmem_shared>>
      %dma_start3A_50 = arith.constant 0 : i32
      %dma_start3A_51 = tpu.memref_slice %arg10[%mul3A_5, %dma_start3A_50] : memref<10000x16xf32, #tpu.memory_space<vmem_shared>> -> memref<625x16xf32, #tpu.memory_space<vmem_shared>>
      %dma_start3A_52 = arith.constant 0 : i32
      %dma_start3A_53 = arith.constant 0 : i32
      %dma_start3A_54 = tpu.memref_slice %arg8[%dma_start3A_52, %dma_start3A_53] : memref<625x16xf32, #tpu.memory_space<vmem>> -> memref<625x16xf32, #tpu.memory_space<vmem>>
      tpu.enqueue_dma source(%dma_start3A_54 : memref<625x16xf32, #tpu.memory_space<vmem>>) target(%dma_start3A_51 : memref<625x16xf32, #tpu.memory_space<vmem_shared>>) target_semaphore(%run_scoped3A_45 : memref<!tpu.dma_semaphore, #tpu.memory_space<semaphore_mem>>)
      %dma_wait3A = arith.constant 0 : i32
      %dma_wait3A_55 = arith.constant 0 : i32
      %dma_wait3A_56 = tpu.memref_slice %arg8[%dma_wait3A, %dma_wait3A_55] : memref<625x16xf32, #tpu.memory_space<vmem>> -> memref<625x16xf32, #tpu.memory_space<vmem>>
      %dma_wait3A_57 = arith.constant 0 : i32
      %dma_wait3A_58 = tpu.memref_slice %arg10[%mul3A_5, %dma_wait3A_57] : memref<10000x16xf32, #tpu.memory_space<vmem_shared>> -> memref<625x16xf32, #tpu.memory_space<vmem_shared>>
      %dma_wait3A_59 = arith.constant 0 : i32
      %dma_wait3A_60 = tpu.memref_slice %arg10[%mul3A_5, %dma_wait3A_59] : memref<10000x16xf32, #tpu.memory_space<vmem_shared>> -> memref<625x16xf32, #tpu.memory_space<vmem_shared>>
      %dma_wait3A_61 = arith.constant 0 : i32
      %dma_wait3A_62 = arith.constant 0 : i32
      %dma_wait3A_63 = tpu.memref_slice %arg8[%dma_wait3A_61, %dma_wait3A_62] : memref<625x16xf32, #tpu.memory_space<vmem>> -> memref<625x16xf32, #tpu.memory_space<vmem>>
      tpu.wait_dma2 semaphore(%run_scoped3A_45 : memref<!tpu.dma_semaphore, #tpu.memory_space<semaphore_mem>>) src(%dma_wait3A_63 : memref<625x16xf32, #tpu.memory_space<vmem>>) dst(%dma_wait3A_60 : memref<625x16xf32, #tpu.memory_space<vmem_shared>>)
      tpu.yield
    }) : () -> ()
    %run_scoped3A = arith.constant 0 : i32
    "tpu.region"() ({
      %run_scoped3A_45 = tpu.sem_alloc : memref<!tpu.dma_semaphore, #tpu.memory_space<semaphore_mem>>
      %dma_start3A = arith.constant 0 : i32
      %dma_start3A_46 = tpu.memref_slice %arg9[%run_scoped3A, %dma_start3A] : memref<1x16xf32, #tpu.memory_space<vmem>> -> memref<1x16xf32, #tpu.memory_space<vmem>>
      %dma_start3A_47 = tpu.memref_squeeze %dma_start3A_46 : memref<1x16xf32, #tpu.memory_space<vmem>> -> memref<16xf32, #tpu.memory_space<vmem>>
      %dma_start3A_48 = arith.constant 0 : i32
      %dma_start3A_49 = tpu.memref_slice %arg9[%run_scoped3A, %dma_start3A_48] : memref<1x16xf32, #tpu.memory_space<vmem>> -> memref<1x16xf32, #tpu.memory_space<vmem>>
      %dma_start3A_50 = tpu.memref_squeeze %dma_start3A_49 : memref<1x16xf32, #tpu.memory_space<vmem>> -> memref<16xf32, #tpu.memory_space<vmem>>
      tpu.enqueue_dma source(%arg4 : memref<16xf32, #tpu.memory_space<hbm>>) target(%dma_start3A_50 : memref<16xf32, #tpu.memory_space<vmem>>) target_semaphore(%run_scoped3A_45 : memref<!tpu.dma_semaphore, #tpu.memory_space<semaphore_mem>>)
      %dma_wait3A = arith.constant 0 : i32
      %dma_wait3A_51 = tpu.memref_slice %arg9[%run_scoped3A, %dma_wait3A] : memref<1x16xf32, #tpu.memory_space<vmem>> -> memref<1x16xf32, #tpu.memory_space<vmem>>
      %dma_wait3A_52 = tpu.memref_squeeze %dma_wait3A_51 : memref<1x16xf32, #tpu.memory_space<vmem>> -> memref<16xf32, #tpu.memory_space<vmem>>
      %dma_wait3A_53 = arith.constant 0 : i32
      %dma_wait3A_54 = tpu.memref_slice %arg9[%run_scoped3A, %dma_wait3A_53] : memref<1x16xf32, #tpu.memory_space<vmem>> -> memref<1x16xf32, #tpu.memory_space<vmem>>
      %dma_wait3A_55 = tpu.memref_squeeze %dma_wait3A_54 : memref<1x16xf32, #tpu.memory_space<vmem>> -> memref<16xf32, #tpu.memory_space<vmem>>
      tpu.wait_dma2 semaphore(%run_scoped3A_45 : memref<!tpu.dma_semaphore, #tpu.memory_space<semaphore_mem>>) src(%arg4 : memref<16xf32, #tpu.memory_space<hbm>>) dst(%dma_wait3A_55 : memref<16xf32, #tpu.memory_space<vmem>>)
      tpu.yield
    }) : () -> ()
    %mul3A_6 = arith.constant 2 : i32
    %mul3A_7 = arith.muli %arg1, %mul3A_6 : i32
    %mul3A_8 = arith.constant 40 : i32
    %mul3A_9 = arith.muli %mul3A_7, %mul3A_8 : i32
    "tpu.region"() ({
      %run_scoped3A_45 = tpu.sem_alloc : memref<!tpu.dma_semaphore, #tpu.memory_space<semaphore_mem>>
      %dma_start3A = arith.constant 0 : i32
      %dma_start3A_46 = tpu.memref_slice %arg3[%mul3A_9, %dma_start3A] : memref<1280x125xi32, #tpu.memory_space<hbm>> -> memref<80x125xi32, #tpu.memory_space<hbm>>
      %dma_start3A_47 = arith.constant 0 : i32
      %dma_start3A_48 = tpu.memref_slice %arg3[%mul3A_9, %dma_start3A_47] : memref<1280x125xi32, #tpu.memory_space<hbm>> -> memref<80x125xi32, #tpu.memory_space<hbm>>
      tpu.enqueue_dma source(%dma_start3A_48 : memref<80x125xi32, #tpu.memory_space<hbm>>) target(%arg6 : memref<80x125xi32, #tpu.memory_space<vmem>>) target_semaphore(%run_scoped3A_45 : memref<!tpu.dma_semaphore, #tpu.memory_space<semaphore_mem>>)
      %dma_wait3A = arith.constant 0 : i32
      %dma_wait3A_49 = tpu.memref_slice %arg3[%mul3A_9, %dma_wait3A] : memref<1280x125xi32, #tpu.memory_space<hbm>> -> memref<80x125xi32, #tpu.memory_space<hbm>>
      %dma_wait3A_50 = arith.constant 0 : i32
      %dma_wait3A_51 = tpu.memref_slice %arg3[%mul3A_9, %dma_wait3A_50] : memref<1280x125xi32, #tpu.memory_space<hbm>> -> memref<80x125xi32, #tpu.memory_space<hbm>>
      tpu.wait_dma2 semaphore(%run_scoped3A_45 : memref<!tpu.dma_semaphore, #tpu.memory_space<semaphore_mem>>) src(%dma_wait3A_51 : memref<80x125xi32, #tpu.memory_space<hbm>>) dst(%arg6 : memref<80x125xi32, #tpu.memory_space<vmem>>)
      tpu.yield
    }) : () -> ()
    %barrier3A = arith.constant 0 : index
    tpu.barrier barrier_id(%barrier3A)
    %mul3A_10 = arith.constant 10000 : i32
    %mul3A_11 = arith.muli %arg1, %mul3A_10 : i32
    %add3A = arith.constant 0 : i32
    %add3A_12 = arith.addi %mul3A_11, %add3A : i32
    "tpu.region"() ({
      %run_scoped3A_45 = tpu.sem_alloc : memref<!tpu.dma_semaphore, #tpu.memory_space<semaphore_mem>>
      %dma_start3A = arith.constant 0 : i32
      %dma_start3A_46 = tpu.memref_slice %arg2[%add3A_12, %dma_start3A] : memref<160000x16xf32, #tpu.memory_space<hbm>> -> memref<5000x16xf32, #tpu.memory_space<hbm>>
      %dma_start3A_47 = arith.constant 0 : i32
      %dma_start3A_48 = tpu.memref_slice %arg2[%add3A_12, %dma_start3A_47] : memref<160000x16xf32, #tpu.memory_space<hbm>> -> memref<5000x16xf32, #tpu.memory_space<hbm>>
      tpu.enqueue_dma source(%dma_start3A_48 : memref<5000x16xf32, #tpu.memory_space<hbm>>) target(%arg7 : memref<5000x16xf32, #tpu.memory_space<vmem>>) target_semaphore(%run_scoped3A_45 : memref<!tpu.dma_semaphore, #tpu.memory_space<semaphore_mem>>)
      %dma_wait3A = arith.constant 0 : i32
      %dma_wait3A_49 = tpu.memref_slice %arg2[%add3A_12, %dma_wait3A] : memref<160000x16xf32, #tpu.memory_space<hbm>> -> memref<5000x16xf32, #tpu.memory_space<hbm>>
      %dma_wait3A_50 = arith.constant 0 : i32
      %dma_wait3A_51 = tpu.memref_slice %arg2[%add3A_12, %dma_wait3A_50] : memref<160000x16xf32, #tpu.memory_space<hbm>> -> memref<5000x16xf32, #tpu.memory_space<hbm>>
      tpu.wait_dma2 semaphore(%run_scoped3A_45 : memref<!tpu.dma_semaphore, #tpu.memory_space<semaphore_mem>>) src(%dma_wait3A_51 : memref<5000x16xf32, #tpu.memory_space<hbm>>) dst(%arg7 : memref<5000x16xf32, #tpu.memory_space<vmem>>)
      tpu.yield
    }) : () -> ()
    %scan3A_13 = arith.constant 0 : i32
    %scan3A_14 = arith.constant 0 : i32
    %scan3A_15 = arith.constant 5 : i32
    %scan3A_16 = arith.addi %scan3A_14, %scan3A_15 : i32
    %scan3A_17 = arith.constant 1 : i32
    scf.for %scan3A_45 = %scan3A_14 to %scan3A_16 step %scan3A_17  : i32 {
      %mul3A_46 = arith.constant 8 : i32
      %mul3A_47 = arith.muli %scan3A_45, %mul3A_46 : i32
      %add3A_48 = arith.constant 0 : i32
      %add3A_49 = arith.addi %mul3A_47, %add3A_48 : i32
      %mul3A_50 = arith.constant 125 : i32
      %mul3A_51 = arith.muli %add3A_49, %mul3A_50 : i32
      %add3A_52 = arith.constant 0 : i32
      %add3A_53 = arith.addi %add3A_52, %mul3A_47 : i32
      %add3A_54 = arith.constant 0 : i32
      %add3A_55 = arith.addi %add3A_53, %add3A_54 : i32
      %dma_start3A = arith.constant 0 : i32
      %dma_start3A_56 = tpu.memref_slice %arg7[%mul3A_51, %dma_start3A] : memref<5000x16xf32, #tpu.memory_space<vmem>> -> memref<125x16xf32, #tpu.memory_space<vmem>>
      %dma_start3A_57 = arith.constant 0 : i32
      %dma_start3A_58 = tpu.memref_slice %arg6[%add3A_55, %dma_start3A_57] : memref<80x125xi32, #tpu.memory_space<vmem>> -> memref<1x125xi32, #tpu.memory_space<vmem>>
      %dma_start3A_59 = tpu.memref_squeeze %dma_start3A_58 : memref<1x125xi32, #tpu.memory_space<vmem>> -> memref<125xi32, #tpu.memory_space<vmem>>
      %dma_start3A_60 = arith.constant 0 : i32
      %dma_start3A_61 = arith.constant 0 : i32
      %dma_start3A_62 = tpu.memref_slice %arg10[%dma_start3A_60, %dma_start3A_61] : memref<10000x16xf32, #tpu.memory_space<vmem_shared>> -> memref<10000x16xf32, #tpu.memory_space<vmem_shared>>
      tpu.enqueue_indirect_dma source(%dma_start3A_56 : memref<125x16xf32, #tpu.memory_space<vmem>>) target(%dma_start3A_62 : memref<10000x16xf32, #tpu.memory_space<vmem_shared>>) offsets(%dma_start3A_59 : memref<125xi32, #tpu.memory_space<vmem>>) semaphore(%arg11 : memref<!tpu.dma_semaphore, #tpu.memory_space<semaphore_mem>>) {add = true}
      %add3A_63 = arith.constant 1 : i32
      %add3A_64 = arith.addi %mul3A_47, %add3A_63 : i32
      %mul3A_65 = arith.constant 125 : i32
      %mul3A_66 = arith.muli %add3A_64, %mul3A_65 : i32
      %add3A_67 = arith.constant 0 : i32
      %add3A_68 = arith.addi %add3A_67, %mul3A_47 : i32
      %add3A_69 = arith.constant 1 : i32
      %add3A_70 = arith.addi %add3A_68, %add3A_69 : i32
      %dma_start3A_71 = arith.constant 0 : i32
      %dma_start3A_72 = tpu.memref_slice %arg7[%mul3A_66, %dma_start3A_71] : memref<5000x16xf32, #tpu.memory_space<vmem>> -> memref<125x16xf32, #tpu.memory_space<vmem>>
      %dma_start3A_73 = arith.constant 0 : i32
      %dma_start3A_74 = tpu.memref_slice %arg6[%add3A_70, %dma_start3A_73] : memref<80x125xi32, #tpu.memory_space<vmem>> -> memref<1x125xi32, #tpu.memory_space<vmem>>
      %dma_start3A_75 = tpu.memref_squeeze %dma_start3A_74 : memref<1x125xi32, #tpu.memory_space<vmem>> -> memref<125xi32, #tpu.memory_space<vmem>>
      %dma_start3A_76 = arith.constant 0 : i32
      %dma_start3A_77 = arith.constant 0 : i32
      %dma_start3A_78 = tpu.memref_slice %arg10[%dma_start3A_76, %dma_start3A_77] : memref<10000x16xf32, #tpu.memory_space<vmem_shared>> -> memref<10000x16xf32, #tpu.memory_space<vmem_shared>>
      tpu.enqueue_indirect_dma source(%dma_start3A_72 : memref<125x16xf32, #tpu.memory_space<vmem>>) target(%dma_start3A_78 : memref<10000x16xf32, #tpu.memory_space<vmem_shared>>) offsets(%dma_start3A_75 : memref<125xi32, #tpu.memory_space<vmem>>) semaphore(%arg11 : memref<!tpu.dma_semaphore, #tpu.memory_space<semaphore_mem>>) {add = true}
      %add3A_79 = arith.constant 2 : i32
      %add3A_80 = arith.addi %mul3A_47, %add3A_79 : i32
      %mul3A_81 = arith.constant 125 : i32
      %mul3A_82 = arith.muli %add3A_80, %mul3A_81 : i32
      %add3A_83 = arith.constant 0 : i32
      %add3A_84 = arith.addi %add3A_83, %mul3A_47 : i32
      %add3A_85 = arith.constant 2 : i32
      %add3A_86 = arith.addi %add3A_84, %add3A_85 : i32
      %dma_start3A_87 = arith.constant 0 : i32
      %dma_start3A_88 = tpu.memref_slice %arg7[%mul3A_82, %dma_start3A_87] : memref<5000x16xf32, #tpu.memory_space<vmem>> -> memref<125x16xf32, #tpu.memory_space<vmem>>
      %dma_start3A_89 = arith.constant 0 : i32
      %dma_start3A_90 = tpu.memref_slice %arg6[%add3A_86, %dma_start3A_89] : memref<80x125xi32, #tpu.memory_space<vmem>> -> memref<1x125xi32, #tpu.memory_space<vmem>>
      %dma_start3A_91 = tpu.memref_squeeze %dma_start3A_90 : memref<1x125xi32, #tpu.memory_space<vmem>> -> memref<125xi32, #tpu.memory_space<vmem>>
      %dma_start3A_92 = arith.constant 0 : i32
      %dma_start3A_93 = arith.constant 0 : i32
      %dma_start3A_94 = tpu.memref_slice %arg10[%dma_start3A_92, %dma_start3A_93] : memref<10000x16xf32, #tpu.memory_space<vmem_shared>> -> memref<10000x16xf32, #tpu.memory_space<vmem_shared>>
      tpu.enqueue_indirect_dma source(%dma_start3A_88 : memref<125x16xf32, #tpu.memory_space<vmem>>) target(%dma_start3A_94 : memref<10000x16xf32, #tpu.memory_space<vmem_shared>>) offsets(%dma_start3A_91 : memref<125xi32, #tpu.memory_space<vmem>>) semaphore(%arg11 : memref<!tpu.dma_semaphore, #tpu.memory_space<semaphore_mem>>) {add = true}
      %add3A_95 = arith.constant 3 : i32
      %add3A_96 = arith.addi %mul3A_47, %add3A_95 : i32
      %mul3A_97 = arith.constant 125 : i32
      %mul3A_98 = arith.muli %add3A_96, %mul3A_97 : i32
      %add3A_99 = arith.constant 0 : i32
      %add3A_100 = arith.addi %add3A_99, %mul3A_47 : i32
      %add3A_101 = arith.constant 3 : i32
      %add3A_102 = arith.addi %add3A_100, %add3A_101 : i32
      %dma_start3A_103 = arith.constant 0 : i32
      %dma_start3A_104 = tpu.memref_slice %arg7[%mul3A_98, %dma_start3A_103] : memref<5000x16xf32, #tpu.memory_space<vmem>> -> memref<125x16xf32, #tpu.memory_space<vmem>>
      %dma_start3A_105 = arith.constant 0 : i32
      %dma_start3A_106 = tpu.memref_slice %arg6[%add3A_102, %dma_start3A_105] : memref<80x125xi32, #tpu.memory_space<vmem>> -> memref<1x125xi32, #tpu.memory_space<vmem>>
      %dma_start3A_107 = tpu.memref_squeeze %dma_start3A_106 : memref<1x125xi32, #tpu.memory_space<vmem>> -> memref<125xi32, #tpu.memory_space<vmem>>
      %dma_start3A_108 = arith.constant 0 : i32
      %dma_start3A_109 = arith.constant 0 : i32
      %dma_start3A_110 = tpu.memref_slice %arg10[%dma_start3A_108, %dma_start3A_109] : memref<10000x16xf32, #tpu.memory_space<vmem_shared>> -> memref<10000x16xf32, #tpu.memory_space<vmem_shared>>
      tpu.enqueue_indirect_dma source(%dma_start3A_104 : memref<125x16xf32, #tpu.memory_space<vmem>>) target(%dma_start3A_110 : memref<10000x16xf32, #tpu.memory_space<vmem_shared>>) offsets(%dma_start3A_107 : memref<125xi32, #tpu.memory_space<vmem>>) semaphore(%arg11 : memref<!tpu.dma_semaphore, #tpu.memory_space<semaphore_mem>>) {add = true}
      %add3A_111 = arith.constant 4 : i32
      %add3A_112 = arith.addi %mul3A_47, %add3A_111 : i32
      %mul3A_113 = arith.constant 125 : i32
      %mul3A_114 = arith.muli %add3A_112, %mul3A_113 : i32
      %add3A_115 = arith.constant 0 : i32
      %add3A_116 = arith.addi %add3A_115, %mul3A_47 : i32
      %add3A_117 = arith.constant 4 : i32
      %add3A_118 = arith.addi %add3A_116, %add3A_117 : i32
      %dma_start3A_119 = arith.constant 0 : i32
      %dma_start3A_120 = tpu.memref_slice %arg7[%mul3A_114, %dma_start3A_119] : memref<5000x16xf32, #tpu.memory_space<vmem>> -> memref<125x16xf32, #tpu.memory_space<vmem>>
      %dma_start3A_121 = arith.constant 0 : i32
      %dma_start3A_122 = tpu.memref_slice %arg6[%add3A_118, %dma_start3A_121] : memref<80x125xi32, #tpu.memory_space<vmem>> -> memref<1x125xi32, #tpu.memory_space<vmem>>
      %dma_start3A_123 = tpu.memref_squeeze %dma_start3A_122 : memref<1x125xi32, #tpu.memory_space<vmem>> -> memref<125xi32, #tpu.memory_space<vmem>>
      %dma_start3A_124 = arith.constant 0 : i32
      %dma_start3A_125 = arith.constant 0 : i32
      %dma_start3A_126 = tpu.memref_slice %arg10[%dma_start3A_124, %dma_start3A_125] : memref<10000x16xf32, #tpu.memory_space<vmem_shared>> -> memref<10000x16xf32, #tpu.memory_space<vmem_shared>>
      tpu.enqueue_indirect_dma source(%dma_start3A_120 : memref<125x16xf32, #tpu.memory_space<vmem>>) target(%dma_start3A_126 : memref<10000x16xf32, #tpu.memory_space<vmem_shared>>) offsets(%dma_start3A_123 : memref<125xi32, #tpu.memory_space<vmem>>) semaphore(%arg11 : memref<!tpu.dma_semaphore, #tpu.memory_space<semaphore_mem>>) {add = true}
      %add3A_127 = arith.constant 5 : i32
      %add3A_128 = arith.addi %mul3A_47, %add3A_127 : i32
      %mul3A_129 = arith.constant 125 : i32
      %mul3A_130 = arith.muli %add3A_128, %mul3A_129 : i32
      %add3A_131 = arith.constant 0 : i32
      %add3A_132 = arith.addi %add3A_131, %mul3A_47 : i32
      %add3A_133 = arith.constant 5 : i32
      %add3A_134 = arith.addi %add3A_132, %add3A_133 : i32
      %dma_start3A_135 = arith.constant 0 : i32
      %dma_start3A_136 = tpu.memref_slice %arg7[%mul3A_130, %dma_start3A_135] : memref<5000x16xf32, #tpu.memory_space<vmem>> -> memref<125x16xf32, #tpu.memory_space<vmem>>
      %dma_start3A_137 = arith.constant 0 : i32
      %dma_start3A_138 = tpu.memref_slice %arg6[%add3A_134, %dma_start3A_137] : memref<80x125xi32, #tpu.memory_space<vmem>> -> memref<1x125xi32, #tpu.memory_space<vmem>>
      %dma_start3A_139 = tpu.memref_squeeze %dma_start3A_138 : memref<1x125xi32, #tpu.memory_space<vmem>> -> memref<125xi32, #tpu.memory_space<vmem>>
      %dma_start3A_140 = arith.constant 0 : i32
      %dma_start3A_141 = arith.constant 0 : i32
      %dma_start3A_142 = tpu.memref_slice %arg10[%dma_start3A_140, %dma_start3A_141] : memref<10000x16xf32, #tpu.memory_space<vmem_shared>> -> memref<10000x16xf32, #tpu.memory_space<vmem_shared>>
      tpu.enqueue_indirect_dma source(%dma_start3A_136 : memref<125x16xf32, #tpu.memory_space<vmem>>) target(%dma_start3A_142 : memref<10000x16xf32, #tpu.memory_space<vmem_shared>>) offsets(%dma_start3A_139 : memref<125xi32, #tpu.memory_space<vmem>>) semaphore(%arg11 : memref<!tpu.dma_semaphore, #tpu.memory_space<semaphore_mem>>) {add = true}
      %add3A_143 = arith.constant 6 : i32
      %add3A_144 = arith.addi %mul3A_47, %add3A_143 : i32
      %mul3A_145 = arith.constant 125 : i32
      %mul3A_146 = arith.muli %add3A_144, %mul3A_145 : i32
      %add3A_147 = arith.constant 0 : i32
      %add3A_148 = arith.addi %add3A_147, %mul3A_47 : i32
      %add3A_149 = arith.constant 6 : i32
      %add3A_150 = arith.addi %add3A_148, %add3A_149 : i32
      %dma_start3A_151 = arith.constant 0 : i32
      %dma_start3A_152 = tpu.memref_slice %arg7[%mul3A_146, %dma_start3A_151] : memref<5000x16xf32, #tpu.memory_space<vmem>> -> memref<125x16xf32, #tpu.memory_space<vmem>>
      %dma_start3A_153 = arith.constant 0 : i32
      %dma_start3A_154 = tpu.memref_slice %arg6[%add3A_150, %dma_start3A_153] : memref<80x125xi32, #tpu.memory_space<vmem>> -> memref<1x125xi32, #tpu.memory_space<vmem>>
      %dma_start3A_155 = tpu.memref_squeeze %dma_start3A_154 : memref<1x125xi32, #tpu.memory_space<vmem>> -> memref<125xi32, #tpu.memory_space<vmem>>
      %dma_start3A_156 = arith.constant 0 : i32
      %dma_start3A_157 = arith.constant 0 : i32
      %dma_start3A_158 = tpu.memref_slice %arg10[%dma_start3A_156, %dma_start3A_157] : memref<10000x16xf32, #tpu.memory_space<vmem_shared>> -> memref<10000x16xf32, #tpu.memory_space<vmem_shared>>
      tpu.enqueue_indirect_dma source(%dma_start3A_152 : memref<125x16xf32, #tpu.memory_space<vmem>>) target(%dma_start3A_158 : memref<10000x16xf32, #tpu.memory_space<vmem_shared>>) offsets(%dma_start3A_155 : memref<125xi32, #tpu.memory_space<vmem>>) semaphore(%arg11 : memref<!tpu.dma_semaphore, #tpu.memory_space<semaphore_mem>>) {add = true}
      %add3A_159 = arith.constant 7 : i32
      %add3A_160 = arith.addi %mul3A_47, %add3A_159 : i32
      %mul3A_161 = arith.constant 125 : i32
      %mul3A_162 = arith.muli %add3A_160, %mul3A_161 : i32
      %add3A_163 = arith.constant 0 : i32
      %add3A_164 = arith.addi %add3A_163, %mul3A_47 : i32
      %add3A_165 = arith.constant 7 : i32
      %add3A_166 = arith.addi %add3A_164, %add3A_165 : i32
      %dma_start3A_167 = arith.constant 0 : i32
      %dma_start3A_168 = tpu.memref_slice %arg7[%mul3A_162, %dma_start3A_167] : memref<5000x16xf32, #tpu.memory_space<vmem>> -> memref<125x16xf32, #tpu.memory_space<vmem>>
      %dma_start3A_169 = arith.constant 0 : i32
      %dma_start3A_170 = tpu.memref_slice %arg6[%add3A_166, %dma_start3A_169] : memref<80x125xi32, #tpu.memory_space<vmem>> -> memref<1x125xi32, #tpu.memory_space<vmem>>
      %dma_start3A_171 = tpu.memref_squeeze %dma_start3A_170 : memref<1x125xi32, #tpu.memory_space<vmem>> -> memref<125xi32, #tpu.memory_space<vmem>>
      %dma_start3A_172 = arith.constant 0 : i32
      %dma_start3A_173 = arith.constant 0 : i32
      %dma_start3A_174 = tpu.memref_slice %arg10[%dma_start3A_172, %dma_start3A_173] : memref<10000x16xf32, #tpu.memory_space<vmem_shared>> -> memref<10000x16xf32, #tpu.memory_space<vmem_shared>>
      tpu.enqueue_indirect_dma source(%dma_start3A_168 : memref<125x16xf32, #tpu.memory_space<vmem>>) target(%dma_start3A_174 : memref<10000x16xf32, #tpu.memory_space<vmem_shared>>) offsets(%dma_start3A_171 : memref<125xi32, #tpu.memory_space<vmem>>) semaphore(%arg11 : memref<!tpu.dma_semaphore, #tpu.memory_space<semaphore_mem>>) {add = true}
      %dma_wait3A = arith.constant 0 : i32
      %dma_wait3A_175 = tpu.memref_slice %arg7[%mul3A_51, %dma_wait3A] : memref<5000x16xf32, #tpu.memory_space<vmem>> -> memref<125x16xf32, #tpu.memory_space<vmem>>
      %dma_wait3A_176 = arith.constant 0 : i32
      %dma_wait3A_177 = tpu.memref_slice %arg6[%add3A_55, %dma_wait3A_176] : memref<80x125xi32, #tpu.memory_space<vmem>> -> memref<1x125xi32, #tpu.memory_space<vmem>>
      %dma_wait3A_178 = tpu.memref_squeeze %dma_wait3A_177 : memref<1x125xi32, #tpu.memory_space<vmem>> -> memref<125xi32, #tpu.memory_space<vmem>>
      %dma_wait3A_179 = arith.constant 0 : i32
      %dma_wait3A_180 = arith.constant 0 : i32
      %dma_wait3A_181 = tpu.memref_slice %arg10[%dma_wait3A_179, %dma_wait3A_180] : memref<10000x16xf32, #tpu.memory_space<vmem_shared>> -> memref<10000x16xf32, #tpu.memory_space<vmem_shared>>
      tpu.wait_indirect_dma semaphore(%arg11 : memref<!tpu.dma_semaphore, #tpu.memory_space<semaphore_mem>>) src(%dma_wait3A_175 : memref<125x16xf32, #tpu.memory_space<vmem>>) dst(%dma_wait3A_181 : memref<10000x16xf32, #tpu.memory_space<vmem_shared>>)
      %dma_wait3A_182 = arith.constant 0 : i32
      %dma_wait3A_183 = tpu.memref_slice %arg7[%mul3A_66, %dma_wait3A_182] : memref<5000x16xf32, #tpu.memory_space<vmem>> -> memref<125x16xf32, #tpu.memory_space<vmem>>
      %dma_wait3A_184 = arith.constant 0 : i32
      %dma_wait3A_185 = tpu.memref_slice %arg6[%add3A_70, %dma_wait3A_184] : memref<80x125xi32, #tpu.memory_space<vmem>> -> memref<1x125xi32, #tpu.memory_space<vmem>>
      %dma_wait3A_186 = tpu.memref_squeeze %dma_wait3A_185 : memref<1x125xi32, #tpu.memory_space<vmem>> -> memref<125xi32, #tpu.memory_space<vmem>>
      %dma_wait3A_187 = arith.constant 0 : i32
      %dma_wait3A_188 = arith.constant 0 : i32
      %dma_wait3A_189 = tpu.memref_slice %arg10[%dma_wait3A_187, %dma_wait3A_188] : memref<10000x16xf32, #tpu.memory_space<vmem_shared>> -> memref<10000x16xf32, #tpu.memory_space<vmem_shared>>
      tpu.wait_indirect_dma semaphore(%arg11 : memref<!tpu.dma_semaphore, #tpu.memory_space<semaphore_mem>>) src(%dma_wait3A_183 : memref<125x16xf32, #tpu.memory_space<vmem>>) dst(%dma_wait3A_189 : memref<10000x16xf32, #tpu.memory_space<vmem_shared>>)
      %dma_wait3A_190 = arith.constant 0 : i32
      %dma_wait3A_191 = tpu.memref_slice %arg7[%mul3A_82, %dma_wait3A_190] : memref<5000x16xf32, #tpu.memory_space<vmem>> -> memref<125x16xf32, #tpu.memory_space<vmem>>
      %dma_wait3A_192 = arith.constant 0 : i32
      %dma_wait3A_193 = tpu.memref_slice %arg6[%add3A_86, %dma_wait3A_192] : memref<80x125xi32, #tpu.memory_space<vmem>> -> memref<1x125xi32, #tpu.memory_space<vmem>>
      %dma_wait3A_194 = tpu.memref_squeeze %dma_wait3A_193 : memref<1x125xi32, #tpu.memory_space<vmem>> -> memref<125xi32, #tpu.memory_space<vmem>>
      %dma_wait3A_195 = arith.constant 0 : i32
      %dma_wait3A_196 = arith.constant 0 : i32
      %dma_wait3A_197 = tpu.memref_slice %arg10[%dma_wait3A_195, %dma_wait3A_196] : memref<10000x16xf32, #tpu.memory_space<vmem_shared>> -> memref<10000x16xf32, #tpu.memory_space<vmem_shared>>
      tpu.wait_indirect_dma semaphore(%arg11 : memref<!tpu.dma_semaphore, #tpu.memory_space<semaphore_mem>>) src(%dma_wait3A_191 : memref<125x16xf32, #tpu.memory_space<vmem>>) dst(%dma_wait3A_197 : memref<10000x16xf32, #tpu.memory_space<vmem_shared>>)
      %dma_wait3A_198 = arith.constant 0 : i32
      %dma_wait3A_199 = tpu.memref_slice %arg7[%mul3A_98, %dma_wait3A_198] : memref<5000x16xf32, #tpu.memory_space<vmem>> -> memref<125x16xf32, #tpu.memory_space<vmem>>
      %dma_wait3A_200 = arith.constant 0 : i32
      %dma_wait3A_201 = tpu.memref_slice %arg6[%add3A_102, %dma_wait3A_200] : memref<80x125xi32, #tpu.memory_space<vmem>> -> memref<1x125xi32, #tpu.memory_space<vmem>>
      %dma_wait3A_202 = tpu.memref_squeeze %dma_wait3A_201 : memref<1x125xi32, #tpu.memory_space<vmem>> -> memref<125xi32, #tpu.memory_space<vmem>>
      %dma_wait3A_203 = arith.constant 0 : i32
      %dma_wait3A_204 = arith.constant 0 : i32
      %dma_wait3A_205 = tpu.memref_slice %arg10[%dma_wait3A_203, %dma_wait3A_204] : memref<10000x16xf32, #tpu.memory_space<vmem_shared>> -> memref<10000x16xf32, #tpu.memory_space<vmem_shared>>
      tpu.wait_indirect_dma semaphore(%arg11 : memref<!tpu.dma_semaphore, #tpu.memory_space<semaphore_mem>>) src(%dma_wait3A_199 : memref<125x16xf32, #tpu.memory_space<vmem>>) dst(%dma_wait3A_205 : memref<10000x16xf32, #tpu.memory_space<vmem_shared>>)
      %dma_wait3A_206 = arith.constant 0 : i32
      %dma_wait3A_207 = tpu.memref_slice %arg7[%mul3A_114, %dma_wait3A_206] : memref<5000x16xf32, #tpu.memory_space<vmem>> -> memref<125x16xf32, #tpu.memory_space<vmem>>
      %dma_wait3A_208 = arith.constant 0 : i32
      %dma_wait3A_209 = tpu.memref_slice %arg6[%add3A_118, %dma_wait3A_208] : memref<80x125xi32, #tpu.memory_space<vmem>> -> memref<1x125xi32, #tpu.memory_space<vmem>>
      %dma_wait3A_210 = tpu.memref_squeeze %dma_wait3A_209 : memref<1x125xi32, #tpu.memory_space<vmem>> -> memref<125xi32, #tpu.memory_space<vmem>>
      %dma_wait3A_211 = arith.constant 0 : i32
      %dma_wait3A_212 = arith.constant 0 : i32
      %dma_wait3A_213 = tpu.memref_slice %arg10[%dma_wait3A_211, %dma_wait3A_212] : memref<10000x16xf32, #tpu.memory_space<vmem_shared>> -> memref<10000x16xf32, #tpu.memory_space<vmem_shared>>
      tpu.wait_indirect_dma semaphore(%arg11 : memref<!tpu.dma_semaphore, #tpu.memory_space<semaphore_mem>>) src(%dma_wait3A_207 : memref<125x16xf32, #tpu.memory_space<vmem>>) dst(%dma_wait3A_213 : memref<10000x16xf32, #tpu.memory_space<vmem_shared>>)
      %dma_wait3A_214 = arith.constant 0 : i32
      %dma_wait3A_215 = tpu.memref_slice %arg7[%mul3A_130, %dma_wait3A_214] : memref<5000x16xf32, #tpu.memory_space<vmem>> -> memref<125x16xf32, #tpu.memory_space<vmem>>
      %dma_wait3A_216 = arith.constant 0 : i32
      %dma_wait3A_217 = tpu.memref_slice %arg6[%add3A_134, %dma_wait3A_216] : memref<80x125xi32, #tpu.memory_space<vmem>> -> memref<1x125xi32, #tpu.memory_space<vmem>>
      %dma_wait3A_218 = tpu.memref_squeeze %dma_wait3A_217 : memref<1x125xi32, #tpu.memory_space<vmem>> -> memref<125xi32, #tpu.memory_space<vmem>>
      %dma_wait3A_219 = arith.constant 0 : i32
      %dma_wait3A_220 = arith.constant 0 : i32
      %dma_wait3A_221 = tpu.memref_slice %arg10[%dma_wait3A_219, %dma_wait3A_220] : memref<10000x16xf32, #tpu.memory_space<vmem_shared>> -> memref<10000x16xf32, #tpu.memory_space<vmem_shared>>
      tpu.wait_indirect_dma semaphore(%arg11 : memref<!tpu.dma_semaphore, #tpu.memory_space<semaphore_mem>>) src(%dma_wait3A_215 : memref<125x16xf32, #tpu.memory_space<vmem>>) dst(%dma_wait3A_221 : memref<10000x16xf32, #tpu.memory_space<vmem_shared>>)
      %dma_wait3A_222 = arith.constant 0 : i32
      %dma_wait3A_223 = tpu.memref_slice %arg7[%mul3A_146, %dma_wait3A_222] : memref<5000x16xf32, #tpu.memory_space<vmem>> -> memref<125x16xf32, #tpu.memory_space<vmem>>
      %dma_wait3A_224 = arith.constant 0 : i32
      %dma_wait3A_225 = tpu.memref_slice %arg6[%add3A_150, %dma_wait3A_224] : memref<80x125xi32, #tpu.memory_space<vmem>> -> memref<1x125xi32, #tpu.memory_space<vmem>>
      %dma_wait3A_226 = tpu.memref_squeeze %dma_wait3A_225 : memref<1x125xi32, #tpu.memory_space<vmem>> -> memref<125xi32, #tpu.memory_space<vmem>>
      %dma_wait3A_227 = arith.constant 0 : i32
      %dma_wait3A_228 = arith.constant 0 : i32
      %dma_wait3A_229 = tpu.memref_slice %arg10[%dma_wait3A_227, %dma_wait3A_228] : memref<10000x16xf32, #tpu.memory_space<vmem_shared>> -> memref<10000x16xf32, #tpu.memory_space<vmem_shared>>
      tpu.wait_indirect_dma semaphore(%arg11 : memref<!tpu.dma_semaphore, #tpu.memory_space<semaphore_mem>>) src(%dma_wait3A_223 : memref<125x16xf32, #tpu.memory_space<vmem>>) dst(%dma_wait3A_229 : memref<10000x16xf32, #tpu.memory_space<vmem_shared>>)
      %dma_wait3A_230 = arith.constant 0 : i32
      %dma_wait3A_231 = tpu.memref_slice %arg7[%mul3A_162, %dma_wait3A_230] : memref<5000x16xf32, #tpu.memory_space<vmem>> -> memref<125x16xf32, #tpu.memory_space<vmem>>
      %dma_wait3A_232 = arith.constant 0 : i32
      %dma_wait3A_233 = tpu.memref_slice %arg6[%add3A_166, %dma_wait3A_232] : memref<80x125xi32, #tpu.memory_space<vmem>> -> memref<1x125xi32, #tpu.memory_space<vmem>>
      %dma_wait3A_234 = tpu.memref_squeeze %dma_wait3A_233 : memref<1x125xi32, #tpu.memory_space<vmem>> -> memref<125xi32, #tpu.memory_space<vmem>>
      %dma_wait3A_235 = arith.constant 0 : i32
      %dma_wait3A_236 = arith.constant 0 : i32
      %dma_wait3A_237 = tpu.memref_slice %arg10[%dma_wait3A_235, %dma_wait3A_236] : memref<10000x16xf32, #tpu.memory_space<vmem_shared>> -> memref<10000x16xf32, #tpu.memory_space<vmem_shared>>
      tpu.wait_indirect_dma semaphore(%arg11 : memref<!tpu.dma_semaphore, #tpu.memory_space<semaphore_mem>>) src(%dma_wait3A_231 : memref<125x16xf32, #tpu.memory_space<vmem>>) dst(%dma_wait3A_237 : memref<10000x16xf32, #tpu.memory_space<vmem_shared>>)
    }
    %scan3A_18 = arith.constant 5 : i32
    %mul3A_19 = arith.constant 10000 : i32
    %mul3A_20 = arith.muli %arg1, %mul3A_19 : i32
    %add3A_21 = arith.constant 5000 : i32
    %add3A_22 = arith.addi %mul3A_20, %add3A_21 : i32
    "tpu.region"() ({
      %run_scoped3A_45 = tpu.sem_alloc : memref<!tpu.dma_semaphore, #tpu.memory_space<semaphore_mem>>
      %dma_start3A = arith.constant 0 : i32
      %dma_start3A_46 = tpu.memref_slice %arg2[%add3A_22, %dma_start3A] : memref<160000x16xf32, #tpu.memory_space<hbm>> -> memref<5000x16xf32, #tpu.memory_space<hbm>>
      %dma_start3A_47 = arith.constant 0 : i32
      %dma_start3A_48 = tpu.memref_slice %arg2[%add3A_22, %dma_start3A_47] : memref<160000x16xf32, #tpu.memory_space<hbm>> -> memref<5000x16xf32, #tpu.memory_space<hbm>>
      tpu.enqueue_dma source(%dma_start3A_48 : memref<5000x16xf32, #tpu.memory_space<hbm>>) target(%arg7 : memref<5000x16xf32, #tpu.memory_space<vmem>>) target_semaphore(%run_scoped3A_45 : memref<!tpu.dma_semaphore, #tpu.memory_space<semaphore_mem>>)
      %dma_wait3A = arith.constant 0 : i32
      %dma_wait3A_49 = tpu.memref_slice %arg2[%add3A_22, %dma_wait3A] : memref<160000x16xf32, #tpu.memory_space<hbm>> -> memref<5000x16xf32, #tpu.memory_space<hbm>>
      %dma_wait3A_50 = arith.constant 0 : i32
      %dma_wait3A_51 = tpu.memref_slice %arg2[%add3A_22, %dma_wait3A_50] : memref<160000x16xf32, #tpu.memory_space<hbm>> -> memref<5000x16xf32, #tpu.memory_space<hbm>>
      tpu.wait_dma2 semaphore(%run_scoped3A_45 : memref<!tpu.dma_semaphore, #tpu.memory_space<semaphore_mem>>) src(%dma_wait3A_51 : memref<5000x16xf32, #tpu.memory_space<hbm>>) dst(%arg7 : memref<5000x16xf32, #tpu.memory_space<vmem>>)
      tpu.yield
    }) : () -> ()
    %scan3A_23 = arith.constant 0 : i32
    %scan3A_24 = arith.constant 0 : i32
    %scan3A_25 = arith.constant 5 : i32
    %scan3A_26 = arith.addi %scan3A_24, %scan3A_25 : i32
    %scan3A_27 = arith.constant 1 : i32
    scf.for %scan3A_45 = %scan3A_24 to %scan3A_26 step %scan3A_27  : i32 {
      %mul3A_46 = arith.constant 8 : i32
      %mul3A_47 = arith.muli %scan3A_45, %mul3A_46 : i32
      %add3A_48 = arith.constant 0 : i32
      %add3A_49 = arith.addi %mul3A_47, %add3A_48 : i32
      %mul3A_50 = arith.constant 125 : i32
      %mul3A_51 = arith.muli %add3A_49, %mul3A_50 : i32
      %add3A_52 = arith.constant 40 : i32
      %add3A_53 = arith.addi %add3A_52, %mul3A_47 : i32
      %add3A_54 = arith.constant 0 : i32
      %add3A_55 = arith.addi %add3A_53, %add3A_54 : i32
      %dma_start3A = arith.constant 0 : i32
      %dma_start3A_56 = tpu.memref_slice %arg7[%mul3A_51, %dma_start3A] : memref<5000x16xf32, #tpu.memory_space<vmem>> -> memref<125x16xf32, #tpu.memory_space<vmem>>
      %dma_start3A_57 = arith.constant 0 : i32
      %dma_start3A_58 = tpu.memref_slice %arg6[%add3A_55, %dma_start3A_57] : memref<80x125xi32, #tpu.memory_space<vmem>> -> memref<1x125xi32, #tpu.memory_space<vmem>>
      %dma_start3A_59 = tpu.memref_squeeze %dma_start3A_58 : memref<1x125xi32, #tpu.memory_space<vmem>> -> memref<125xi32, #tpu.memory_space<vmem>>
      %dma_start3A_60 = arith.constant 0 : i32
      %dma_start3A_61 = arith.constant 0 : i32
      %dma_start3A_62 = tpu.memref_slice %arg10[%dma_start3A_60, %dma_start3A_61] : memref<10000x16xf32, #tpu.memory_space<vmem_shared>> -> memref<10000x16xf32, #tpu.memory_space<vmem_shared>>
      tpu.enqueue_indirect_dma source(%dma_start3A_56 : memref<125x16xf32, #tpu.memory_space<vmem>>) target(%dma_start3A_62 : memref<10000x16xf32, #tpu.memory_space<vmem_shared>>) offsets(%dma_start3A_59 : memref<125xi32, #tpu.memory_space<vmem>>) semaphore(%arg11 : memref<!tpu.dma_semaphore, #tpu.memory_space<semaphore_mem>>) {add = true}
      %add3A_63 = arith.constant 1 : i32
      %add3A_64 = arith.addi %mul3A_47, %add3A_63 : i32
      %mul3A_65 = arith.constant 125 : i32
      %mul3A_66 = arith.muli %add3A_64, %mul3A_65 : i32
      %add3A_67 = arith.constant 40 : i32
      %add3A_68 = arith.addi %add3A_67, %mul3A_47 : i32
      %add3A_69 = arith.constant 1 : i32
      %add3A_70 = arith.addi %add3A_68, %add3A_69 : i32
      %dma_start3A_71 = arith.constant 0 : i32
      %dma_start3A_72 = tpu.memref_slice %arg7[%mul3A_66, %dma_start3A_71] : memref<5000x16xf32, #tpu.memory_space<vmem>> -> memref<125x16xf32, #tpu.memory_space<vmem>>
      %dma_start3A_73 = arith.constant 0 : i32
      %dma_start3A_74 = tpu.memref_slice %arg6[%add3A_70, %dma_start3A_73] : memref<80x125xi32, #tpu.memory_space<vmem>> -> memref<1x125xi32, #tpu.memory_space<vmem>>
      %dma_start3A_75 = tpu.memref_squeeze %dma_start3A_74 : memref<1x125xi32, #tpu.memory_space<vmem>> -> memref<125xi32, #tpu.memory_space<vmem>>
      %dma_start3A_76 = arith.constant 0 : i32
      %dma_start3A_77 = arith.constant 0 : i32
      %dma_start3A_78 = tpu.memref_slice %arg10[%dma_start3A_76, %dma_start3A_77] : memref<10000x16xf32, #tpu.memory_space<vmem_shared>> -> memref<10000x16xf32, #tpu.memory_space<vmem_shared>>
      tpu.enqueue_indirect_dma source(%dma_start3A_72 : memref<125x16xf32, #tpu.memory_space<vmem>>) target(%dma_start3A_78 : memref<10000x16xf32, #tpu.memory_space<vmem_shared>>) offsets(%dma_start3A_75 : memref<125xi32, #tpu.memory_space<vmem>>) semaphore(%arg11 : memref<!tpu.dma_semaphore, #tpu.memory_space<semaphore_mem>>) {add = true}
      %add3A_79 = arith.constant 2 : i32
      %add3A_80 = arith.addi %mul3A_47, %add3A_79 : i32
      %mul3A_81 = arith.constant 125 : i32
      %mul3A_82 = arith.muli %add3A_80, %mul3A_81 : i32
      %add3A_83 = arith.constant 40 : i32
      %add3A_84 = arith.addi %add3A_83, %mul3A_47 : i32
      %add3A_85 = arith.constant 2 : i32
      %add3A_86 = arith.addi %add3A_84, %add3A_85 : i32
      %dma_start3A_87 = arith.constant 0 : i32
      %dma_start3A_88 = tpu.memref_slice %arg7[%mul3A_82, %dma_start3A_87] : memref<5000x16xf32, #tpu.memory_space<vmem>> -> memref<125x16xf32, #tpu.memory_space<vmem>>
      %dma_start3A_89 = arith.constant 0 : i32
      %dma_start3A_90 = tpu.memref_slice %arg6[%add3A_86, %dma_start3A_89] : memref<80x125xi32, #tpu.memory_space<vmem>> -> memref<1x125xi32, #tpu.memory_space<vmem>>
      %dma_start3A_91 = tpu.memref_squeeze %dma_start3A_90 : memref<1x125xi32, #tpu.memory_space<vmem>> -> memref<125xi32, #tpu.memory_space<vmem>>
      %dma_start3A_92 = arith.constant 0 : i32
      %dma_start3A_93 = arith.constant 0 : i32
      %dma_start3A_94 = tpu.memref_slice %arg10[%dma_start3A_92, %dma_start3A_93] : memref<10000x16xf32, #tpu.memory_space<vmem_shared>> -> memref<10000x16xf32, #tpu.memory_space<vmem_shared>>
      tpu.enqueue_indirect_dma source(%dma_start3A_88 : memref<125x16xf32, #tpu.memory_space<vmem>>) target(%dma_start3A_94 : memref<10000x16xf32, #tpu.memory_space<vmem_shared>>) offsets(%dma_start3A_91 : memref<125xi32, #tpu.memory_space<vmem>>) semaphore(%arg11 : memref<!tpu.dma_semaphore, #tpu.memory_space<semaphore_mem>>) {add = true}
      %add3A_95 = arith.constant 3 : i32
      %add3A_96 = arith.addi %mul3A_47, %add3A_95 : i32
      %mul3A_97 = arith.constant 125 : i32
      %mul3A_98 = arith.muli %add3A_96, %mul3A_97 : i32
      %add3A_99 = arith.constant 40 : i32
      %add3A_100 = arith.addi %add3A_99, %mul3A_47 : i32
      %add3A_101 = arith.constant 3 : i32
      %add3A_102 = arith.addi %add3A_100, %add3A_101 : i32
      %dma_start3A_103 = arith.constant 0 : i32
      %dma_start3A_104 = tpu.memref_slice %arg7[%mul3A_98, %dma_start3A_103] : memref<5000x16xf32, #tpu.memory_space<vmem>> -> memref<125x16xf32, #tpu.memory_space<vmem>>
      %dma_start3A_105 = arith.constant 0 : i32
      %dma_start3A_106 = tpu.memref_slice %arg6[%add3A_102, %dma_start3A_105] : memref<80x125xi32, #tpu.memory_space<vmem>> -> memref<1x125xi32, #tpu.memory_space<vmem>>
      %dma_start3A_107 = tpu.memref_squeeze %dma_start3A_106 : memref<1x125xi32, #tpu.memory_space<vmem>> -> memref<125xi32, #tpu.memory_space<vmem>>
      %dma_start3A_108 = arith.constant 0 : i32
      %dma_start3A_109 = arith.constant 0 : i32
      %dma_start3A_110 = tpu.memref_slice %arg10[%dma_start3A_108, %dma_start3A_109] : memref<10000x16xf32, #tpu.memory_space<vmem_shared>> -> memref<10000x16xf32, #tpu.memory_space<vmem_shared>>
      tpu.enqueue_indirect_dma source(%dma_start3A_104 : memref<125x16xf32, #tpu.memory_space<vmem>>) target(%dma_start3A_110 : memref<10000x16xf32, #tpu.memory_space<vmem_shared>>) offsets(%dma_start3A_107 : memref<125xi32, #tpu.memory_space<vmem>>) semaphore(%arg11 : memref<!tpu.dma_semaphore, #tpu.memory_space<semaphore_mem>>) {add = true}
      %add3A_111 = arith.constant 4 : i32
      %add3A_112 = arith.addi %mul3A_47, %add3A_111 : i32
      %mul3A_113 = arith.constant 125 : i32
      %mul3A_114 = arith.muli %add3A_112, %mul3A_113 : i32
      %add3A_115 = arith.constant 40 : i32
      %add3A_116 = arith.addi %add3A_115, %mul3A_47 : i32
      %add3A_117 = arith.constant 4 : i32
      %add3A_118 = arith.addi %add3A_116, %add3A_117 : i32
      %dma_start3A_119 = arith.constant 0 : i32
      %dma_start3A_120 = tpu.memref_slice %arg7[%mul3A_114, %dma_start3A_119] : memref<5000x16xf32, #tpu.memory_space<vmem>> -> memref<125x16xf32, #tpu.memory_space<vmem>>
      %dma_start3A_121 = arith.constant 0 : i32
      %dma_start3A_122 = tpu.memref_slice %arg6[%add3A_118, %dma_start3A_121] : memref<80x125xi32, #tpu.memory_space<vmem>> -> memref<1x125xi32, #tpu.memory_space<vmem>>
      %dma_start3A_123 = tpu.memref_squeeze %dma_start3A_122 : memref<1x125xi32, #tpu.memory_space<vmem>> -> memref<125xi32, #tpu.memory_space<vmem>>
      %dma_start3A_124 = arith.constant 0 : i32
      %dma_start3A_125 = arith.constant 0 : i32
      %dma_start3A_126 = tpu.memref_slice %arg10[%dma_start3A_124, %dma_start3A_125] : memref<10000x16xf32, #tpu.memory_space<vmem_shared>> -> memref<10000x16xf32, #tpu.memory_space<vmem_shared>>
      tpu.enqueue_indirect_dma source(%dma_start3A_120 : memref<125x16xf32, #tpu.memory_space<vmem>>) target(%dma_start3A_126 : memref<10000x16xf32, #tpu.memory_space<vmem_shared>>) offsets(%dma_start3A_123 : memref<125xi32, #tpu.memory_space<vmem>>) semaphore(%arg11 : memref<!tpu.dma_semaphore, #tpu.memory_space<semaphore_mem>>) {add = true}
      %add3A_127 = arith.constant 5 : i32
      %add3A_128 = arith.addi %mul3A_47, %add3A_127 : i32
      %mul3A_129 = arith.constant 125 : i32
      %mul3A_130 = arith.muli %add3A_128, %mul3A_129 : i32
      %add3A_131 = arith.constant 40 : i32
      %add3A_132 = arith.addi %add3A_131, %mul3A_47 : i32
      %add3A_133 = arith.constant 5 : i32
      %add3A_134 = arith.addi %add3A_132, %add3A_133 : i32
      %dma_start3A_135 = arith.constant 0 : i32
      %dma_start3A_136 = tpu.memref_slice %arg7[%mul3A_130, %dma_start3A_135] : memref<5000x16xf32, #tpu.memory_space<vmem>> -> memref<125x16xf32, #tpu.memory_space<vmem>>
      %dma_start3A_137 = arith.constant 0 : i32
      %dma_start3A_138 = tpu.memref_slice %arg6[%add3A_134, %dma_start3A_137] : memref<80x125xi32, #tpu.memory_space<vmem>> -> memref<1x125xi32, #tpu.memory_space<vmem>>
      %dma_start3A_139 = tpu.memref_squeeze %dma_start3A_138 : memref<1x125xi32, #tpu.memory_space<vmem>> -> memref<125xi32, #tpu.memory_space<vmem>>
      %dma_start3A_140 = arith.constant 0 : i32
      %dma_start3A_141 = arith.constant 0 : i32
      %dma_start3A_142 = tpu.memref_slice %arg10[%dma_start3A_140, %dma_start3A_141] : memref<10000x16xf32, #tpu.memory_space<vmem_shared>> -> memref<10000x16xf32, #tpu.memory_space<vmem_shared>>
      tpu.enqueue_indirect_dma source(%dma_start3A_136 : memref<125x16xf32, #tpu.memory_space<vmem>>) target(%dma_start3A_142 : memref<10000x16xf32, #tpu.memory_space<vmem_shared>>) offsets(%dma_start3A_139 : memref<125xi32, #tpu.memory_space<vmem>>) semaphore(%arg11 : memref<!tpu.dma_semaphore, #tpu.memory_space<semaphore_mem>>) {add = true}
      %add3A_143 = arith.constant 6 : i32
      %add3A_144 = arith.addi %mul3A_47, %add3A_143 : i32
      %mul3A_145 = arith.constant 125 : i32
      %mul3A_146 = arith.muli %add3A_144, %mul3A_145 : i32
      %add3A_147 = arith.constant 40 : i32
      %add3A_148 = arith.addi %add3A_147, %mul3A_47 : i32
      %add3A_149 = arith.constant 6 : i32
      %add3A_150 = arith.addi %add3A_148, %add3A_149 : i32
      %dma_start3A_151 = arith.constant 0 : i32
      %dma_start3A_152 = tpu.memref_slice %arg7[%mul3A_146, %dma_start3A_151] : memref<5000x16xf32, #tpu.memory_space<vmem>> -> memref<125x16xf32, #tpu.memory_space<vmem>>
      %dma_start3A_153 = arith.constant 0 : i32
      %dma_start3A_154 = tpu.memref_slice %arg6[%add3A_150, %dma_start3A_153] : memref<80x125xi32, #tpu.memory_space<vmem>> -> memref<1x125xi32, #tpu.memory_space<vmem>>
      %dma_start3A_155 = tpu.memref_squeeze %dma_start3A_154 : memref<1x125xi32, #tpu.memory_space<vmem>> -> memref<125xi32, #tpu.memory_space<vmem>>
      %dma_start3A_156 = arith.constant 0 : i32
      %dma_start3A_157 = arith.constant 0 : i32
      %dma_start3A_158 = tpu.memref_slice %arg10[%dma_start3A_156, %dma_start3A_157] : memref<10000x16xf32, #tpu.memory_space<vmem_shared>> -> memref<10000x16xf32, #tpu.memory_space<vmem_shared>>
      tpu.enqueue_indirect_dma source(%dma_start3A_152 : memref<125x16xf32, #tpu.memory_space<vmem>>) target(%dma_start3A_158 : memref<10000x16xf32, #tpu.memory_space<vmem_shared>>) offsets(%dma_start3A_155 : memref<125xi32, #tpu.memory_space<vmem>>) semaphore(%arg11 : memref<!tpu.dma_semaphore, #tpu.memory_space<semaphore_mem>>) {add = true}
      %add3A_159 = arith.constant 7 : i32
      %add3A_160 = arith.addi %mul3A_47, %add3A_159 : i32
      %mul3A_161 = arith.constant 125 : i32
      %mul3A_162 = arith.muli %add3A_160, %mul3A_161 : i32
      %add3A_163 = arith.constant 40 : i32
      %add3A_164 = arith.addi %add3A_163, %mul3A_47 : i32
      %add3A_165 = arith.constant 7 : i32
      %add3A_166 = arith.addi %add3A_164, %add3A_165 : i32
      %dma_start3A_167 = arith.constant 0 : i32
      %dma_start3A_168 = tpu.memref_slice %arg7[%mul3A_162, %dma_start3A_167] : memref<5000x16xf32, #tpu.memory_space<vmem>> -> memref<125x16xf32, #tpu.memory_space<vmem>>
      %dma_start3A_169 = arith.constant 0 : i32
      %dma_start3A_170 = tpu.memref_slice %arg6[%add3A_166, %dma_start3A_169] : memref<80x125xi32, #tpu.memory_space<vmem>> -> memref<1x125xi32, #tpu.memory_space<vmem>>
      %dma_start3A_171 = tpu.memref_squeeze %dma_start3A_170 : memref<1x125xi32, #tpu.memory_space<vmem>> -> memref<125xi32, #tpu.memory_space<vmem>>
      %dma_start3A_172 = arith.constant 0 : i32
      %dma_start3A_173 = arith.constant 0 : i32
      %dma_start3A_174 = tpu.memref_slice %arg10[%dma_start3A_172, %dma_start3A_173] : memref<10000x16xf32, #tpu.memory_space<vmem_shared>> -> memref<10000x16xf32, #tpu.memory_space<vmem_shared>>
      tpu.enqueue_indirect_dma source(%dma_start3A_168 : memref<125x16xf32, #tpu.memory_space<vmem>>) target(%dma_start3A_174 : memref<10000x16xf32, #tpu.memory_space<vmem_shared>>) offsets(%dma_start3A_171 : memref<125xi32, #tpu.memory_space<vmem>>) semaphore(%arg11 : memref<!tpu.dma_semaphore, #tpu.memory_space<semaphore_mem>>) {add = true}
      %dma_wait3A = arith.constant 0 : i32
      %dma_wait3A_175 = tpu.memref_slice %arg7[%mul3A_51, %dma_wait3A] : memref<5000x16xf32, #tpu.memory_space<vmem>> -> memref<125x16xf32, #tpu.memory_space<vmem>>
      %dma_wait3A_176 = arith.constant 0 : i32
      %dma_wait3A_177 = tpu.memref_slice %arg6[%add3A_55, %dma_wait3A_176] : memref<80x125xi32, #tpu.memory_space<vmem>> -> memref<1x125xi32, #tpu.memory_space<vmem>>
      %dma_wait3A_178 = tpu.memref_squeeze %dma_wait3A_177 : memref<1x125xi32, #tpu.memory_space<vmem>> -> memref<125xi32, #tpu.memory_space<vmem>>
      %dma_wait3A_179 = arith.constant 0 : i32
      %dma_wait3A_180 = arith.constant 0 : i32
      %dma_wait3A_181 = tpu.memref_slice %arg10[%dma_wait3A_179, %dma_wait3A_180] : memref<10000x16xf32, #tpu.memory_space<vmem_shared>> -> memref<10000x16xf32, #tpu.memory_space<vmem_shared>>
      tpu.wait_indirect_dma semaphore(%arg11 : memref<!tpu.dma_semaphore, #tpu.memory_space<semaphore_mem>>) src(%dma_wait3A_175 : memref<125x16xf32, #tpu.memory_space<vmem>>) dst(%dma_wait3A_181 : memref<10000x16xf32, #tpu.memory_space<vmem_shared>>)
      %dma_wait3A_182 = arith.constant 0 : i32
      %dma_wait3A_183 = tpu.memref_slice %arg7[%mul3A_66, %dma_wait3A_182] : memref<5000x16xf32, #tpu.memory_space<vmem>> -> memref<125x16xf32, #tpu.memory_space<vmem>>
      %dma_wait3A_184 = arith.constant 0 : i32
      %dma_wait3A_185 = tpu.memref_slice %arg6[%add3A_70, %dma_wait3A_184] : memref<80x125xi32, #tpu.memory_space<vmem>> -> memref<1x125xi32, #tpu.memory_space<vmem>>
      %dma_wait3A_186 = tpu.memref_squeeze %dma_wait3A_185 : memref<1x125xi32, #tpu.memory_space<vmem>> -> memref<125xi32, #tpu.memory_space<vmem>>
      %dma_wait3A_187 = arith.constant 0 : i32
      %dma_wait3A_188 = arith.constant 0 : i32
      %dma_wait3A_189 = tpu.memref_slice %arg10[%dma_wait3A_187, %dma_wait3A_188] : memref<10000x16xf32, #tpu.memory_space<vmem_shared>> -> memref<10000x16xf32, #tpu.memory_space<vmem_shared>>
      tpu.wait_indirect_dma semaphore(%arg11 : memref<!tpu.dma_semaphore, #tpu.memory_space<semaphore_mem>>) src(%dma_wait3A_183 : memref<125x16xf32, #tpu.memory_space<vmem>>) dst(%dma_wait3A_189 : memref<10000x16xf32, #tpu.memory_space<vmem_shared>>)
      %dma_wait3A_190 = arith.constant 0 : i32
      %dma_wait3A_191 = tpu.memref_slice %arg7[%mul3A_82, %dma_wait3A_190] : memref<5000x16xf32, #tpu.memory_space<vmem>> -> memref<125x16xf32, #tpu.memory_space<vmem>>
      %dma_wait3A_192 = arith.constant 0 : i32
      %dma_wait3A_193 = tpu.memref_slice %arg6[%add3A_86, %dma_wait3A_192] : memref<80x125xi32, #tpu.memory_space<vmem>> -> memref<1x125xi32, #tpu.memory_space<vmem>>
      %dma_wait3A_194 = tpu.memref_squeeze %dma_wait3A_193 : memref<1x125xi32, #tpu.memory_space<vmem>> -> memref<125xi32, #tpu.memory_space<vmem>>
      %dma_wait3A_195 = arith.constant 0 : i32
      %dma_wait3A_196 = arith.constant 0 : i32
      %dma_wait3A_197 = tpu.memref_slice %arg10[%dma_wait3A_195, %dma_wait3A_196] : memref<10000x16xf32, #tpu.memory_space<vmem_shared>> -> memref<10000x16xf32, #tpu.memory_space<vmem_shared>>
      tpu.wait_indirect_dma semaphore(%arg11 : memref<!tpu.dma_semaphore, #tpu.memory_space<semaphore_mem>>) src(%dma_wait3A_191 : memref<125x16xf32, #tpu.memory_space<vmem>>) dst(%dma_wait3A_197 : memref<10000x16xf32, #tpu.memory_space<vmem_shared>>)
      %dma_wait3A_198 = arith.constant 0 : i32
      %dma_wait3A_199 = tpu.memref_slice %arg7[%mul3A_98, %dma_wait3A_198] : memref<5000x16xf32, #tpu.memory_space<vmem>> -> memref<125x16xf32, #tpu.memory_space<vmem>>
      %dma_wait3A_200 = arith.constant 0 : i32
      %dma_wait3A_201 = tpu.memref_slice %arg6[%add3A_102, %dma_wait3A_200] : memref<80x125xi32, #tpu.memory_space<vmem>> -> memref<1x125xi32, #tpu.memory_space<vmem>>
      %dma_wait3A_202 = tpu.memref_squeeze %dma_wait3A_201 : memref<1x125xi32, #tpu.memory_space<vmem>> -> memref<125xi32, #tpu.memory_space<vmem>>
      %dma_wait3A_203 = arith.constant 0 : i32
      %dma_wait3A_204 = arith.constant 0 : i32
      %dma_wait3A_205 = tpu.memref_slice %arg10[%dma_wait3A_203, %dma_wait3A_204] : memref<10000x16xf32, #tpu.memory_space<vmem_shared>> -> memref<10000x16xf32, #tpu.memory_space<vmem_shared>>
      tpu.wait_indirect_dma semaphore(%arg11 : memref<!tpu.dma_semaphore, #tpu.memory_space<semaphore_mem>>) src(%dma_wait3A_199 : memref<125x16xf32, #tpu.memory_space<vmem>>) dst(%dma_wait3A_205 : memref<10000x16xf32, #tpu.memory_space<vmem_shared>>)
      %dma_wait3A_206 = arith.constant 0 : i32
      %dma_wait3A_207 = tpu.memref_slice %arg7[%mul3A_114, %dma_wait3A_206] : memref<5000x16xf32, #tpu.memory_space<vmem>> -> memref<125x16xf32, #tpu.memory_space<vmem>>
      %dma_wait3A_208 = arith.constant 0 : i32
      %dma_wait3A_209 = tpu.memref_slice %arg6[%add3A_118, %dma_wait3A_208] : memref<80x125xi32, #tpu.memory_space<vmem>> -> memref<1x125xi32, #tpu.memory_space<vmem>>
      %dma_wait3A_210 = tpu.memref_squeeze %dma_wait3A_209 : memref<1x125xi32, #tpu.memory_space<vmem>> -> memref<125xi32, #tpu.memory_space<vmem>>
      %dma_wait3A_211 = arith.constant 0 : i32
      %dma_wait3A_212 = arith.constant 0 : i32
      %dma_wait3A_213 = tpu.memref_slice %arg10[%dma_wait3A_211, %dma_wait3A_212] : memref<10000x16xf32, #tpu.memory_space<vmem_shared>> -> memref<10000x16xf32, #tpu.memory_space<vmem_shared>>
      tpu.wait_indirect_dma semaphore(%arg11 : memref<!tpu.dma_semaphore, #tpu.memory_space<semaphore_mem>>) src(%dma_wait3A_207 : memref<125x16xf32, #tpu.memory_space<vmem>>) dst(%dma_wait3A_213 : memref<10000x16xf32, #tpu.memory_space<vmem_shared>>)
      %dma_wait3A_214 = arith.constant 0 : i32
      %dma_wait3A_215 = tpu.memref_slice %arg7[%mul3A_130, %dma_wait3A_214] : memref<5000x16xf32, #tpu.memory_space<vmem>> -> memref<125x16xf32, #tpu.memory_space<vmem>>
      %dma_wait3A_216 = arith.constant 0 : i32
      %dma_wait3A_217 = tpu.memref_slice %arg6[%add3A_134, %dma_wait3A_216] : memref<80x125xi32, #tpu.memory_space<vmem>> -> memref<1x125xi32, #tpu.memory_space<vmem>>
      %dma_wait3A_218 = tpu.memref_squeeze %dma_wait3A_217 : memref<1x125xi32, #tpu.memory_space<vmem>> -> memref<125xi32, #tpu.memory_space<vmem>>
      %dma_wait3A_219 = arith.constant 0 : i32
      %dma_wait3A_220 = arith.constant 0 : i32
      %dma_wait3A_221 = tpu.memref_slice %arg10[%dma_wait3A_219, %dma_wait3A_220] : memref<10000x16xf32, #tpu.memory_space<vmem_shared>> -> memref<10000x16xf32, #tpu.memory_space<vmem_shared>>
      tpu.wait_indirect_dma semaphore(%arg11 : memref<!tpu.dma_semaphore, #tpu.memory_space<semaphore_mem>>) src(%dma_wait3A_215 : memref<125x16xf32, #tpu.memory_space<vmem>>) dst(%dma_wait3A_221 : memref<10000x16xf32, #tpu.memory_space<vmem_shared>>)
      %dma_wait3A_222 = arith.constant 0 : i32
      %dma_wait3A_223 = tpu.memref_slice %arg7[%mul3A_146, %dma_wait3A_222] : memref<5000x16xf32, #tpu.memory_space<vmem>> -> memref<125x16xf32, #tpu.memory_space<vmem>>
      %dma_wait3A_224 = arith.constant 0 : i32
      %dma_wait3A_225 = tpu.memref_slice %arg6[%add3A_150, %dma_wait3A_224] : memref<80x125xi32, #tpu.memory_space<vmem>> -> memref<1x125xi32, #tpu.memory_space<vmem>>
      %dma_wait3A_226 = tpu.memref_squeeze %dma_wait3A_225 : memref<1x125xi32, #tpu.memory_space<vmem>> -> memref<125xi32, #tpu.memory_space<vmem>>
      %dma_wait3A_227 = arith.constant 0 : i32
      %dma_wait3A_228 = arith.constant 0 : i32
      %dma_wait3A_229 = tpu.memref_slice %arg10[%dma_wait3A_227, %dma_wait3A_228] : memref<10000x16xf32, #tpu.memory_space<vmem_shared>> -> memref<10000x16xf32, #tpu.memory_space<vmem_shared>>
      tpu.wait_indirect_dma semaphore(%arg11 : memref<!tpu.dma_semaphore, #tpu.memory_space<semaphore_mem>>) src(%dma_wait3A_223 : memref<125x16xf32, #tpu.memory_space<vmem>>) dst(%dma_wait3A_229 : memref<10000x16xf32, #tpu.memory_space<vmem_shared>>)
      %dma_wait3A_230 = arith.constant 0 : i32
      %dma_wait3A_231 = tpu.memref_slice %arg7[%mul3A_162, %dma_wait3A_230] : memref<5000x16xf32, #tpu.memory_space<vmem>> -> memref<125x16xf32, #tpu.memory_space<vmem>>
      %dma_wait3A_232 = arith.constant 0 : i32
      %dma_wait3A_233 = tpu.memref_slice %arg6[%add3A_166, %dma_wait3A_232] : memref<80x125xi32, #tpu.memory_space<vmem>> -> memref<1x125xi32, #tpu.memory_space<vmem>>
      %dma_wait3A_234 = tpu.memref_squeeze %dma_wait3A_233 : memref<1x125xi32, #tpu.memory_space<vmem>> -> memref<125xi32, #tpu.memory_space<vmem>>
      %dma_wait3A_235 = arith.constant 0 : i32
      %dma_wait3A_236 = arith.constant 0 : i32
      %dma_wait3A_237 = tpu.memref_slice %arg10[%dma_wait3A_235, %dma_wait3A_236] : memref<10000x16xf32, #tpu.memory_space<vmem_shared>> -> memref<10000x16xf32, #tpu.memory_space<vmem_shared>>
      tpu.wait_indirect_dma semaphore(%arg11 : memref<!tpu.dma_semaphore, #tpu.memory_space<semaphore_mem>>) src(%dma_wait3A_231 : memref<125x16xf32, #tpu.memory_space<vmem>>) dst(%dma_wait3A_237 : memref<10000x16xf32, #tpu.memory_space<vmem_shared>>)
    }
    %scan3A_28 = arith.constant 5 : i32
    %barrier3A_29 = arith.constant 0 : index
    tpu.barrier barrier_id(%barrier3A_29)
    %mul3A_30 = arith.constant 5000 : i32
    %mul3A_31 = arith.muli %arg0, %mul3A_30 : i32
    %mul3A_32 = arith.constant 313 : i32
    %mul3A_33 = arith.muli %arg1, %mul3A_32 : i32
    %min3A = arith.constant 4687 : i32
    %min3A_34 = arith.minsi %mul3A_33, %min3A : i32
    %add3A_35 = arith.addi %mul3A_31, %min3A_34 : i32
    "tpu.region"() ({
      %run_scoped3A_45 = tpu.sem_alloc : memref<!tpu.dma_semaphore, #tpu.memory_space<semaphore_mem>>
      %dma_start3A = arith.constant 0 : i32
      %dma_start3A_46 = arith.constant 0 : i32
      %dma_start3A_47 = tpu.memref_slice %arg8[%dma_start3A, %dma_start3A_46] : memref<625x16xf32, #tpu.memory_space<vmem>> -> memref<313x16xf32, #tpu.memory_space<vmem>>
      %dma_start3A_48 = arith.constant 0 : i32
      %dma_start3A_49 = tpu.memref_slice %arg10[%add3A_35, %dma_start3A_48] : memref<10000x16xf32, #tpu.memory_space<vmem_shared>> -> memref<313x16xf32, #tpu.memory_space<vmem_shared>>
      %dma_start3A_50 = arith.constant 0 : i32
      %dma_start3A_51 = arith.constant 0 : i32
      %dma_start3A_52 = tpu.memref_slice %arg8[%dma_start3A_50, %dma_start3A_51] : memref<625x16xf32, #tpu.memory_space<vmem>> -> memref<313x16xf32, #tpu.memory_space<vmem>>
      %dma_start3A_53 = arith.constant 0 : i32
      %dma_start3A_54 = tpu.memref_slice %arg10[%add3A_35, %dma_start3A_53] : memref<10000x16xf32, #tpu.memory_space<vmem_shared>> -> memref<313x16xf32, #tpu.memory_space<vmem_shared>>
      tpu.enqueue_dma source(%dma_start3A_54 : memref<313x16xf32, #tpu.memory_space<vmem_shared>>) target(%dma_start3A_52 : memref<313x16xf32, #tpu.memory_space<vmem>>) target_semaphore(%run_scoped3A_45 : memref<!tpu.dma_semaphore, #tpu.memory_space<semaphore_mem>>)
      %dma_wait3A = arith.constant 0 : i32
      %dma_wait3A_55 = arith.constant 0 : i32
      %dma_wait3A_56 = tpu.memref_slice %arg8[%dma_wait3A, %dma_wait3A_55] : memref<625x16xf32, #tpu.memory_space<vmem>> -> memref<313x16xf32, #tpu.memory_space<vmem>>
      %dma_wait3A_57 = arith.constant 0 : i32
      %dma_wait3A_58 = tpu.memref_slice %arg10[%add3A_35, %dma_wait3A_57] : memref<10000x16xf32, #tpu.memory_space<vmem_shared>> -> memref<313x16xf32, #tpu.memory_space<vmem_shared>>
      %dma_wait3A_59 = arith.constant 0 : i32
      %dma_wait3A_60 = arith.constant 0 : i32
      %dma_wait3A_61 = tpu.memref_slice %arg8[%dma_wait3A_59, %dma_wait3A_60] : memref<625x16xf32, #tpu.memory_space<vmem>> -> memref<313x16xf32, #tpu.memory_space<vmem>>
      %dma_wait3A_62 = arith.constant 0 : i32
      %dma_wait3A_63 = tpu.memref_slice %arg10[%add3A_35, %dma_wait3A_62] : memref<10000x16xf32, #tpu.memory_space<vmem_shared>> -> memref<313x16xf32, #tpu.memory_space<vmem_shared>>
      tpu.wait_dma2 semaphore(%run_scoped3A_45 : memref<!tpu.dma_semaphore, #tpu.memory_space<semaphore_mem>>) src(%dma_wait3A_63 : memref<313x16xf32, #tpu.memory_space<vmem_shared>>) dst(%dma_wait3A_61 : memref<313x16xf32, #tpu.memory_space<vmem>>)
      tpu.yield
    }) : () -> ()
    %get3A = arith.constant 0 : i32
    %get3A_36 = arith.index_cast %get3A : i32 to index
    %get3A_37 = arith.constant 0 : index
    %get3A_38 = tpu.vector_load %arg9[%get3A_36, %get3A_37] {strides = array<i32>} : memref<1x16xf32, #tpu.memory_space<vmem>>, vector<16xf32>,
    %scan3A_39 = arith.constant 0 : i32
    %scan3A_40 = arith.constant 0 : i32
    %scan3A_41 = arith.constant 313 : i32
    %scan3A_42 = arith.addi %scan3A_40, %scan3A_41 : i32
    %scan3A_43 = arith.constant 1 : i32
    scf.for %scan3A_45 = %scan3A_40 to %scan3A_42 step %scan3A_43  : i32 {
      %get3A_46 = arith.index_cast %scan3A_45 : i32 to index
      %get3A_47 = arith.constant 0 : index
      %get3A_48 = tpu.vector_load %arg8[%get3A_46, %get3A_47] {strides = array<i32>} : memref<625x16xf32, #tpu.memory_space<vmem>>, vector<16xf32>,
      %add3A_49 = arith.addf %get3A_48, %get3A_38 : vector<16xf32>
      %reduce_max3A = arith.constant true
      %reduce_max3A_50 = vector.broadcast %reduce_max3A : i1 to vector<16xi1>
      %reduce_max3A_51 = tpu.scan <max>, %add3A_49 masked %reduce_max3A_50 : vector<16xf32>, vector<16xi1> -> vector<16xf32>
      %reduce_max3A_52 = vector.extract %reduce_max3A_51[15] : f32 from vector<16xf32>
      %sub3A = vector.broadcast %reduce_max3A_52 : f32 to vector<16xf32>
      %sub3A_53 = arith.subf %add3A_49, %sub3A : vector<16xf32>
      %exp3A = math.exp %sub3A_53 : vector<16xf32>
      %reduce_sum3A = arith.constant true
      %reduce_sum3A_54 = vector.broadcast %reduce_sum3A : i1 to vector<16xi1>
      %reduce_sum3A_55 = tpu.scan <sum>, %exp3A masked %reduce_sum3A_54 : vector<16xf32>, vector<16xi1> -> vector<16xf32>
      %reduce_sum3A_56 = vector.extract %reduce_sum3A_55[15] : f32 from vector<16xf32>
      %broadcast_in_dim3A = vector.broadcast %reduce_sum3A_56 : f32 to vector<16xf32>
      %bitcast3A = vector.bitcast %broadcast_in_dim3A : vector<16xf32> to vector<16xi32>
      %shift_right_arithmetic3A = arith.constant 23 : i32
      %shift_right_arithmetic3A_57 = vector.broadcast %shift_right_arithmetic3A : i32 to vector<16xi32>
      %shift_right_arithmetic3A_58 = arith.shrsi %bitcast3A, %shift_right_arithmetic3A_57 : vector<16xi32>
      %sub3A_59 = arith.constant 127 : i32
      %sub3A_60 = vector.broadcast %sub3A_59 : i32 to vector<16xi32>
      %sub3A_61 = arith.subi %shift_right_arithmetic3A_58, %sub3A_60 : vector<16xi32>
      %convert_element_type3A = arith.sitofp %sub3A_61 : vector<16xi32> to vector<16xf32>
      %and3A = arith.constant 8388607 : i32
      %and3A_62 = vector.broadcast %and3A : i32 to vector<16xi32>
      %and3A_63 = arith.andi %bitcast3A, %and3A_62 : vector<16xi32>
      %or3A = arith.constant 1065353216 : i32
      %or3A_64 = vector.broadcast %or3A : i32 to vector<16xi32>
      %or3A_65 = arith.ori %and3A_63, %or3A_64 : vector<16xi32>
      %bitcast3A_66 = vector.bitcast %or3A_65 : vector<16xi32> to vector<16xf32>
      %sub3A_67 = arith.constant 1.000000e+00 : f32
      %sub3A_68 = vector.broadcast %sub3A_67 : f32 to vector<16xf32>
      %sub3A_69 = arith.subf %bitcast3A_66, %sub3A_68 : vector<16xf32>
      %mul3A_70 = arith.constant 0.693147182 : f32
      %mul3A_71 = vector.broadcast %mul3A_70 : f32 to vector<16xf32>
      %mul3A_72 = arith.mulf %convert_element_type3A, %mul3A_71 : vector<16xf32>
      %mul3A_73 = arith.constant 0.333333343 : f32
      %mul3A_74 = vector.broadcast %mul3A_73 : f32 to vector<16xf32>
      %mul3A_75 = arith.mulf %sub3A_69, %mul3A_74 : vector<16xf32>
      %sub3A_76 = arith.constant 5.000000e-01 : f32
      %sub3A_77 = vector.broadcast %sub3A_76 : f32 to vector<16xf32>
      %sub3A_78 = arith.subf %sub3A_77, %mul3A_75 : vector<16xf32>
      %mul3A_79 = arith.mulf %sub3A_69, %sub3A_78 : vector<16xf32>
      %sub3A_80 = arith.constant 1.000000e+00 : f32
      %sub3A_81 = vector.broadcast %sub3A_80 : f32 to vector<16xf32>
      %sub3A_82 = arith.subf %sub3A_81, %mul3A_79 : vector<16xf32>
      %mul3A_83 = arith.mulf %sub3A_69, %sub3A_82 : vector<16xf32>
      %add3A_84 = arith.addf %mul3A_72, %mul3A_83 : vector<16xf32>
      %neg3A = arith.constant 0.000000e+00 : f32
      %neg3A_85 = vector.broadcast %neg3A : f32 to vector<16xf32>
      %neg3A_86 = arith.subf %neg3A_85, %add3A_84 : vector<16xf32>
      %exp3A_87 = math.exp %neg3A_86 : vector<16xf32>
      %mul3A_88 = arith.mulf %broadcast_in_dim3A, %exp3A_87 : vector<16xf32>
      %add3A_89 = arith.addf %add3A_84, %mul3A_88 : vector<16xf32>
      %sub3A_90 = arith.constant 1.000000e+00 : f32
      %sub3A_91 = vector.broadcast %sub3A_90 : f32 to vector<16xf32>
      %sub3A_92 = arith.subf %add3A_89, %sub3A_91 : vector<16xf32>
      %neg3A_93 = arith.constant 0.000000e+00 : f32
      %neg3A_94 = vector.broadcast %neg3A_93 : f32 to vector<16xf32>
      %neg3A_95 = arith.subf %neg3A_94, %sub3A_92 : vector<16xf32>
      %exp3A_96 = math.exp %neg3A_95 : vector<16xf32>
      %mul3A_97 = arith.mulf %broadcast_in_dim3A, %exp3A_96 : vector<16xf32>
      %add3A_98 = arith.addf %sub3A_92, %mul3A_97 : vector<16xf32>
      %sub3A_99 = arith.constant 1.000000e+00 : f32
      %sub3A_100 = vector.broadcast %sub3A_99 : f32 to vector<16xf32>
      %sub3A_101 = arith.subf %add3A_98, %sub3A_100 : vector<16xf32>
      %neg3A_102 = arith.constant 0.000000e+00 : f32
      %neg3A_103 = vector.broadcast %neg3A_102 : f32 to vector<16xf32>
      %neg3A_104 = arith.subf %neg3A_103, %sub3A_101 : vector<16xf32>
      %exp3A_105 = math.exp %neg3A_104 : vector<16xf32>
      %mul3A_106 = arith.mulf %broadcast_in_dim3A, %exp3A_105 : vector<16xf32>
      %add3A_107 = arith.addf %sub3A_101, %mul3A_106 : vector<16xf32>
      %sub3A_108 = arith.constant 1.000000e+00 : f32
      %sub3A_109 = vector.broadcast %sub3A_108 : f32 to vector<16xf32>
      %sub3A_110 = arith.subf %add3A_107, %sub3A_109 : vector<16xf32>
      %sub3A_111 = arith.subf %sub3A_53, %sub3A_110 : vector<16xf32>
      %swap3A = arith.index_cast %scan3A_45 : i32 to index
      %swap3A_112 = arith.constant 0 : index
      %swap3A_113 = tpu.vector_load %arg8[%swap3A, %swap3A_112] {strides = array<i32>} : memref<625x16xf32, #tpu.memory_space<vmem>>, vector<16xf32>,
      tpu.vector_store %arg8[%swap3A, %swap3A_112], %sub3A_111 {strides = array<i32>} : memref<625x16xf32, #tpu.memory_space<vmem>>, vector<16xf32>,
    }
    %scan3A_44 = arith.constant 313 : i32
    "tpu.region"() ({
      %run_scoped3A_45 = tpu.sem_alloc : memref<!tpu.dma_semaphore, #tpu.memory_space<semaphore_mem>>
      %dma_start3A = arith.constant 0 : i32
      %dma_start3A_46 = arith.constant 0 : i32
      %dma_start3A_47 = tpu.memref_slice %arg8[%dma_start3A, %dma_start3A_46] : memref<625x16xf32, #tpu.memory_space<vmem>> -> memref<313x16xf32, #tpu.memory_space<vmem>>
      %dma_start3A_48 = arith.constant 0 : i32
      %dma_start3A_49 = tpu.memref_slice %arg5[%add3A_35, %dma_start3A_48] : memref<10000x16xf32, #tpu.memory_space<hbm>> -> memref<313x16xf32, #tpu.memory_space<hbm>>
      %dma_start3A_50 = arith.constant 0 : i32
      %dma_start3A_51 = tpu.memref_slice %arg5[%add3A_35, %dma_start3A_50] : memref<10000x16xf32, #tpu.memory_space<hbm>> -> memref<313x16xf32, #tpu.memory_space<hbm>>
      %dma_start3A_52 = arith.constant 0 : i32
      %dma_start3A_53 = arith.constant 0 : i32
      %dma_start3A_54 = tpu.memref_slice %arg8[%dma_start3A_52, %dma_start3A_53] : memref<625x16xf32, #tpu.memory_space<vmem>> -> memref<313x16xf32, #tpu.memory_space<vmem>>
      tpu.enqueue_dma source(%dma_start3A_54 : memref<313x16xf32, #tpu.memory_space<vmem>>) target(%dma_start3A_51 : memref<313x16xf32, #tpu.memory_space<hbm>>) target_semaphore(%run_scoped3A_45 : memref<!tpu.dma_semaphore, #tpu.memory_space<semaphore_mem>>)
      %dma_wait3A = arith.constant 0 : i32
      %dma_wait3A_55 = arith.constant 0 : i32
      %dma_wait3A_56 = tpu.memref_slice %arg8[%dma_wait3A, %dma_wait3A_55] : memref<625x16xf32, #tpu.memory_space<vmem>> -> memref<313x16xf32, #tpu.memory_space<vmem>>
      %dma_wait3A_57 = arith.constant 0 : i32
      %dma_wait3A_58 = tpu.memref_slice %arg5[%add3A_35, %dma_wait3A_57] : memref<10000x16xf32, #tpu.memory_space<hbm>> -> memref<313x16xf32, #tpu.memory_space<hbm>>
      %dma_wait3A_59 = arith.constant 0 : i32
      %dma_wait3A_60 = tpu.memref_slice %arg5[%add3A_35, %dma_wait3A_59] : memref<10000x16xf32, #tpu.memory_space<hbm>> -> memref<313x16xf32, #tpu.memory_space<hbm>>
      %dma_wait3A_61 = arith.constant 0 : i32
      %dma_wait3A_62 = arith.constant 0 : i32
      %dma_wait3A_63 = tpu.memref_slice %arg8[%dma_wait3A_61, %dma_wait3A_62] : memref<625x16xf32, #tpu.memory_space<vmem>> -> memref<313x16xf32, #tpu.memory_space<vmem>>
      tpu.wait_dma2 semaphore(%run_scoped3A_45 : memref<!tpu.dma_semaphore, #tpu.memory_space<semaphore_mem>>) src(%dma_wait3A_63 : memref<313x16xf32, #tpu.memory_space<vmem>>) dst(%dma_wait3A_60 : memref<313x16xf32, #tpu.memory_space<hbm>>)
      tpu.yield
    }) : () -> ()
    return
  }
}

#map = affine_map<(d0, d1) -> (0, 0)>
module attributes {stable_mosaic.version = 14 : i64} {
  func.func @body(%arg0: i32, %arg1: i32, %arg2: memref<10000x16xf32, #tpu.memory_space<hbm>>, %arg3: memref<1280x125xi32, #tpu.memory_space<hbm>>, %arg4: memref<160000x16xf32, #tpu.memory_space<hbm>>, %arg5: memref<40x125xi32, #tpu.memory_space<vmem>>, %arg6: memref<5000x16xf32, #tpu.memory_space<vmem>>, %arg7: memref<!tpu.dma_semaphore, #tpu.memory_space<semaphore_mem>>) attributes {dimension_semantics = [#tpu.dimension_semantics<core_parallel>, #tpu.dimension_semantics<subcore_parallel>], iteration_bounds = array<i64: 2, 16>, scalar_prefetch = 0 : i64, scratch_operands = 3 : i64, tpu.core_type = #tpu.core_type<sc_vector_subcore>, window_params = [{transform_indices = #map}, {transform_indices = #map}, {transform_indices = #map}]} {
    %mul3A = arith.constant 16 : i32
    %mul3A_0 = arith.muli %arg0, %mul3A : i32
    %add3A = arith.addi %mul3A_0, %arg1 : i32
    %mul3A_1 = arith.constant 40 : i32
    %mul3A_2 = arith.muli %add3A, %mul3A_1 : i32
    %mul3A_3 = arith.constant 5000 : i32
    %mul3A_4 = arith.muli %add3A, %mul3A_3 : i32
    "tpu.region"() ({
      %run_scoped3A = tpu.sem_alloc : memref<!tpu.dma_semaphore, #tpu.memory_space<semaphore_mem>>
      %dma_start3A = arith.constant 0 : i32
      %dma_start3A_10 = tpu.memref_slice %arg3[%mul3A_2, %dma_start3A] : memref<1280x125xi32, #tpu.memory_space<hbm>> -> memref<40x125xi32, #tpu.memory_space<hbm>>
      %dma_start3A_11 = arith.constant 0 : i32
      %dma_start3A_12 = tpu.memref_slice %arg3[%mul3A_2, %dma_start3A_11] : memref<1280x125xi32, #tpu.memory_space<hbm>> -> memref<40x125xi32, #tpu.memory_space<hbm>>
      tpu.enqueue_dma source(%dma_start3A_12 : memref<40x125xi32, #tpu.memory_space<hbm>>) target(%arg5 : memref<40x125xi32, #tpu.memory_space<vmem>>) target_semaphore(%run_scoped3A : memref<!tpu.dma_semaphore, #tpu.memory_space<semaphore_mem>>)
      %dma_wait3A = arith.constant 0 : i32
      %dma_wait3A_13 = tpu.memref_slice %arg3[%mul3A_2, %dma_wait3A] : memref<1280x125xi32, #tpu.memory_space<hbm>> -> memref<40x125xi32, #tpu.memory_space<hbm>>
      %dma_wait3A_14 = arith.constant 0 : i32
      %dma_wait3A_15 = tpu.memref_slice %arg3[%mul3A_2, %dma_wait3A_14] : memref<1280x125xi32, #tpu.memory_space<hbm>> -> memref<40x125xi32, #tpu.memory_space<hbm>>
      tpu.wait_dma2 semaphore(%run_scoped3A : memref<!tpu.dma_semaphore, #tpu.memory_space<semaphore_mem>>) src(%dma_wait3A_15 : memref<40x125xi32, #tpu.memory_space<hbm>>) dst(%arg5 : memref<40x125xi32, #tpu.memory_space<vmem>>)
      tpu.yield
    }) : () -> ()
    %scan3A = arith.constant 0 : i32
    %scan3A_5 = arith.constant 0 : i32
    %scan3A_6 = arith.constant 5 : i32
    %scan3A_7 = arith.addi %scan3A_5, %scan3A_6 : i32
    %scan3A_8 = arith.constant 1 : i32
    scf.for %scan3A_10 = %scan3A_5 to %scan3A_7 step %scan3A_8  : i32 {
      %mul3A_11 = arith.constant 8 : i32
      %mul3A_12 = arith.muli %scan3A_10, %mul3A_11 : i32
      %add3A_13 = arith.constant 0 : i32
      %add3A_14 = arith.addi %mul3A_12, %add3A_13 : i32
      %add3A_15 = arith.constant 0 : i32
      %add3A_16 = arith.addi %mul3A_12, %add3A_15 : i32
      %mul3A_17 = arith.constant 125 : i32
      %mul3A_18 = arith.muli %add3A_16, %mul3A_17 : i32
      %dma_start3A = arith.constant 0 : i32
      %dma_start3A_19 = tpu.memref_slice %arg6[%mul3A_18, %dma_start3A] : memref<5000x16xf32, #tpu.memory_space<vmem>> -> memref<125x16xf32, #tpu.memory_space<vmem>>
      %dma_start3A_20 = arith.constant 0 : i32
      %dma_start3A_21 = tpu.memref_slice %arg5[%add3A_14, %dma_start3A_20] : memref<40x125xi32, #tpu.memory_space<vmem>> -> memref<1x125xi32, #tpu.memory_space<vmem>>
      %dma_start3A_22 = tpu.memref_squeeze %dma_start3A_21 : memref<1x125xi32, #tpu.memory_space<vmem>> -> memref<125xi32, #tpu.memory_space<vmem>>
      %dma_start3A_23 = arith.constant 0 : i32
      %dma_start3A_24 = arith.constant 0 : i32
      %dma_start3A_25 = tpu.memref_slice %arg2[%dma_start3A_23, %dma_start3A_24] : memref<10000x16xf32, #tpu.memory_space<hbm>> -> memref<10000x16xf32, #tpu.memory_space<hbm>>
      tpu.enqueue_indirect_dma source(%dma_start3A_25 : memref<10000x16xf32, #tpu.memory_space<hbm>>) target(%dma_start3A_19 : memref<125x16xf32, #tpu.memory_space<vmem>>) offsets(%dma_start3A_22 : memref<125xi32, #tpu.memory_space<vmem>>) semaphore(%arg7 : memref<!tpu.dma_semaphore, #tpu.memory_space<semaphore_mem>>)
      %add3A_26 = arith.constant 1 : i32
      %add3A_27 = arith.addi %mul3A_12, %add3A_26 : i32
      %add3A_28 = arith.constant 1 : i32
      %add3A_29 = arith.addi %mul3A_12, %add3A_28 : i32
      %mul3A_30 = arith.constant 125 : i32
      %mul3A_31 = arith.muli %add3A_29, %mul3A_30 : i32
      %dma_start3A_32 = arith.constant 0 : i32
      %dma_start3A_33 = tpu.memref_slice %arg6[%mul3A_31, %dma_start3A_32] : memref<5000x16xf32, #tpu.memory_space<vmem>> -> memref<125x16xf32, #tpu.memory_space<vmem>>
      %dma_start3A_34 = arith.constant 0 : i32
      %dma_start3A_35 = tpu.memref_slice %arg5[%add3A_27, %dma_start3A_34] : memref<40x125xi32, #tpu.memory_space<vmem>> -> memref<1x125xi32, #tpu.memory_space<vmem>>
      %dma_start3A_36 = tpu.memref_squeeze %dma_start3A_35 : memref<1x125xi32, #tpu.memory_space<vmem>> -> memref<125xi32, #tpu.memory_space<vmem>>
      %dma_start3A_37 = arith.constant 0 : i32
      %dma_start3A_38 = arith.constant 0 : i32
      %dma_start3A_39 = tpu.memref_slice %arg2[%dma_start3A_37, %dma_start3A_38] : memref<10000x16xf32, #tpu.memory_space<hbm>> -> memref<10000x16xf32, #tpu.memory_space<hbm>>
      tpu.enqueue_indirect_dma source(%dma_start3A_39 : memref<10000x16xf32, #tpu.memory_space<hbm>>) target(%dma_start3A_33 : memref<125x16xf32, #tpu.memory_space<vmem>>) offsets(%dma_start3A_36 : memref<125xi32, #tpu.memory_space<vmem>>) semaphore(%arg7 : memref<!tpu.dma_semaphore, #tpu.memory_space<semaphore_mem>>)
      %add3A_40 = arith.constant 2 : i32
      %add3A_41 = arith.addi %mul3A_12, %add3A_40 : i32
      %add3A_42 = arith.constant 2 : i32
      %add3A_43 = arith.addi %mul3A_12, %add3A_42 : i32
      %mul3A_44 = arith.constant 125 : i32
      %mul3A_45 = arith.muli %add3A_43, %mul3A_44 : i32
      %dma_start3A_46 = arith.constant 0 : i32
      %dma_start3A_47 = tpu.memref_slice %arg6[%mul3A_45, %dma_start3A_46] : memref<5000x16xf32, #tpu.memory_space<vmem>> -> memref<125x16xf32, #tpu.memory_space<vmem>>
      %dma_start3A_48 = arith.constant 0 : i32
      %dma_start3A_49 = tpu.memref_slice %arg5[%add3A_41, %dma_start3A_48] : memref<40x125xi32, #tpu.memory_space<vmem>> -> memref<1x125xi32, #tpu.memory_space<vmem>>
      %dma_start3A_50 = tpu.memref_squeeze %dma_start3A_49 : memref<1x125xi32, #tpu.memory_space<vmem>> -> memref<125xi32, #tpu.memory_space<vmem>>
      %dma_start3A_51 = arith.constant 0 : i32
      %dma_start3A_52 = arith.constant 0 : i32
      %dma_start3A_53 = tpu.memref_slice %arg2[%dma_start3A_51, %dma_start3A_52] : memref<10000x16xf32, #tpu.memory_space<hbm>> -> memref<10000x16xf32, #tpu.memory_space<hbm>>
      tpu.enqueue_indirect_dma source(%dma_start3A_53 : memref<10000x16xf32, #tpu.memory_space<hbm>>) target(%dma_start3A_47 : memref<125x16xf32, #tpu.memory_space<vmem>>) offsets(%dma_start3A_50 : memref<125xi32, #tpu.memory_space<vmem>>) semaphore(%arg7 : memref<!tpu.dma_semaphore, #tpu.memory_space<semaphore_mem>>)
      %add3A_54 = arith.constant 3 : i32
      %add3A_55 = arith.addi %mul3A_12, %add3A_54 : i32
      %add3A_56 = arith.constant 3 : i32
      %add3A_57 = arith.addi %mul3A_12, %add3A_56 : i32
      %mul3A_58 = arith.constant 125 : i32
      %mul3A_59 = arith.muli %add3A_57, %mul3A_58 : i32
      %dma_start3A_60 = arith.constant 0 : i32
      %dma_start3A_61 = tpu.memref_slice %arg6[%mul3A_59, %dma_start3A_60] : memref<5000x16xf32, #tpu.memory_space<vmem>> -> memref<125x16xf32, #tpu.memory_space<vmem>>
      %dma_start3A_62 = arith.constant 0 : i32
      %dma_start3A_63 = tpu.memref_slice %arg5[%add3A_55, %dma_start3A_62] : memref<40x125xi32, #tpu.memory_space<vmem>> -> memref<1x125xi32, #tpu.memory_space<vmem>>
      %dma_start3A_64 = tpu.memref_squeeze %dma_start3A_63 : memref<1x125xi32, #tpu.memory_space<vmem>> -> memref<125xi32, #tpu.memory_space<vmem>>
      %dma_start3A_65 = arith.constant 0 : i32
      %dma_start3A_66 = arith.constant 0 : i32
      %dma_start3A_67 = tpu.memref_slice %arg2[%dma_start3A_65, %dma_start3A_66] : memref<10000x16xf32, #tpu.memory_space<hbm>> -> memref<10000x16xf32, #tpu.memory_space<hbm>>
      tpu.enqueue_indirect_dma source(%dma_start3A_67 : memref<10000x16xf32, #tpu.memory_space<hbm>>) target(%dma_start3A_61 : memref<125x16xf32, #tpu.memory_space<vmem>>) offsets(%dma_start3A_64 : memref<125xi32, #tpu.memory_space<vmem>>) semaphore(%arg7 : memref<!tpu.dma_semaphore, #tpu.memory_space<semaphore_mem>>)
      %add3A_68 = arith.constant 4 : i32
      %add3A_69 = arith.addi %mul3A_12, %add3A_68 : i32
      %add3A_70 = arith.constant 4 : i32
      %add3A_71 = arith.addi %mul3A_12, %add3A_70 : i32
      %mul3A_72 = arith.constant 125 : i32
      %mul3A_73 = arith.muli %add3A_71, %mul3A_72 : i32
      %dma_start3A_74 = arith.constant 0 : i32
      %dma_start3A_75 = tpu.memref_slice %arg6[%mul3A_73, %dma_start3A_74] : memref<5000x16xf32, #tpu.memory_space<vmem>> -> memref<125x16xf32, #tpu.memory_space<vmem>>
      %dma_start3A_76 = arith.constant 0 : i32
      %dma_start3A_77 = tpu.memref_slice %arg5[%add3A_69, %dma_start3A_76] : memref<40x125xi32, #tpu.memory_space<vmem>> -> memref<1x125xi32, #tpu.memory_space<vmem>>
      %dma_start3A_78 = tpu.memref_squeeze %dma_start3A_77 : memref<1x125xi32, #tpu.memory_space<vmem>> -> memref<125xi32, #tpu.memory_space<vmem>>
      %dma_start3A_79 = arith.constant 0 : i32
      %dma_start3A_80 = arith.constant 0 : i32
      %dma_start3A_81 = tpu.memref_slice %arg2[%dma_start3A_79, %dma_start3A_80] : memref<10000x16xf32, #tpu.memory_space<hbm>> -> memref<10000x16xf32, #tpu.memory_space<hbm>>
      tpu.enqueue_indirect_dma source(%dma_start3A_81 : memref<10000x16xf32, #tpu.memory_space<hbm>>) target(%dma_start3A_75 : memref<125x16xf32, #tpu.memory_space<vmem>>) offsets(%dma_start3A_78 : memref<125xi32, #tpu.memory_space<vmem>>) semaphore(%arg7 : memref<!tpu.dma_semaphore, #tpu.memory_space<semaphore_mem>>)
      %add3A_82 = arith.constant 5 : i32
      %add3A_83 = arith.addi %mul3A_12, %add3A_82 : i32
      %add3A_84 = arith.constant 5 : i32
      %add3A_85 = arith.addi %mul3A_12, %add3A_84 : i32
      %mul3A_86 = arith.constant 125 : i32
      %mul3A_87 = arith.muli %add3A_85, %mul3A_86 : i32
      %dma_start3A_88 = arith.constant 0 : i32
      %dma_start3A_89 = tpu.memref_slice %arg6[%mul3A_87, %dma_start3A_88] : memref<5000x16xf32, #tpu.memory_space<vmem>> -> memref<125x16xf32, #tpu.memory_space<vmem>>
      %dma_start3A_90 = arith.constant 0 : i32
      %dma_start3A_91 = tpu.memref_slice %arg5[%add3A_83, %dma_start3A_90] : memref<40x125xi32, #tpu.memory_space<vmem>> -> memref<1x125xi32, #tpu.memory_space<vmem>>
      %dma_start3A_92 = tpu.memref_squeeze %dma_start3A_91 : memref<1x125xi32, #tpu.memory_space<vmem>> -> memref<125xi32, #tpu.memory_space<vmem>>
      %dma_start3A_93 = arith.constant 0 : i32
      %dma_start3A_94 = arith.constant 0 : i32
      %dma_start3A_95 = tpu.memref_slice %arg2[%dma_start3A_93, %dma_start3A_94] : memref<10000x16xf32, #tpu.memory_space<hbm>> -> memref<10000x16xf32, #tpu.memory_space<hbm>>
      tpu.enqueue_indirect_dma source(%dma_start3A_95 : memref<10000x16xf32, #tpu.memory_space<hbm>>) target(%dma_start3A_89 : memref<125x16xf32, #tpu.memory_space<vmem>>) offsets(%dma_start3A_92 : memref<125xi32, #tpu.memory_space<vmem>>) semaphore(%arg7 : memref<!tpu.dma_semaphore, #tpu.memory_space<semaphore_mem>>)
      %add3A_96 = arith.constant 6 : i32
      %add3A_97 = arith.addi %mul3A_12, %add3A_96 : i32
      %add3A_98 = arith.constant 6 : i32
      %add3A_99 = arith.addi %mul3A_12, %add3A_98 : i32
      %mul3A_100 = arith.constant 125 : i32
      %mul3A_101 = arith.muli %add3A_99, %mul3A_100 : i32
      %dma_start3A_102 = arith.constant 0 : i32
      %dma_start3A_103 = tpu.memref_slice %arg6[%mul3A_101, %dma_start3A_102] : memref<5000x16xf32, #tpu.memory_space<vmem>> -> memref<125x16xf32, #tpu.memory_space<vmem>>
      %dma_start3A_104 = arith.constant 0 : i32
      %dma_start3A_105 = tpu.memref_slice %arg5[%add3A_97, %dma_start3A_104] : memref<40x125xi32, #tpu.memory_space<vmem>> -> memref<1x125xi32, #tpu.memory_space<vmem>>
      %dma_start3A_106 = tpu.memref_squeeze %dma_start3A_105 : memref<1x125xi32, #tpu.memory_space<vmem>> -> memref<125xi32, #tpu.memory_space<vmem>>
      %dma_start3A_107 = arith.constant 0 : i32
      %dma_start3A_108 = arith.constant 0 : i32
      %dma_start3A_109 = tpu.memref_slice %arg2[%dma_start3A_107, %dma_start3A_108] : memref<10000x16xf32, #tpu.memory_space<hbm>> -> memref<10000x16xf32, #tpu.memory_space<hbm>>
      tpu.enqueue_indirect_dma source(%dma_start3A_109 : memref<10000x16xf32, #tpu.memory_space<hbm>>) target(%dma_start3A_103 : memref<125x16xf32, #tpu.memory_space<vmem>>) offsets(%dma_start3A_106 : memref<125xi32, #tpu.memory_space<vmem>>) semaphore(%arg7 : memref<!tpu.dma_semaphore, #tpu.memory_space<semaphore_mem>>)
      %add3A_110 = arith.constant 7 : i32
      %add3A_111 = arith.addi %mul3A_12, %add3A_110 : i32
      %add3A_112 = arith.constant 7 : i32
      %add3A_113 = arith.addi %mul3A_12, %add3A_112 : i32
      %mul3A_114 = arith.constant 125 : i32
      %mul3A_115 = arith.muli %add3A_113, %mul3A_114 : i32
      %dma_start3A_116 = arith.constant 0 : i32
      %dma_start3A_117 = tpu.memref_slice %arg6[%mul3A_115, %dma_start3A_116] : memref<5000x16xf32, #tpu.memory_space<vmem>> -> memref<125x16xf32, #tpu.memory_space<vmem>>
      %dma_start3A_118 = arith.constant 0 : i32
      %dma_start3A_119 = tpu.memref_slice %arg5[%add3A_111, %dma_start3A_118] : memref<40x125xi32, #tpu.memory_space<vmem>> -> memref<1x125xi32, #tpu.memory_space<vmem>>
      %dma_start3A_120 = tpu.memref_squeeze %dma_start3A_119 : memref<1x125xi32, #tpu.memory_space<vmem>> -> memref<125xi32, #tpu.memory_space<vmem>>
      %dma_start3A_121 = arith.constant 0 : i32
      %dma_start3A_122 = arith.constant 0 : i32
      %dma_start3A_123 = tpu.memref_slice %arg2[%dma_start3A_121, %dma_start3A_122] : memref<10000x16xf32, #tpu.memory_space<hbm>> -> memref<10000x16xf32, #tpu.memory_space<hbm>>
      tpu.enqueue_indirect_dma source(%dma_start3A_123 : memref<10000x16xf32, #tpu.memory_space<hbm>>) target(%dma_start3A_117 : memref<125x16xf32, #tpu.memory_space<vmem>>) offsets(%dma_start3A_120 : memref<125xi32, #tpu.memory_space<vmem>>) semaphore(%arg7 : memref<!tpu.dma_semaphore, #tpu.memory_space<semaphore_mem>>)
      %dma_wait3A = arith.constant 0 : i32
      %dma_wait3A_124 = tpu.memref_slice %arg6[%mul3A_18, %dma_wait3A] : memref<5000x16xf32, #tpu.memory_space<vmem>> -> memref<125x16xf32, #tpu.memory_space<vmem>>
      %dma_wait3A_125 = arith.constant 0 : i32
      %dma_wait3A_126 = tpu.memref_slice %arg5[%add3A_14, %dma_wait3A_125] : memref<40x125xi32, #tpu.memory_space<vmem>> -> memref<1x125xi32, #tpu.memory_space<vmem>>
      %dma_wait3A_127 = tpu.memref_squeeze %dma_wait3A_126 : memref<1x125xi32, #tpu.memory_space<vmem>> -> memref<125xi32, #tpu.memory_space<vmem>>
      %dma_wait3A_128 = arith.constant 0 : i32
      %dma_wait3A_129 = arith.constant 0 : i32
      %dma_wait3A_130 = tpu.memref_slice %arg2[%dma_wait3A_128, %dma_wait3A_129] : memref<10000x16xf32, #tpu.memory_space<hbm>> -> memref<10000x16xf32, #tpu.memory_space<hbm>>
      tpu.wait_indirect_dma semaphore(%arg7 : memref<!tpu.dma_semaphore, #tpu.memory_space<semaphore_mem>>) src(%dma_wait3A_130 : memref<10000x16xf32, #tpu.memory_space<hbm>>) dst(%dma_wait3A_124 : memref<125x16xf32, #tpu.memory_space<vmem>>)
      %dma_wait3A_131 = arith.constant 0 : i32
      %dma_wait3A_132 = tpu.memref_slice %arg6[%mul3A_31, %dma_wait3A_131] : memref<5000x16xf32, #tpu.memory_space<vmem>> -> memref<125x16xf32, #tpu.memory_space<vmem>>
      %dma_wait3A_133 = arith.constant 0 : i32
      %dma_wait3A_134 = tpu.memref_slice %arg5[%add3A_27, %dma_wait3A_133] : memref<40x125xi32, #tpu.memory_space<vmem>> -> memref<1x125xi32, #tpu.memory_space<vmem>>
      %dma_wait3A_135 = tpu.memref_squeeze %dma_wait3A_134 : memref<1x125xi32, #tpu.memory_space<vmem>> -> memref<125xi32, #tpu.memory_space<vmem>>
      %dma_wait3A_136 = arith.constant 0 : i32
      %dma_wait3A_137 = arith.constant 0 : i32
      %dma_wait3A_138 = tpu.memref_slice %arg2[%dma_wait3A_136, %dma_wait3A_137] : memref<10000x16xf32, #tpu.memory_space<hbm>> -> memref<10000x16xf32, #tpu.memory_space<hbm>>
      tpu.wait_indirect_dma semaphore(%arg7 : memref<!tpu.dma_semaphore, #tpu.memory_space<semaphore_mem>>) src(%dma_wait3A_138 : memref<10000x16xf32, #tpu.memory_space<hbm>>) dst(%dma_wait3A_132 : memref<125x16xf32, #tpu.memory_space<vmem>>)
      %dma_wait3A_139 = arith.constant 0 : i32
      %dma_wait3A_140 = tpu.memref_slice %arg6[%mul3A_45, %dma_wait3A_139] : memref<5000x16xf32, #tpu.memory_space<vmem>> -> memref<125x16xf32, #tpu.memory_space<vmem>>
      %dma_wait3A_141 = arith.constant 0 : i32
      %dma_wait3A_142 = tpu.memref_slice %arg5[%add3A_41, %dma_wait3A_141] : memref<40x125xi32, #tpu.memory_space<vmem>> -> memref<1x125xi32, #tpu.memory_space<vmem>>
      %dma_wait3A_143 = tpu.memref_squeeze %dma_wait3A_142 : memref<1x125xi32, #tpu.memory_space<vmem>> -> memref<125xi32, #tpu.memory_space<vmem>>
      %dma_wait3A_144 = arith.constant 0 : i32
      %dma_wait3A_145 = arith.constant 0 : i32
      %dma_wait3A_146 = tpu.memref_slice %arg2[%dma_wait3A_144, %dma_wait3A_145] : memref<10000x16xf32, #tpu.memory_space<hbm>> -> memref<10000x16xf32, #tpu.memory_space<hbm>>
      tpu.wait_indirect_dma semaphore(%arg7 : memref<!tpu.dma_semaphore, #tpu.memory_space<semaphore_mem>>) src(%dma_wait3A_146 : memref<10000x16xf32, #tpu.memory_space<hbm>>) dst(%dma_wait3A_140 : memref<125x16xf32, #tpu.memory_space<vmem>>)
      %dma_wait3A_147 = arith.constant 0 : i32
      %dma_wait3A_148 = tpu.memref_slice %arg6[%mul3A_59, %dma_wait3A_147] : memref<5000x16xf32, #tpu.memory_space<vmem>> -> memref<125x16xf32, #tpu.memory_space<vmem>>
      %dma_wait3A_149 = arith.constant 0 : i32
      %dma_wait3A_150 = tpu.memref_slice %arg5[%add3A_55, %dma_wait3A_149] : memref<40x125xi32, #tpu.memory_space<vmem>> -> memref<1x125xi32, #tpu.memory_space<vmem>>
      %dma_wait3A_151 = tpu.memref_squeeze %dma_wait3A_150 : memref<1x125xi32, #tpu.memory_space<vmem>> -> memref<125xi32, #tpu.memory_space<vmem>>
      %dma_wait3A_152 = arith.constant 0 : i32
      %dma_wait3A_153 = arith.constant 0 : i32
      %dma_wait3A_154 = tpu.memref_slice %arg2[%dma_wait3A_152, %dma_wait3A_153] : memref<10000x16xf32, #tpu.memory_space<hbm>> -> memref<10000x16xf32, #tpu.memory_space<hbm>>
      tpu.wait_indirect_dma semaphore(%arg7 : memref<!tpu.dma_semaphore, #tpu.memory_space<semaphore_mem>>) src(%dma_wait3A_154 : memref<10000x16xf32, #tpu.memory_space<hbm>>) dst(%dma_wait3A_148 : memref<125x16xf32, #tpu.memory_space<vmem>>)
      %dma_wait3A_155 = arith.constant 0 : i32
      %dma_wait3A_156 = tpu.memref_slice %arg6[%mul3A_73, %dma_wait3A_155] : memref<5000x16xf32, #tpu.memory_space<vmem>> -> memref<125x16xf32, #tpu.memory_space<vmem>>
      %dma_wait3A_157 = arith.constant 0 : i32
      %dma_wait3A_158 = tpu.memref_slice %arg5[%add3A_69, %dma_wait3A_157] : memref<40x125xi32, #tpu.memory_space<vmem>> -> memref<1x125xi32, #tpu.memory_space<vmem>>
      %dma_wait3A_159 = tpu.memref_squeeze %dma_wait3A_158 : memref<1x125xi32, #tpu.memory_space<vmem>> -> memref<125xi32, #tpu.memory_space<vmem>>
      %dma_wait3A_160 = arith.constant 0 : i32
      %dma_wait3A_161 = arith.constant 0 : i32
      %dma_wait3A_162 = tpu.memref_slice %arg2[%dma_wait3A_160, %dma_wait3A_161] : memref<10000x16xf32, #tpu.memory_space<hbm>> -> memref<10000x16xf32, #tpu.memory_space<hbm>>
      tpu.wait_indirect_dma semaphore(%arg7 : memref<!tpu.dma_semaphore, #tpu.memory_space<semaphore_mem>>) src(%dma_wait3A_162 : memref<10000x16xf32, #tpu.memory_space<hbm>>) dst(%dma_wait3A_156 : memref<125x16xf32, #tpu.memory_space<vmem>>)
      %dma_wait3A_163 = arith.constant 0 : i32
      %dma_wait3A_164 = tpu.memref_slice %arg6[%mul3A_87, %dma_wait3A_163] : memref<5000x16xf32, #tpu.memory_space<vmem>> -> memref<125x16xf32, #tpu.memory_space<vmem>>
      %dma_wait3A_165 = arith.constant 0 : i32
      %dma_wait3A_166 = tpu.memref_slice %arg5[%add3A_83, %dma_wait3A_165] : memref<40x125xi32, #tpu.memory_space<vmem>> -> memref<1x125xi32, #tpu.memory_space<vmem>>
      %dma_wait3A_167 = tpu.memref_squeeze %dma_wait3A_166 : memref<1x125xi32, #tpu.memory_space<vmem>> -> memref<125xi32, #tpu.memory_space<vmem>>
      %dma_wait3A_168 = arith.constant 0 : i32
      %dma_wait3A_169 = arith.constant 0 : i32
      %dma_wait3A_170 = tpu.memref_slice %arg2[%dma_wait3A_168, %dma_wait3A_169] : memref<10000x16xf32, #tpu.memory_space<hbm>> -> memref<10000x16xf32, #tpu.memory_space<hbm>>
      tpu.wait_indirect_dma semaphore(%arg7 : memref<!tpu.dma_semaphore, #tpu.memory_space<semaphore_mem>>) src(%dma_wait3A_170 : memref<10000x16xf32, #tpu.memory_space<hbm>>) dst(%dma_wait3A_164 : memref<125x16xf32, #tpu.memory_space<vmem>>)
      %dma_wait3A_171 = arith.constant 0 : i32
      %dma_wait3A_172 = tpu.memref_slice %arg6[%mul3A_101, %dma_wait3A_171] : memref<5000x16xf32, #tpu.memory_space<vmem>> -> memref<125x16xf32, #tpu.memory_space<vmem>>
      %dma_wait3A_173 = arith.constant 0 : i32
      %dma_wait3A_174 = tpu.memref_slice %arg5[%add3A_97, %dma_wait3A_173] : memref<40x125xi32, #tpu.memory_space<vmem>> -> memref<1x125xi32, #tpu.memory_space<vmem>>
      %dma_wait3A_175 = tpu.memref_squeeze %dma_wait3A_174 : memref<1x125xi32, #tpu.memory_space<vmem>> -> memref<125xi32, #tpu.memory_space<vmem>>
      %dma_wait3A_176 = arith.constant 0 : i32
      %dma_wait3A_177 = arith.constant 0 : i32
      %dma_wait3A_178 = tpu.memref_slice %arg2[%dma_wait3A_176, %dma_wait3A_177] : memref<10000x16xf32, #tpu.memory_space<hbm>> -> memref<10000x16xf32, #tpu.memory_space<hbm>>
      tpu.wait_indirect_dma semaphore(%arg7 : memref<!tpu.dma_semaphore, #tpu.memory_space<semaphore_mem>>) src(%dma_wait3A_178 : memref<10000x16xf32, #tpu.memory_space<hbm>>) dst(%dma_wait3A_172 : memref<125x16xf32, #tpu.memory_space<vmem>>)
      %dma_wait3A_179 = arith.constant 0 : i32
      %dma_wait3A_180 = tpu.memref_slice %arg6[%mul3A_115, %dma_wait3A_179] : memref<5000x16xf32, #tpu.memory_space<vmem>> -> memref<125x16xf32, #tpu.memory_space<vmem>>
      %dma_wait3A_181 = arith.constant 0 : i32
      %dma_wait3A_182 = tpu.memref_slice %arg5[%add3A_111, %dma_wait3A_181] : memref<40x125xi32, #tpu.memory_space<vmem>> -> memref<1x125xi32, #tpu.memory_space<vmem>>
      %dma_wait3A_183 = tpu.memref_squeeze %dma_wait3A_182 : memref<1x125xi32, #tpu.memory_space<vmem>> -> memref<125xi32, #tpu.memory_space<vmem>>
      %dma_wait3A_184 = arith.constant 0 : i32
      %dma_wait3A_185 = arith.constant 0 : i32
      %dma_wait3A_186 = tpu.memref_slice %arg2[%dma_wait3A_184, %dma_wait3A_185] : memref<10000x16xf32, #tpu.memory_space<hbm>> -> memref<10000x16xf32, #tpu.memory_space<hbm>>
      tpu.wait_indirect_dma semaphore(%arg7 : memref<!tpu.dma_semaphore, #tpu.memory_space<semaphore_mem>>) src(%dma_wait3A_186 : memref<10000x16xf32, #tpu.memory_space<hbm>>) dst(%dma_wait3A_180 : memref<125x16xf32, #tpu.memory_space<vmem>>)
    }
    %scan3A_9 = arith.constant 5 : i32
    "tpu.region"() ({
      %run_scoped3A = tpu.sem_alloc : memref<!tpu.dma_semaphore, #tpu.memory_space<semaphore_mem>>
      %dma_start3A = arith.constant 0 : i32
      %dma_start3A_10 = tpu.memref_slice %arg4[%mul3A_4, %dma_start3A] : memref<160000x16xf32, #tpu.memory_space<hbm>> -> memref<5000x16xf32, #tpu.memory_space<hbm>>
      %dma_start3A_11 = arith.constant 0 : i32
      %dma_start3A_12 = tpu.memref_slice %arg4[%mul3A_4, %dma_start3A_11] : memref<160000x16xf32, #tpu.memory_space<hbm>> -> memref<5000x16xf32, #tpu.memory_space<hbm>>
      tpu.enqueue_dma source(%arg6 : memref<5000x16xf32, #tpu.memory_space<vmem>>) target(%dma_start3A_12 : memref<5000x16xf32, #tpu.memory_space<hbm>>) target_semaphore(%run_scoped3A : memref<!tpu.dma_semaphore, #tpu.memory_space<semaphore_mem>>)
      %dma_wait3A = arith.constant 0 : i32
      %dma_wait3A_13 = tpu.memref_slice %arg4[%mul3A_4, %dma_wait3A] : memref<160000x16xf32, #tpu.memory_space<hbm>> -> memref<5000x16xf32, #tpu.memory_space<hbm>>
      %dma_wait3A_14 = arith.constant 0 : i32
      %dma_wait3A_15 = tpu.memref_slice %arg4[%mul3A_4, %dma_wait3A_14] : memref<160000x16xf32, #tpu.memory_space<hbm>> -> memref<5000x16xf32, #tpu.memory_space<hbm>>
      tpu.wait_dma2 semaphore(%run_scoped3A : memref<!tpu.dma_semaphore, #tpu.memory_space<semaphore_mem>>) src(%arg6 : memref<5000x16xf32, #tpu.memory_space<vmem>>) dst(%dma_wait3A_15 : memref<5000x16xf32, #tpu.memory_space<hbm>>)
      tpu.yield
    }) : () -> ()
    return
  }
}

#map = affine_map<(d0, d1) -> (0, 0)>
#map1 = affine_map<(d0, d1) -> (0)>
module attributes {stable_mosaic.version = 14 : i64} {
  func.func @body(%arg0: i32, %arg1: i32, %arg2: memref<160000x16xf32, #tpu.memory_space<hbm>>, %arg3: memref<1280x125xi32, #tpu.memory_space<hbm>>, %arg4: memref<1280x125xi32, #tpu.memory_space<hbm>>, %arg5: memref<16xf32, #tpu.memory_space<hbm>>, %arg6: memref<16xf32, #tpu.memory_space<hbm>>, %arg7: memref<16xf32, #tpu.memory_space<hbm>>, %arg8: memref<160000x16xf32, #tpu.memory_space<hbm>>, %arg9: memref<80x125xi32, #tpu.memory_space<vmem>>, %arg10: memref<5000x16xf32, #tpu.memory_space<vmem>>, %arg11: memref<625x16xf32, #tpu.memory_space<vmem>>, %arg12: memref<32xf32, #tpu.memory_space<vmem>>, %arg13: memref<16x32xf32, #tpu.memory_space<vmem>>, %arg14: memref<3x16xf32, #tpu.memory_space<vmem>>, %arg15: memref<10000x16xf32, #tpu.memory_space<vmem_shared>>, %arg16: memref<16x32xf32, #tpu.memory_space<vmem_shared>>, %arg17: memref<!tpu.dma_semaphore, #tpu.memory_space<semaphore_mem>>) attributes {dimension_semantics = [#tpu.dimension_semantics<core_parallel>, #tpu.dimension_semantics<subcore_parallel>], iteration_bounds = array<i64: 2, 16>, scalar_prefetch = 0 : i64, scratch_operands = 9 : i64, tpu.core_type = #tpu.core_type<sc_vector_subcore>, window_params = [{transform_indices = #map}, {transform_indices = #map}, {transform_indices = #map}, {transform_indices = #map1}, {transform_indices = #map1}, {transform_indices = #map1}, {transform_indices = #map}]} {
    %mul3A = arith.constant 16 : i32
    %mul3A_0 = arith.muli %arg0, %mul3A : i32
    %add3A = arith.addi %mul3A_0, %arg1 : i32
    %scan3A = arith.constant 0 : i32
    %scan3A_1 = arith.constant 0 : i32
    %scan3A_2 = arith.constant 625 : i32
    %scan3A_3 = arith.addi %scan3A_1, %scan3A_2 : i32
    %scan3A_4 = arith.constant 1 : i32
    scf.for %scan3A_288 = %scan3A_1 to %scan3A_3 step %scan3A_4  : i32 {
      %broadcast_in_dim3A_289 = arith.constant 0.000000e+00 : f32
      %broadcast_in_dim3A_290 = vector.broadcast %broadcast_in_dim3A_289 : f32 to vector<16xf32>
      %swap3A_291 = arith.index_cast %scan3A_288 : i32 to index
      %swap3A_292 = arith.constant 0 : index
      %swap3A_293 = tpu.vector_load %arg11[%swap3A_291, %swap3A_292] {strides = array<i32>} : memref<625x16xf32, #tpu.memory_space<vmem>>, vector<16xf32>,
      tpu.vector_store %arg11[%swap3A_291, %swap3A_292], %broadcast_in_dim3A_290 {strides = array<i32>} : memref<625x16xf32, #tpu.memory_space<vmem>>, vector<16xf32>,
    }
    %scan3A_5 = arith.constant 625 : i32
    %mul3A_6 = arith.constant 625 : i32
    %mul3A_7 = arith.muli %arg1, %mul3A_6 : i32
    "tpu.region"() ({
      %run_scoped3A_288 = tpu.sem_alloc : memref<!tpu.dma_semaphore, #tpu.memory_space<semaphore_mem>>
      %dma_start3A = arith.constant 0 : i32
      %dma_start3A_289 = tpu.memref_slice %arg15[%mul3A_7, %dma_start3A] : memref<10000x16xf32, #tpu.memory_space<vmem_shared>> -> memref<625x16xf32, #tpu.memory_space<vmem_shared>>
      %dma_start3A_290 = arith.constant 0 : i32
      %dma_start3A_291 = tpu.memref_slice %arg15[%mul3A_7, %dma_start3A_290] : memref<10000x16xf32, #tpu.memory_space<vmem_shared>> -> memref<625x16xf32, #tpu.memory_space<vmem_shared>>
      tpu.enqueue_dma source(%arg11 : memref<625x16xf32, #tpu.memory_space<vmem>>) target(%dma_start3A_291 : memref<625x16xf32, #tpu.memory_space<vmem_shared>>) target_semaphore(%run_scoped3A_288 : memref<!tpu.dma_semaphore, #tpu.memory_space<semaphore_mem>>)
      %dma_wait3A = arith.constant 0 : i32
      %dma_wait3A_292 = tpu.memref_slice %arg15[%mul3A_7, %dma_wait3A] : memref<10000x16xf32, #tpu.memory_space<vmem_shared>> -> memref<625x16xf32, #tpu.memory_space<vmem_shared>>
      %dma_wait3A_293 = arith.constant 0 : i32
      %dma_wait3A_294 = tpu.memref_slice %arg15[%mul3A_7, %dma_wait3A_293] : memref<10000x16xf32, #tpu.memory_space<vmem_shared>> -> memref<625x16xf32, #tpu.memory_space<vmem_shared>>
      tpu.wait_dma2 semaphore(%run_scoped3A_288 : memref<!tpu.dma_semaphore, #tpu.memory_space<semaphore_mem>>) src(%arg11 : memref<625x16xf32, #tpu.memory_space<vmem>>) dst(%dma_wait3A_294 : memref<625x16xf32, #tpu.memory_space<vmem_shared>>)
      tpu.yield
    }) : () -> ()
    %run_scoped3A = arith.constant 0 : i32
    "tpu.region"() ({
      %run_scoped3A_288 = tpu.sem_alloc : memref<!tpu.dma_semaphore, #tpu.memory_space<semaphore_mem>>
      %dma_start3A = arith.constant 0 : i32
      %dma_start3A_289 = tpu.memref_slice %arg14[%run_scoped3A, %dma_start3A] : memref<3x16xf32, #tpu.memory_space<vmem>> -> memref<1x16xf32, #tpu.memory_space<vmem>>
      %dma_start3A_290 = tpu.memref_squeeze %dma_start3A_289 : memref<1x16xf32, #tpu.memory_space<vmem>> -> memref<16xf32, #tpu.memory_space<vmem>>
      %dma_start3A_291 = arith.constant 0 : i32
      %dma_start3A_292 = tpu.memref_slice %arg14[%run_scoped3A, %dma_start3A_291] : memref<3x16xf32, #tpu.memory_space<vmem>> -> memref<1x16xf32, #tpu.memory_space<vmem>>
      %dma_start3A_293 = tpu.memref_squeeze %dma_start3A_292 : memref<1x16xf32, #tpu.memory_space<vmem>> -> memref<16xf32, #tpu.memory_space<vmem>>
      tpu.enqueue_dma source(%arg5 : memref<16xf32, #tpu.memory_space<hbm>>) target(%dma_start3A_293 : memref<16xf32, #tpu.memory_space<vmem>>) target_semaphore(%run_scoped3A_288 : memref<!tpu.dma_semaphore, #tpu.memory_space<semaphore_mem>>)
      %dma_wait3A = arith.constant 0 : i32
      %dma_wait3A_294 = tpu.memref_slice %arg14[%run_scoped3A, %dma_wait3A] : memref<3x16xf32, #tpu.memory_space<vmem>> -> memref<1x16xf32, #tpu.memory_space<vmem>>
      %dma_wait3A_295 = tpu.memref_squeeze %dma_wait3A_294 : memref<1x16xf32, #tpu.memory_space<vmem>> -> memref<16xf32, #tpu.memory_space<vmem>>
      %dma_wait3A_296 = arith.constant 0 : i32
      %dma_wait3A_297 = tpu.memref_slice %arg14[%run_scoped3A, %dma_wait3A_296] : memref<3x16xf32, #tpu.memory_space<vmem>> -> memref<1x16xf32, #tpu.memory_space<vmem>>
      %dma_wait3A_298 = tpu.memref_squeeze %dma_wait3A_297 : memref<1x16xf32, #tpu.memory_space<vmem>> -> memref<16xf32, #tpu.memory_space<vmem>>
      tpu.wait_dma2 semaphore(%run_scoped3A_288 : memref<!tpu.dma_semaphore, #tpu.memory_space<semaphore_mem>>) src(%arg5 : memref<16xf32, #tpu.memory_space<hbm>>) dst(%dma_wait3A_298 : memref<16xf32, #tpu.memory_space<vmem>>)
      tpu.yield
    }) : () -> ()
    %run_scoped3A_8 = arith.constant 1 : i32
    "tpu.region"() ({
      %run_scoped3A_288 = tpu.sem_alloc : memref<!tpu.dma_semaphore, #tpu.memory_space<semaphore_mem>>
      %dma_start3A = arith.constant 0 : i32
      %dma_start3A_289 = tpu.memref_slice %arg14[%run_scoped3A_8, %dma_start3A] : memref<3x16xf32, #tpu.memory_space<vmem>> -> memref<1x16xf32, #tpu.memory_space<vmem>>
      %dma_start3A_290 = tpu.memref_squeeze %dma_start3A_289 : memref<1x16xf32, #tpu.memory_space<vmem>> -> memref<16xf32, #tpu.memory_space<vmem>>
      %dma_start3A_291 = arith.constant 0 : i32
      %dma_start3A_292 = tpu.memref_slice %arg14[%run_scoped3A_8, %dma_start3A_291] : memref<3x16xf32, #tpu.memory_space<vmem>> -> memref<1x16xf32, #tpu.memory_space<vmem>>
      %dma_start3A_293 = tpu.memref_squeeze %dma_start3A_292 : memref<1x16xf32, #tpu.memory_space<vmem>> -> memref<16xf32, #tpu.memory_space<vmem>>
      tpu.enqueue_dma source(%arg6 : memref<16xf32, #tpu.memory_space<hbm>>) target(%dma_start3A_293 : memref<16xf32, #tpu.memory_space<vmem>>) target_semaphore(%run_scoped3A_288 : memref<!tpu.dma_semaphore, #tpu.memory_space<semaphore_mem>>)
      %dma_wait3A = arith.constant 0 : i32
      %dma_wait3A_294 = tpu.memref_slice %arg14[%run_scoped3A_8, %dma_wait3A] : memref<3x16xf32, #tpu.memory_space<vmem>> -> memref<1x16xf32, #tpu.memory_space<vmem>>
      %dma_wait3A_295 = tpu.memref_squeeze %dma_wait3A_294 : memref<1x16xf32, #tpu.memory_space<vmem>> -> memref<16xf32, #tpu.memory_space<vmem>>
      %dma_wait3A_296 = arith.constant 0 : i32
      %dma_wait3A_297 = tpu.memref_slice %arg14[%run_scoped3A_8, %dma_wait3A_296] : memref<3x16xf32, #tpu.memory_space<vmem>> -> memref<1x16xf32, #tpu.memory_space<vmem>>
      %dma_wait3A_298 = tpu.memref_squeeze %dma_wait3A_297 : memref<1x16xf32, #tpu.memory_space<vmem>> -> memref<16xf32, #tpu.memory_space<vmem>>
      tpu.wait_dma2 semaphore(%run_scoped3A_288 : memref<!tpu.dma_semaphore, #tpu.memory_space<semaphore_mem>>) src(%arg6 : memref<16xf32, #tpu.memory_space<hbm>>) dst(%dma_wait3A_298 : memref<16xf32, #tpu.memory_space<vmem>>)
      tpu.yield
    }) : () -> ()
    %run_scoped3A_9 = arith.constant 2 : i32
    "tpu.region"() ({
      %run_scoped3A_288 = tpu.sem_alloc : memref<!tpu.dma_semaphore, #tpu.memory_space<semaphore_mem>>
      %dma_start3A = arith.constant 0 : i32
      %dma_start3A_289 = tpu.memref_slice %arg14[%run_scoped3A_9, %dma_start3A] : memref<3x16xf32, #tpu.memory_space<vmem>> -> memref<1x16xf32, #tpu.memory_space<vmem>>
      %dma_start3A_290 = tpu.memref_squeeze %dma_start3A_289 : memref<1x16xf32, #tpu.memory_space<vmem>> -> memref<16xf32, #tpu.memory_space<vmem>>
      %dma_start3A_291 = arith.constant 0 : i32
      %dma_start3A_292 = tpu.memref_slice %arg14[%run_scoped3A_9, %dma_start3A_291] : memref<3x16xf32, #tpu.memory_space<vmem>> -> memref<1x16xf32, #tpu.memory_space<vmem>>
      %dma_start3A_293 = tpu.memref_squeeze %dma_start3A_292 : memref<1x16xf32, #tpu.memory_space<vmem>> -> memref<16xf32, #tpu.memory_space<vmem>>
      tpu.enqueue_dma source(%arg7 : memref<16xf32, #tpu.memory_space<hbm>>) target(%dma_start3A_293 : memref<16xf32, #tpu.memory_space<vmem>>) target_semaphore(%run_scoped3A_288 : memref<!tpu.dma_semaphore, #tpu.memory_space<semaphore_mem>>)
      %dma_wait3A = arith.constant 0 : i32
      %dma_wait3A_294 = tpu.memref_slice %arg14[%run_scoped3A_9, %dma_wait3A] : memref<3x16xf32, #tpu.memory_space<vmem>> -> memref<1x16xf32, #tpu.memory_space<vmem>>
      %dma_wait3A_295 = tpu.memref_squeeze %dma_wait3A_294 : memref<1x16xf32, #tpu.memory_space<vmem>> -> memref<16xf32, #tpu.memory_space<vmem>>
      %dma_wait3A_296 = arith.constant 0 : i32
      %dma_wait3A_297 = tpu.memref_slice %arg14[%run_scoped3A_9, %dma_wait3A_296] : memref<3x16xf32, #tpu.memory_space<vmem>> -> memref<1x16xf32, #tpu.memory_space<vmem>>
      %dma_wait3A_298 = tpu.memref_squeeze %dma_wait3A_297 : memref<1x16xf32, #tpu.memory_space<vmem>> -> memref<16xf32, #tpu.memory_space<vmem>>
      tpu.wait_dma2 semaphore(%run_scoped3A_288 : memref<!tpu.dma_semaphore, #tpu.memory_space<semaphore_mem>>) src(%arg7 : memref<16xf32, #tpu.memory_space<hbm>>) dst(%dma_wait3A_298 : memref<16xf32, #tpu.memory_space<vmem>>)
      tpu.yield
    }) : () -> ()
    %mul3A_10 = arith.constant 2 : i32
    %mul3A_11 = arith.muli %arg1, %mul3A_10 : i32
    %mul3A_12 = arith.constant 40 : i32
    %mul3A_13 = arith.muli %mul3A_11, %mul3A_12 : i32
    "tpu.region"() ({
      %run_scoped3A_288 = tpu.sem_alloc : memref<!tpu.dma_semaphore, #tpu.memory_space<semaphore_mem>>
      %dma_start3A = arith.constant 0 : i32
      %dma_start3A_289 = tpu.memref_slice %arg3[%mul3A_13, %dma_start3A] : memref<1280x125xi32, #tpu.memory_space<hbm>> -> memref<80x125xi32, #tpu.memory_space<hbm>>
      %dma_start3A_290 = arith.constant 0 : i32
      %dma_start3A_291 = tpu.memref_slice %arg3[%mul3A_13, %dma_start3A_290] : memref<1280x125xi32, #tpu.memory_space<hbm>> -> memref<80x125xi32, #tpu.memory_space<hbm>>
      tpu.enqueue_dma source(%dma_start3A_291 : memref<80x125xi32, #tpu.memory_space<hbm>>) target(%arg9 : memref<80x125xi32, #tpu.memory_space<vmem>>) target_semaphore(%run_scoped3A_288 : memref<!tpu.dma_semaphore, #tpu.memory_space<semaphore_mem>>)
      %dma_wait3A = arith.constant 0 : i32
      %dma_wait3A_292 = tpu.memref_slice %arg3[%mul3A_13, %dma_wait3A] : memref<1280x125xi32, #tpu.memory_space<hbm>> -> memref<80x125xi32, #tpu.memory_space<hbm>>
      %dma_wait3A_293 = arith.constant 0 : i32
      %dma_wait3A_294 = tpu.memref_slice %arg3[%mul3A_13, %dma_wait3A_293] : memref<1280x125xi32, #tpu.memory_space<hbm>> -> memref<80x125xi32, #tpu.memory_space<hbm>>
      tpu.wait_dma2 semaphore(%run_scoped3A_288 : memref<!tpu.dma_semaphore, #tpu.memory_space<semaphore_mem>>) src(%dma_wait3A_294 : memref<80x125xi32, #tpu.memory_space<hbm>>) dst(%arg9 : memref<80x125xi32, #tpu.memory_space<vmem>>)
      tpu.yield
    }) : () -> ()
    %barrier3A = arith.constant 0 : index
    tpu.barrier barrier_id(%barrier3A)
    %mul3A_14 = arith.constant 10000 : i32
    %mul3A_15 = arith.muli %arg1, %mul3A_14 : i32
    %add3A_16 = arith.constant 0 : i32
    %add3A_17 = arith.addi %mul3A_15, %add3A_16 : i32
    "tpu.region"() ({
      %run_scoped3A_288 = tpu.sem_alloc : memref<!tpu.dma_semaphore, #tpu.memory_space<semaphore_mem>>
      %dma_start3A = arith.constant 0 : i32
      %dma_start3A_289 = tpu.memref_slice %arg2[%add3A_17, %dma_start3A] : memref<160000x16xf32, #tpu.memory_space<hbm>> -> memref<5000x16xf32, #tpu.memory_space<hbm>>
      %dma_start3A_290 = arith.constant 0 : i32
      %dma_start3A_291 = tpu.memref_slice %arg2[%add3A_17, %dma_start3A_290] : memref<160000x16xf32, #tpu.memory_space<hbm>> -> memref<5000x16xf32, #tpu.memory_space<hbm>>
      tpu.enqueue_dma source(%dma_start3A_291 : memref<5000x16xf32, #tpu.memory_space<hbm>>) target(%arg10 : memref<5000x16xf32, #tpu.memory_space<vmem>>) target_semaphore(%run_scoped3A_288 : memref<!tpu.dma_semaphore, #tpu.memory_space<semaphore_mem>>)
      %dma_wait3A = arith.constant 0 : i32
      %dma_wait3A_292 = tpu.memref_slice %arg2[%add3A_17, %dma_wait3A] : memref<160000x16xf32, #tpu.memory_space<hbm>> -> memref<5000x16xf32, #tpu.memory_space<hbm>>
      %dma_wait3A_293 = arith.constant 0 : i32
      %dma_wait3A_294 = tpu.memref_slice %arg2[%add3A_17, %dma_wait3A_293] : memref<160000x16xf32, #tpu.memory_space<hbm>> -> memref<5000x16xf32, #tpu.memory_space<hbm>>
      tpu.wait_dma2 semaphore(%run_scoped3A_288 : memref<!tpu.dma_semaphore, #tpu.memory_space<semaphore_mem>>) src(%dma_wait3A_294 : memref<5000x16xf32, #tpu.memory_space<hbm>>) dst(%arg10 : memref<5000x16xf32, #tpu.memory_space<vmem>>)
      tpu.yield
    }) : () -> ()
    %scan3A_18 = arith.constant 0 : i32
    %scan3A_19 = arith.constant 0 : i32
    %scan3A_20 = arith.constant 5 : i32
    %scan3A_21 = arith.addi %scan3A_19, %scan3A_20 : i32
    %scan3A_22 = arith.constant 1 : i32
    scf.for %scan3A_288 = %scan3A_19 to %scan3A_21 step %scan3A_22  : i32 {
      %mul3A_289 = arith.constant 8 : i32
      %mul3A_290 = arith.muli %scan3A_288, %mul3A_289 : i32
      %add3A_291 = arith.constant 0 : i32
      %add3A_292 = arith.addi %mul3A_290, %add3A_291 : i32
      %mul3A_293 = arith.constant 125 : i32
      %mul3A_294 = arith.muli %add3A_292, %mul3A_293 : i32
      %add3A_295 = arith.constant 0 : i32
      %add3A_296 = arith.addi %add3A_295, %mul3A_290 : i32
      %add3A_297 = arith.constant 0 : i32
      %add3A_298 = arith.addi %add3A_296, %add3A_297 : i32
      %dma_start3A = arith.constant 0 : i32
      %dma_start3A_299 = tpu.memref_slice %arg10[%mul3A_294, %dma_start3A] : memref<5000x16xf32, #tpu.memory_space<vmem>> -> memref<125x16xf32, #tpu.memory_space<vmem>>
      %dma_start3A_300 = arith.constant 0 : i32
      %dma_start3A_301 = tpu.memref_slice %arg9[%add3A_298, %dma_start3A_300] : memref<80x125xi32, #tpu.memory_space<vmem>> -> memref<1x125xi32, #tpu.memory_space<vmem>>
      %dma_start3A_302 = tpu.memref_squeeze %dma_start3A_301 : memref<1x125xi32, #tpu.memory_space<vmem>> -> memref<125xi32, #tpu.memory_space<vmem>>
      %dma_start3A_303 = arith.constant 0 : i32
      %dma_start3A_304 = arith.constant 0 : i32
      %dma_start3A_305 = tpu.memref_slice %arg15[%dma_start3A_303, %dma_start3A_304] : memref<10000x16xf32, #tpu.memory_space<vmem_shared>> -> memref<10000x16xf32, #tpu.memory_space<vmem_shared>>
      tpu.enqueue_indirect_dma source(%dma_start3A_299 : memref<125x16xf32, #tpu.memory_space<vmem>>) target(%dma_start3A_305 : memref<10000x16xf32, #tpu.memory_space<vmem_shared>>) offsets(%dma_start3A_302 : memref<125xi32, #tpu.memory_space<vmem>>) semaphore(%arg17 : memref<!tpu.dma_semaphore, #tpu.memory_space<semaphore_mem>>) {add = true}
      %add3A_306 = arith.constant 1 : i32
      %add3A_307 = arith.addi %mul3A_290, %add3A_306 : i32
      %mul3A_308 = arith.constant 125 : i32
      %mul3A_309 = arith.muli %add3A_307, %mul3A_308 : i32
      %add3A_310 = arith.constant 0 : i32
      %add3A_311 = arith.addi %add3A_310, %mul3A_290 : i32
      %add3A_312 = arith.constant 1 : i32
      %add3A_313 = arith.addi %add3A_311, %add3A_312 : i32
      %dma_start3A_314 = arith.constant 0 : i32
      %dma_start3A_315 = tpu.memref_slice %arg10[%mul3A_309, %dma_start3A_314] : memref<5000x16xf32, #tpu.memory_space<vmem>> -> memref<125x16xf32, #tpu.memory_space<vmem>>
      %dma_start3A_316 = arith.constant 0 : i32
      %dma_start3A_317 = tpu.memref_slice %arg9[%add3A_313, %dma_start3A_316] : memref<80x125xi32, #tpu.memory_space<vmem>> -> memref<1x125xi32, #tpu.memory_space<vmem>>
      %dma_start3A_318 = tpu.memref_squeeze %dma_start3A_317 : memref<1x125xi32, #tpu.memory_space<vmem>> -> memref<125xi32, #tpu.memory_space<vmem>>
      %dma_start3A_319 = arith.constant 0 : i32
      %dma_start3A_320 = arith.constant 0 : i32
      %dma_start3A_321 = tpu.memref_slice %arg15[%dma_start3A_319, %dma_start3A_320] : memref<10000x16xf32, #tpu.memory_space<vmem_shared>> -> memref<10000x16xf32, #tpu.memory_space<vmem_shared>>
      tpu.enqueue_indirect_dma source(%dma_start3A_315 : memref<125x16xf32, #tpu.memory_space<vmem>>) target(%dma_start3A_321 : memref<10000x16xf32, #tpu.memory_space<vmem_shared>>) offsets(%dma_start3A_318 : memref<125xi32, #tpu.memory_space<vmem>>) semaphore(%arg17 : memref<!tpu.dma_semaphore, #tpu.memory_space<semaphore_mem>>) {add = true}
      %add3A_322 = arith.constant 2 : i32
      %add3A_323 = arith.addi %mul3A_290, %add3A_322 : i32
      %mul3A_324 = arith.constant 125 : i32
      %mul3A_325 = arith.muli %add3A_323, %mul3A_324 : i32
      %add3A_326 = arith.constant 0 : i32
      %add3A_327 = arith.addi %add3A_326, %mul3A_290 : i32
      %add3A_328 = arith.constant 2 : i32
      %add3A_329 = arith.addi %add3A_327, %add3A_328 : i32
      %dma_start3A_330 = arith.constant 0 : i32
      %dma_start3A_331 = tpu.memref_slice %arg10[%mul3A_325, %dma_start3A_330] : memref<5000x16xf32, #tpu.memory_space<vmem>> -> memref<125x16xf32, #tpu.memory_space<vmem>>
      %dma_start3A_332 = arith.constant 0 : i32
      %dma_start3A_333 = tpu.memref_slice %arg9[%add3A_329, %dma_start3A_332] : memref<80x125xi32, #tpu.memory_space<vmem>> -> memref<1x125xi32, #tpu.memory_space<vmem>>
      %dma_start3A_334 = tpu.memref_squeeze %dma_start3A_333 : memref<1x125xi32, #tpu.memory_space<vmem>> -> memref<125xi32, #tpu.memory_space<vmem>>
      %dma_start3A_335 = arith.constant 0 : i32
      %dma_start3A_336 = arith.constant 0 : i32
      %dma_start3A_337 = tpu.memref_slice %arg15[%dma_start3A_335, %dma_start3A_336] : memref<10000x16xf32, #tpu.memory_space<vmem_shared>> -> memref<10000x16xf32, #tpu.memory_space<vmem_shared>>
      tpu.enqueue_indirect_dma source(%dma_start3A_331 : memref<125x16xf32, #tpu.memory_space<vmem>>) target(%dma_start3A_337 : memref<10000x16xf32, #tpu.memory_space<vmem_shared>>) offsets(%dma_start3A_334 : memref<125xi32, #tpu.memory_space<vmem>>) semaphore(%arg17 : memref<!tpu.dma_semaphore, #tpu.memory_space<semaphore_mem>>) {add = true}
      %add3A_338 = arith.constant 3 : i32
      %add3A_339 = arith.addi %mul3A_290, %add3A_338 : i32
      %mul3A_340 = arith.constant 125 : i32
      %mul3A_341 = arith.muli %add3A_339, %mul3A_340 : i32
      %add3A_342 = arith.constant 0 : i32
      %add3A_343 = arith.addi %add3A_342, %mul3A_290 : i32
      %add3A_344 = arith.constant 3 : i32
      %add3A_345 = arith.addi %add3A_343, %add3A_344 : i32
      %dma_start3A_346 = arith.constant 0 : i32
      %dma_start3A_347 = tpu.memref_slice %arg10[%mul3A_341, %dma_start3A_346] : memref<5000x16xf32, #tpu.memory_space<vmem>> -> memref<125x16xf32, #tpu.memory_space<vmem>>
      %dma_start3A_348 = arith.constant 0 : i32
      %dma_start3A_349 = tpu.memref_slice %arg9[%add3A_345, %dma_start3A_348] : memref<80x125xi32, #tpu.memory_space<vmem>> -> memref<1x125xi32, #tpu.memory_space<vmem>>
      %dma_start3A_350 = tpu.memref_squeeze %dma_start3A_349 : memref<1x125xi32, #tpu.memory_space<vmem>> -> memref<125xi32, #tpu.memory_space<vmem>>
      %dma_start3A_351 = arith.constant 0 : i32
      %dma_start3A_352 = arith.constant 0 : i32
      %dma_start3A_353 = tpu.memref_slice %arg15[%dma_start3A_351, %dma_start3A_352] : memref<10000x16xf32, #tpu.memory_space<vmem_shared>> -> memref<10000x16xf32, #tpu.memory_space<vmem_shared>>
      tpu.enqueue_indirect_dma source(%dma_start3A_347 : memref<125x16xf32, #tpu.memory_space<vmem>>) target(%dma_start3A_353 : memref<10000x16xf32, #tpu.memory_space<vmem_shared>>) offsets(%dma_start3A_350 : memref<125xi32, #tpu.memory_space<vmem>>) semaphore(%arg17 : memref<!tpu.dma_semaphore, #tpu.memory_space<semaphore_mem>>) {add = true}
      %add3A_354 = arith.constant 4 : i32
      %add3A_355 = arith.addi %mul3A_290, %add3A_354 : i32
      %mul3A_356 = arith.constant 125 : i32
      %mul3A_357 = arith.muli %add3A_355, %mul3A_356 : i32
      %add3A_358 = arith.constant 0 : i32
      %add3A_359 = arith.addi %add3A_358, %mul3A_290 : i32
      %add3A_360 = arith.constant 4 : i32
      %add3A_361 = arith.addi %add3A_359, %add3A_360 : i32
      %dma_start3A_362 = arith.constant 0 : i32
      %dma_start3A_363 = tpu.memref_slice %arg10[%mul3A_357, %dma_start3A_362] : memref<5000x16xf32, #tpu.memory_space<vmem>> -> memref<125x16xf32, #tpu.memory_space<vmem>>
      %dma_start3A_364 = arith.constant 0 : i32
      %dma_start3A_365 = tpu.memref_slice %arg9[%add3A_361, %dma_start3A_364] : memref<80x125xi32, #tpu.memory_space<vmem>> -> memref<1x125xi32, #tpu.memory_space<vmem>>
      %dma_start3A_366 = tpu.memref_squeeze %dma_start3A_365 : memref<1x125xi32, #tpu.memory_space<vmem>> -> memref<125xi32, #tpu.memory_space<vmem>>
      %dma_start3A_367 = arith.constant 0 : i32
      %dma_start3A_368 = arith.constant 0 : i32
      %dma_start3A_369 = tpu.memref_slice %arg15[%dma_start3A_367, %dma_start3A_368] : memref<10000x16xf32, #tpu.memory_space<vmem_shared>> -> memref<10000x16xf32, #tpu.memory_space<vmem_shared>>
      tpu.enqueue_indirect_dma source(%dma_start3A_363 : memref<125x16xf32, #tpu.memory_space<vmem>>) target(%dma_start3A_369 : memref<10000x16xf32, #tpu.memory_space<vmem_shared>>) offsets(%dma_start3A_366 : memref<125xi32, #tpu.memory_space<vmem>>) semaphore(%arg17 : memref<!tpu.dma_semaphore, #tpu.memory_space<semaphore_mem>>) {add = true}
      %add3A_370 = arith.constant 5 : i32
      %add3A_371 = arith.addi %mul3A_290, %add3A_370 : i32
      %mul3A_372 = arith.constant 125 : i32
      %mul3A_373 = arith.muli %add3A_371, %mul3A_372 : i32
      %add3A_374 = arith.constant 0 : i32
      %add3A_375 = arith.addi %add3A_374, %mul3A_290 : i32
      %add3A_376 = arith.constant 5 : i32
      %add3A_377 = arith.addi %add3A_375, %add3A_376 : i32
      %dma_start3A_378 = arith.constant 0 : i32
      %dma_start3A_379 = tpu.memref_slice %arg10[%mul3A_373, %dma_start3A_378] : memref<5000x16xf32, #tpu.memory_space<vmem>> -> memref<125x16xf32, #tpu.memory_space<vmem>>
      %dma_start3A_380 = arith.constant 0 : i32
      %dma_start3A_381 = tpu.memref_slice %arg9[%add3A_377, %dma_start3A_380] : memref<80x125xi32, #tpu.memory_space<vmem>> -> memref<1x125xi32, #tpu.memory_space<vmem>>
      %dma_start3A_382 = tpu.memref_squeeze %dma_start3A_381 : memref<1x125xi32, #tpu.memory_space<vmem>> -> memref<125xi32, #tpu.memory_space<vmem>>
      %dma_start3A_383 = arith.constant 0 : i32
      %dma_start3A_384 = arith.constant 0 : i32
      %dma_start3A_385 = tpu.memref_slice %arg15[%dma_start3A_383, %dma_start3A_384] : memref<10000x16xf32, #tpu.memory_space<vmem_shared>> -> memref<10000x16xf32, #tpu.memory_space<vmem_shared>>
      tpu.enqueue_indirect_dma source(%dma_start3A_379 : memref<125x16xf32, #tpu.memory_space<vmem>>) target(%dma_start3A_385 : memref<10000x16xf32, #tpu.memory_space<vmem_shared>>) offsets(%dma_start3A_382 : memref<125xi32, #tpu.memory_space<vmem>>) semaphore(%arg17 : memref<!tpu.dma_semaphore, #tpu.memory_space<semaphore_mem>>) {add = true}
      %add3A_386 = arith.constant 6 : i32
      %add3A_387 = arith.addi %mul3A_290, %add3A_386 : i32
      %mul3A_388 = arith.constant 125 : i32
      %mul3A_389 = arith.muli %add3A_387, %mul3A_388 : i32
      %add3A_390 = arith.constant 0 : i32
      %add3A_391 = arith.addi %add3A_390, %mul3A_290 : i32
      %add3A_392 = arith.constant 6 : i32
      %add3A_393 = arith.addi %add3A_391, %add3A_392 : i32
      %dma_start3A_394 = arith.constant 0 : i32
      %dma_start3A_395 = tpu.memref_slice %arg10[%mul3A_389, %dma_start3A_394] : memref<5000x16xf32, #tpu.memory_space<vmem>> -> memref<125x16xf32, #tpu.memory_space<vmem>>
      %dma_start3A_396 = arith.constant 0 : i32
      %dma_start3A_397 = tpu.memref_slice %arg9[%add3A_393, %dma_start3A_396] : memref<80x125xi32, #tpu.memory_space<vmem>> -> memref<1x125xi32, #tpu.memory_space<vmem>>
      %dma_start3A_398 = tpu.memref_squeeze %dma_start3A_397 : memref<1x125xi32, #tpu.memory_space<vmem>> -> memref<125xi32, #tpu.memory_space<vmem>>
      %dma_start3A_399 = arith.constant 0 : i32
      %dma_start3A_400 = arith.constant 0 : i32
      %dma_start3A_401 = tpu.memref_slice %arg15[%dma_start3A_399, %dma_start3A_400] : memref<10000x16xf32, #tpu.memory_space<vmem_shared>> -> memref<10000x16xf32, #tpu.memory_space<vmem_shared>>
      tpu.enqueue_indirect_dma source(%dma_start3A_395 : memref<125x16xf32, #tpu.memory_space<vmem>>) target(%dma_start3A_401 : memref<10000x16xf32, #tpu.memory_space<vmem_shared>>) offsets(%dma_start3A_398 : memref<125xi32, #tpu.memory_space<vmem>>) semaphore(%arg17 : memref<!tpu.dma_semaphore, #tpu.memory_space<semaphore_mem>>) {add = true}
      %add3A_402 = arith.constant 7 : i32
      %add3A_403 = arith.addi %mul3A_290, %add3A_402 : i32
      %mul3A_404 = arith.constant 125 : i32
      %mul3A_405 = arith.muli %add3A_403, %mul3A_404 : i32
      %add3A_406 = arith.constant 0 : i32
      %add3A_407 = arith.addi %add3A_406, %mul3A_290 : i32
      %add3A_408 = arith.constant 7 : i32
      %add3A_409 = arith.addi %add3A_407, %add3A_408 : i32
      %dma_start3A_410 = arith.constant 0 : i32
      %dma_start3A_411 = tpu.memref_slice %arg10[%mul3A_405, %dma_start3A_410] : memref<5000x16xf32, #tpu.memory_space<vmem>> -> memref<125x16xf32, #tpu.memory_space<vmem>>
      %dma_start3A_412 = arith.constant 0 : i32
      %dma_start3A_413 = tpu.memref_slice %arg9[%add3A_409, %dma_start3A_412] : memref<80x125xi32, #tpu.memory_space<vmem>> -> memref<1x125xi32, #tpu.memory_space<vmem>>
      %dma_start3A_414 = tpu.memref_squeeze %dma_start3A_413 : memref<1x125xi32, #tpu.memory_space<vmem>> -> memref<125xi32, #tpu.memory_space<vmem>>
      %dma_start3A_415 = arith.constant 0 : i32
      %dma_start3A_416 = arith.constant 0 : i32
      %dma_start3A_417 = tpu.memref_slice %arg15[%dma_start3A_415, %dma_start3A_416] : memref<10000x16xf32, #tpu.memory_space<vmem_shared>> -> memref<10000x16xf32, #tpu.memory_space<vmem_shared>>
      tpu.enqueue_indirect_dma source(%dma_start3A_411 : memref<125x16xf32, #tpu.memory_space<vmem>>) target(%dma_start3A_417 : memref<10000x16xf32, #tpu.memory_space<vmem_shared>>) offsets(%dma_start3A_414 : memref<125xi32, #tpu.memory_space<vmem>>) semaphore(%arg17 : memref<!tpu.dma_semaphore, #tpu.memory_space<semaphore_mem>>) {add = true}
      %dma_wait3A = arith.constant 0 : i32
      %dma_wait3A_418 = tpu.memref_slice %arg10[%mul3A_294, %dma_wait3A] : memref<5000x16xf32, #tpu.memory_space<vmem>> -> memref<125x16xf32, #tpu.memory_space<vmem>>
      %dma_wait3A_419 = arith.constant 0 : i32
      %dma_wait3A_420 = tpu.memref_slice %arg9[%add3A_298, %dma_wait3A_419] : memref<80x125xi32, #tpu.memory_space<vmem>> -> memref<1x125xi32, #tpu.memory_space<vmem>>
      %dma_wait3A_421 = tpu.memref_squeeze %dma_wait3A_420 : memref<1x125xi32, #tpu.memory_space<vmem>> -> memref<125xi32, #tpu.memory_space<vmem>>
      %dma_wait3A_422 = arith.constant 0 : i32
      %dma_wait3A_423 = arith.constant 0 : i32
      %dma_wait3A_424 = tpu.memref_slice %arg15[%dma_wait3A_422, %dma_wait3A_423] : memref<10000x16xf32, #tpu.memory_space<vmem_shared>> -> memref<10000x16xf32, #tpu.memory_space<vmem_shared>>
      tpu.wait_indirect_dma semaphore(%arg17 : memref<!tpu.dma_semaphore, #tpu.memory_space<semaphore_mem>>) src(%dma_wait3A_418 : memref<125x16xf32, #tpu.memory_space<vmem>>) dst(%dma_wait3A_424 : memref<10000x16xf32, #tpu.memory_space<vmem_shared>>)
      %dma_wait3A_425 = arith.constant 0 : i32
      %dma_wait3A_426 = tpu.memref_slice %arg10[%mul3A_309, %dma_wait3A_425] : memref<5000x16xf32, #tpu.memory_space<vmem>> -> memref<125x16xf32, #tpu.memory_space<vmem>>
      %dma_wait3A_427 = arith.constant 0 : i32
      %dma_wait3A_428 = tpu.memref_slice %arg9[%add3A_313, %dma_wait3A_427] : memref<80x125xi32, #tpu.memory_space<vmem>> -> memref<1x125xi32, #tpu.memory_space<vmem>>
      %dma_wait3A_429 = tpu.memref_squeeze %dma_wait3A_428 : memref<1x125xi32, #tpu.memory_space<vmem>> -> memref<125xi32, #tpu.memory_space<vmem>>
      %dma_wait3A_430 = arith.constant 0 : i32
      %dma_wait3A_431 = arith.constant 0 : i32
      %dma_wait3A_432 = tpu.memref_slice %arg15[%dma_wait3A_430, %dma_wait3A_431] : memref<10000x16xf32, #tpu.memory_space<vmem_shared>> -> memref<10000x16xf32, #tpu.memory_space<vmem_shared>>
      tpu.wait_indirect_dma semaphore(%arg17 : memref<!tpu.dma_semaphore, #tpu.memory_space<semaphore_mem>>) src(%dma_wait3A_426 : memref<125x16xf32, #tpu.memory_space<vmem>>) dst(%dma_wait3A_432 : memref<10000x16xf32, #tpu.memory_space<vmem_shared>>)
      %dma_wait3A_433 = arith.constant 0 : i32
      %dma_wait3A_434 = tpu.memref_slice %arg10[%mul3A_325, %dma_wait3A_433] : memref<5000x16xf32, #tpu.memory_space<vmem>> -> memref<125x16xf32, #tpu.memory_space<vmem>>
      %dma_wait3A_435 = arith.constant 0 : i32
      %dma_wait3A_436 = tpu.memref_slice %arg9[%add3A_329, %dma_wait3A_435] : memref<80x125xi32, #tpu.memory_space<vmem>> -> memref<1x125xi32, #tpu.memory_space<vmem>>
      %dma_wait3A_437 = tpu.memref_squeeze %dma_wait3A_436 : memref<1x125xi32, #tpu.memory_space<vmem>> -> memref<125xi32, #tpu.memory_space<vmem>>
      %dma_wait3A_438 = arith.constant 0 : i32
      %dma_wait3A_439 = arith.constant 0 : i32
      %dma_wait3A_440 = tpu.memref_slice %arg15[%dma_wait3A_438, %dma_wait3A_439] : memref<10000x16xf32, #tpu.memory_space<vmem_shared>> -> memref<10000x16xf32, #tpu.memory_space<vmem_shared>>
      tpu.wait_indirect_dma semaphore(%arg17 : memref<!tpu.dma_semaphore, #tpu.memory_space<semaphore_mem>>) src(%dma_wait3A_434 : memref<125x16xf32, #tpu.memory_space<vmem>>) dst(%dma_wait3A_440 : memref<10000x16xf32, #tpu.memory_space<vmem_shared>>)
      %dma_wait3A_441 = arith.constant 0 : i32
      %dma_wait3A_442 = tpu.memref_slice %arg10[%mul3A_341, %dma_wait3A_441] : memref<5000x16xf32, #tpu.memory_space<vmem>> -> memref<125x16xf32, #tpu.memory_space<vmem>>
      %dma_wait3A_443 = arith.constant 0 : i32
      %dma_wait3A_444 = tpu.memref_slice %arg9[%add3A_345, %dma_wait3A_443] : memref<80x125xi32, #tpu.memory_space<vmem>> -> memref<1x125xi32, #tpu.memory_space<vmem>>
      %dma_wait3A_445 = tpu.memref_squeeze %dma_wait3A_444 : memref<1x125xi32, #tpu.memory_space<vmem>> -> memref<125xi32, #tpu.memory_space<vmem>>
      %dma_wait3A_446 = arith.constant 0 : i32
      %dma_wait3A_447 = arith.constant 0 : i32
      %dma_wait3A_448 = tpu.memref_slice %arg15[%dma_wait3A_446, %dma_wait3A_447] : memref<10000x16xf32, #tpu.memory_space<vmem_shared>> -> memref<10000x16xf32, #tpu.memory_space<vmem_shared>>
      tpu.wait_indirect_dma semaphore(%arg17 : memref<!tpu.dma_semaphore, #tpu.memory_space<semaphore_mem>>) src(%dma_wait3A_442 : memref<125x16xf32, #tpu.memory_space<vmem>>) dst(%dma_wait3A_448 : memref<10000x16xf32, #tpu.memory_space<vmem_shared>>)
      %dma_wait3A_449 = arith.constant 0 : i32
      %dma_wait3A_450 = tpu.memref_slice %arg10[%mul3A_357, %dma_wait3A_449] : memref<5000x16xf32, #tpu.memory_space<vmem>> -> memref<125x16xf32, #tpu.memory_space<vmem>>
      %dma_wait3A_451 = arith.constant 0 : i32
      %dma_wait3A_452 = tpu.memref_slice %arg9[%add3A_361, %dma_wait3A_451] : memref<80x125xi32, #tpu.memory_space<vmem>> -> memref<1x125xi32, #tpu.memory_space<vmem>>
      %dma_wait3A_453 = tpu.memref_squeeze %dma_wait3A_452 : memref<1x125xi32, #tpu.memory_space<vmem>> -> memref<125xi32, #tpu.memory_space<vmem>>
      %dma_wait3A_454 = arith.constant 0 : i32
      %dma_wait3A_455 = arith.constant 0 : i32
      %dma_wait3A_456 = tpu.memref_slice %arg15[%dma_wait3A_454, %dma_wait3A_455] : memref<10000x16xf32, #tpu.memory_space<vmem_shared>> -> memref<10000x16xf32, #tpu.memory_space<vmem_shared>>
      tpu.wait_indirect_dma semaphore(%arg17 : memref<!tpu.dma_semaphore, #tpu.memory_space<semaphore_mem>>) src(%dma_wait3A_450 : memref<125x16xf32, #tpu.memory_space<vmem>>) dst(%dma_wait3A_456 : memref<10000x16xf32, #tpu.memory_space<vmem_shared>>)
      %dma_wait3A_457 = arith.constant 0 : i32
      %dma_wait3A_458 = tpu.memref_slice %arg10[%mul3A_373, %dma_wait3A_457] : memref<5000x16xf32, #tpu.memory_space<vmem>> -> memref<125x16xf32, #tpu.memory_space<vmem>>
      %dma_wait3A_459 = arith.constant 0 : i32
      %dma_wait3A_460 = tpu.memref_slice %arg9[%add3A_377, %dma_wait3A_459] : memref<80x125xi32, #tpu.memory_space<vmem>> -> memref<1x125xi32, #tpu.memory_space<vmem>>
      %dma_wait3A_461 = tpu.memref_squeeze %dma_wait3A_460 : memref<1x125xi32, #tpu.memory_space<vmem>> -> memref<125xi32, #tpu.memory_space<vmem>>
      %dma_wait3A_462 = arith.constant 0 : i32
      %dma_wait3A_463 = arith.constant 0 : i32
      %dma_wait3A_464 = tpu.memref_slice %arg15[%dma_wait3A_462, %dma_wait3A_463] : memref<10000x16xf32, #tpu.memory_space<vmem_shared>> -> memref<10000x16xf32, #tpu.memory_space<vmem_shared>>
      tpu.wait_indirect_dma semaphore(%arg17 : memref<!tpu.dma_semaphore, #tpu.memory_space<semaphore_mem>>) src(%dma_wait3A_458 : memref<125x16xf32, #tpu.memory_space<vmem>>) dst(%dma_wait3A_464 : memref<10000x16xf32, #tpu.memory_space<vmem_shared>>)
      %dma_wait3A_465 = arith.constant 0 : i32
      %dma_wait3A_466 = tpu.memref_slice %arg10[%mul3A_389, %dma_wait3A_465] : memref<5000x16xf32, #tpu.memory_space<vmem>> -> memref<125x16xf32, #tpu.memory_space<vmem>>
      %dma_wait3A_467 = arith.constant 0 : i32
      %dma_wait3A_468 = tpu.memref_slice %arg9[%add3A_393, %dma_wait3A_467] : memref<80x125xi32, #tpu.memory_space<vmem>> -> memref<1x125xi32, #tpu.memory_space<vmem>>
      %dma_wait3A_469 = tpu.memref_squeeze %dma_wait3A_468 : memref<1x125xi32, #tpu.memory_space<vmem>> -> memref<125xi32, #tpu.memory_space<vmem>>
      %dma_wait3A_470 = arith.constant 0 : i32
      %dma_wait3A_471 = arith.constant 0 : i32
      %dma_wait3A_472 = tpu.memref_slice %arg15[%dma_wait3A_470, %dma_wait3A_471] : memref<10000x16xf32, #tpu.memory_space<vmem_shared>> -> memref<10000x16xf32, #tpu.memory_space<vmem_shared>>
      tpu.wait_indirect_dma semaphore(%arg17 : memref<!tpu.dma_semaphore, #tpu.memory_space<semaphore_mem>>) src(%dma_wait3A_466 : memref<125x16xf32, #tpu.memory_space<vmem>>) dst(%dma_wait3A_472 : memref<10000x16xf32, #tpu.memory_space<vmem_shared>>)
      %dma_wait3A_473 = arith.constant 0 : i32
      %dma_wait3A_474 = tpu.memref_slice %arg10[%mul3A_405, %dma_wait3A_473] : memref<5000x16xf32, #tpu.memory_space<vmem>> -> memref<125x16xf32, #tpu.memory_space<vmem>>
      %dma_wait3A_475 = arith.constant 0 : i32
      %dma_wait3A_476 = tpu.memref_slice %arg9[%add3A_409, %dma_wait3A_475] : memref<80x125xi32, #tpu.memory_space<vmem>> -> memref<1x125xi32, #tpu.memory_space<vmem>>
      %dma_wait3A_477 = tpu.memref_squeeze %dma_wait3A_476 : memref<1x125xi32, #tpu.memory_space<vmem>> -> memref<125xi32, #tpu.memory_space<vmem>>
      %dma_wait3A_478 = arith.constant 0 : i32
      %dma_wait3A_479 = arith.constant 0 : i32
      %dma_wait3A_480 = tpu.memref_slice %arg15[%dma_wait3A_478, %dma_wait3A_479] : memref<10000x16xf32, #tpu.memory_space<vmem_shared>> -> memref<10000x16xf32, #tpu.memory_space<vmem_shared>>
      tpu.wait_indirect_dma semaphore(%arg17 : memref<!tpu.dma_semaphore, #tpu.memory_space<semaphore_mem>>) src(%dma_wait3A_474 : memref<125x16xf32, #tpu.memory_space<vmem>>) dst(%dma_wait3A_480 : memref<10000x16xf32, #tpu.memory_space<vmem_shared>>)
    }
    %scan3A_23 = arith.constant 5 : i32
    %mul3A_24 = arith.constant 10000 : i32
    %mul3A_25 = arith.muli %arg1, %mul3A_24 : i32
    %add3A_26 = arith.constant 5000 : i32
    %add3A_27 = arith.addi %mul3A_25, %add3A_26 : i32
    "tpu.region"() ({
      %run_scoped3A_288 = tpu.sem_alloc : memref<!tpu.dma_semaphore, #tpu.memory_space<semaphore_mem>>
      %dma_start3A = arith.constant 0 : i32
      %dma_start3A_289 = tpu.memref_slice %arg2[%add3A_27, %dma_start3A] : memref<160000x16xf32, #tpu.memory_space<hbm>> -> memref<5000x16xf32, #tpu.memory_space<hbm>>
      %dma_start3A_290 = arith.constant 0 : i32
      %dma_start3A_291 = tpu.memref_slice %arg2[%add3A_27, %dma_start3A_290] : memref<160000x16xf32, #tpu.memory_space<hbm>> -> memref<5000x16xf32, #tpu.memory_space<hbm>>
      tpu.enqueue_dma source(%dma_start3A_291 : memref<5000x16xf32, #tpu.memory_space<hbm>>) target(%arg10 : memref<5000x16xf32, #tpu.memory_space<vmem>>) target_semaphore(%run_scoped3A_288 : memref<!tpu.dma_semaphore, #tpu.memory_space<semaphore_mem>>)
      %dma_wait3A = arith.constant 0 : i32
      %dma_wait3A_292 = tpu.memref_slice %arg2[%add3A_27, %dma_wait3A] : memref<160000x16xf32, #tpu.memory_space<hbm>> -> memref<5000x16xf32, #tpu.memory_space<hbm>>
      %dma_wait3A_293 = arith.constant 0 : i32
      %dma_wait3A_294 = tpu.memref_slice %arg2[%add3A_27, %dma_wait3A_293] : memref<160000x16xf32, #tpu.memory_space<hbm>> -> memref<5000x16xf32, #tpu.memory_space<hbm>>
      tpu.wait_dma2 semaphore(%run_scoped3A_288 : memref<!tpu.dma_semaphore, #tpu.memory_space<semaphore_mem>>) src(%dma_wait3A_294 : memref<5000x16xf32, #tpu.memory_space<hbm>>) dst(%arg10 : memref<5000x16xf32, #tpu.memory_space<vmem>>)
      tpu.yield
    }) : () -> ()
    %scan3A_28 = arith.constant 0 : i32
    %scan3A_29 = arith.constant 0 : i32
    %scan3A_30 = arith.constant 5 : i32
    %scan3A_31 = arith.addi %scan3A_29, %scan3A_30 : i32
    %scan3A_32 = arith.constant 1 : i32
    scf.for %scan3A_288 = %scan3A_29 to %scan3A_31 step %scan3A_32  : i32 {
      %mul3A_289 = arith.constant 8 : i32
      %mul3A_290 = arith.muli %scan3A_288, %mul3A_289 : i32
      %add3A_291 = arith.constant 0 : i32
      %add3A_292 = arith.addi %mul3A_290, %add3A_291 : i32
      %mul3A_293 = arith.constant 125 : i32
      %mul3A_294 = arith.muli %add3A_292, %mul3A_293 : i32
      %add3A_295 = arith.constant 40 : i32
      %add3A_296 = arith.addi %add3A_295, %mul3A_290 : i32
      %add3A_297 = arith.constant 0 : i32
      %add3A_298 = arith.addi %add3A_296, %add3A_297 : i32
      %dma_start3A = arith.constant 0 : i32
      %dma_start3A_299 = tpu.memref_slice %arg10[%mul3A_294, %dma_start3A] : memref<5000x16xf32, #tpu.memory_space<vmem>> -> memref<125x16xf32, #tpu.memory_space<vmem>>
      %dma_start3A_300 = arith.constant 0 : i32
      %dma_start3A_301 = tpu.memref_slice %arg9[%add3A_298, %dma_start3A_300] : memref<80x125xi32, #tpu.memory_space<vmem>> -> memref<1x125xi32, #tpu.memory_space<vmem>>
      %dma_start3A_302 = tpu.memref_squeeze %dma_start3A_301 : memref<1x125xi32, #tpu.memory_space<vmem>> -> memref<125xi32, #tpu.memory_space<vmem>>
      %dma_start3A_303 = arith.constant 0 : i32
      %dma_start3A_304 = arith.constant 0 : i32
      %dma_start3A_305 = tpu.memref_slice %arg15[%dma_start3A_303, %dma_start3A_304] : memref<10000x16xf32, #tpu.memory_space<vmem_shared>> -> memref<10000x16xf32, #tpu.memory_space<vmem_shared>>
      tpu.enqueue_indirect_dma source(%dma_start3A_299 : memref<125x16xf32, #tpu.memory_space<vmem>>) target(%dma_start3A_305 : memref<10000x16xf32, #tpu.memory_space<vmem_shared>>) offsets(%dma_start3A_302 : memref<125xi32, #tpu.memory_space<vmem>>) semaphore(%arg17 : memref<!tpu.dma_semaphore, #tpu.memory_space<semaphore_mem>>) {add = true}
      %add3A_306 = arith.constant 1 : i32
      %add3A_307 = arith.addi %mul3A_290, %add3A_306 : i32
      %mul3A_308 = arith.constant 125 : i32
      %mul3A_309 = arith.muli %add3A_307, %mul3A_308 : i32
      %add3A_310 = arith.constant 40 : i32
      %add3A_311 = arith.addi %add3A_310, %mul3A_290 : i32
      %add3A_312 = arith.constant 1 : i32
      %add3A_313 = arith.addi %add3A_311, %add3A_312 : i32
      %dma_start3A_314 = arith.constant 0 : i32
      %dma_start3A_315 = tpu.memref_slice %arg10[%mul3A_309, %dma_start3A_314] : memref<5000x16xf32, #tpu.memory_space<vmem>> -> memref<125x16xf32, #tpu.memory_space<vmem>>
      %dma_start3A_316 = arith.constant 0 : i32
      %dma_start3A_317 = tpu.memref_slice %arg9[%add3A_313, %dma_start3A_316] : memref<80x125xi32, #tpu.memory_space<vmem>> -> memref<1x125xi32, #tpu.memory_space<vmem>>
      %dma_start3A_318 = tpu.memref_squeeze %dma_start3A_317 : memref<1x125xi32, #tpu.memory_space<vmem>> -> memref<125xi32, #tpu.memory_space<vmem>>
      %dma_start3A_319 = arith.constant 0 : i32
      %dma_start3A_320 = arith.constant 0 : i32
      %dma_start3A_321 = tpu.memref_slice %arg15[%dma_start3A_319, %dma_start3A_320] : memref<10000x16xf32, #tpu.memory_space<vmem_shared>> -> memref<10000x16xf32, #tpu.memory_space<vmem_shared>>
      tpu.enqueue_indirect_dma source(%dma_start3A_315 : memref<125x16xf32, #tpu.memory_space<vmem>>) target(%dma_start3A_321 : memref<10000x16xf32, #tpu.memory_space<vmem_shared>>) offsets(%dma_start3A_318 : memref<125xi32, #tpu.memory_space<vmem>>) semaphore(%arg17 : memref<!tpu.dma_semaphore, #tpu.memory_space<semaphore_mem>>) {add = true}
      %add3A_322 = arith.constant 2 : i32
      %add3A_323 = arith.addi %mul3A_290, %add3A_322 : i32
      %mul3A_324 = arith.constant 125 : i32
      %mul3A_325 = arith.muli %add3A_323, %mul3A_324 : i32
      %add3A_326 = arith.constant 40 : i32
      %add3A_327 = arith.addi %add3A_326, %mul3A_290 : i32
      %add3A_328 = arith.constant 2 : i32
      %add3A_329 = arith.addi %add3A_327, %add3A_328 : i32
      %dma_start3A_330 = arith.constant 0 : i32
      %dma_start3A_331 = tpu.memref_slice %arg10[%mul3A_325, %dma_start3A_330] : memref<5000x16xf32, #tpu.memory_space<vmem>> -> memref<125x16xf32, #tpu.memory_space<vmem>>
      %dma_start3A_332 = arith.constant 0 : i32
      %dma_start3A_333 = tpu.memref_slice %arg9[%add3A_329, %dma_start3A_332] : memref<80x125xi32, #tpu.memory_space<vmem>> -> memref<1x125xi32, #tpu.memory_space<vmem>>
      %dma_start3A_334 = tpu.memref_squeeze %dma_start3A_333 : memref<1x125xi32, #tpu.memory_space<vmem>> -> memref<125xi32, #tpu.memory_space<vmem>>
      %dma_start3A_335 = arith.constant 0 : i32
      %dma_start3A_336 = arith.constant 0 : i32
      %dma_start3A_337 = tpu.memref_slice %arg15[%dma_start3A_335, %dma_start3A_336] : memref<10000x16xf32, #tpu.memory_space<vmem_shared>> -> memref<10000x16xf32, #tpu.memory_space<vmem_shared>>
      tpu.enqueue_indirect_dma source(%dma_start3A_331 : memref<125x16xf32, #tpu.memory_space<vmem>>) target(%dma_start3A_337 : memref<10000x16xf32, #tpu.memory_space<vmem_shared>>) offsets(%dma_start3A_334 : memref<125xi32, #tpu.memory_space<vmem>>) semaphore(%arg17 : memref<!tpu.dma_semaphore, #tpu.memory_space<semaphore_mem>>) {add = true}
      %add3A_338 = arith.constant 3 : i32
      %add3A_339 = arith.addi %mul3A_290, %add3A_338 : i32
      %mul3A_340 = arith.constant 125 : i32
      %mul3A_341 = arith.muli %add3A_339, %mul3A_340 : i32
      %add3A_342 = arith.constant 40 : i32
      %add3A_343 = arith.addi %add3A_342, %mul3A_290 : i32
      %add3A_344 = arith.constant 3 : i32
      %add3A_345 = arith.addi %add3A_343, %add3A_344 : i32
      %dma_start3A_346 = arith.constant 0 : i32
      %dma_start3A_347 = tpu.memref_slice %arg10[%mul3A_341, %dma_start3A_346] : memref<5000x16xf32, #tpu.memory_space<vmem>> -> memref<125x16xf32, #tpu.memory_space<vmem>>
      %dma_start3A_348 = arith.constant 0 : i32
      %dma_start3A_349 = tpu.memref_slice %arg9[%add3A_345, %dma_start3A_348] : memref<80x125xi32, #tpu.memory_space<vmem>> -> memref<1x125xi32, #tpu.memory_space<vmem>>
      %dma_start3A_350 = tpu.memref_squeeze %dma_start3A_349 : memref<1x125xi32, #tpu.memory_space<vmem>> -> memref<125xi32, #tpu.memory_space<vmem>>
      %dma_start3A_351 = arith.constant 0 : i32
      %dma_start3A_352 = arith.constant 0 : i32
      %dma_start3A_353 = tpu.memref_slice %arg15[%dma_start3A_351, %dma_start3A_352] : memref<10000x16xf32, #tpu.memory_space<vmem_shared>> -> memref<10000x16xf32, #tpu.memory_space<vmem_shared>>
      tpu.enqueue_indirect_dma source(%dma_start3A_347 : memref<125x16xf32, #tpu.memory_space<vmem>>) target(%dma_start3A_353 : memref<10000x16xf32, #tpu.memory_space<vmem_shared>>) offsets(%dma_start3A_350 : memref<125xi32, #tpu.memory_space<vmem>>) semaphore(%arg17 : memref<!tpu.dma_semaphore, #tpu.memory_space<semaphore_mem>>) {add = true}
      %add3A_354 = arith.constant 4 : i32
      %add3A_355 = arith.addi %mul3A_290, %add3A_354 : i32
      %mul3A_356 = arith.constant 125 : i32
      %mul3A_357 = arith.muli %add3A_355, %mul3A_356 : i32
      %add3A_358 = arith.constant 40 : i32
      %add3A_359 = arith.addi %add3A_358, %mul3A_290 : i32
      %add3A_360 = arith.constant 4 : i32
      %add3A_361 = arith.addi %add3A_359, %add3A_360 : i32
      %dma_start3A_362 = arith.constant 0 : i32
      %dma_start3A_363 = tpu.memref_slice %arg10[%mul3A_357, %dma_start3A_362] : memref<5000x16xf32, #tpu.memory_space<vmem>> -> memref<125x16xf32, #tpu.memory_space<vmem>>
      %dma_start3A_364 = arith.constant 0 : i32
      %dma_start3A_365 = tpu.memref_slice %arg9[%add3A_361, %dma_start3A_364] : memref<80x125xi32, #tpu.memory_space<vmem>> -> memref<1x125xi32, #tpu.memory_space<vmem>>
      %dma_start3A_366 = tpu.memref_squeeze %dma_start3A_365 : memref<1x125xi32, #tpu.memory_space<vmem>> -> memref<125xi32, #tpu.memory_space<vmem>>
      %dma_start3A_367 = arith.constant 0 : i32
      %dma_start3A_368 = arith.constant 0 : i32
      %dma_start3A_369 = tpu.memref_slice %arg15[%dma_start3A_367, %dma_start3A_368] : memref<10000x16xf32, #tpu.memory_space<vmem_shared>> -> memref<10000x16xf32, #tpu.memory_space<vmem_shared>>
      tpu.enqueue_indirect_dma source(%dma_start3A_363 : memref<125x16xf32, #tpu.memory_space<vmem>>) target(%dma_start3A_369 : memref<10000x16xf32, #tpu.memory_space<vmem_shared>>) offsets(%dma_start3A_366 : memref<125xi32, #tpu.memory_space<vmem>>) semaphore(%arg17 : memref<!tpu.dma_semaphore, #tpu.memory_space<semaphore_mem>>) {add = true}
      %add3A_370 = arith.constant 5 : i32
      %add3A_371 = arith.addi %mul3A_290, %add3A_370 : i32
      %mul3A_372 = arith.constant 125 : i32
      %mul3A_373 = arith.muli %add3A_371, %mul3A_372 : i32
      %add3A_374 = arith.constant 40 : i32
      %add3A_375 = arith.addi %add3A_374, %mul3A_290 : i32
      %add3A_376 = arith.constant 5 : i32
      %add3A_377 = arith.addi %add3A_375, %add3A_376 : i32
      %dma_start3A_378 = arith.constant 0 : i32
      %dma_start3A_379 = tpu.memref_slice %arg10[%mul3A_373, %dma_start3A_378] : memref<5000x16xf32, #tpu.memory_space<vmem>> -> memref<125x16xf32, #tpu.memory_space<vmem>>
      %dma_start3A_380 = arith.constant 0 : i32
      %dma_start3A_381 = tpu.memref_slice %arg9[%add3A_377, %dma_start3A_380] : memref<80x125xi32, #tpu.memory_space<vmem>> -> memref<1x125xi32, #tpu.memory_space<vmem>>
      %dma_start3A_382 = tpu.memref_squeeze %dma_start3A_381 : memref<1x125xi32, #tpu.memory_space<vmem>> -> memref<125xi32, #tpu.memory_space<vmem>>
      %dma_start3A_383 = arith.constant 0 : i32
      %dma_start3A_384 = arith.constant 0 : i32
      %dma_start3A_385 = tpu.memref_slice %arg15[%dma_start3A_383, %dma_start3A_384] : memref<10000x16xf32, #tpu.memory_space<vmem_shared>> -> memref<10000x16xf32, #tpu.memory_space<vmem_shared>>
      tpu.enqueue_indirect_dma source(%dma_start3A_379 : memref<125x16xf32, #tpu.memory_space<vmem>>) target(%dma_start3A_385 : memref<10000x16xf32, #tpu.memory_space<vmem_shared>>) offsets(%dma_start3A_382 : memref<125xi32, #tpu.memory_space<vmem>>) semaphore(%arg17 : memref<!tpu.dma_semaphore, #tpu.memory_space<semaphore_mem>>) {add = true}
      %add3A_386 = arith.constant 6 : i32
      %add3A_387 = arith.addi %mul3A_290, %add3A_386 : i32
      %mul3A_388 = arith.constant 125 : i32
      %mul3A_389 = arith.muli %add3A_387, %mul3A_388 : i32
      %add3A_390 = arith.constant 40 : i32
      %add3A_391 = arith.addi %add3A_390, %mul3A_290 : i32
      %add3A_392 = arith.constant 6 : i32
      %add3A_393 = arith.addi %add3A_391, %add3A_392 : i32
      %dma_start3A_394 = arith.constant 0 : i32
      %dma_start3A_395 = tpu.memref_slice %arg10[%mul3A_389, %dma_start3A_394] : memref<5000x16xf32, #tpu.memory_space<vmem>> -> memref<125x16xf32, #tpu.memory_space<vmem>>
      %dma_start3A_396 = arith.constant 0 : i32
      %dma_start3A_397 = tpu.memref_slice %arg9[%add3A_393, %dma_start3A_396] : memref<80x125xi32, #tpu.memory_space<vmem>> -> memref<1x125xi32, #tpu.memory_space<vmem>>
      %dma_start3A_398 = tpu.memref_squeeze %dma_start3A_397 : memref<1x125xi32, #tpu.memory_space<vmem>> -> memref<125xi32, #tpu.memory_space<vmem>>
      %dma_start3A_399 = arith.constant 0 : i32
      %dma_start3A_400 = arith.constant 0 : i32
      %dma_start3A_401 = tpu.memref_slice %arg15[%dma_start3A_399, %dma_start3A_400] : memref<10000x16xf32, #tpu.memory_space<vmem_shared>> -> memref<10000x16xf32, #tpu.memory_space<vmem_shared>>
      tpu.enqueue_indirect_dma source(%dma_start3A_395 : memref<125x16xf32, #tpu.memory_space<vmem>>) target(%dma_start3A_401 : memref<10000x16xf32, #tpu.memory_space<vmem_shared>>) offsets(%dma_start3A_398 : memref<125xi32, #tpu.memory_space<vmem>>) semaphore(%arg17 : memref<!tpu.dma_semaphore, #tpu.memory_space<semaphore_mem>>) {add = true}
      %add3A_402 = arith.constant 7 : i32
      %add3A_403 = arith.addi %mul3A_290, %add3A_402 : i32
      %mul3A_404 = arith.constant 125 : i32
      %mul3A_405 = arith.muli %add3A_403, %mul3A_404 : i32
      %add3A_406 = arith.constant 40 : i32
      %add3A_407 = arith.addi %add3A_406, %mul3A_290 : i32
      %add3A_408 = arith.constant 7 : i32
      %add3A_409 = arith.addi %add3A_407, %add3A_408 : i32
      %dma_start3A_410 = arith.constant 0 : i32
      %dma_start3A_411 = tpu.memref_slice %arg10[%mul3A_405, %dma_start3A_410] : memref<5000x16xf32, #tpu.memory_space<vmem>> -> memref<125x16xf32, #tpu.memory_space<vmem>>
      %dma_start3A_412 = arith.constant 0 : i32
      %dma_start3A_413 = tpu.memref_slice %arg9[%add3A_409, %dma_start3A_412] : memref<80x125xi32, #tpu.memory_space<vmem>> -> memref<1x125xi32, #tpu.memory_space<vmem>>
      %dma_start3A_414 = tpu.memref_squeeze %dma_start3A_413 : memref<1x125xi32, #tpu.memory_space<vmem>> -> memref<125xi32, #tpu.memory_space<vmem>>
      %dma_start3A_415 = arith.constant 0 : i32
      %dma_start3A_416 = arith.constant 0 : i32
      %dma_start3A_417 = tpu.memref_slice %arg15[%dma_start3A_415, %dma_start3A_416] : memref<10000x16xf32, #tpu.memory_space<vmem_shared>> -> memref<10000x16xf32, #tpu.memory_space<vmem_shared>>
      tpu.enqueue_indirect_dma source(%dma_start3A_411 : memref<125x16xf32, #tpu.memory_space<vmem>>) target(%dma_start3A_417 : memref<10000x16xf32, #tpu.memory_space<vmem_shared>>) offsets(%dma_start3A_414 : memref<125xi32, #tpu.memory_space<vmem>>) semaphore(%arg17 : memref<!tpu.dma_semaphore, #tpu.memory_space<semaphore_mem>>) {add = true}
      %dma_wait3A = arith.constant 0 : i32
      %dma_wait3A_418 = tpu.memref_slice %arg10[%mul3A_294, %dma_wait3A] : memref<5000x16xf32, #tpu.memory_space<vmem>> -> memref<125x16xf32, #tpu.memory_space<vmem>>
      %dma_wait3A_419 = arith.constant 0 : i32
      %dma_wait3A_420 = tpu.memref_slice %arg9[%add3A_298, %dma_wait3A_419] : memref<80x125xi32, #tpu.memory_space<vmem>> -> memref<1x125xi32, #tpu.memory_space<vmem>>
      %dma_wait3A_421 = tpu.memref_squeeze %dma_wait3A_420 : memref<1x125xi32, #tpu.memory_space<vmem>> -> memref<125xi32, #tpu.memory_space<vmem>>
      %dma_wait3A_422 = arith.constant 0 : i32
      %dma_wait3A_423 = arith.constant 0 : i32
      %dma_wait3A_424 = tpu.memref_slice %arg15[%dma_wait3A_422, %dma_wait3A_423] : memref<10000x16xf32, #tpu.memory_space<vmem_shared>> -> memref<10000x16xf32, #tpu.memory_space<vmem_shared>>
      tpu.wait_indirect_dma semaphore(%arg17 : memref<!tpu.dma_semaphore, #tpu.memory_space<semaphore_mem>>) src(%dma_wait3A_418 : memref<125x16xf32, #tpu.memory_space<vmem>>) dst(%dma_wait3A_424 : memref<10000x16xf32, #tpu.memory_space<vmem_shared>>)
      %dma_wait3A_425 = arith.constant 0 : i32
      %dma_wait3A_426 = tpu.memref_slice %arg10[%mul3A_309, %dma_wait3A_425] : memref<5000x16xf32, #tpu.memory_space<vmem>> -> memref<125x16xf32, #tpu.memory_space<vmem>>
      %dma_wait3A_427 = arith.constant 0 : i32
      %dma_wait3A_428 = tpu.memref_slice %arg9[%add3A_313, %dma_wait3A_427] : memref<80x125xi32, #tpu.memory_space<vmem>> -> memref<1x125xi32, #tpu.memory_space<vmem>>
      %dma_wait3A_429 = tpu.memref_squeeze %dma_wait3A_428 : memref<1x125xi32, #tpu.memory_space<vmem>> -> memref<125xi32, #tpu.memory_space<vmem>>
      %dma_wait3A_430 = arith.constant 0 : i32
      %dma_wait3A_431 = arith.constant 0 : i32
      %dma_wait3A_432 = tpu.memref_slice %arg15[%dma_wait3A_430, %dma_wait3A_431] : memref<10000x16xf32, #tpu.memory_space<vmem_shared>> -> memref<10000x16xf32, #tpu.memory_space<vmem_shared>>
      tpu.wait_indirect_dma semaphore(%arg17 : memref<!tpu.dma_semaphore, #tpu.memory_space<semaphore_mem>>) src(%dma_wait3A_426 : memref<125x16xf32, #tpu.memory_space<vmem>>) dst(%dma_wait3A_432 : memref<10000x16xf32, #tpu.memory_space<vmem_shared>>)
      %dma_wait3A_433 = arith.constant 0 : i32
      %dma_wait3A_434 = tpu.memref_slice %arg10[%mul3A_325, %dma_wait3A_433] : memref<5000x16xf32, #tpu.memory_space<vmem>> -> memref<125x16xf32, #tpu.memory_space<vmem>>
      %dma_wait3A_435 = arith.constant 0 : i32
      %dma_wait3A_436 = tpu.memref_slice %arg9[%add3A_329, %dma_wait3A_435] : memref<80x125xi32, #tpu.memory_space<vmem>> -> memref<1x125xi32, #tpu.memory_space<vmem>>
      %dma_wait3A_437 = tpu.memref_squeeze %dma_wait3A_436 : memref<1x125xi32, #tpu.memory_space<vmem>> -> memref<125xi32, #tpu.memory_space<vmem>>
      %dma_wait3A_438 = arith.constant 0 : i32
      %dma_wait3A_439 = arith.constant 0 : i32
      %dma_wait3A_440 = tpu.memref_slice %arg15[%dma_wait3A_438, %dma_wait3A_439] : memref<10000x16xf32, #tpu.memory_space<vmem_shared>> -> memref<10000x16xf32, #tpu.memory_space<vmem_shared>>
      tpu.wait_indirect_dma semaphore(%arg17 : memref<!tpu.dma_semaphore, #tpu.memory_space<semaphore_mem>>) src(%dma_wait3A_434 : memref<125x16xf32, #tpu.memory_space<vmem>>) dst(%dma_wait3A_440 : memref<10000x16xf32, #tpu.memory_space<vmem_shared>>)
      %dma_wait3A_441 = arith.constant 0 : i32
      %dma_wait3A_442 = tpu.memref_slice %arg10[%mul3A_341, %dma_wait3A_441] : memref<5000x16xf32, #tpu.memory_space<vmem>> -> memref<125x16xf32, #tpu.memory_space<vmem>>
      %dma_wait3A_443 = arith.constant 0 : i32
      %dma_wait3A_444 = tpu.memref_slice %arg9[%add3A_345, %dma_wait3A_443] : memref<80x125xi32, #tpu.memory_space<vmem>> -> memref<1x125xi32, #tpu.memory_space<vmem>>
      %dma_wait3A_445 = tpu.memref_squeeze %dma_wait3A_444 : memref<1x125xi32, #tpu.memory_space<vmem>> -> memref<125xi32, #tpu.memory_space<vmem>>
      %dma_wait3A_446 = arith.constant 0 : i32
      %dma_wait3A_447 = arith.constant 0 : i32
      %dma_wait3A_448 = tpu.memref_slice %arg15[%dma_wait3A_446, %dma_wait3A_447] : memref<10000x16xf32, #tpu.memory_space<vmem_shared>> -> memref<10000x16xf32, #tpu.memory_space<vmem_shared>>
      tpu.wait_indirect_dma semaphore(%arg17 : memref<!tpu.dma_semaphore, #tpu.memory_space<semaphore_mem>>) src(%dma_wait3A_442 : memref<125x16xf32, #tpu.memory_space<vmem>>) dst(%dma_wait3A_448 : memref<10000x16xf32, #tpu.memory_space<vmem_shared>>)
      %dma_wait3A_449 = arith.constant 0 : i32
      %dma_wait3A_450 = tpu.memref_slice %arg10[%mul3A_357, %dma_wait3A_449] : memref<5000x16xf32, #tpu.memory_space<vmem>> -> memref<125x16xf32, #tpu.memory_space<vmem>>
      %dma_wait3A_451 = arith.constant 0 : i32
      %dma_wait3A_452 = tpu.memref_slice %arg9[%add3A_361, %dma_wait3A_451] : memref<80x125xi32, #tpu.memory_space<vmem>> -> memref<1x125xi32, #tpu.memory_space<vmem>>
      %dma_wait3A_453 = tpu.memref_squeeze %dma_wait3A_452 : memref<1x125xi32, #tpu.memory_space<vmem>> -> memref<125xi32, #tpu.memory_space<vmem>>
      %dma_wait3A_454 = arith.constant 0 : i32
      %dma_wait3A_455 = arith.constant 0 : i32
      %dma_wait3A_456 = tpu.memref_slice %arg15[%dma_wait3A_454, %dma_wait3A_455] : memref<10000x16xf32, #tpu.memory_space<vmem_shared>> -> memref<10000x16xf32, #tpu.memory_space<vmem_shared>>
      tpu.wait_indirect_dma semaphore(%arg17 : memref<!tpu.dma_semaphore, #tpu.memory_space<semaphore_mem>>) src(%dma_wait3A_450 : memref<125x16xf32, #tpu.memory_space<vmem>>) dst(%dma_wait3A_456 : memref<10000x16xf32, #tpu.memory_space<vmem_shared>>)
      %dma_wait3A_457 = arith.constant 0 : i32
      %dma_wait3A_458 = tpu.memref_slice %arg10[%mul3A_373, %dma_wait3A_457] : memref<5000x16xf32, #tpu.memory_space<vmem>> -> memref<125x16xf32, #tpu.memory_space<vmem>>
      %dma_wait3A_459 = arith.constant 0 : i32
      %dma_wait3A_460 = tpu.memref_slice %arg9[%add3A_377, %dma_wait3A_459] : memref<80x125xi32, #tpu.memory_space<vmem>> -> memref<1x125xi32, #tpu.memory_space<vmem>>
      %dma_wait3A_461 = tpu.memref_squeeze %dma_wait3A_460 : memref<1x125xi32, #tpu.memory_space<vmem>> -> memref<125xi32, #tpu.memory_space<vmem>>
      %dma_wait3A_462 = arith.constant 0 : i32
      %dma_wait3A_463 = arith.constant 0 : i32
      %dma_wait3A_464 = tpu.memref_slice %arg15[%dma_wait3A_462, %dma_wait3A_463] : memref<10000x16xf32, #tpu.memory_space<vmem_shared>> -> memref<10000x16xf32, #tpu.memory_space<vmem_shared>>
      tpu.wait_indirect_dma semaphore(%arg17 : memref<!tpu.dma_semaphore, #tpu.memory_space<semaphore_mem>>) src(%dma_wait3A_458 : memref<125x16xf32, #tpu.memory_space<vmem>>) dst(%dma_wait3A_464 : memref<10000x16xf32, #tpu.memory_space<vmem_shared>>)
      %dma_wait3A_465 = arith.constant 0 : i32
      %dma_wait3A_466 = tpu.memref_slice %arg10[%mul3A_389, %dma_wait3A_465] : memref<5000x16xf32, #tpu.memory_space<vmem>> -> memref<125x16xf32, #tpu.memory_space<vmem>>
      %dma_wait3A_467 = arith.constant 0 : i32
      %dma_wait3A_468 = tpu.memref_slice %arg9[%add3A_393, %dma_wait3A_467] : memref<80x125xi32, #tpu.memory_space<vmem>> -> memref<1x125xi32, #tpu.memory_space<vmem>>
      %dma_wait3A_469 = tpu.memref_squeeze %dma_wait3A_468 : memref<1x125xi32, #tpu.memory_space<vmem>> -> memref<125xi32, #tpu.memory_space<vmem>>
      %dma_wait3A_470 = arith.constant 0 : i32
      %dma_wait3A_471 = arith.constant 0 : i32
      %dma_wait3A_472 = tpu.memref_slice %arg15[%dma_wait3A_470, %dma_wait3A_471] : memref<10000x16xf32, #tpu.memory_space<vmem_shared>> -> memref<10000x16xf32, #tpu.memory_space<vmem_shared>>
      tpu.wait_indirect_dma semaphore(%arg17 : memref<!tpu.dma_semaphore, #tpu.memory_space<semaphore_mem>>) src(%dma_wait3A_466 : memref<125x16xf32, #tpu.memory_space<vmem>>) dst(%dma_wait3A_472 : memref<10000x16xf32, #tpu.memory_space<vmem_shared>>)
      %dma_wait3A_473 = arith.constant 0 : i32
      %dma_wait3A_474 = tpu.memref_slice %arg10[%mul3A_405, %dma_wait3A_473] : memref<5000x16xf32, #tpu.memory_space<vmem>> -> memref<125x16xf32, #tpu.memory_space<vmem>>
      %dma_wait3A_475 = arith.constant 0 : i32
      %dma_wait3A_476 = tpu.memref_slice %arg9[%add3A_409, %dma_wait3A_475] : memref<80x125xi32, #tpu.memory_space<vmem>> -> memref<1x125xi32, #tpu.memory_space<vmem>>
      %dma_wait3A_477 = tpu.memref_squeeze %dma_wait3A_476 : memref<1x125xi32, #tpu.memory_space<vmem>> -> memref<125xi32, #tpu.memory_space<vmem>>
      %dma_wait3A_478 = arith.constant 0 : i32
      %dma_wait3A_479 = arith.constant 0 : i32
      %dma_wait3A_480 = tpu.memref_slice %arg15[%dma_wait3A_478, %dma_wait3A_479] : memref<10000x16xf32, #tpu.memory_space<vmem_shared>> -> memref<10000x16xf32, #tpu.memory_space<vmem_shared>>
      tpu.wait_indirect_dma semaphore(%arg17 : memref<!tpu.dma_semaphore, #tpu.memory_space<semaphore_mem>>) src(%dma_wait3A_474 : memref<125x16xf32, #tpu.memory_space<vmem>>) dst(%dma_wait3A_480 : memref<10000x16xf32, #tpu.memory_space<vmem_shared>>)
    }
    %scan3A_33 = arith.constant 5 : i32
    %barrier3A_34 = arith.constant 0 : index
    tpu.barrier barrier_id(%barrier3A_34)
    %mul3A_35 = arith.constant 625 : i32
    %mul3A_36 = arith.muli %arg1, %mul3A_35 : i32
    "tpu.region"() ({
      %run_scoped3A_288 = tpu.sem_alloc : memref<!tpu.dma_semaphore, #tpu.memory_space<semaphore_mem>>
      %dma_start3A = arith.constant 0 : i32
      %dma_start3A_289 = tpu.memref_slice %arg15[%mul3A_36, %dma_start3A] : memref<10000x16xf32, #tpu.memory_space<vmem_shared>> -> memref<625x16xf32, #tpu.memory_space<vmem_shared>>
      %dma_start3A_290 = arith.constant 0 : i32
      %dma_start3A_291 = tpu.memref_slice %arg15[%mul3A_36, %dma_start3A_290] : memref<10000x16xf32, #tpu.memory_space<vmem_shared>> -> memref<625x16xf32, #tpu.memory_space<vmem_shared>>
      tpu.enqueue_dma source(%dma_start3A_291 : memref<625x16xf32, #tpu.memory_space<vmem_shared>>) target(%arg11 : memref<625x16xf32, #tpu.memory_space<vmem>>) target_semaphore(%run_scoped3A_288 : memref<!tpu.dma_semaphore, #tpu.memory_space<semaphore_mem>>)
      %dma_wait3A = arith.constant 0 : i32
      %dma_wait3A_292 = tpu.memref_slice %arg15[%mul3A_36, %dma_wait3A] : memref<10000x16xf32, #tpu.memory_space<vmem_shared>> -> memref<625x16xf32, #tpu.memory_space<vmem_shared>>
      %dma_wait3A_293 = arith.constant 0 : i32
      %dma_wait3A_294 = tpu.memref_slice %arg15[%mul3A_36, %dma_wait3A_293] : memref<10000x16xf32, #tpu.memory_space<vmem_shared>> -> memref<625x16xf32, #tpu.memory_space<vmem_shared>>
      tpu.wait_dma2 semaphore(%run_scoped3A_288 : memref<!tpu.dma_semaphore, #tpu.memory_space<semaphore_mem>>) src(%dma_wait3A_294 : memref<625x16xf32, #tpu.memory_space<vmem_shared>>) dst(%arg11 : memref<625x16xf32, #tpu.memory_space<vmem>>)
      tpu.yield
    }) : () -> ()
    %get3A = arith.constant 0 : i32
    %get3A_37 = arith.index_cast %get3A : i32 to index
    %get3A_38 = arith.constant 0 : index
    %get3A_39 = tpu.vector_load %arg14[%get3A_37, %get3A_38] {strides = array<i32>} : memref<3x16xf32, #tpu.memory_space<vmem>>, vector<16xf32>,
    %get3A_40 = arith.constant 1 : i32
    %get3A_41 = arith.index_cast %get3A_40 : i32 to index
    %get3A_42 = arith.constant 0 : index
    %get3A_43 = tpu.vector_load %arg14[%get3A_41, %get3A_42] {strides = array<i32>} : memref<3x16xf32, #tpu.memory_space<vmem>>, vector<16xf32>,
    %get3A_44 = arith.constant 2 : i32
    %get3A_45 = arith.index_cast %get3A_44 : i32 to index
    %get3A_46 = arith.constant 0 : index
    %get3A_47 = tpu.vector_load %arg14[%get3A_45, %get3A_46] {strides = array<i32>} : memref<3x16xf32, #tpu.memory_space<vmem>>, vector<16xf32>,
    %broadcast_in_dim3A = arith.constant 0.000000e+00 : f32
    %broadcast_in_dim3A_48 = vector.broadcast %broadcast_in_dim3A : f32 to vector<16xf32>
    %scan3A_49 = arith.constant 0 : i32
    %scan3A_50 = arith.constant 625 : i32
    %scan3A_51 = arith.addi %scan3A_49, %scan3A_50 : i32
    %scan3A_52 = arith.constant 1 : i32
    %scan3A_53:2 = scf.for %scan3A_288 = %scan3A_49 to %scan3A_51 step %scan3A_52 iter_args(%scan3A_289 = %broadcast_in_dim3A_48, %scan3A_290 = %broadcast_in_dim3A_48) -> (vector<16xf32>, vector<16xf32>)  : i32 {
      %get3A_291 = arith.index_cast %scan3A_288 : i32 to index
      %get3A_292 = arith.constant 0 : index
      %get3A_293 = tpu.vector_load %arg11[%get3A_291, %get3A_292] {strides = array<i32>} : memref<625x16xf32, #tpu.memory_space<vmem>>, vector<16xf32>,
      %add3A_294 = arith.addf %get3A_293, %get3A_39 : vector<16xf32>
      %max3A = arith.constant 0.000000e+00 : f32
      %max3A_295 = vector.broadcast %max3A : f32 to vector<16xf32>
      %max3A_296 = arith.maximumf %add3A_294, %max3A_295 : vector<16xf32>
      %swap3A_297 = arith.index_cast %scan3A_288 : i32 to index
      %swap3A_298 = arith.constant 0 : index
      %swap3A_299 = tpu.vector_load %arg11[%swap3A_297, %swap3A_298] {strides = array<i32>} : memref<625x16xf32, #tpu.memory_space<vmem>>, vector<16xf32>,
      tpu.vector_store %arg11[%swap3A_297, %swap3A_298], %max3A_296 {strides = array<i32>} : memref<625x16xf32, #tpu.memory_space<vmem>>, vector<16xf32>,
      %add3A_300 = arith.addf %scan3A_289, %max3A_296 : vector<16xf32>
      %mul3A_301 = arith.mulf %max3A_296, %max3A_296 : vector<16xf32>
      %add3A_302 = arith.addf %scan3A_290, %mul3A_301 : vector<16xf32>
      scf.yield %add3A_300, %add3A_302 : vector<16xf32>, vector<16xf32>
    }
    %scan3A_54 = arith.constant 625 : i32
    %swap3A = arith.constant 0 : index
    %swap3A_55 = tpu.vector_load %arg12[%swap3A] {strides = array<i32>} : memref<32xf32, #tpu.memory_space<vmem>>, vector<16xf32>,
    tpu.vector_store %arg12[%swap3A], %scan3A_53#0 {strides = array<i32>} : memref<32xf32, #tpu.memory_space<vmem>>, vector<16xf32>,
    %swap3A_56 = arith.constant 16 : index
    %swap3A_57 = tpu.vector_load %arg12[%swap3A_56] {strides = array<i32>} : memref<32xf32, #tpu.memory_space<vmem>>, vector<16xf32>,
    tpu.vector_store %arg12[%swap3A_56], %scan3A_53#1 {strides = array<i32>} : memref<32xf32, #tpu.memory_space<vmem>>, vector<16xf32>,
    "tpu.region"() ({
      %run_scoped3A_288 = tpu.sem_alloc : memref<!tpu.dma_semaphore, #tpu.memory_space<semaphore_mem>>
      %dma_start3A = arith.constant 0 : i32
      %dma_start3A_289 = tpu.memref_slice %arg16[%arg1, %dma_start3A] : memref<16x32xf32, #tpu.memory_space<vmem_shared>> -> memref<1x32xf32, #tpu.memory_space<vmem_shared>>
      %dma_start3A_290 = tpu.memref_squeeze %dma_start3A_289 : memref<1x32xf32, #tpu.memory_space<vmem_shared>> -> memref<32xf32, #tpu.memory_space<vmem_shared>>
      %dma_start3A_291 = arith.constant 0 : i32
      %dma_start3A_292 = tpu.memref_slice %arg16[%arg1, %dma_start3A_291] : memref<16x32xf32, #tpu.memory_space<vmem_shared>> -> memref<1x32xf32, #tpu.memory_space<vmem_shared>>
      %dma_start3A_293 = tpu.memref_squeeze %dma_start3A_292 : memref<1x32xf32, #tpu.memory_space<vmem_shared>> -> memref<32xf32, #tpu.memory_space<vmem_shared>>
      tpu.enqueue_dma source(%arg12 : memref<32xf32, #tpu.memory_space<vmem>>) target(%dma_start3A_293 : memref<32xf32, #tpu.memory_space<vmem_shared>>) target_semaphore(%run_scoped3A_288 : memref<!tpu.dma_semaphore, #tpu.memory_space<semaphore_mem>>)
      %dma_wait3A = arith.constant 0 : i32
      %dma_wait3A_294 = tpu.memref_slice %arg16[%arg1, %dma_wait3A] : memref<16x32xf32, #tpu.memory_space<vmem_shared>> -> memref<1x32xf32, #tpu.memory_space<vmem_shared>>
      %dma_wait3A_295 = tpu.memref_squeeze %dma_wait3A_294 : memref<1x32xf32, #tpu.memory_space<vmem_shared>> -> memref<32xf32, #tpu.memory_space<vmem_shared>>
      %dma_wait3A_296 = arith.constant 0 : i32
      %dma_wait3A_297 = tpu.memref_slice %arg16[%arg1, %dma_wait3A_296] : memref<16x32xf32, #tpu.memory_space<vmem_shared>> -> memref<1x32xf32, #tpu.memory_space<vmem_shared>>
      %dma_wait3A_298 = tpu.memref_squeeze %dma_wait3A_297 : memref<1x32xf32, #tpu.memory_space<vmem_shared>> -> memref<32xf32, #tpu.memory_space<vmem_shared>>
      tpu.wait_dma2 semaphore(%run_scoped3A_288 : memref<!tpu.dma_semaphore, #tpu.memory_space<semaphore_mem>>) src(%arg12 : memref<32xf32, #tpu.memory_space<vmem>>) dst(%dma_wait3A_298 : memref<32xf32, #tpu.memory_space<vmem_shared>>)
      tpu.yield
    }) : () -> ()
    %barrier3A_58 = arith.constant 0 : index
    tpu.barrier barrier_id(%barrier3A_58)
    "tpu.region"() ({
      %run_scoped3A_288 = tpu.sem_alloc : memref<!tpu.dma_semaphore, #tpu.memory_space<semaphore_mem>>
      tpu.enqueue_dma source(%arg16 : memref<16x32xf32, #tpu.memory_space<vmem_shared>>) target(%arg13 : memref<16x32xf32, #tpu.memory_space<vmem>>) target_semaphore(%run_scoped3A_288 : memref<!tpu.dma_semaphore, #tpu.memory_space<semaphore_mem>>)
      tpu.wait_dma2 semaphore(%run_scoped3A_288 : memref<!tpu.dma_semaphore, #tpu.memory_space<semaphore_mem>>) src(%arg16 : memref<16x32xf32, #tpu.memory_space<vmem_shared>>) dst(%arg13 : memref<16x32xf32, #tpu.memory_space<vmem>>)
      tpu.yield
    }) : () -> ()
    %broadcast_in_dim3A_59 = arith.constant 0.000000e+00 : f32
    %broadcast_in_dim3A_60 = vector.broadcast %broadcast_in_dim3A_59 : f32 to vector<16xf32>
    %broadcast_in_dim3A_61 = arith.constant 0.000000e+00 : f32
    %broadcast_in_dim3A_62 = vector.broadcast %broadcast_in_dim3A_61 : f32 to vector<16xf32>
    %get3A_63 = arith.constant 0 : i32
    %get3A_64 = arith.index_cast %get3A_63 : i32 to index
    %get3A_65 = arith.constant 0 : index
    %get3A_66 = tpu.vector_load %arg13[%get3A_64, %get3A_65] {strides = array<i32>} : memref<16x32xf32, #tpu.memory_space<vmem>>, vector<16xf32>,
    %add3A_67 = arith.addf %broadcast_in_dim3A_60, %get3A_66 : vector<16xf32>
    %get3A_68 = arith.constant 0 : i32
    %get3A_69 = arith.index_cast %get3A_68 : i32 to index
    %get3A_70 = arith.constant 16 : index
    %get3A_71 = tpu.vector_load %arg13[%get3A_69, %get3A_70] {strides = array<i32>} : memref<16x32xf32, #tpu.memory_space<vmem>>, vector<16xf32>,
    %add3A_72 = arith.addf %broadcast_in_dim3A_62, %get3A_71 : vector<16xf32>
    %get3A_73 = arith.constant 1 : i32
    %get3A_74 = arith.index_cast %get3A_73 : i32 to index
    %get3A_75 = arith.constant 0 : index
    %get3A_76 = tpu.vector_load %arg13[%get3A_74, %get3A_75] {strides = array<i32>} : memref<16x32xf32, #tpu.memory_space<vmem>>, vector<16xf32>,
    %add3A_77 = arith.addf %add3A_67, %get3A_76 : vector<16xf32>
    %get3A_78 = arith.constant 1 : i32
    %get3A_79 = arith.index_cast %get3A_78 : i32 to index
    %get3A_80 = arith.constant 16 : index
    %get3A_81 = tpu.vector_load %arg13[%get3A_79, %get3A_80] {strides = array<i32>} : memref<16x32xf32, #tpu.memory_space<vmem>>, vector<16xf32>,
    %add3A_82 = arith.addf %add3A_72, %get3A_81 : vector<16xf32>
    %get3A_83 = arith.constant 2 : i32
    %get3A_84 = arith.index_cast %get3A_83 : i32 to index
    %get3A_85 = arith.constant 0 : index
    %get3A_86 = tpu.vector_load %arg13[%get3A_84, %get3A_85] {strides = array<i32>} : memref<16x32xf32, #tpu.memory_space<vmem>>, vector<16xf32>,
    %add3A_87 = arith.addf %add3A_77, %get3A_86 : vector<16xf32>
    %get3A_88 = arith.constant 2 : i32
    %get3A_89 = arith.index_cast %get3A_88 : i32 to index
    %get3A_90 = arith.constant 16 : index
    %get3A_91 = tpu.vector_load %arg13[%get3A_89, %get3A_90] {strides = array<i32>} : memref<16x32xf32, #tpu.memory_space<vmem>>, vector<16xf32>,
    %add3A_92 = arith.addf %add3A_82, %get3A_91 : vector<16xf32>
    %get3A_93 = arith.constant 3 : i32
    %get3A_94 = arith.index_cast %get3A_93 : i32 to index
    %get3A_95 = arith.constant 0 : index
    %get3A_96 = tpu.vector_load %arg13[%get3A_94, %get3A_95] {strides = array<i32>} : memref<16x32xf32, #tpu.memory_space<vmem>>, vector<16xf32>,
    %add3A_97 = arith.addf %add3A_87, %get3A_96 : vector<16xf32>
    %get3A_98 = arith.constant 3 : i32
    %get3A_99 = arith.index_cast %get3A_98 : i32 to index
    %get3A_100 = arith.constant 16 : index
    %get3A_101 = tpu.vector_load %arg13[%get3A_99, %get3A_100] {strides = array<i32>} : memref<16x32xf32, #tpu.memory_space<vmem>>, vector<16xf32>,
    %add3A_102 = arith.addf %add3A_92, %get3A_101 : vector<16xf32>
    %get3A_103 = arith.constant 4 : i32
    %get3A_104 = arith.index_cast %get3A_103 : i32 to index
    %get3A_105 = arith.constant 0 : index
    %get3A_106 = tpu.vector_load %arg13[%get3A_104, %get3A_105] {strides = array<i32>} : memref<16x32xf32, #tpu.memory_space<vmem>>, vector<16xf32>,
    %add3A_107 = arith.addf %add3A_97, %get3A_106 : vector<16xf32>
    %get3A_108 = arith.constant 4 : i32
    %get3A_109 = arith.index_cast %get3A_108 : i32 to index
    %get3A_110 = arith.constant 16 : index
    %get3A_111 = tpu.vector_load %arg13[%get3A_109, %get3A_110] {strides = array<i32>} : memref<16x32xf32, #tpu.memory_space<vmem>>, vector<16xf32>,
    %add3A_112 = arith.addf %add3A_102, %get3A_111 : vector<16xf32>
    %get3A_113 = arith.constant 5 : i32
    %get3A_114 = arith.index_cast %get3A_113 : i32 to index
    %get3A_115 = arith.constant 0 : index
    %get3A_116 = tpu.vector_load %arg13[%get3A_114, %get3A_115] {strides = array<i32>} : memref<16x32xf32, #tpu.memory_space<vmem>>, vector<16xf32>,
    %add3A_117 = arith.addf %add3A_107, %get3A_116 : vector<16xf32>
    %get3A_118 = arith.constant 5 : i32
    %get3A_119 = arith.index_cast %get3A_118 : i32 to index
    %get3A_120 = arith.constant 16 : index
    %get3A_121 = tpu.vector_load %arg13[%get3A_119, %get3A_120] {strides = array<i32>} : memref<16x32xf32, #tpu.memory_space<vmem>>, vector<16xf32>,
    %add3A_122 = arith.addf %add3A_112, %get3A_121 : vector<16xf32>
    %get3A_123 = arith.constant 6 : i32
    %get3A_124 = arith.index_cast %get3A_123 : i32 to index
    %get3A_125 = arith.constant 0 : index
    %get3A_126 = tpu.vector_load %arg13[%get3A_124, %get3A_125] {strides = array<i32>} : memref<16x32xf32, #tpu.memory_space<vmem>>, vector<16xf32>,
    %add3A_127 = arith.addf %add3A_117, %get3A_126 : vector<16xf32>
    %get3A_128 = arith.constant 6 : i32
    %get3A_129 = arith.index_cast %get3A_128 : i32 to index
    %get3A_130 = arith.constant 16 : index
    %get3A_131 = tpu.vector_load %arg13[%get3A_129, %get3A_130] {strides = array<i32>} : memref<16x32xf32, #tpu.memory_space<vmem>>, vector<16xf32>,
    %add3A_132 = arith.addf %add3A_122, %get3A_131 : vector<16xf32>
    %get3A_133 = arith.constant 7 : i32
    %get3A_134 = arith.index_cast %get3A_133 : i32 to index
    %get3A_135 = arith.constant 0 : index
    %get3A_136 = tpu.vector_load %arg13[%get3A_134, %get3A_135] {strides = array<i32>} : memref<16x32xf32, #tpu.memory_space<vmem>>, vector<16xf32>,
    %add3A_137 = arith.addf %add3A_127, %get3A_136 : vector<16xf32>
    %get3A_138 = arith.constant 7 : i32
    %get3A_139 = arith.index_cast %get3A_138 : i32 to index
    %get3A_140 = arith.constant 16 : index
    %get3A_141 = tpu.vector_load %arg13[%get3A_139, %get3A_140] {strides = array<i32>} : memref<16x32xf32, #tpu.memory_space<vmem>>, vector<16xf32>,
    %add3A_142 = arith.addf %add3A_132, %get3A_141 : vector<16xf32>
    %get3A_143 = arith.constant 8 : i32
    %get3A_144 = arith.index_cast %get3A_143 : i32 to index
    %get3A_145 = arith.constant 0 : index
    %get3A_146 = tpu.vector_load %arg13[%get3A_144, %get3A_145] {strides = array<i32>} : memref<16x32xf32, #tpu.memory_space<vmem>>, vector<16xf32>,
    %add3A_147 = arith.addf %add3A_137, %get3A_146 : vector<16xf32>
    %get3A_148 = arith.constant 8 : i32
    %get3A_149 = arith.index_cast %get3A_148 : i32 to index
    %get3A_150 = arith.constant 16 : index
    %get3A_151 = tpu.vector_load %arg13[%get3A_149, %get3A_150] {strides = array<i32>} : memref<16x32xf32, #tpu.memory_space<vmem>>, vector<16xf32>,
    %add3A_152 = arith.addf %add3A_142, %get3A_151 : vector<16xf32>
    %get3A_153 = arith.constant 9 : i32
    %get3A_154 = arith.index_cast %get3A_153 : i32 to index
    %get3A_155 = arith.constant 0 : index
    %get3A_156 = tpu.vector_load %arg13[%get3A_154, %get3A_155] {strides = array<i32>} : memref<16x32xf32, #tpu.memory_space<vmem>>, vector<16xf32>,
    %add3A_157 = arith.addf %add3A_147, %get3A_156 : vector<16xf32>
    %get3A_158 = arith.constant 9 : i32
    %get3A_159 = arith.index_cast %get3A_158 : i32 to index
    %get3A_160 = arith.constant 16 : index
    %get3A_161 = tpu.vector_load %arg13[%get3A_159, %get3A_160] {strides = array<i32>} : memref<16x32xf32, #tpu.memory_space<vmem>>, vector<16xf32>,
    %add3A_162 = arith.addf %add3A_152, %get3A_161 : vector<16xf32>
    %get3A_163 = arith.constant 10 : i32
    %get3A_164 = arith.index_cast %get3A_163 : i32 to index
    %get3A_165 = arith.constant 0 : index
    %get3A_166 = tpu.vector_load %arg13[%get3A_164, %get3A_165] {strides = array<i32>} : memref<16x32xf32, #tpu.memory_space<vmem>>, vector<16xf32>,
    %add3A_167 = arith.addf %add3A_157, %get3A_166 : vector<16xf32>
    %get3A_168 = arith.constant 10 : i32
    %get3A_169 = arith.index_cast %get3A_168 : i32 to index
    %get3A_170 = arith.constant 16 : index
    %get3A_171 = tpu.vector_load %arg13[%get3A_169, %get3A_170] {strides = array<i32>} : memref<16x32xf32, #tpu.memory_space<vmem>>, vector<16xf32>,
    %add3A_172 = arith.addf %add3A_162, %get3A_171 : vector<16xf32>
    %get3A_173 = arith.constant 11 : i32
    %get3A_174 = arith.index_cast %get3A_173 : i32 to index
    %get3A_175 = arith.constant 0 : index
    %get3A_176 = tpu.vector_load %arg13[%get3A_174, %get3A_175] {strides = array<i32>} : memref<16x32xf32, #tpu.memory_space<vmem>>, vector<16xf32>,
    %add3A_177 = arith.addf %add3A_167, %get3A_176 : vector<16xf32>
    %get3A_178 = arith.constant 11 : i32
    %get3A_179 = arith.index_cast %get3A_178 : i32 to index
    %get3A_180 = arith.constant 16 : index
    %get3A_181 = tpu.vector_load %arg13[%get3A_179, %get3A_180] {strides = array<i32>} : memref<16x32xf32, #tpu.memory_space<vmem>>, vector<16xf32>,
    %add3A_182 = arith.addf %add3A_172, %get3A_181 : vector<16xf32>
    %get3A_183 = arith.constant 12 : i32
    %get3A_184 = arith.index_cast %get3A_183 : i32 to index
    %get3A_185 = arith.constant 0 : index
    %get3A_186 = tpu.vector_load %arg13[%get3A_184, %get3A_185] {strides = array<i32>} : memref<16x32xf32, #tpu.memory_space<vmem>>, vector<16xf32>,
    %add3A_187 = arith.addf %add3A_177, %get3A_186 : vector<16xf32>
    %get3A_188 = arith.constant 12 : i32
    %get3A_189 = arith.index_cast %get3A_188 : i32 to index
    %get3A_190 = arith.constant 16 : index
    %get3A_191 = tpu.vector_load %arg13[%get3A_189, %get3A_190] {strides = array<i32>} : memref<16x32xf32, #tpu.memory_space<vmem>>, vector<16xf32>,
    %add3A_192 = arith.addf %add3A_182, %get3A_191 : vector<16xf32>
    %get3A_193 = arith.constant 13 : i32
    %get3A_194 = arith.index_cast %get3A_193 : i32 to index
    %get3A_195 = arith.constant 0 : index
    %get3A_196 = tpu.vector_load %arg13[%get3A_194, %get3A_195] {strides = array<i32>} : memref<16x32xf32, #tpu.memory_space<vmem>>, vector<16xf32>,
    %add3A_197 = arith.addf %add3A_187, %get3A_196 : vector<16xf32>
    %get3A_198 = arith.constant 13 : i32
    %get3A_199 = arith.index_cast %get3A_198 : i32 to index
    %get3A_200 = arith.constant 16 : index
    %get3A_201 = tpu.vector_load %arg13[%get3A_199, %get3A_200] {strides = array<i32>} : memref<16x32xf32, #tpu.memory_space<vmem>>, vector<16xf32>,
    %add3A_202 = arith.addf %add3A_192, %get3A_201 : vector<16xf32>
    %get3A_203 = arith.constant 14 : i32
    %get3A_204 = arith.index_cast %get3A_203 : i32 to index
    %get3A_205 = arith.constant 0 : index
    %get3A_206 = tpu.vector_load %arg13[%get3A_204, %get3A_205] {strides = array<i32>} : memref<16x32xf32, #tpu.memory_space<vmem>>, vector<16xf32>,
    %add3A_207 = arith.addf %add3A_197, %get3A_206 : vector<16xf32>
    %get3A_208 = arith.constant 14 : i32
    %get3A_209 = arith.index_cast %get3A_208 : i32 to index
    %get3A_210 = arith.constant 16 : index
    %get3A_211 = tpu.vector_load %arg13[%get3A_209, %get3A_210] {strides = array<i32>} : memref<16x32xf32, #tpu.memory_space<vmem>>, vector<16xf32>,
    %add3A_212 = arith.addf %add3A_202, %get3A_211 : vector<16xf32>
    %get3A_213 = arith.constant 15 : i32
    %get3A_214 = arith.index_cast %get3A_213 : i32 to index
    %get3A_215 = arith.constant 0 : index
    %get3A_216 = tpu.vector_load %arg13[%get3A_214, %get3A_215] {strides = array<i32>} : memref<16x32xf32, #tpu.memory_space<vmem>>, vector<16xf32>,
    %add3A_217 = arith.addf %add3A_207, %get3A_216 : vector<16xf32>
    %get3A_218 = arith.constant 15 : i32
    %get3A_219 = arith.index_cast %get3A_218 : i32 to index
    %get3A_220 = arith.constant 16 : index
    %get3A_221 = tpu.vector_load %arg13[%get3A_219, %get3A_220] {strides = array<i32>} : memref<16x32xf32, #tpu.memory_space<vmem>>, vector<16xf32>,
    %add3A_222 = arith.addf %add3A_212, %get3A_221 : vector<16xf32>
    %mul3A_223 = arith.constant 9.99999974E-5 : f32
    %mul3A_224 = vector.broadcast %mul3A_223 : f32 to vector<16xf32>
    %mul3A_225 = arith.mulf %add3A_217, %mul3A_224 : vector<16xf32>
    %mul3A_226 = arith.constant 9.99999974E-5 : f32
    %mul3A_227 = vector.broadcast %mul3A_226 : f32 to vector<16xf32>
    %mul3A_228 = arith.mulf %add3A_222, %mul3A_227 : vector<16xf32>
    %mul3A_229 = arith.mulf %mul3A_225, %mul3A_225 : vector<16xf32>
    %sub3A = arith.subf %mul3A_228, %mul3A_229 : vector<16xf32>
    %add3A_230 = arith.constant 9.99999974E-6 : f32
    %add3A_231 = vector.broadcast %add3A_230 : f32 to vector<16xf32>
    %add3A_232 = arith.addf %sub3A, %add3A_231 : vector<16xf32>
    %bitcast3A = vector.bitcast %add3A_232 : vector<16xf32> to vector<16xi32>
    %shift_right_arithmetic3A = arith.constant 1 : i32
    %shift_right_arithmetic3A_233 = vector.broadcast %shift_right_arithmetic3A : i32 to vector<16xi32>
    %shift_right_arithmetic3A_234 = arith.shrsi %bitcast3A, %shift_right_arithmetic3A_233 : vector<16xi32>
    %sub3A_235 = arith.constant 1597463007 : i32
    %sub3A_236 = vector.broadcast %sub3A_235 : i32 to vector<16xi32>
    %sub3A_237 = arith.subi %sub3A_236, %shift_right_arithmetic3A_234 : vector<16xi32>
    %bitcast3A_238 = vector.bitcast %sub3A_237 : vector<16xi32> to vector<16xf32>
    %mul3A_239 = arith.constant 5.000000e-01 : f32
    %mul3A_240 = vector.broadcast %mul3A_239 : f32 to vector<16xf32>
    %mul3A_241 = arith.mulf %mul3A_240, %add3A_232 : vector<16xf32>
    %mul3A_242 = arith.mulf %mul3A_241, %bitcast3A_238 : vector<16xf32>
    %mul3A_243 = arith.mulf %mul3A_242, %bitcast3A_238 : vector<16xf32>
    %sub3A_244 = arith.constant 1.500000e+00 : f32
    %sub3A_245 = vector.broadcast %sub3A_244 : f32 to vector<16xf32>
    %sub3A_246 = arith.subf %sub3A_245, %mul3A_243 : vector<16xf32>
    %mul3A_247 = arith.mulf %bitcast3A_238, %sub3A_246 : vector<16xf32>
    %mul3A_248 = arith.constant 5.000000e-01 : f32
    %mul3A_249 = vector.broadcast %mul3A_248 : f32 to vector<16xf32>
    %mul3A_250 = arith.mulf %mul3A_249, %add3A_232 : vector<16xf32>
    %mul3A_251 = arith.mulf %mul3A_250, %mul3A_247 : vector<16xf32>
    %mul3A_252 = arith.mulf %mul3A_251, %mul3A_247 : vector<16xf32>
    %sub3A_253 = arith.constant 1.500000e+00 : f32
    %sub3A_254 = vector.broadcast %sub3A_253 : f32 to vector<16xf32>
    %sub3A_255 = arith.subf %sub3A_254, %mul3A_252 : vector<16xf32>
    %mul3A_256 = arith.mulf %mul3A_247, %sub3A_255 : vector<16xf32>
    %mul3A_257 = arith.constant 5.000000e-01 : f32
    %mul3A_258 = vector.broadcast %mul3A_257 : f32 to vector<16xf32>
    %mul3A_259 = arith.mulf %mul3A_258, %add3A_232 : vector<16xf32>
    %mul3A_260 = arith.mulf %mul3A_259, %mul3A_256 : vector<16xf32>
    %mul3A_261 = arith.mulf %mul3A_260, %mul3A_256 : vector<16xf32>
    %sub3A_262 = arith.constant 1.500000e+00 : f32
    %sub3A_263 = vector.broadcast %sub3A_262 : f32 to vector<16xf32>
    %sub3A_264 = arith.subf %sub3A_263, %mul3A_261 : vector<16xf32>
    %mul3A_265 = arith.mulf %mul3A_256, %sub3A_264 : vector<16xf32>
    %mul3A_266 = arith.mulf %get3A_43, %mul3A_265 : vector<16xf32>
    %mul3A_267 = arith.mulf %mul3A_225, %mul3A_266 : vector<16xf32>
    %sub3A_268 = arith.subf %get3A_47, %mul3A_267 : vector<16xf32>
    %scan3A_269 = arith.constant 0 : i32
    %scan3A_270 = arith.constant 0 : i32
    %scan3A_271 = arith.constant 625 : i32
    %scan3A_272 = arith.addi %scan3A_270, %scan3A_271 : i32
    %scan3A_273 = arith.constant 1 : i32
    scf.for %scan3A_288 = %scan3A_270 to %scan3A_272 step %scan3A_273  : i32 {
      %get3A_289 = arith.index_cast %scan3A_288 : i32 to index
      %get3A_290 = arith.constant 0 : index
      %get3A_291 = tpu.vector_load %arg11[%get3A_289, %get3A_290] {strides = array<i32>} : memref<625x16xf32, #tpu.memory_space<vmem>>, vector<16xf32>,
      %mul3A_292 = arith.mulf %get3A_291, %mul3A_266 : vector<16xf32>
      %add3A_293 = arith.addf %mul3A_292, %sub3A_268 : vector<16xf32>
      %swap3A_294 = arith.index_cast %scan3A_288 : i32 to index
      %swap3A_295 = arith.constant 0 : index
      %swap3A_296 = tpu.vector_load %arg11[%swap3A_294, %swap3A_295] {strides = array<i32>} : memref<625x16xf32, #tpu.memory_space<vmem>>, vector<16xf32>,
      tpu.vector_store %arg11[%swap3A_294, %swap3A_295], %add3A_293 {strides = array<i32>} : memref<625x16xf32, #tpu.memory_space<vmem>>, vector<16xf32>,
    }
    %scan3A_274 = arith.constant 625 : i32
    %mul3A_275 = arith.constant 625 : i32
    %mul3A_276 = arith.muli %arg1, %mul3A_275 : i32
    "tpu.region"() ({
      %run_scoped3A_288 = tpu.sem_alloc : memref<!tpu.dma_semaphore, #tpu.memory_space<semaphore_mem>>
      %dma_start3A = arith.constant 0 : i32
      %dma_start3A_289 = tpu.memref_slice %arg15[%mul3A_276, %dma_start3A] : memref<10000x16xf32, #tpu.memory_space<vmem_shared>> -> memref<625x16xf32, #tpu.memory_space<vmem_shared>>
      %dma_start3A_290 = arith.constant 0 : i32
      %dma_start3A_291 = tpu.memref_slice %arg15[%mul3A_276, %dma_start3A_290] : memref<10000x16xf32, #tpu.memory_space<vmem_shared>> -> memref<625x16xf32, #tpu.memory_space<vmem_shared>>
      tpu.enqueue_dma source(%arg11 : memref<625x16xf32, #tpu.memory_space<vmem>>) target(%dma_start3A_291 : memref<625x16xf32, #tpu.memory_space<vmem_shared>>) target_semaphore(%run_scoped3A_288 : memref<!tpu.dma_semaphore, #tpu.memory_space<semaphore_mem>>)
      %dma_wait3A = arith.constant 0 : i32
      %dma_wait3A_292 = tpu.memref_slice %arg15[%mul3A_276, %dma_wait3A] : memref<10000x16xf32, #tpu.memory_space<vmem_shared>> -> memref<625x16xf32, #tpu.memory_space<vmem_shared>>
      %dma_wait3A_293 = arith.constant 0 : i32
      %dma_wait3A_294 = tpu.memref_slice %arg15[%mul3A_276, %dma_wait3A_293] : memref<10000x16xf32, #tpu.memory_space<vmem_shared>> -> memref<625x16xf32, #tpu.memory_space<vmem_shared>>
      tpu.wait_dma2 semaphore(%run_scoped3A_288 : memref<!tpu.dma_semaphore, #tpu.memory_space<semaphore_mem>>) src(%arg11 : memref<625x16xf32, #tpu.memory_space<vmem>>) dst(%dma_wait3A_294 : memref<625x16xf32, #tpu.memory_space<vmem_shared>>)
      tpu.yield
    }) : () -> ()
    %barrier3A_277 = arith.constant 0 : index
    tpu.barrier barrier_id(%barrier3A_277)
    %mul3A_278 = arith.constant 40 : i32
    %mul3A_279 = arith.muli %add3A, %mul3A_278 : i32
    "tpu.region"() ({
      %run_scoped3A_288 = tpu.sem_alloc : memref<!tpu.dma_semaphore, #tpu.memory_space<semaphore_mem>>
      %dma_start3A = arith.constant 0 : i32
      %dma_start3A_289 = arith.constant 0 : i32
      %dma_start3A_290 = tpu.memref_slice %arg9[%dma_start3A, %dma_start3A_289] : memref<80x125xi32, #tpu.memory_space<vmem>> -> memref<40x125xi32, #tpu.memory_space<vmem>>
      %dma_start3A_291 = arith.constant 0 : i32
      %dma_start3A_292 = tpu.memref_slice %arg4[%mul3A_279, %dma_start3A_291] : memref<1280x125xi32, #tpu.memory_space<hbm>> -> memref<40x125xi32, #tpu.memory_space<hbm>>
      %dma_start3A_293 = arith.constant 0 : i32
      %dma_start3A_294 = arith.constant 0 : i32
      %dma_start3A_295 = tpu.memref_slice %arg9[%dma_start3A_293, %dma_start3A_294] : memref<80x125xi32, #tpu.memory_space<vmem>> -> memref<40x125xi32, #tpu.memory_space<vmem>>
      %dma_start3A_296 = arith.constant 0 : i32
      %dma_start3A_297 = tpu.memref_slice %arg4[%mul3A_279, %dma_start3A_296] : memref<1280x125xi32, #tpu.memory_space<hbm>> -> memref<40x125xi32, #tpu.memory_space<hbm>>
      tpu.enqueue_dma source(%dma_start3A_297 : memref<40x125xi32, #tpu.memory_space<hbm>>) target(%dma_start3A_295 : memref<40x125xi32, #tpu.memory_space<vmem>>) target_semaphore(%run_scoped3A_288 : memref<!tpu.dma_semaphore, #tpu.memory_space<semaphore_mem>>)
      %dma_wait3A = arith.constant 0 : i32
      %dma_wait3A_298 = arith.constant 0 : i32
      %dma_wait3A_299 = tpu.memref_slice %arg9[%dma_wait3A, %dma_wait3A_298] : memref<80x125xi32, #tpu.memory_space<vmem>> -> memref<40x125xi32, #tpu.memory_space<vmem>>
      %dma_wait3A_300 = arith.constant 0 : i32
      %dma_wait3A_301 = tpu.memref_slice %arg4[%mul3A_279, %dma_wait3A_300] : memref<1280x125xi32, #tpu.memory_space<hbm>> -> memref<40x125xi32, #tpu.memory_space<hbm>>
      %dma_wait3A_302 = arith.constant 0 : i32
      %dma_wait3A_303 = arith.constant 0 : i32
      %dma_wait3A_304 = tpu.memref_slice %arg9[%dma_wait3A_302, %dma_wait3A_303] : memref<80x125xi32, #tpu.memory_space<vmem>> -> memref<40x125xi32, #tpu.memory_space<vmem>>
      %dma_wait3A_305 = arith.constant 0 : i32
      %dma_wait3A_306 = tpu.memref_slice %arg4[%mul3A_279, %dma_wait3A_305] : memref<1280x125xi32, #tpu.memory_space<hbm>> -> memref<40x125xi32, #tpu.memory_space<hbm>>
      tpu.wait_dma2 semaphore(%run_scoped3A_288 : memref<!tpu.dma_semaphore, #tpu.memory_space<semaphore_mem>>) src(%dma_wait3A_306 : memref<40x125xi32, #tpu.memory_space<hbm>>) dst(%dma_wait3A_304 : memref<40x125xi32, #tpu.memory_space<vmem>>)
      tpu.yield
    }) : () -> ()
    %scan3A_280 = arith.constant 0 : i32
    %scan3A_281 = arith.constant 0 : i32
    %scan3A_282 = arith.constant 5 : i32
    %scan3A_283 = arith.addi %scan3A_281, %scan3A_282 : i32
    %scan3A_284 = arith.constant 1 : i32
    scf.for %scan3A_288 = %scan3A_281 to %scan3A_283 step %scan3A_284  : i32 {
      %mul3A_289 = arith.constant 8 : i32
      %mul3A_290 = arith.muli %scan3A_288, %mul3A_289 : i32
      %add3A_291 = arith.constant 0 : i32
      %add3A_292 = arith.addi %mul3A_290, %add3A_291 : i32
      %add3A_293 = arith.constant 0 : i32
      %add3A_294 = arith.addi %mul3A_290, %add3A_293 : i32
      %mul3A_295 = arith.constant 125 : i32
      %mul3A_296 = arith.muli %add3A_294, %mul3A_295 : i32
      %dma_start3A = arith.constant 0 : i32
      %dma_start3A_297 = tpu.memref_slice %arg10[%mul3A_296, %dma_start3A] : memref<5000x16xf32, #tpu.memory_space<vmem>> -> memref<125x16xf32, #tpu.memory_space<vmem>>
      %dma_start3A_298 = arith.constant 0 : i32
      %dma_start3A_299 = tpu.memref_slice %arg9[%add3A_292, %dma_start3A_298] : memref<80x125xi32, #tpu.memory_space<vmem>> -> memref<1x125xi32, #tpu.memory_space<vmem>>
      %dma_start3A_300 = tpu.memref_squeeze %dma_start3A_299 : memref<1x125xi32, #tpu.memory_space<vmem>> -> memref<125xi32, #tpu.memory_space<vmem>>
      %dma_start3A_301 = arith.constant 0 : i32
      %dma_start3A_302 = arith.constant 0 : i32
      %dma_start3A_303 = tpu.memref_slice %arg15[%dma_start3A_301, %dma_start3A_302] : memref<10000x16xf32, #tpu.memory_space<vmem_shared>> -> memref<10000x16xf32, #tpu.memory_space<vmem_shared>>
      tpu.enqueue_indirect_dma source(%dma_start3A_303 : memref<10000x16xf32, #tpu.memory_space<vmem_shared>>) target(%dma_start3A_297 : memref<125x16xf32, #tpu.memory_space<vmem>>) offsets(%dma_start3A_300 : memref<125xi32, #tpu.memory_space<vmem>>) semaphore(%arg17 : memref<!tpu.dma_semaphore, #tpu.memory_space<semaphore_mem>>)
      %add3A_304 = arith.constant 1 : i32
      %add3A_305 = arith.addi %mul3A_290, %add3A_304 : i32
      %add3A_306 = arith.constant 1 : i32
      %add3A_307 = arith.addi %mul3A_290, %add3A_306 : i32
      %mul3A_308 = arith.constant 125 : i32
      %mul3A_309 = arith.muli %add3A_307, %mul3A_308 : i32
      %dma_start3A_310 = arith.constant 0 : i32
      %dma_start3A_311 = tpu.memref_slice %arg10[%mul3A_309, %dma_start3A_310] : memref<5000x16xf32, #tpu.memory_space<vmem>> -> memref<125x16xf32, #tpu.memory_space<vmem>>
      %dma_start3A_312 = arith.constant 0 : i32
      %dma_start3A_313 = tpu.memref_slice %arg9[%add3A_305, %dma_start3A_312] : memref<80x125xi32, #tpu.memory_space<vmem>> -> memref<1x125xi32, #tpu.memory_space<vmem>>
      %dma_start3A_314 = tpu.memref_squeeze %dma_start3A_313 : memref<1x125xi32, #tpu.memory_space<vmem>> -> memref<125xi32, #tpu.memory_space<vmem>>
      %dma_start3A_315 = arith.constant 0 : i32
      %dma_start3A_316 = arith.constant 0 : i32
      %dma_start3A_317 = tpu.memref_slice %arg15[%dma_start3A_315, %dma_start3A_316] : memref<10000x16xf32, #tpu.memory_space<vmem_shared>> -> memref<10000x16xf32, #tpu.memory_space<vmem_shared>>
      tpu.enqueue_indirect_dma source(%dma_start3A_317 : memref<10000x16xf32, #tpu.memory_space<vmem_shared>>) target(%dma_start3A_311 : memref<125x16xf32, #tpu.memory_space<vmem>>) offsets(%dma_start3A_314 : memref<125xi32, #tpu.memory_space<vmem>>) semaphore(%arg17 : memref<!tpu.dma_semaphore, #tpu.memory_space<semaphore_mem>>)
      %add3A_318 = arith.constant 2 : i32
      %add3A_319 = arith.addi %mul3A_290, %add3A_318 : i32
      %add3A_320 = arith.constant 2 : i32
      %add3A_321 = arith.addi %mul3A_290, %add3A_320 : i32
      %mul3A_322 = arith.constant 125 : i32
      %mul3A_323 = arith.muli %add3A_321, %mul3A_322 : i32
      %dma_start3A_324 = arith.constant 0 : i32
      %dma_start3A_325 = tpu.memref_slice %arg10[%mul3A_323, %dma_start3A_324] : memref<5000x16xf32, #tpu.memory_space<vmem>> -> memref<125x16xf32, #tpu.memory_space<vmem>>
      %dma_start3A_326 = arith.constant 0 : i32
      %dma_start3A_327 = tpu.memref_slice %arg9[%add3A_319, %dma_start3A_326] : memref<80x125xi32, #tpu.memory_space<vmem>> -> memref<1x125xi32, #tpu.memory_space<vmem>>
      %dma_start3A_328 = tpu.memref_squeeze %dma_start3A_327 : memref<1x125xi32, #tpu.memory_space<vmem>> -> memref<125xi32, #tpu.memory_space<vmem>>
      %dma_start3A_329 = arith.constant 0 : i32
      %dma_start3A_330 = arith.constant 0 : i32
      %dma_start3A_331 = tpu.memref_slice %arg15[%dma_start3A_329, %dma_start3A_330] : memref<10000x16xf32, #tpu.memory_space<vmem_shared>> -> memref<10000x16xf32, #tpu.memory_space<vmem_shared>>
      tpu.enqueue_indirect_dma source(%dma_start3A_331 : memref<10000x16xf32, #tpu.memory_space<vmem_shared>>) target(%dma_start3A_325 : memref<125x16xf32, #tpu.memory_space<vmem>>) offsets(%dma_start3A_328 : memref<125xi32, #tpu.memory_space<vmem>>) semaphore(%arg17 : memref<!tpu.dma_semaphore, #tpu.memory_space<semaphore_mem>>)
      %add3A_332 = arith.constant 3 : i32
      %add3A_333 = arith.addi %mul3A_290, %add3A_332 : i32
      %add3A_334 = arith.constant 3 : i32
      %add3A_335 = arith.addi %mul3A_290, %add3A_334 : i32
      %mul3A_336 = arith.constant 125 : i32
      %mul3A_337 = arith.muli %add3A_335, %mul3A_336 : i32
      %dma_start3A_338 = arith.constant 0 : i32
      %dma_start3A_339 = tpu.memref_slice %arg10[%mul3A_337, %dma_start3A_338] : memref<5000x16xf32, #tpu.memory_space<vmem>> -> memref<125x16xf32, #tpu.memory_space<vmem>>
      %dma_start3A_340 = arith.constant 0 : i32
      %dma_start3A_341 = tpu.memref_slice %arg9[%add3A_333, %dma_start3A_340] : memref<80x125xi32, #tpu.memory_space<vmem>> -> memref<1x125xi32, #tpu.memory_space<vmem>>
      %dma_start3A_342 = tpu.memref_squeeze %dma_start3A_341 : memref<1x125xi32, #tpu.memory_space<vmem>> -> memref<125xi32, #tpu.memory_space<vmem>>
      %dma_start3A_343 = arith.constant 0 : i32
      %dma_start3A_344 = arith.constant 0 : i32
      %dma_start3A_345 = tpu.memref_slice %arg15[%dma_start3A_343, %dma_start3A_344] : memref<10000x16xf32, #tpu.memory_space<vmem_shared>> -> memref<10000x16xf32, #tpu.memory_space<vmem_shared>>
      tpu.enqueue_indirect_dma source(%dma_start3A_345 : memref<10000x16xf32, #tpu.memory_space<vmem_shared>>) target(%dma_start3A_339 : memref<125x16xf32, #tpu.memory_space<vmem>>) offsets(%dma_start3A_342 : memref<125xi32, #tpu.memory_space<vmem>>) semaphore(%arg17 : memref<!tpu.dma_semaphore, #tpu.memory_space<semaphore_mem>>)
      %add3A_346 = arith.constant 4 : i32
      %add3A_347 = arith.addi %mul3A_290, %add3A_346 : i32
      %add3A_348 = arith.constant 4 : i32
      %add3A_349 = arith.addi %mul3A_290, %add3A_348 : i32
      %mul3A_350 = arith.constant 125 : i32
      %mul3A_351 = arith.muli %add3A_349, %mul3A_350 : i32
      %dma_start3A_352 = arith.constant 0 : i32
      %dma_start3A_353 = tpu.memref_slice %arg10[%mul3A_351, %dma_start3A_352] : memref<5000x16xf32, #tpu.memory_space<vmem>> -> memref<125x16xf32, #tpu.memory_space<vmem>>
      %dma_start3A_354 = arith.constant 0 : i32
      %dma_start3A_355 = tpu.memref_slice %arg9[%add3A_347, %dma_start3A_354] : memref<80x125xi32, #tpu.memory_space<vmem>> -> memref<1x125xi32, #tpu.memory_space<vmem>>
      %dma_start3A_356 = tpu.memref_squeeze %dma_start3A_355 : memref<1x125xi32, #tpu.memory_space<vmem>> -> memref<125xi32, #tpu.memory_space<vmem>>
      %dma_start3A_357 = arith.constant 0 : i32
      %dma_start3A_358 = arith.constant 0 : i32
      %dma_start3A_359 = tpu.memref_slice %arg15[%dma_start3A_357, %dma_start3A_358] : memref<10000x16xf32, #tpu.memory_space<vmem_shared>> -> memref<10000x16xf32, #tpu.memory_space<vmem_shared>>
      tpu.enqueue_indirect_dma source(%dma_start3A_359 : memref<10000x16xf32, #tpu.memory_space<vmem_shared>>) target(%dma_start3A_353 : memref<125x16xf32, #tpu.memory_space<vmem>>) offsets(%dma_start3A_356 : memref<125xi32, #tpu.memory_space<vmem>>) semaphore(%arg17 : memref<!tpu.dma_semaphore, #tpu.memory_space<semaphore_mem>>)
      %add3A_360 = arith.constant 5 : i32
      %add3A_361 = arith.addi %mul3A_290, %add3A_360 : i32
      %add3A_362 = arith.constant 5 : i32
      %add3A_363 = arith.addi %mul3A_290, %add3A_362 : i32
      %mul3A_364 = arith.constant 125 : i32
      %mul3A_365 = arith.muli %add3A_363, %mul3A_364 : i32
      %dma_start3A_366 = arith.constant 0 : i32
      %dma_start3A_367 = tpu.memref_slice %arg10[%mul3A_365, %dma_start3A_366] : memref<5000x16xf32, #tpu.memory_space<vmem>> -> memref<125x16xf32, #tpu.memory_space<vmem>>
      %dma_start3A_368 = arith.constant 0 : i32
      %dma_start3A_369 = tpu.memref_slice %arg9[%add3A_361, %dma_start3A_368] : memref<80x125xi32, #tpu.memory_space<vmem>> -> memref<1x125xi32, #tpu.memory_space<vmem>>
      %dma_start3A_370 = tpu.memref_squeeze %dma_start3A_369 : memref<1x125xi32, #tpu.memory_space<vmem>> -> memref<125xi32, #tpu.memory_space<vmem>>
      %dma_start3A_371 = arith.constant 0 : i32
      %dma_start3A_372 = arith.constant 0 : i32
      %dma_start3A_373 = tpu.memref_slice %arg15[%dma_start3A_371, %dma_start3A_372] : memref<10000x16xf32, #tpu.memory_space<vmem_shared>> -> memref<10000x16xf32, #tpu.memory_space<vmem_shared>>
      tpu.enqueue_indirect_dma source(%dma_start3A_373 : memref<10000x16xf32, #tpu.memory_space<vmem_shared>>) target(%dma_start3A_367 : memref<125x16xf32, #tpu.memory_space<vmem>>) offsets(%dma_start3A_370 : memref<125xi32, #tpu.memory_space<vmem>>) semaphore(%arg17 : memref<!tpu.dma_semaphore, #tpu.memory_space<semaphore_mem>>)
      %add3A_374 = arith.constant 6 : i32
      %add3A_375 = arith.addi %mul3A_290, %add3A_374 : i32
      %add3A_376 = arith.constant 6 : i32
      %add3A_377 = arith.addi %mul3A_290, %add3A_376 : i32
      %mul3A_378 = arith.constant 125 : i32
      %mul3A_379 = arith.muli %add3A_377, %mul3A_378 : i32
      %dma_start3A_380 = arith.constant 0 : i32
      %dma_start3A_381 = tpu.memref_slice %arg10[%mul3A_379, %dma_start3A_380] : memref<5000x16xf32, #tpu.memory_space<vmem>> -> memref<125x16xf32, #tpu.memory_space<vmem>>
      %dma_start3A_382 = arith.constant 0 : i32
      %dma_start3A_383 = tpu.memref_slice %arg9[%add3A_375, %dma_start3A_382] : memref<80x125xi32, #tpu.memory_space<vmem>> -> memref<1x125xi32, #tpu.memory_space<vmem>>
      %dma_start3A_384 = tpu.memref_squeeze %dma_start3A_383 : memref<1x125xi32, #tpu.memory_space<vmem>> -> memref<125xi32, #tpu.memory_space<vmem>>
      %dma_start3A_385 = arith.constant 0 : i32
      %dma_start3A_386 = arith.constant 0 : i32
      %dma_start3A_387 = tpu.memref_slice %arg15[%dma_start3A_385, %dma_start3A_386] : memref<10000x16xf32, #tpu.memory_space<vmem_shared>> -> memref<10000x16xf32, #tpu.memory_space<vmem_shared>>
      tpu.enqueue_indirect_dma source(%dma_start3A_387 : memref<10000x16xf32, #tpu.memory_space<vmem_shared>>) target(%dma_start3A_381 : memref<125x16xf32, #tpu.memory_space<vmem>>) offsets(%dma_start3A_384 : memref<125xi32, #tpu.memory_space<vmem>>) semaphore(%arg17 : memref<!tpu.dma_semaphore, #tpu.memory_space<semaphore_mem>>)
      %add3A_388 = arith.constant 7 : i32
      %add3A_389 = arith.addi %mul3A_290, %add3A_388 : i32
      %add3A_390 = arith.constant 7 : i32
      %add3A_391 = arith.addi %mul3A_290, %add3A_390 : i32
      %mul3A_392 = arith.constant 125 : i32
      %mul3A_393 = arith.muli %add3A_391, %mul3A_392 : i32
      %dma_start3A_394 = arith.constant 0 : i32
      %dma_start3A_395 = tpu.memref_slice %arg10[%mul3A_393, %dma_start3A_394] : memref<5000x16xf32, #tpu.memory_space<vmem>> -> memref<125x16xf32, #tpu.memory_space<vmem>>
      %dma_start3A_396 = arith.constant 0 : i32
      %dma_start3A_397 = tpu.memref_slice %arg9[%add3A_389, %dma_start3A_396] : memref<80x125xi32, #tpu.memory_space<vmem>> -> memref<1x125xi32, #tpu.memory_space<vmem>>
      %dma_start3A_398 = tpu.memref_squeeze %dma_start3A_397 : memref<1x125xi32, #tpu.memory_space<vmem>> -> memref<125xi32, #tpu.memory_space<vmem>>
      %dma_start3A_399 = arith.constant 0 : i32
      %dma_start3A_400 = arith.constant 0 : i32
      %dma_start3A_401 = tpu.memref_slice %arg15[%dma_start3A_399, %dma_start3A_400] : memref<10000x16xf32, #tpu.memory_space<vmem_shared>> -> memref<10000x16xf32, #tpu.memory_space<vmem_shared>>
      tpu.enqueue_indirect_dma source(%dma_start3A_401 : memref<10000x16xf32, #tpu.memory_space<vmem_shared>>) target(%dma_start3A_395 : memref<125x16xf32, #tpu.memory_space<vmem>>) offsets(%dma_start3A_398 : memref<125xi32, #tpu.memory_space<vmem>>) semaphore(%arg17 : memref<!tpu.dma_semaphore, #tpu.memory_space<semaphore_mem>>)
      %dma_wait3A = arith.constant 0 : i32
      %dma_wait3A_402 = tpu.memref_slice %arg10[%mul3A_296, %dma_wait3A] : memref<5000x16xf32, #tpu.memory_space<vmem>> -> memref<125x16xf32, #tpu.memory_space<vmem>>
      %dma_wait3A_403 = arith.constant 0 : i32
      %dma_wait3A_404 = tpu.memref_slice %arg9[%add3A_292, %dma_wait3A_403] : memref<80x125xi32, #tpu.memory_space<vmem>> -> memref<1x125xi32, #tpu.memory_space<vmem>>
      %dma_wait3A_405 = tpu.memref_squeeze %dma_wait3A_404 : memref<1x125xi32, #tpu.memory_space<vmem>> -> memref<125xi32, #tpu.memory_space<vmem>>
      %dma_wait3A_406 = arith.constant 0 : i32
      %dma_wait3A_407 = arith.constant 0 : i32
      %dma_wait3A_408 = tpu.memref_slice %arg15[%dma_wait3A_406, %dma_wait3A_407] : memref<10000x16xf32, #tpu.memory_space<vmem_shared>> -> memref<10000x16xf32, #tpu.memory_space<vmem_shared>>
      tpu.wait_indirect_dma semaphore(%arg17 : memref<!tpu.dma_semaphore, #tpu.memory_space<semaphore_mem>>) src(%dma_wait3A_408 : memref<10000x16xf32, #tpu.memory_space<vmem_shared>>) dst(%dma_wait3A_402 : memref<125x16xf32, #tpu.memory_space<vmem>>)
      %dma_wait3A_409 = arith.constant 0 : i32
      %dma_wait3A_410 = tpu.memref_slice %arg10[%mul3A_309, %dma_wait3A_409] : memref<5000x16xf32, #tpu.memory_space<vmem>> -> memref<125x16xf32, #tpu.memory_space<vmem>>
      %dma_wait3A_411 = arith.constant 0 : i32
      %dma_wait3A_412 = tpu.memref_slice %arg9[%add3A_305, %dma_wait3A_411] : memref<80x125xi32, #tpu.memory_space<vmem>> -> memref<1x125xi32, #tpu.memory_space<vmem>>
      %dma_wait3A_413 = tpu.memref_squeeze %dma_wait3A_412 : memref<1x125xi32, #tpu.memory_space<vmem>> -> memref<125xi32, #tpu.memory_space<vmem>>
      %dma_wait3A_414 = arith.constant 0 : i32
      %dma_wait3A_415 = arith.constant 0 : i32
      %dma_wait3A_416 = tpu.memref_slice %arg15[%dma_wait3A_414, %dma_wait3A_415] : memref<10000x16xf32, #tpu.memory_space<vmem_shared>> -> memref<10000x16xf32, #tpu.memory_space<vmem_shared>>
      tpu.wait_indirect_dma semaphore(%arg17 : memref<!tpu.dma_semaphore, #tpu.memory_space<semaphore_mem>>) src(%dma_wait3A_416 : memref<10000x16xf32, #tpu.memory_space<vmem_shared>>) dst(%dma_wait3A_410 : memref<125x16xf32, #tpu.memory_space<vmem>>)
      %dma_wait3A_417 = arith.constant 0 : i32
      %dma_wait3A_418 = tpu.memref_slice %arg10[%mul3A_323, %dma_wait3A_417] : memref<5000x16xf32, #tpu.memory_space<vmem>> -> memref<125x16xf32, #tpu.memory_space<vmem>>
      %dma_wait3A_419 = arith.constant 0 : i32
      %dma_wait3A_420 = tpu.memref_slice %arg9[%add3A_319, %dma_wait3A_419] : memref<80x125xi32, #tpu.memory_space<vmem>> -> memref<1x125xi32, #tpu.memory_space<vmem>>
      %dma_wait3A_421 = tpu.memref_squeeze %dma_wait3A_420 : memref<1x125xi32, #tpu.memory_space<vmem>> -> memref<125xi32, #tpu.memory_space<vmem>>
      %dma_wait3A_422 = arith.constant 0 : i32
      %dma_wait3A_423 = arith.constant 0 : i32
      %dma_wait3A_424 = tpu.memref_slice %arg15[%dma_wait3A_422, %dma_wait3A_423] : memref<10000x16xf32, #tpu.memory_space<vmem_shared>> -> memref<10000x16xf32, #tpu.memory_space<vmem_shared>>
      tpu.wait_indirect_dma semaphore(%arg17 : memref<!tpu.dma_semaphore, #tpu.memory_space<semaphore_mem>>) src(%dma_wait3A_424 : memref<10000x16xf32, #tpu.memory_space<vmem_shared>>) dst(%dma_wait3A_418 : memref<125x16xf32, #tpu.memory_space<vmem>>)
      %dma_wait3A_425 = arith.constant 0 : i32
      %dma_wait3A_426 = tpu.memref_slice %arg10[%mul3A_337, %dma_wait3A_425] : memref<5000x16xf32, #tpu.memory_space<vmem>> -> memref<125x16xf32, #tpu.memory_space<vmem>>
      %dma_wait3A_427 = arith.constant 0 : i32
      %dma_wait3A_428 = tpu.memref_slice %arg9[%add3A_333, %dma_wait3A_427] : memref<80x125xi32, #tpu.memory_space<vmem>> -> memref<1x125xi32, #tpu.memory_space<vmem>>
      %dma_wait3A_429 = tpu.memref_squeeze %dma_wait3A_428 : memref<1x125xi32, #tpu.memory_space<vmem>> -> memref<125xi32, #tpu.memory_space<vmem>>
      %dma_wait3A_430 = arith.constant 0 : i32
      %dma_wait3A_431 = arith.constant 0 : i32
      %dma_wait3A_432 = tpu.memref_slice %arg15[%dma_wait3A_430, %dma_wait3A_431] : memref<10000x16xf32, #tpu.memory_space<vmem_shared>> -> memref<10000x16xf32, #tpu.memory_space<vmem_shared>>
      tpu.wait_indirect_dma semaphore(%arg17 : memref<!tpu.dma_semaphore, #tpu.memory_space<semaphore_mem>>) src(%dma_wait3A_432 : memref<10000x16xf32, #tpu.memory_space<vmem_shared>>) dst(%dma_wait3A_426 : memref<125x16xf32, #tpu.memory_space<vmem>>)
      %dma_wait3A_433 = arith.constant 0 : i32
      %dma_wait3A_434 = tpu.memref_slice %arg10[%mul3A_351, %dma_wait3A_433] : memref<5000x16xf32, #tpu.memory_space<vmem>> -> memref<125x16xf32, #tpu.memory_space<vmem>>
      %dma_wait3A_435 = arith.constant 0 : i32
      %dma_wait3A_436 = tpu.memref_slice %arg9[%add3A_347, %dma_wait3A_435] : memref<80x125xi32, #tpu.memory_space<vmem>> -> memref<1x125xi32, #tpu.memory_space<vmem>>
      %dma_wait3A_437 = tpu.memref_squeeze %dma_wait3A_436 : memref<1x125xi32, #tpu.memory_space<vmem>> -> memref<125xi32, #tpu.memory_space<vmem>>
      %dma_wait3A_438 = arith.constant 0 : i32
      %dma_wait3A_439 = arith.constant 0 : i32
      %dma_wait3A_440 = tpu.memref_slice %arg15[%dma_wait3A_438, %dma_wait3A_439] : memref<10000x16xf32, #tpu.memory_space<vmem_shared>> -> memref<10000x16xf32, #tpu.memory_space<vmem_shared>>
      tpu.wait_indirect_dma semaphore(%arg17 : memref<!tpu.dma_semaphore, #tpu.memory_space<semaphore_mem>>) src(%dma_wait3A_440 : memref<10000x16xf32, #tpu.memory_space<vmem_shared>>) dst(%dma_wait3A_434 : memref<125x16xf32, #tpu.memory_space<vmem>>)
      %dma_wait3A_441 = arith.constant 0 : i32
      %dma_wait3A_442 = tpu.memref_slice %arg10[%mul3A_365, %dma_wait3A_441] : memref<5000x16xf32, #tpu.memory_space<vmem>> -> memref<125x16xf32, #tpu.memory_space<vmem>>
      %dma_wait3A_443 = arith.constant 0 : i32
      %dma_wait3A_444 = tpu.memref_slice %arg9[%add3A_361, %dma_wait3A_443] : memref<80x125xi32, #tpu.memory_space<vmem>> -> memref<1x125xi32, #tpu.memory_space<vmem>>
      %dma_wait3A_445 = tpu.memref_squeeze %dma_wait3A_444 : memref<1x125xi32, #tpu.memory_space<vmem>> -> memref<125xi32, #tpu.memory_space<vmem>>
      %dma_wait3A_446 = arith.constant 0 : i32
      %dma_wait3A_447 = arith.constant 0 : i32
      %dma_wait3A_448 = tpu.memref_slice %arg15[%dma_wait3A_446, %dma_wait3A_447] : memref<10000x16xf32, #tpu.memory_space<vmem_shared>> -> memref<10000x16xf32, #tpu.memory_space<vmem_shared>>
      tpu.wait_indirect_dma semaphore(%arg17 : memref<!tpu.dma_semaphore, #tpu.memory_space<semaphore_mem>>) src(%dma_wait3A_448 : memref<10000x16xf32, #tpu.memory_space<vmem_shared>>) dst(%dma_wait3A_442 : memref<125x16xf32, #tpu.memory_space<vmem>>)
      %dma_wait3A_449 = arith.constant 0 : i32
      %dma_wait3A_450 = tpu.memref_slice %arg10[%mul3A_379, %dma_wait3A_449] : memref<5000x16xf32, #tpu.memory_space<vmem>> -> memref<125x16xf32, #tpu.memory_space<vmem>>
      %dma_wait3A_451 = arith.constant 0 : i32
      %dma_wait3A_452 = tpu.memref_slice %arg9[%add3A_375, %dma_wait3A_451] : memref<80x125xi32, #tpu.memory_space<vmem>> -> memref<1x125xi32, #tpu.memory_space<vmem>>
      %dma_wait3A_453 = tpu.memref_squeeze %dma_wait3A_452 : memref<1x125xi32, #tpu.memory_space<vmem>> -> memref<125xi32, #tpu.memory_space<vmem>>
      %dma_wait3A_454 = arith.constant 0 : i32
      %dma_wait3A_455 = arith.constant 0 : i32
      %dma_wait3A_456 = tpu.memref_slice %arg15[%dma_wait3A_454, %dma_wait3A_455] : memref<10000x16xf32, #tpu.memory_space<vmem_shared>> -> memref<10000x16xf32, #tpu.memory_space<vmem_shared>>
      tpu.wait_indirect_dma semaphore(%arg17 : memref<!tpu.dma_semaphore, #tpu.memory_space<semaphore_mem>>) src(%dma_wait3A_456 : memref<10000x16xf32, #tpu.memory_space<vmem_shared>>) dst(%dma_wait3A_450 : memref<125x16xf32, #tpu.memory_space<vmem>>)
      %dma_wait3A_457 = arith.constant 0 : i32
      %dma_wait3A_458 = tpu.memref_slice %arg10[%mul3A_393, %dma_wait3A_457] : memref<5000x16xf32, #tpu.memory_space<vmem>> -> memref<125x16xf32, #tpu.memory_space<vmem>>
      %dma_wait3A_459 = arith.constant 0 : i32
      %dma_wait3A_460 = tpu.memref_slice %arg9[%add3A_389, %dma_wait3A_459] : memref<80x125xi32, #tpu.memory_space<vmem>> -> memref<1x125xi32, #tpu.memory_space<vmem>>
      %dma_wait3A_461 = tpu.memref_squeeze %dma_wait3A_460 : memref<1x125xi32, #tpu.memory_space<vmem>> -> memref<125xi32, #tpu.memory_space<vmem>>
      %dma_wait3A_462 = arith.constant 0 : i32
      %dma_wait3A_463 = arith.constant 0 : i32
      %dma_wait3A_464 = tpu.memref_slice %arg15[%dma_wait3A_462, %dma_wait3A_463] : memref<10000x16xf32, #tpu.memory_space<vmem_shared>> -> memref<10000x16xf32, #tpu.memory_space<vmem_shared>>
      tpu.wait_indirect_dma semaphore(%arg17 : memref<!tpu.dma_semaphore, #tpu.memory_space<semaphore_mem>>) src(%dma_wait3A_464 : memref<10000x16xf32, #tpu.memory_space<vmem_shared>>) dst(%dma_wait3A_458 : memref<125x16xf32, #tpu.memory_space<vmem>>)
    }
    %scan3A_285 = arith.constant 5 : i32
    %mul3A_286 = arith.constant 5000 : i32
    %mul3A_287 = arith.muli %add3A, %mul3A_286 : i32
    "tpu.region"() ({
      %run_scoped3A_288 = tpu.sem_alloc : memref<!tpu.dma_semaphore, #tpu.memory_space<semaphore_mem>>
      %dma_start3A = arith.constant 0 : i32
      %dma_start3A_289 = tpu.memref_slice %arg8[%mul3A_287, %dma_start3A] : memref<160000x16xf32, #tpu.memory_space<hbm>> -> memref<5000x16xf32, #tpu.memory_space<hbm>>
      %dma_start3A_290 = arith.constant 0 : i32
      %dma_start3A_291 = tpu.memref_slice %arg8[%mul3A_287, %dma_start3A_290] : memref<160000x16xf32, #tpu.memory_space<hbm>> -> memref<5000x16xf32, #tpu.memory_space<hbm>>
      tpu.enqueue_dma source(%arg10 : memref<5000x16xf32, #tpu.memory_space<vmem>>) target(%dma_start3A_291 : memref<5000x16xf32, #tpu.memory_space<hbm>>) target_semaphore(%run_scoped3A_288 : memref<!tpu.dma_semaphore, #tpu.memory_space<semaphore_mem>>)
      %dma_wait3A = arith.constant 0 : i32
      %dma_wait3A_292 = tpu.memref_slice %arg8[%mul3A_287, %dma_wait3A] : memref<160000x16xf32, #tpu.memory_space<hbm>> -> memref<5000x16xf32, #tpu.memory_space<hbm>>
      %dma_wait3A_293 = arith.constant 0 : i32
      %dma_wait3A_294 = tpu.memref_slice %arg8[%mul3A_287, %dma_wait3A_293] : memref<160000x16xf32, #tpu.memory_space<hbm>> -> memref<5000x16xf32, #tpu.memory_space<hbm>>
      tpu.wait_dma2 semaphore(%run_scoped3A_288 : memref<!tpu.dma_semaphore, #tpu.memory_space<semaphore_mem>>) src(%arg10 : memref<5000x16xf32, #tpu.memory_space<vmem>>) dst(%dma_wait3A_294 : memref<5000x16xf32, #tpu.memory_space<hbm>>)
      tpu.yield
    }) : () -> ()
    return
  }
}

module attributes {stable_mosaic.version = 14 : i64} {
  func.func @body(%arg0: i32, %arg1: memref<2000x128xf32, #tpu.memory_space<vmem>>, %arg2: memref<2000x128xf32, #tpu.memory_space<vmem>>, %arg3: memref<2048x128xbf16, #tpu.memory_space<vmem>>, %arg4: memref<128x128xbf16, #tpu.memory_space<vmem>>, %arg5: memref<128x2048xbf16, #tpu.memory_space<vmem>>, %arg6: memref<128x2048xbf16, #tpu.memory_space<vmem>>, %arg7: memref<2000x128xf32, #tpu.memory_space<vmem>>) attributes {dimension_semantics = [#tpu.dimension_semantics<arbitrary>], iteration_bounds = array<i64: 10>, scalar_prefetch = 0 : i64, scratch_operands = 0 : i64, tpu.core_type = #tpu.core_type<tc>, window_params = [{transform_indices = @transform_0, window_bounds = array<i64: 2000, 128>}, {transform_indices = @transform_1, window_bounds = array<i64: 2000, 128>}, {pipeline_mode = #tpu.pipeline_mode<synchronous>, transform_indices = @transform_2, window_bounds = array<i64: 2048, 128>}, {pipeline_mode = #tpu.pipeline_mode<synchronous>, transform_indices = @transform_3, window_bounds = array<i64: 128, 128>}, {pipeline_mode = #tpu.pipeline_mode<synchronous>, transform_indices = @transform_4, window_bounds = array<i64: 128, 2048>}, {pipeline_mode = #tpu.pipeline_mode<synchronous>, transform_indices = @transform_5, window_bounds = array<i64: 128, 2048>}, {transform_indices = @transform_6, window_bounds = array<i64: 2000, 128>}]} {
    %get3A = arith.constant 0 : index
    %get3A_0 = arith.constant 0 : index
    %get3A_1 = vector.load %arg1[%get3A, %get3A_0] : memref<2000x128xf32, #tpu.memory_space<vmem>>, vector<2000x128xf32>
    %convert_element_type3A = arith.truncf %get3A_1 : vector<2000x128xf32> to vector<2000x128xbf16>
    %get3A_2 = arith.constant 0 : index
    %get3A_3 = arith.constant 0 : index
    %get3A_4 = vector.load %arg2[%get3A_2, %get3A_3] : memref<2000x128xf32, #tpu.memory_space<vmem>>, vector<2000x128xf32>
    %convert_element_type3A_5 = arith.truncf %get3A_4 : vector<2000x128xf32> to vector<2000x128xbf16>
    %get3A_6 = arith.constant 0 : index
    %get3A_7 = arith.constant 0 : index
    %get3A_8 = vector.load %arg5[%get3A_6, %get3A_7] : memref<128x2048xbf16, #tpu.memory_space<vmem>>, vector<128x2048xbf16>
    %dot_general3A = arith.constant dense<0.000000e+00> : vector<2000x2048xf32>
    %dot_general3A_9 = tpu.matmul %convert_element_type3A, %get3A_8, %dot_general3A {dimension_numbers = #tpu.dot_dimension_numbers<[1], [0], [0], [1], [0, 0, 1, 1], [], []>, transpose_lhs_hint = false} : vector<2000x128xbf16>, vector<128x2048xbf16>, vector<2000x2048xf32> -> vector<2000x2048xf32>
    %get3A_10 = arith.constant 0 : index
    %get3A_11 = arith.constant 0 : index
    %get3A_12 = vector.load %arg6[%get3A_10, %get3A_11] : memref<128x2048xbf16, #tpu.memory_space<vmem>>, vector<128x2048xbf16>
    %dot_general3A_13 = arith.constant dense<0.000000e+00> : vector<2000x2048xf32>
    %dot_general3A_14 = tpu.matmul %convert_element_type3A_5, %get3A_12, %dot_general3A_13 {dimension_numbers = #tpu.dot_dimension_numbers<[1], [0], [0], [1], [0, 0, 1, 1], [], []>, transpose_lhs_hint = false} : vector<2000x128xbf16>, vector<128x2048xbf16>, vector<2000x2048xf32> -> vector<2000x2048xf32>
    %mul3A = arith.mulf %dot_general3A_9, %dot_general3A_14 : vector<2000x2048xf32>
    %convert_element_type3A_15 = arith.truncf %mul3A : vector<2000x2048xf32> to vector<2000x2048xbf16>
    %get3A_16 = arith.constant 0 : index
    %get3A_17 = arith.constant 0 : index
    %get3A_18 = vector.load %arg3[%get3A_16, %get3A_17] : memref<2048x128xbf16, #tpu.memory_space<vmem>>, vector<2048x128xbf16>
    %dot_general3A_19 = arith.constant dense<0.000000e+00> : vector<2000x128xf32>
    %dot_general3A_20 = tpu.matmul %convert_element_type3A_15, %get3A_18, %dot_general3A_19 {dimension_numbers = #tpu.dot_dimension_numbers<[1], [0], [0], [1], [0, 0, 1, 1], [], []>, transpose_lhs_hint = false} : vector<2000x2048xbf16>, vector<2048x128xbf16>, vector<2000x128xf32> -> vector<2000x128xf32>
    %get3A_21 = arith.constant 0 : index
    %get3A_22 = arith.constant 0 : index
    %get3A_23 = vector.load %arg4[%get3A_21, %get3A_22] : memref<128x128xbf16, #tpu.memory_space<vmem>>, vector<128x128xbf16>
    %dot_general3A_24 = arith.constant dense<0.000000e+00> : vector<2000x128xf32>
    %dot_general3A_25 = tpu.matmul %convert_element_type3A_5, %get3A_23, %dot_general3A_24 {dimension_numbers = #tpu.dot_dimension_numbers<[1], [0], [0], [1], [0, 0, 1, 1], [], []>, transpose_lhs_hint = false} : vector<2000x128xbf16>, vector<128x128xbf16>, vector<2000x128xf32> -> vector<2000x128xf32>
    %add3A = arith.addf %dot_general3A_20, %dot_general3A_25 : vector<2000x128xf32>
    %swap3A = arith.constant 0 : index
    %swap3A_26 = arith.constant 0 : index
    %swap3A_27 = vector.load %arg7[%swap3A, %swap3A_26] : memref<2000x128xf32, #tpu.memory_space<vmem>>, vector<2000x128xf32>
    tpu.vector_store %arg7[%swap3A, %swap3A_26], %add3A {strides = array<i32>} : memref<2000x128xf32, #tpu.memory_space<vmem>>, vector<2000x128xf32>,
    return
  }
  func.func @transform_0(%arg0: i32) -> (i32, i32) {
    %c0_i32 = arith.constant 0 : i32
    %c0_i32_0 = arith.constant 0 : i32
    return %arg0, %c0_i32 : i32, i32
  }
  func.func @transform_1(%arg0: i32) -> (i32, i32) {
    %c0_i32 = arith.constant 0 : i32
    %c0_i32_0 = arith.constant 0 : i32
    return %arg0, %c0_i32 : i32, i32
  }
  func.func @transform_2(%arg0: i32) -> (i32, i32) {
    %c0_i32 = arith.constant 0 : i32
    %c0_i32_0 = arith.constant 0 : i32
    %c0_i32_1 = arith.constant 0 : i32
    return %c0_i32, %c0_i32_0 : i32, i32
  }
  func.func @transform_3(%arg0: i32) -> (i32, i32) {
    %c0_i32 = arith.constant 0 : i32
    %c0_i32_0 = arith.constant 0 : i32
    %c0_i32_1 = arith.constant 0 : i32
    return %c0_i32, %c0_i32_0 : i32, i32
  }
  func.func @transform_4(%arg0: i32) -> (i32, i32) {
    %c0_i32 = arith.constant 0 : i32
    %c0_i32_0 = arith.constant 0 : i32
    %c0_i32_1 = arith.constant 0 : i32
    return %c0_i32, %c0_i32_0 : i32, i32
  }
  func.func @transform_5(%arg0: i32) -> (i32, i32) {
    %c0_i32 = arith.constant 0 : i32
    %c0_i32_0 = arith.constant 0 : i32
    %c0_i32_1 = arith.constant 0 : i32
    return %c0_i32, %c0_i32_0 : i32, i32
  }
  func.func @transform_6(%arg0: i32) -> (i32, i32) {
    %c0_i32 = arith.constant 0 : i32
    %c0_i32_0 = arith.constant 0 : i32
    return %arg0, %c0_i32 : i32, i32
  }
}

</mosaic_0001>

<sc_bundles>
// kernel: kernel.10.cloned.1.call-start
scs
__scs_entry_jumppad:
0x0: {  	(pc) =	sbr.rel $0x88, $3  }
0x1: {  	(tag) =	ssettag $0x0;
	lr =	simm.s32 $0x1  }
0x2: {  	[smem:$0x3F96] =	sst lr;
	_ =	strace $0xD0000000  }
0x3: {  	_ = 	snop  }
0x4: {  	_ = 	snop  }
0x5: {  	_ = 	snop  }
0x6: {  	_ = 	snop  }
0x7: {  	_ = 	snop  }
__scs_overlays_trampoline_lowered:
0x8: {  	[smem:$0x3FA5] =	sst s0  }
0x9: {  	[smem:$0x3FA6] =	sst s1  }
0xa: {  	[smem:$0x3FA7] =	sst s2  }
0xb: {  	[smem:$0x3FA8] =	sst s3  }
0xc: {  	[smem:$0x3FA9] =	sst s4  }
0xd: {  	[smem:$0x3FAA] =	sst s5  }
0xe: {  	[smem:$0x3FAB] =	sst s6  }
0xf: {  	[smem:$0x3FAC] =	sst s7  }
0x10: {  	[smem:$0x3FAD] =	sst s8  }
0x11: {  	[smem:$0x3FAE] =	sst s9;
	s0 =	simm.s32 @!p0 $0x0  }
0x12: {  	s1 =	sld [smem:$0x3F94];
	s0 =	simm.s32 @p0 $0x1  }
0x13: {  	[smem:$0x3FAF] =	sst s0;
	s0 =	simm.s32 @!p1 $0x0  }
0x14: {  	s2 =	sld [smem:$0x3F93];
	s0 =	simm.s32 @p1 $0x1  }
0x15: {  	[smem:$0x3FB0] =	sst s0;
	s0 =	simm.s32 @!p2 $0x0  }
0x16: {  	s3 =	sld [smem:$0x3FDB];
	s0 =	simm.s32 @p2 $0x1  }
0x17: {  	s4 =	simm.s32 $0x1BF5;
	[smem:$0x3FB2] =	sst s0  }
0x18: {  	s0 =	sld [smem:$0x3F95];
	_ =	swait.ge [sflag:s4], $0x0  }
0x19: {  	s7 =	sld [smem:$0x3F96]  }
0x1a: {  	s8 =	sadd.s32 $0xFFFFE003, lr  }
0x1b: {  	s9 =	sadd.s32 $0xFFFFFEF7, lr;
	s5 =	simm.s32 $0xFFFFFFFF;
	p2 =	slt.u32 s8, $0xFFFFF086  }
0x1c: {  	p1 =	slt.u32 s9, $0xF7A;
	s5 =	simm.s32 @!p2 $0x0  }
0x1d: {  	s5 =	simm.s32 @p1 $0x1;
	p0 =	seq.s32 s7, s2  }
0x1e: {  	s7 =	smul.u32 @!p0 $0xF7A, s2;
	p2 =	seq.s32 @!p0 s5, $0x0  }
0x1f: {  	s9 =	smul.u32 $0xF7A, s1;
	s8 =	simm.s32 @!p0 $0x1BF5;
	p2 =	por !p2, p0  }
0x20: {  	[sflag:s8] =	ssyncset.s32 @!p0 $0xFFFFF086;
	s6 =	sadd.s32 @!p0 s3, s7;
	s7 =	simm.s32 @!p0 $0x108  }
0x21: {  	s3 =	sadd.s32 s3, s9;
	s6 =	sadd.s32 @!p0 $0x88, s6;
	s7 =	simm.s32 @p2 $0x1082  }
0x22: {  	[simem:s7], [sflag:s8] =	dma.local @!p0 [hbm:s6], $0xF7A  }
0x23: {  	s9 =	sor.u32 $0xD0000000, s2;
	s6 =	simm.s32 $0x108;
	_ =	swait.ge @!p0 [sflag:s8], $0x0  }
0x24: {  	s3 =	sadd.s32 $0x88, s3;
	s6 =	simm.s32 @!p1 $0x1082;
	[sflag:s4] =	ssyncset.s32 $0xFFFFF086  }
0x25: {  	[simem:s6], [sflag:s4] =	dma.local [hbm:s3], $0xF7A  }
0x26: {  	[smem:$0x3F96] =	sst s1;
	(tag) =	ssettag s2;
	_ =	strace s9  }
0x27: {  	s1 =	sld [smem:$0x3FA6]  }
0x28: {  	s2 =	sld [smem:$0x3FA7]  }
0x29: {  	s4 =	sld [smem:$0x3FA9]  }
0x2a: {  	p0 =	seq.s32 s5, $0x0;
	s5 =	sld [smem:$0x3FAA]  }
0x2b: {  	s6 =	sld [smem:$0x3FAB]  }
0x2c: {  	s7 =	sld [smem:$0x3FAC]  }
0x2d: {  	s3 =	simm.s32 $0x108;
	s8 =	sld [smem:$0x3FAD]  }
0x2e: {  	s3 =	simm.s32 @!p0 $0x1082;
	s9 =	sld [smem:$0x3FAE]  }
0x2f: {  	lr =	sadd.s32 s0, s3;
	s0 =	sld [smem:$0x3FA5]  }
0x30: {  	s3 =	sld [smem:$0x3FA8]  }
0x31: {  	[smem:$0x3FB1] =	sst s10  }
0x32: {  	s10 =	sld [smem:$0x3FAF];
	_ =	sdelay $0x3  }
0x33: {  	p0 =	seq.s32 s10, $0x1;
	s10 =	sld [smem:$0x3FB1];
	_ =	sdelay $0x3  }
0x34: {  	[smem:$0x3FB1] =	sst s10  }
0x35: {  	s10 =	sld [smem:$0x3FB0];
	_ =	sdelay $0x3  }
0x36: {  	p1 =	seq.s32 s10, $0x1;
	s10 =	sld [smem:$0x3FB1];
	_ =	sdelay $0x3  }
0x37: {  	[smem:$0x3FB1] =	sst s10  }
0x38: {  	s10 =	sld [smem:$0x3FB2]  }
0x39: {  	_ = 	snop;
	(pc) =	sbr.ind lr, $3  }
0x3a: {  	_ = 	snop  }
0x3b: {  	_ = 	snop  }
0x3c: {  	p2 =	seq.s32 s10, $0x1;
	s10 =	sld [smem:$0x3FB1]  }
0x3d: {  	_ =	shalt  }
0x3e: {  	_ =	shalt  }
0x3f: {  	_ =	shalt  }
0x40: {  	_ =	shalt  }
0x41: {  	_ =	shalt  }
0x42: {  	_ =	shalt  }
0x43: {  	_ =	shalt  }
0x44: {  	_ =	shalt  }
0x45: {  	_ =	shalt  }
0x46: {  	_ =	shalt  }
0x47: {  	_ =	shalt  }
0x48: {  	_ =	shalt  }
0x49: {  	_ =	shalt  }
0x4a: {  	_ =	shalt  }
0x4b: {  	_ =	shalt  }
0x4c: {  	_ =	shalt  }
0x4d: {  	_ =	shalt  }
0x4e: {  	_ =	shalt  }
0x4f: {  	_ =	shalt  }
0x50: {  	_ =	shalt  }
0x51: {  	_ =	shalt  }
0x52: {  	_ =	shalt  }
0x53: {  	_ =	shalt  }
0x54: {  	_ =	shalt  }
0x55: {  	_ =	shalt  }
0x56: {  	_ =	shalt  }
0x57: {  	_ =	shalt  }
0x58: {  	_ =	shalt  }
0x59: {  	_ =	shalt  }
0x5a: {  	_ =	shalt  }
0x5b: {  	_ =	shalt  }
0x5c: {  	_ =	shalt  }
0x5d: {  	_ =	shalt  }
0x5e: {  	_ =	shalt  }
0x5f: {  	_ =	shalt  }
0x60: {  	_ =	shalt  }
0x61: {  	_ =	shalt  }
0x62: {  	_ =	shalt  }
0x63: {  	_ =	shalt  }
0x64: {  	_ =	shalt  }
0x65: {  	_ =	shalt  }
0x66: {  	_ =	shalt  }
0x67: {  	_ =	shalt  }
0x68: {  	_ =	shalt  }
0x69: {  	_ =	shalt  }
0x6a: {  	_ =	shalt  }
0x6b: {  	_ =	shalt  }
0x6c: {  	_ =	shalt  }
0x6d: {  	_ =	shalt  }
0x6e: {  	_ =	shalt  }
0x6f: {  	_ =	shalt  }
0x70: {  	_ =	shalt  }
0x71: {  	_ =	shalt  }
0x72: {  	_ =	shalt  }
0x73: {  	_ =	shalt  }
0x74: {  	_ =	shalt  }
0x75: {  	_ =	shalt  }
0x76: {  	_ =	shalt  }
0x77: {  	_ =	shalt  }
0x78: {  	_ =	shalt  }
0x79: {  	_ =	shalt  }
0x7a: {  	_ =	shalt  }
0x7b: {  	_ =	shalt  }
0x7c: {  	_ =	shalt  }
0x7d: {  	_ =	shalt  }
0x7e: {  	_ =	shalt  }
0x7f: {  	_ =	shalt  }
0x80: {  	_ =	shalt  }
0x81: {  	_ =	shalt  }
0x82: {  	_ =	shalt  }
0x83: {  	_ =	shalt  }
0x84: {  	_ =	shalt  }
0x85: {  	_ =	shalt  }
0x86: {  	_ =	shalt  }
0x87: {  	_ =	shalt  }
.Lfunc_end0:
.L_simem_size_0:
called_computation.1_lowered:
.L_overlay_start_0:
0x88: {  	s2 =	sld [smem:$0x3FD9]  }
0x89: {  	s3 =	sld [smem:$0x3FFE];
	_ =	sdelay $0x1  }
0x8a: {  	s1 =	srdreg.scid  }
0x8b: {  	s0 =	sand.u32 $0x1, s1  }
0x8c: {  	s17 =	sshll.u32 s0, $0xA;
	s2 =	sadd.s32 s3, s2  }
0x8d: {  	s2 =	sadd.s32 s2, s17  }
0x8e: {  	[smem:$0x3FBD] =	sst s2  }
0x8f: {  	_ = 	snop  }
0x90: {  	s2 =	sld [smem:$0x3FC4]  }
0x91: {  	s18 =	sld [smem:$0x3FC3]  }
0x92: {  	s4 =	sld [smem:$0x3FC2];
	(tm) =	ssettm $0x1  }
0x93: {  	s5 =	sld [smem:$0x3FFB];
	_ =	sdelay $0x3  }
0x94: {  	_ =	strace s5  }
0x95: {  	s5 =	sld [smem:$0x3FFC];
	_ =	sdelay $0x3  }
0x96: {  	_ =	strace s5  }
0x97: {  	s5 =	sld [smem:$0x3FFD];
	_ =	sdelay $0x3  }
0x98: {  	_ =	strace s5  }
0x99: {  	_ =	strace $0x8FFFFFFF  }
0x9a: {  	s19 =	sld [smem:$0x3FDB];
	_ =	sdelay $0x1  }
0x9b: {  	s6 =	simm.s32 $_scs_section_size  }
0x9c: {  	s7 =	simm.s32 $_size__tile_overlayer_lowered;
	s8 =	simm.s32 $_tile_overlayer_lowered  }
0x9d: {  	s22 =	simm.s32 $0x1BFF;
	s21 =	sshll.u32 s8, $0x1;
	s5 =	sadd.s32 s6, s19  }
0x9e: {  	s9 =	simm.s32 $0x0;
	s20 =	sshll.u32 s7, $0x1;
	s7 =	sadd.s32 s21, s5  }
0x9f: {  	[timem:s9], [sflag:s22] =	dma.local [hbm:s7], s20  }
0xa0: {  	_ =	swait.ge [sflag:s22], s20  }
0xa1: {  	s6 =	ssub.s32 $0x0, s20;
	[sflag:s22] =	ssyncset.done $0x0  }
0xa2: {  	[sflag:s22] =	ssyncadd.s32 s6;
	_ =	sdelay $0x1  }
0xa3: {  	s23 =	simm.s32 $0x1B8B  }
0xa4: {  	_ =	swait.ge [sflag:s23], $0x1  }
0xa5: {  	[sflag:s23] =	ssyncset.done $0x0  }
0xa6: {  	s25 =	simm.s32 $0x1B8E;
	s24 =	sld [smem:$0x3FFE];
	[sflag:s23] =	ssyncadd.s32 $0xFFFFFFFF  }
0xa7: {  	s26 =	simm.s32 $execute0_lowered;
	[smem:$0x3FD2] =	sst s25  }
0xa8: {  	s7 =	sshll.u32 s26, $0x1;
	_ =	strace $0x80000049;
	[dreg:$0x1] =	wrdreg $0xFFFFFFFF  }
0xa9: {  	s28 =	simm.s32 $_size_execute0_lowered;
	s5 =	sadd.s32 s5, s7;
	[dreg:$0x0] =	wrdreg $0x0  }
0xaa: {  	s7 =	sshll.u32 s28, $0x1;
	[dreg:$0x2] =	wrdreg s5  }
0xab: {  	[dreg:$0x3] =	wrdreg s7  }
0xac: {  	[dreg:$0x4] =	wrdreg $0xC0  }
0xad: {  	_ =	task [dreg:s9], $0x5FFFF  }
0xae: {  	[dreg:$0x1] =	wrdreg $0xFFFFFFFF  }
0xaf: {  	[dreg:$0x0] =	wrdreg $0x60  }
0xb0: {  	[dreg:$0x2] =	wrdreg s24  }
0xb1: {  	[dreg:$0x3] =	wrdreg s2  }
0xb2: {  	[dreg:$0x4] =	wrdreg s18  }
0xb3: {  	[dreg:$0x5] =	wrdreg s4  }
0xb4: {  	[dreg:$0x6] =	wrdreg $0x189E00  }
0xb5: {  	[dreg:$0x7] =	wrdreg $0x1B0F00  }
0xb6: {  	[dreg:$0x8] =	wrdreg $0x9  }
0xb7: {  	_ =	task.clear_ibuf [dreg:s9], $0x9FFFF;
	_ =	strace $0x90000049  }
0xb8: {  	s29 =	simm.s32 $0x9;
	_ =	strace $0x8000004B  }
0xb9: {  	_ =	swait.ge [sflag:s29], $0x1  }
0xba: {  	[sflag:s29] =	ssyncadd.s32 $0xFFFFFFFF  }
0xbb: {  	_ =	strace $0x9000004B  }
0xbc: {  	_ =	sfence  }
0xbd: {  	s30 =	sld [smem:$0x0];
	_ =	sdelay $0x2  }
0xbe: {  	s31 =	sshll.u32 s1, $0xD;
	s1 =	sshrl.u32 s1, $0x2  }
0xbf: {  	s3 =	sand.u32 $0x4000, s31;
	s1 =	sadd.s32 s1, s30  }
0xc0: {  	s0 =	sor.u32 s3, s0;
	s1 =	sshll.u32 s1, $0x11  }
0xc1: {  	s0 =	sor.u32 s1, s0  }
0xc2: {  	s0 =	sadd.s32 $0x8F2B, s0  }
0xc3: {  	[sflag:s0] =	ssyncadd.remote.s32 $0x1  }
0xc4: {  	_ =	sfence.sel $0xFFFF  }
0xc5: {  	[dreg:$0x0] =	wrdreg $0xFFFFFFFF;
	(pc) =	sbr.abs _section_cstart, $3  }
0xc6: {  	[dreg:$0x1] =	wrdreg $0xFFFFFFFF  }
0xc7: {  	_ =	task.clear_ibuf [dreg:s9], $0x2FFFF;
	_ =	strace $0x9FFFFFFF  }
0xc8: {  	(tm) =	ssettm $0x7FFFFFFF  }
0xc9: {  	_ =	shalt  }
tec
execute0_lowered:
.L_overlay_start_1:
0x0: {  	(tag) =	ssettag $0x1  }
0x1: {  	s0 =	rddreg [dreg:$0x0]  }
0x2: {  	s4 =	rddreg [dreg:$0x4]  }
0x3: {  	s1 =	srdreg.scid;
	s10 =	stileid.u32  }
0x4: {  	s11 =	rddreg [dreg:$0x5];
	s5 =	simm.s32 $0x0;
	s3 =	smul.u32 $0x500, s10  }
0x5: {  	s17 =	simm.s32 $0x2;
	s18 =	simm.s32 $0x1;
	s7 =	smul.u32 $0x9C40, s10  }
0x6: {  	s1 =	sand.u32 $0x1, s1;
	[smem:$0x7FF] =	sst s5;
	s9 =	smul.u32 $0x27100, s10  }
0x7: {  	s6 =	sadd.s32 $0x7400, s0;
	s23 =	smul.u32 $0x4E20, s10;
	s26 =	sshll.u32 s10, $0x5  }
0x8: {  	s2 =	sshll.u32 s1, $0x4;
	_ =	strace $0x8000004A;
	s1 =	ssub.s32 $0x2, s1  }
0x9: {  	s29 =	sadd.s32 s26, s11;
	s2 =	sor.u32 s10, s2;
	s3 =	sadd.s32 s3, s0  }
0xa: {  	s8 =	sshrl.u32 s1, $0x1;
	s22 =	sshrl.u32 s7, $0x2;
	s24 =	sshrl.u32 s9, $0x3  }
0xb: {  	[dreg:$0xa] =	wrdreg s29;
	s10 =	simm.s32 $0x100;
	s21 =	smul.u32 $0x280, s2  }
0xc: {  	s2 =	smul.u32 $0x2710, s2;
	s3 =	sadd.s32 $0x55600, s3;
	s25 =	sadd.s32 s6, s24  }
0xd: {  	s1 =	ssub.s32 s1, s8;
	[dreg:$0x7] =	wrdreg s3;
	s28 =	sadd.s32 $0x2710, s25  }
0xe: {  	s31 =	smax.u32 s1, $0x1;
	s5 =	sadd.s32 s21, s0;
	[dreg:$0x9] =	wrdreg s28  }
0xf: {  	s0 =	sadd.s32 s2, s0;
	s2 =	sadd.s32 s6, s23;
	[dreg:$0xd] =	wrdreg s31  }
0x10: {  	s8 =	sadd.s32 s22, s4;
	[dreg:$0x8] =	wrdreg s2;
	s30 =	sadd.s32 $0x2400, s5  }
0x11: {  	s22 =	simm.s32 $0x7D;
	s0 =	sadd.s32 $0x5A600, s0;
	[dreg:$0xb] =	wrdreg s30  }
0x12: {  	v0 =	vimm.f32 $0.0e+00;
	s25 =	simm.s32 $0x16080;
	s3 =	simm.s32 $0x0;
	[dreg:$0xc] =	wrdreg s0  }
.LBB2_1:
0x13: {  	s9 =	simm.s32 $0x40;
	s14 =	simm.s32 $0x0  }
.LBB2_2:
0x14: {  	p0 =	sne.s32 s9, $0x9C00;
	[tilespmem:s14+$0x16080] =	vst v0;
	s14 =	smov.u32 s9;
	s9 =	sadd.s32 $0x40, s9  }
.Ltmp0:
0x15: {  	(pc) =	sbr.rel @p0 .LBB2_2-.Ltmp0, $2  }
0x16: {  	_ =	sdelay $0x2  }
0x17: {  	s14 =	sshra.s32 s14, $0x2  }
0x18: {  	[tilespmem:s14+$0x16080] =	vst v0  }
0x19: {  	[spmem:s8] =	stream.linear.scatter [tilespmem:s25], [sflag:$0x2], $0x2710, $0x38;
	[tilespmem:$0x1B110] =	vst v63  }
0x1a: {  	_ =	swait.ge [sflag:s17], $0x2710  }
0x1b: {  	[sflag:s17] =	ssyncset.done $0x0  }
0x1c: {  	[sflag:s17] =	ssyncadd.s32 $0xFFFFD8F0  }
0x1d: {  	s9 =	simm.s32 $0x0;
	s0 =	simm.s32 $0x189B0;
	s26 =	rddreg [dreg:$0x1]  }
0x1e: {  	[tilespmem:s0], [sflag:$0x2] =	stream.linear.gather [hbm4b:s26+s9], $0x10, $0x38;
	[tilespmem:$0x1B110] =	vst v63  }
0x1f: {  	_ =	swait.ge [sflag:s17], $0x10  }
0x20: {  	[sflag:s17] =	ssyncset.done $0x0  }
0x21: {  	[sflag:s17] =	ssyncadd.s32 $0xFFFFFFF0  }
0x22: {  	s1 =	simm.s32 $0x189C0;
	s0 =	rddreg [dreg:$0x2]  }
0x23: {  	[tilespmem:s1], [sflag:$0x2] =	stream.linear.gather [hbm4b:s0+s9], $0x10, $0x38;
	[tilespmem:$0x1B110] =	vst v63  }
0x24: {  	_ =	swait.ge [sflag:s17], $0x10  }
0x25: {  	[sflag:s17] =	ssyncset.done $0x0  }
0x26: {  	[sflag:s17] =	ssyncadd.s32 $0xFFFFFFF0  }
0x27: {  	s5 =	simm.s32 $0x189D0;
	s2 =	rddreg [dreg:$0x3]  }
0x28: {  	[tilespmem:s5], [sflag:$0x2] =	stream.linear.gather [hbm4b:s2+s9], $0x10, $0x38;
	[tilespmem:$0x1B110] =	vst v63  }
0x29: {  	_ =	swait.ge [sflag:s17], $0x10  }
0x2a: {  	[sflag:s17] =	ssyncset.done $0x0  }
0x2b: {  	s6 =	rddreg [dreg:$0x7];
	[sflag:s17] =	ssyncadd.s32 $0xFFFFFFF0  }
0x2c: {  	[tilespmem:s9], [sflag:$0x2] =	stream.linear.gather [hbm4b:s6+s9], $0x2800, $0x38;
	[tilespmem:$0x1B110] =	vst v63  }
0x2d: {  	_ =	swait.ge [sflag:s17], $0x2800  }
0x2e: {  	[sflag:s17] =	ssyncset.done $0x0  }
0x2f: {  	[sflag:s17] =	ssyncadd.s32 $0xFFFFD800  }
0x30: {  	[bflag:$0x0] =	sbarrier.arrive $0xFFFF  }
0x31: {  	s0 =	simm.s32 $0x2800;
	s7 =	rddreg [dreg:$0x8]  }
0x32: {  	[tilespmem:s0], [sflag:$0x2] =	stream.linear.gather [hbm4b:s7+s9], $0x13880, $0x38;
	[tilespmem:$0x1B110] =	vst v63  }
0x33: {  	_ =	swait.ge [sflag:s17], $0x13880  }
0x34: {  	[sflag:s17] =	ssyncset.done $0x0  }
0x35: {  	[sflag:s17] =	ssyncadd.s32 $0xFFFEC780  }
0x36: {  	[spmem:s4] =	stream.indirect.scatter.add.f32 [tilespmem:s0], [sflag:$0x1], $0x10, s9, s22, $0xb8;
	[tilespmem:$0x1B110] =	vst v63  }
0x37: {  	s30 =	simm.s32 $0x2FD0;
	s1 =	simm.s32 $0x80  }
0x38: {  	[spmem:s4] =	stream.indirect.scatter.add.f32 [tilespmem:s30], [sflag:$0x1], $0x10, s1, s22, $0xb8;
	[tilespmem:$0x1B110] =	vst v63  }
0x39: {  	s13 =	simm.s32 $0x37A0  }
0x3a: {  	[spmem:s4] =	stream.indirect.scatter.add.f32 [tilespmem:s13], [sflag:$0x1], $0x10, s10, s22, $0xb8;
	[tilespmem:$0x1B110] =	vst v63  }
0x3b: {  	s11 =	simm.s32 $0x180;
	s19 =	simm.s32 $0x3F70  }
0x3c: {  	[spmem:s4] =	stream.indirect.scatter.add.f32 [tilespmem:s19], [sflag:$0x1], $0x10, s11, s22, $0xb8;
	[tilespmem:$0x1B110] =	vst v63  }
0x3d: {  	s12 =	simm.s32 $0x200;
	s7 =	simm.s32 $0x4740  }
0x3e: {  	[spmem:s4] =	stream.indirect.scatter.add.f32 [tilespmem:s7], [sflag:$0x1], $0x10, s12, s22, $0xb8;
	[tilespmem:$0x1B110] =	vst v63  }
0x3f: {  	s14 =	simm.s32 $0x280;
	s16 =	simm.s32 $0x4F10  }
0x40: {  	[spmem:s4] =	stream.indirect.scatter.add.f32 [tilespmem:s16], [sflag:$0x1], $0x10, s14, s22, $0xb8;
	[tilespmem:$0x1B110] =	vst v63  }
0x41: {  	s15 =	simm.s32 $0x300;
	s24 =	simm.s32 $0x56E0  }
0x42: {  	[spmem:s4] =	stream.indirect.scatter.add.f32 [tilespmem:s24], [sflag:$0x1], $0x10, s15, s22, $0xb8;
	[tilespmem:$0x1B110] =	vst v63  }
0x43: {  	s20 =	simm.s32 $0x380;
	s26 =	simm.s32 $0x5EB0  }
0x44: {  	[spmem:s4] =	stream.indirect.scatter.add.f32 [tilespmem:s26], [sflag:$0x1], $0x10, s20, s22, $0xb8;
	[tilespmem:$0x1B110] =	vst v63  }
0x45: {  	_ =	swait.ge [sflag:s18], $0x7D0  }
0x46: {  	[sflag:s18] =	ssyncset.done $0x0  }
0x47: {  	[sflag:s18] =	ssyncadd.s32 $0xFFFFF830  }
0x48: {  	_ =	swait.ge [sflag:s18], $0x7D0  }
0x49: {  	[sflag:s18] =	ssyncset.done $0x0  }
0x4a: {  	[sflag:s18] =	ssyncadd.s32 $0xFFFFF830  }
0x4b: {  	_ =	swait.ge [sflag:s18], $0x7D0  }
0x4c: {  	[sflag:s18] =	ssyncset.done $0x0  }
0x4d: {  	[sflag:s18] =	ssyncadd.s32 $0xFFFFF830  }
0x4e: {  	_ =	swait.ge [sflag:s18], $0x7D0  }
0x4f: {  	[sflag:s18] =	ssyncset.done $0x0  }
0x50: {  	[sflag:s18] =	ssyncadd.s32 $0xFFFFF830  }
0x51: {  	_ =	swait.ge [sflag:s18], $0x7D0  }
0x52: {  	[sflag:s18] =	ssyncset.done $0x0  }
0x53: {  	[sflag:s18] =	ssyncadd.s32 $0xFFFFF830  }
0x54: {  	_ =	swait.ge [sflag:s18], $0x7D0  }
0x55: {  	[sflag:s18] =	ssyncset.done $0x0  }
0x56: {  	[sflag:s18] =	ssyncadd.s32 $0xFFFFF830  }
0x57: {  	_ =	swait.ge [sflag:s18], $0x7D0  }
0x58: {  	[sflag:s18] =	ssyncset.done $0x0  }
0x59: {  	[sflag:s18] =	ssyncadd.s32 $0xFFFFF830  }
0x5a: {  	_ =	swait.ge [sflag:s18], $0x7D0  }
0x5b: {  	[sflag:s18] =	ssyncset.done $0x0  }
0x5c: {  	s21 =	simm.s32 $0x400;
	s29 =	simm.s32 $0x6680;
	[sflag:s18] =	ssyncadd.s32 $0xFFFFF830  }
0x5d: {  	[spmem:s4] =	stream.indirect.scatter.add.f32 [tilespmem:s29], [sflag:$0x1], $0x10, s21, s22, $0xb8;
	[tilespmem:$0x1B110] =	vst v63  }
0x5e: {  	s23 =	simm.s32 $0x480;
	s31 =	simm.s32 $0x6E50  }
0x5f: {  	[spmem:s4] =	stream.indirect.scatter.add.f32 [tilespmem:s31], [sflag:$0x1], $0x10, s23, s22, $0xb8;
	[tilespmem:$0x1B110] =	vst v63  }
0x60: {  	s5 =	simm.s32 $0x7620;
	s1 =	simm.s32 $0x500  }
0x61: {  	[spmem:s4] =	stream.indirect.scatter.add.f32 [tilespmem:s5], [sflag:$0x1], $0x10, s1, s22, $0xb8;
	[tilespmem:$0x1B110] =	vst v63  }
0x62: {  	s2 =	simm.s32 $0x580;
	s6 =	simm.s32 $0x7DF0  }
0x63: {  	[spmem:s4] =	stream.indirect.scatter.add.f32 [tilespmem:s6], [sflag:$0x1], $0x10, s2, s22, $0xb8;
	[tilespmem:$0x1B110] =	vst v63  }
0x64: {  	s11 =	simm.s32 $0x600;
	s6 =	simm.s32 $0x85C0  }
0x65: {  	[spmem:s4] =	stream.indirect.scatter.add.f32 [tilespmem:s6], [sflag:$0x1], $0x10, s11, s22, $0xb8;
	[tilespmem:$0x1B110] =	vst v63  }
0x66: {  	s12 =	simm.s32 $0x680;
	s20 =	simm.s32 $0x8D90  }
0x67: {  	[spmem:s4] =	stream.indirect.scatter.add.f32 [tilespmem:s20], [sflag:$0x1], $0x10, s12, s22, $0xb8;
	[tilespmem:$0x1B110] =	vst v63  }
0x68: {  	s14 =	simm.s32 $0x700;
	s23 =	simm.s32 $0x9560  }
0x69: {  	[spmem:s4] =	stream.indirect.scatter.add.f32 [tilespmem:s23], [sflag:$0x1], $0x10, s14, s22, $0xb8;
	[tilespmem:$0x1B110] =	vst v63  }
0x6a: {  	s15 =	simm.s32 $0x780;
	s11 =	simm.s32 $0x9D30  }
0x6b: {  	[spmem:s4] =	stream.indirect.scatter.add.f32 [tilespmem:s11], [sflag:$0x1], $0x10, s15, s22, $0xb8;
	[tilespmem:$0x1B110] =	vst v63  }
0x6c: {  	_ =	swait.ge [sflag:s18], $0x7D0  }
0x6d: {  	[sflag:s18] =	ssyncset.done $0x0  }
0x6e: {  	[sflag:s18] =	ssyncadd.s32 $0xFFFFF830  }
0x6f: {  	_ =	swait.ge [sflag:s18], $0x7D0  }
0x70: {  	[sflag:s18] =	ssyncset.done $0x0  }
0x71: {  	[sflag:s18] =	ssyncadd.s32 $0xFFFFF830  }
0x72: {  	_ =	swait.ge [sflag:s18], $0x7D0  }
0x73: {  	[sflag:s18] =	ssyncset.done $0x0  }
0x74: {  	[sflag:s18] =	ssyncadd.s32 $0xFFFFF830  }
0x75: {  	_ =	swait.ge [sflag:s18], $0x7D0  }
0x76: {  	[sflag:s18] =	ssyncset.done $0x0  }
0x77: {  	[sflag:s18] =	ssyncadd.s32 $0xFFFFF830  }
0x78: {  	_ =	swait.ge [sflag:s18], $0x7D0  }
0x79: {  	[sflag:s18] =	ssyncset.done $0x0  }
0x7a: {  	[sflag:s18] =	ssyncadd.s32 $0xFFFFF830  }
0x7b: {  	_ =	swait.ge [sflag:s18], $0x7D0  }
0x7c: {  	[sflag:s18] =	ssyncset.done $0x0  }
0x7d: {  	[sflag:s18] =	ssyncadd.s32 $0xFFFFF830  }
0x7e: {  	_ =	swait.ge [sflag:s18], $0x7D0  }
0x7f: {  	[sflag:s18] =	ssyncset.done $0x0  }
0x80: {  	[sflag:s18] =	ssyncadd.s32 $0xFFFFF830  }
0x81: {  	_ =	swait.ge [sflag:s18], $0x7D0  }
0x82: {  	[sflag:s18] =	ssyncset.done $0x0  }
0x83: {  	s21 =	simm.s32 $0x800;
	s12 =	simm.s32 $0xA500;
	[sflag:s18] =	ssyncadd.s32 $0xFFFFF830  }
0x84: {  	[spmem:s4] =	stream.indirect.scatter.add.f32 [tilespmem:s12], [sflag:$0x1], $0x10, s21, s22, $0xb8;
	[tilespmem:$0x1B110] =	vst v63  }
0x85: {  	s28 =	simm.s32 $0xACD0;
	s1 =	simm.s32 $0x880  }
0x86: {  	[spmem:s4] =	stream.indirect.scatter.add.f32 [tilespmem:s28], [sflag:$0x1], $0x10, s1, s22, $0xb8;
	[tilespmem:$0x1B110] =	vst v63  }
0x87: {  	s2 =	simm.s32 $0x900;
	s15 =	simm.s32 $0xB4A0  }
0x88: {  	[spmem:s4] =	stream.indirect.scatter.add.f32 [tilespmem:s15], [sflag:$0x1], $0x10, s2, s22, $0xb8;
	[tilespmem:$0x1B110] =	vst v63  }
0x89: {  	s14 =	simm.s32 $0x980;
	s21 =	simm.s32 $0xBC70  }
0x8a: {  	[spmem:s4] =	stream.indirect.scatter.add.f32 [tilespmem:s21], [sflag:$0x1], $0x10, s14, s22, $0xb8;
	[tilespmem:$0x1B110] =	vst v63  }
0x8b: {  	s1 =	simm.s32 $0xA00;
	s2 =	simm.s32 $0xC440  }
0x8c: {  	[spmem:s4] =	stream.indirect.scatter.add.f32 [tilespmem:s2], [sflag:$0x1], $0x10, s1, s22, $0xb8;
	[tilespmem:$0x1B110] =	vst v63  }
0x8d: {  	s14 =	simm.s32 $0xA80;
	s21 =	simm.s32 $0xCC10  }
0x8e: {  	[spmem:s4] =	stream.indirect.scatter.add.f32 [tilespmem:s21], [sflag:$0x1], $0x10, s14, s22, $0xb8;
	[tilespmem:$0x1B110] =	vst v63  }
0x8f: {  	s1 =	simm.s32 $0xB00;
	s2 =	simm.s32 $0xD3E0  }
0x90: {  	[spmem:s4] =	stream.indirect.scatter.add.f32 [tilespmem:s2], [sflag:$0x1], $0x10, s1, s22, $0xb8;
	[tilespmem:$0x1B110] =	vst v63  }
0x91: {  	s14 =	simm.s32 $0xB80;
	s1 =	simm.s32 $0xDBB0  }
0x92: {  	[spmem:s4] =	stream.indirect.scatter.add.f32 [tilespmem:s1], [sflag:$0x1], $0x10, s14, s22, $0xb8;
	[tilespmem:$0x1B110] =	vst v63  }
0x93: {  	_ =	swait.ge [sflag:s18], $0x7D0  }
0x94: {  	[sflag:s18] =	ssyncset.done $0x0  }
0x95: {  	[sflag:s18] =	ssyncadd.s32 $0xFFFFF830  }
0x96: {  	_ =	swait.ge [sflag:s18], $0x7D0  }
0x97: {  	[sflag:s18] =	ssyncset.done $0x0  }
0x98: {  	[sflag:s18] =	ssyncadd.s32 $0xFFFFF830  }
0x99: {  	_ =	swait.ge [sflag:s18], $0x7D0  }
0x9a: {  	[sflag:s18] =	ssyncset.done $0x0  }
0x9b: {  	[sflag:s18] =	ssyncadd.s32 $0xFFFFF830  }
0x9c: {  	_ =	swait.ge [sflag:s18], $0x7D0  }
0x9d: {  	[sflag:s18] =	ssyncset.done $0x0  }
0x9e: {  	[sflag:s18] =	ssyncadd.s32 $0xFFFFF830  }
0x9f: {  	_ =	swait.ge [sflag:s18], $0x7D0  }
0xa0: {  	[sflag:s18] =	ssyncset.done $0x0  }
0xa1: {  	[sflag:s18] =	ssyncadd.s32 $0xFFFFF830  }
0xa2: {  	_ =	swait.ge [sflag:s18], $0x7D0  }
0xa3: {  	[sflag:s18] =	ssyncset.done $0x0  }
0xa4: {  	[sflag:s18] =	ssyncadd.s32 $0xFFFFF830  }
0xa5: {  	_ =	swait.ge [sflag:s18], $0x7D0  }
0xa6: {  	[sflag:s18] =	ssyncset.done $0x0  }
0xa7: {  	[sflag:s18] =	ssyncadd.s32 $0xFFFFF830  }
0xa8: {  	_ =	swait.ge [sflag:s18], $0x7D0  }
0xa9: {  	[sflag:s18] =	ssyncset.done $0x0  }
0xaa: {  	s10 =	simm.s32 $0xC00;
	s14 =	simm.s32 $0xE380;
	[sflag:s18] =	ssyncadd.s32 $0xFFFFF830  }
0xab: {  	[spmem:s4] =	stream.indirect.scatter.add.f32 [tilespmem:s14], [sflag:$0x1], $0x10, s10, s22, $0xb8;
	[tilespmem:$0x1B110] =	vst v63  }
0xac: {  	s10 =	simm.s32 $0xC80;
	s14 =	simm.s32 $0xEB50  }
0xad: {  	[spmem:s4] =	stream.indirect.scatter.add.f32 [tilespmem:s14], [sflag:$0x1], $0x10, s10, s22, $0xb8;
	[tilespmem:$0x1B110] =	vst v63  }
0xae: {  	s10 =	simm.s32 $0xD00;
	s14 =	simm.s32 $0xF320  }
0xaf: {  	[spmem:s4] =	stream.indirect.scatter.add.f32 [tilespmem:s14], [sflag:$0x1], $0x10, s10, s22, $0xb8;
	[tilespmem:$0x1B110] =	vst v63  }
0xb0: {  	s10 =	simm.s32 $0xD80;
	s14 =	simm.s32 $0xFAF0  }
0xb1: {  	[spmem:s4] =	stream.indirect.scatter.add.f32 [tilespmem:s14], [sflag:$0x1], $0x10, s10, s22, $0xb8;
	[tilespmem:$0x1B110] =	vst v63  }
0xb2: {  	s10 =	simm.s32 $0xE00;
	s14 =	simm.s32 $0x102C0  }
0xb3: {  	[spmem:s4] =	stream.indirect.scatter.add.f32 [tilespmem:s14], [sflag:$0x1], $0x10, s10, s22, $0xb8;
	[tilespmem:$0x1B110] =	vst v63  }
0xb4: {  	s10 =	simm.s32 $0xE80;
	s14 =	simm.s32 $0x10A90  }
0xb5: {  	[spmem:s4] =	stream.indirect.scatter.add.f32 [tilespmem:s14], [sflag:$0x1], $0x10, s10, s22, $0xb8;
	[tilespmem:$0x1B110] =	vst v63  }
0xb6: {  	s10 =	simm.s32 $0xF00;
	s14 =	simm.s32 $0x11260  }
0xb7: {  	[spmem:s4] =	stream.indirect.scatter.add.f32 [tilespmem:s14], [sflag:$0x1], $0x10, s10, s22, $0xb8;
	[tilespmem:$0x1B110] =	vst v63  }
0xb8: {  	s10 =	simm.s32 $0xF80;
	s14 =	simm.s32 $0x11A30  }
0xb9: {  	[spmem:s4] =	stream.indirect.scatter.add.f32 [tilespmem:s14], [sflag:$0x1], $0x10, s10, s22, $0xb8;
	[tilespmem:$0x1B110] =	vst v63  }
0xba: {  	_ =	swait.ge [sflag:s18], $0x7D0  }
0xbb: {  	[sflag:s18] =	ssyncset.done $0x0  }
0xbc: {  	[sflag:s18] =	ssyncadd.s32 $0xFFFFF830  }
0xbd: {  	_ =	swait.ge [sflag:s18], $0x7D0  }
0xbe: {  	[sflag:s18] =	ssyncset.done $0x0  }
0xbf: {  	[sflag:s18] =	ssyncadd.s32 $0xFFFFF830  }
0xc0: {  	_ =	swait.ge [sflag:s18], $0x7D0  }
0xc1: {  	[sflag:s18] =	ssyncset.done $0x0  }
0xc2: {  	[sflag:s18] =	ssyncadd.s32 $0xFFFFF830  }
0xc3: {  	_ =	swait.ge [sflag:s18], $0x7D0  }
0xc4: {  	[sflag:s18] =	ssyncset.done $0x0  }
0xc5: {  	[sflag:s18] =	ssyncadd.s32 $0xFFFFF830  }
0xc6: {  	_ =	swait.ge [sflag:s18], $0x7D0  }
0xc7: {  	[sflag:s18] =	ssyncset.done $0x0  }
0xc8: {  	[sflag:s18] =	ssyncadd.s32 $0xFFFFF830  }
0xc9: {  	_ =	swait.ge [sflag:s18], $0x7D0  }
0xca: {  	[sflag:s18] =	ssyncset.done $0x0  }
0xcb: {  	[sflag:s18] =	ssyncadd.s32 $0xFFFFF830  }
0xcc: {  	_ =	swait.ge [sflag:s18], $0x7D0  }
0xcd: {  	[sflag:s18] =	ssyncset.done $0x0  }
0xce: {  	[sflag:s18] =	ssyncadd.s32 $0xFFFFF830  }
0xcf: {  	_ =	swait.ge [sflag:s18], $0x7D0  }
0xd0: {  	[sflag:s18] =	ssyncset.done $0x0  }
0xd1: {  	s10 =	simm.s32 $0x1000;
	s14 =	simm.s32 $0x12200;
	[sflag:s18] =	ssyncadd.s32 $0xFFFFF830  }
0xd2: {  	[spmem:s4] =	stream.indirect.scatter.add.f32 [tilespmem:s14], [sflag:$0x1], $0x10, s10, s22, $0xb8;
	[tilespmem:$0x1B110] =	vst v63  }
0xd3: {  	s10 =	simm.s32 $0x1080;
	s14 =	simm.s32 $0x129D0  }
0xd4: {  	[spmem:s4] =	stream.indirect.scatter.add.f32 [tilespmem:s14], [sflag:$0x1], $0x10, s10, s22, $0xb8;
	[tilespmem:$0x1B110] =	vst v63  }
0xd5: {  	s10 =	simm.s32 $0x1100;
	s14 =	simm.s32 $0x131A0  }
0xd6: {  	[spmem:s4] =	stream.indirect.scatter.add.f32 [tilespmem:s14], [sflag:$0x1], $0x10, s10, s22, $0xb8;
	[tilespmem:$0x1B110] =	vst v63  }
0xd7: {  	s10 =	simm.s32 $0x1180;
	s14 =	simm.s32 $0x13970  }
0xd8: {  	[spmem:s4] =	stream.indirect.scatter.add.f32 [tilespmem:s14], [sflag:$0x1], $0x10, s10, s22, $0xb8;
	[tilespmem:$0x1B110] =	vst v63  }
0xd9: {  	s10 =	simm.s32 $0x1200;
	s14 =	simm.s32 $0x14140  }
0xda: {  	[spmem:s4] =	stream.indirect.scatter.add.f32 [tilespmem:s14], [sflag:$0x1], $0x10, s10, s22, $0xb8;
	[tilespmem:$0x1B110] =	vst v63  }
0xdb: {  	s10 =	simm.s32 $0x1280;
	s14 =	simm.s32 $0x14910  }
0xdc: {  	[spmem:s4] =	stream.indirect.scatter.add.f32 [tilespmem:s14], [sflag:$0x1], $0x10, s10, s22, $0xb8;
	[tilespmem:$0x1B110] =	vst v63  }
0xdd: {  	s10 =	simm.s32 $0x1300;
	s14 =	simm.s32 $0x150E0  }
0xde: {  	[spmem:s4] =	stream.indirect.scatter.add.f32 [tilespmem:s14], [sflag:$0x1], $0x10, s10, s22, $0xb8;
	[tilespmem:$0x1B110] =	vst v63  }
0xdf: {  	s10 =	simm.s32 $0x1380;
	s14 =	simm.s32 $0x158B0  }
0xe0: {  	[spmem:s4] =	stream.indirect.scatter.add.f32 [tilespmem:s14], [sflag:$0x1], $0x10, s10, s22, $0xb8;
	[tilespmem:$0x1B110] =	vst v63  }
0xe1: {  	_ =	swait.ge [sflag:s18], $0x7D0  }
0xe2: {  	[sflag:s18] =	ssyncset.done $0x0  }
0xe3: {  	[sflag:s18] =	ssyncadd.s32 $0xFFFFF830  }
0xe4: {  	_ =	swait.ge [sflag:s18], $0x7D0  }
0xe5: {  	[sflag:s18] =	ssyncset.done $0x0  }
0xe6: {  	[sflag:s18] =	ssyncadd.s32 $0xFFFFF830  }
0xe7: {  	_ =	swait.ge [sflag:s18], $0x7D0  }
0xe8: {  	[sflag:s18] =	ssyncset.done $0x0  }
0xe9: {  	[sflag:s18] =	ssyncadd.s32 $0xFFFFF830  }
0xea: {  	_ =	swait.ge [sflag:s18], $0x7D0  }
0xeb: {  	[sflag:s18] =	ssyncset.done $0x0  }
0xec: {  	[sflag:s18] =	ssyncadd.s32 $0xFFFFF830  }
0xed: {  	_ =	swait.ge [sflag:s18], $0x7D0  }
0xee: {  	[sflag:s18] =	ssyncset.done $0x0  }
0xef: {  	[sflag:s18] =	ssyncadd.s32 $0xFFFFF830  }
0xf0: {  	_ =	swait.ge [sflag:s18], $0x7D0  }
0xf1: {  	[sflag:s18] =	ssyncset.done $0x0  }
0xf2: {  	[sflag:s18] =	ssyncadd.s32 $0xFFFFF830  }
0xf3: {  	_ =	swait.ge [sflag:s18], $0x7D0  }
0xf4: {  	[sflag:s18] =	ssyncset.done $0x0  }
0xf5: {  	[sflag:s18] =	ssyncadd.s32 $0xFFFFF830  }
0xf6: {  	_ =	swait.ge [sflag:s18], $0x7D0  }
0xf7: {  	[sflag:s18] =	ssyncset.done $0x0  }
0xf8: {  	s14 =	rddreg [dreg:$0x9];
	[sflag:s18] =	ssyncadd.s32 $0xFFFFF830  }
0xf9: {  	[tilespmem:s0], [sflag:$0x2] =	stream.linear.gather [hbm4b:s14+s9], $0x13880, $0x38;
	[tilespmem:$0x1B110] =	vst v63  }
0xfa: {  	_ =	swait.ge [sflag:s17], $0x13880  }
0xfb: {  	[sflag:s17] =	ssyncset.done $0x0  }
0xfc: {  	s14 =	simm.s32 $0x1400;
	[sflag:s17] =	ssyncadd.s32 $0xFFFEC780  }
0xfd: {  	[spmem:s4] =	stream.indirect.scatter.add.f32 [tilespmem:s0], [sflag:$0x1], $0x10, s14, s22, $0xb8;
	[tilespmem:$0x1B110] =	vst v63  }
0xfe: {  	s9 =	simm.s32 $0x1480  }
0xff: {  	[spmem:s4] =	stream.indirect.scatter.add.f32 [tilespmem:s30], [sflag:$0x1], $0x10, s9, s22, $0xb8;
	[tilespmem:$0x1B110] =	vst v63  }
0x100: {  	s14 =	simm.s32 $0x1500  }
0x101: {  	[spmem:s4] =	stream.indirect.scatter.add.f32 [tilespmem:s13], [sflag:$0x1], $0x10, s14, s22, $0xb8;
	[tilespmem:$0x1B110] =	vst v63  }
0x102: {  	s9 =	simm.s32 $0x1580  }
0x103: {  	[spmem:s4] =	stream.indirect.scatter.add.f32 [tilespmem:s19], [sflag:$0x1], $0x10, s9, s22, $0xb8;
	[tilespmem:$0x1B110] =	vst v63  }
0x104: {  	s14 =	simm.s32 $0x1600  }
0x105: {  	[spmem:s4] =	stream.indirect.scatter.add.f32 [tilespmem:s7], [sflag:$0x1], $0x10, s14, s22, $0xb8;
	[tilespmem:$0x1B110] =	vst v63  }
0x106: {  	s9 =	simm.s32 $0x1680  }
0x107: {  	[spmem:s4] =	stream.indirect.scatter.add.f32 [tilespmem:s16], [sflag:$0x1], $0x10, s9, s22, $0xb8;
	[tilespmem:$0x1B110] =	vst v63  }
0x108: {  	s14 =	simm.s32 $0x1700  }
0x109: {  	[spmem:s4] =	stream.indirect.scatter.add.f32 [tilespmem:s24], [sflag:$0x1], $0x10, s14, s22, $0xb8;
	[tilespmem:$0x1B110] =	vst v63  }
0x10a: {  	s9 =	simm.s32 $0x1780  }
0x10b: {  	[spmem:s4] =	stream.indirect.scatter.add.f32 [tilespmem:s26], [sflag:$0x1], $0x10, s9, s22, $0xb8;
	[tilespmem:$0x1B110] =	vst v63  }
0x10c: {  	_ =	swait.ge [sflag:s18], $0x7D0  }
0x10d: {  	[sflag:s18] =	ssyncset.done $0x0  }
0x10e: {  	[sflag:s18] =	ssyncadd.s32 $0xFFFFF830  }
0x10f: {  	_ =	swait.ge [sflag:s18], $0x7D0  }
0x110: {  	[sflag:s18] =	ssyncset.done $0x0  }
0x111: {  	[sflag:s18] =	ssyncadd.s32 $0xFFFFF830  }
0x112: {  	_ =	swait.ge [sflag:s18], $0x7D0  }
0x113: {  	[sflag:s18] =	ssyncset.done $0x0  }
0x114: {  	[sflag:s18] =	ssyncadd.s32 $0xFFFFF830  }
0x115: {  	_ =	swait.ge [sflag:s18], $0x7D0  }
0x116: {  	[sflag:s18] =	ssyncset.done $0x0  }
0x117: {  	[sflag:s18] =	ssyncadd.s32 $0xFFFFF830  }
0x118: {  	_ =	swait.ge [sflag:s18], $0x7D0  }
0x119: {  	[sflag:s18] =	ssyncset.done $0x0  }
0x11a: {  	[sflag:s18] =	ssyncadd.s32 $0xFFFFF830  }
0x11b: {  	_ =	swait.ge [sflag:s18], $0x7D0  }
0x11c: {  	[sflag:s18] =	ssyncset.done $0x0  }
0x11d: {  	[sflag:s18] =	ssyncadd.s32 $0xFFFFF830  }
0x11e: {  	_ =	swait.ge [sflag:s18], $0x7D0  }
0x11f: {  	[sflag:s18] =	ssyncset.done $0x0  }
0x120: {  	[sflag:s18] =	ssyncadd.s32 $0xFFFFF830  }
0x121: {  	_ =	swait.ge [sflag:s18], $0x7D0  }
0x122: {  	[sflag:s18] =	ssyncset.done $0x0  }
0x123: {  	s14 =	simm.s32 $0x1800;
	[sflag:s18] =	ssyncadd.s32 $0xFFFFF830  }
0x124: {  	[spmem:s4] =	stream.indirect.scatter.add.f32 [tilespmem:s29], [sflag:$0x1], $0x10, s14, s22, $0xb8;
	[tilespmem:$0x1B110] =	vst v63  }
0x125: {  	s9 =	simm.s32 $0x1880  }
0x126: {  	[spmem:s4] =	stream.indirect.scatter.add.f32 [tilespmem:s31], [sflag:$0x1], $0x10, s9, s22, $0xb8;
	[tilespmem:$0x1B110] =	vst v63  }
0x127: {  	s14 =	simm.s32 $0x1900  }
0x128: {  	[spmem:s4] =	stream.indirect.scatter.add.f32 [tilespmem:s5], [sflag:$0x1], $0x10, s14, s22, $0xb8;
	[tilespmem:$0x1B110] =	vst v63  }
0x129: {  	s9 =	simm.s32 $0x1980;
	s14 =	simm.s32 $0x7DF0  }
0x12a: {  	[spmem:s4] =	stream.indirect.scatter.add.f32 [tilespmem:s14], [sflag:$0x1], $0x10, s9, s22, $0xb8;
	[tilespmem:$0x1B110] =	vst v63  }
0x12b: {  	s5 =	simm.s32 $0x1A00  }
0x12c: {  	[spmem:s4] =	stream.indirect.scatter.add.f32 [tilespmem:s6], [sflag:$0x1], $0x10, s5, s22, $0xb8;
	[tilespmem:$0x1B110] =	vst v63  }
0x12d: {  	s9 =	simm.s32 $0x1A80  }
0x12e: {  	[spmem:s4] =	stream.indirect.scatter.add.f32 [tilespmem:s20], [sflag:$0x1], $0x10, s9, s22, $0xb8;
	[tilespmem:$0x1B110] =	vst v63  }
0x12f: {  	s14 =	simm.s32 $0x1B00  }
0x130: {  	[spmem:s4] =	stream.indirect.scatter.add.f32 [tilespmem:s23], [sflag:$0x1], $0x10, s14, s22, $0xb8;
	[tilespmem:$0x1B110] =	vst v63  }
0x131: {  	s5 =	simm.s32 $0x1B80  }
0x132: {  	[spmem:s4] =	stream.indirect.scatter.add.f32 [tilespmem:s11], [sflag:$0x1], $0x10, s5, s22, $0xb8;
	[tilespmem:$0x1B110] =	vst v63  }
0x133: {  	_ =	swait.ge [sflag:s18], $0x7D0  }
0x134: {  	[sflag:s18] =	ssyncset.done $0x0  }
0x135: {  	[sflag:s18] =	ssyncadd.s32 $0xFFFFF830  }
0x136: {  	_ =	swait.ge [sflag:s18], $0x7D0  }
0x137: {  	[sflag:s18] =	ssyncset.done $0x0  }
0x138: {  	[sflag:s18] =	ssyncadd.s32 $0xFFFFF830  }
0x139: {  	_ =	swait.ge [sflag:s18], $0x7D0  }
0x13a: {  	[sflag:s18] =	ssyncset.done $0x0  }
0x13b: {  	[sflag:s18] =	ssyncadd.s32 $0xFFFFF830  }
0x13c: {  	_ =	swait.ge [sflag:s18], $0x7D0  }
0x13d: {  	[sflag:s18] =	ssyncset.done $0x0  }
0x13e: {  	[sflag:s18] =	ssyncadd.s32 $0xFFFFF830  }
0x13f: {  	_ =	swait.ge [sflag:s18], $0x7D0  }
0x140: {  	[sflag:s18] =	ssyncset.done $0x0  }
0x141: {  	[sflag:s18] =	ssyncadd.s32 $0xFFFFF830  }
0x142: {  	_ =	swait.ge [sflag:s18], $0x7D0  }
0x143: {  	[sflag:s18] =	ssyncset.done $0x0  }
0x144: {  	[sflag:s18] =	ssyncadd.s32 $0xFFFFF830  }
0x145: {  	_ =	swait.ge [sflag:s18], $0x7D0  }
0x146: {  	[sflag:s18] =	ssyncset.done $0x0  }
0x147: {  	[sflag:s18] =	ssyncadd.s32 $0xFFFFF830  }
0x148: {  	_ =	swait.ge [sflag:s18], $0x7D0  }
0x149: {  	[sflag:s18] =	ssyncset.done $0x0  }
0x14a: {  	s9 =	simm.s32 $0x1C00;
	[sflag:s18] =	ssyncadd.s32 $0xFFFFF830  }
0x14b: {  	[spmem:s4] =	stream.indirect.scatter.add.f32 [tilespmem:s12], [sflag:$0x1], $0x10, s9, s22, $0xb8;
	[tilespmem:$0x1B110] =	vst v63  }
0x14c: {  	s14 =	simm.s32 $0x1C80  }
0x14d: {  	[spmem:s4] =	stream.indirect.scatter.add.f32 [tilespmem:s28], [sflag:$0x1], $0x10, s14, s22, $0xb8;
	[tilespmem:$0x1B110] =	vst v63  }
0x14e: {  	s5 =	simm.s32 $0x1D00  }
0x14f: {  	[spmem:s4] =	stream.indirect.scatter.add.f32 [tilespmem:s15], [sflag:$0x1], $0x10, s5, s22, $0xb8;
	[tilespmem:$0x1B110] =	vst v63  }
0x150: {  	s9 =	simm.s32 $0x1D80;
	s14 =	simm.s32 $0xBC70  }
0x151: {  	[spmem:s4] =	stream.indirect.scatter.add.f32 [tilespmem:s14], [sflag:$0x1], $0x10, s9, s22, $0xb8;
	[tilespmem:$0x1B110] =	vst v63  }
0x152: {  	s9 =	simm.s32 $0x1E00;
	s14 =	simm.s32 $0xC440  }
0x153: {  	[spmem:s4] =	stream.indirect.scatter.add.f32 [tilespmem:s14], [sflag:$0x1], $0x10, s9, s22, $0xb8;
	[tilespmem:$0x1B110] =	vst v63  }
0x154: {  	s9 =	simm.s32 $0x1E80  }
0x155: {  	[spmem:s4] =	stream.indirect.scatter.add.f32 [tilespmem:s21], [sflag:$0x1], $0x10, s9, s22, $0xb8;
	[tilespmem:$0x1B110] =	vst v63  }
0x156: {  	s14 =	simm.s32 $0x1F00  }
0x157: {  	[spmem:s4] =	stream.indirect.scatter.add.f32 [tilespmem:s2], [sflag:$0x1], $0x10, s14, s22, $0xb8;
	[tilespmem:$0x1B110] =	vst v63  }
0x158: {  	s21 =	simm.s32 $0x1F80  }
0x159: {  	[spmem:s4] =	stream.indirect.scatter.add.f32 [tilespmem:s1], [sflag:$0x1], $0x10, s21, s22, $0xb8;
	[tilespmem:$0x1B110] =	vst v63  }
0x15a: {  	_ =	swait.ge [sflag:s18], $0x7D0  }
0x15b: {  	[sflag:s18] =	ssyncset.done $0x0  }
0x15c: {  	[sflag:s18] =	ssyncadd.s32 $0xFFFFF830  }
0x15d: {  	_ =	swait.ge [sflag:s18], $0x7D0  }
0x15e: {  	[sflag:s18] =	ssyncset.done $0x0  }
0x15f: {  	[sflag:s18] =	ssyncadd.s32 $0xFFFFF830  }
0x160: {  	_ =	swait.ge [sflag:s18], $0x7D0  }
0x161: {  	[sflag:s18] =	ssyncset.done $0x0  }
0x162: {  	[sflag:s18] =	ssyncadd.s32 $0xFFFFF830  }
0x163: {  	_ =	swait.ge [sflag:s18], $0x7D0  }
0x164: {  	[sflag:s18] =	ssyncset.done $0x0  }
0x165: {  	[sflag:s18] =	ssyncadd.s32 $0xFFFFF830  }
0x166: {  	_ =	swait.ge [sflag:s18], $0x7D0  }
0x167: {  	[sflag:s18] =	ssyncset.done $0x0  }
0x168: {  	[sflag:s18] =	ssyncadd.s32 $0xFFFFF830  }
0x169: {  	_ =	swait.ge [sflag:s18], $0x7D0  }
0x16a: {  	[sflag:s18] =	ssyncset.done $0x0  }
0x16b: {  	[sflag:s18] =	ssyncadd.s32 $0xFFFFF830  }
0x16c: {  	_ =	swait.ge [sflag:s18], $0x7D0  }
0x16d: {  	[sflag:s18] =	ssyncset.done $0x0  }
0x16e: {  	[sflag:s18] =	ssyncadd.s32 $0xFFFFF830  }
0x16f: {  	_ =	swait.ge [sflag:s18], $0x7D0  }
0x170: {  	[sflag:s18] =	ssyncset.done $0x0  }
0x171: {  	s9 =	simm.s32 $0xE380;
	s1 =	simm.s32 $0x2000;
	[sflag:s18] =	ssyncadd.s32 $0xFFFFF830  }
0x172: {  	[spmem:s4] =	stream.indirect.scatter.add.f32 [tilespmem:s9], [sflag:$0x1], $0x10, s1, s22, $0xb8;
	[tilespmem:$0x1B110] =	vst v63  }
0x173: {  	s14 =	simm.s32 $0x2080;
	s21 =	simm.s32 $0xEB50  }
0x174: {  	[spmem:s4] =	stream.indirect.scatter.add.f32 [tilespmem:s21], [sflag:$0x1], $0x10, s14, s22, $0xb8;
	[tilespmem:$0x1B110] =	vst v63  }
0x175: {  	s1 =	simm.s32 $0x2100;
	s9 =	simm.s32 $0xF320  }
0x176: {  	[spmem:s4] =	stream.indirect.scatter.add.f32 [tilespmem:s9], [sflag:$0x1], $0x10, s1, s22, $0xb8;
	[tilespmem:$0x1B110] =	vst v63  }
0x177: {  	s14 =	simm.s32 $0x2180;
	s21 =	simm.s32 $0xFAF0  }
0x178: {  	[spmem:s4] =	stream.indirect.scatter.add.f32 [tilespmem:s21], [sflag:$0x1], $0x10, s14, s22, $0xb8;
	[tilespmem:$0x1B110] =	vst v63  }
0x179: {  	s1 =	simm.s32 $0x2200;
	s9 =	simm.s32 $0x102C0  }
0x17a: {  	[spmem:s4] =	stream.indirect.scatter.add.f32 [tilespmem:s9], [sflag:$0x1], $0x10, s1, s22, $0xb8;
	[tilespmem:$0x1B110] =	vst v63  }
0x17b: {  	s14 =	simm.s32 $0x2280;
	s21 =	simm.s32 $0x10A90  }
0x17c: {  	[spmem:s4] =	stream.indirect.scatter.add.f32 [tilespmem:s21], [sflag:$0x1], $0x10, s14, s22, $0xb8;
	[tilespmem:$0x1B110] =	vst v63  }
0x17d: {  	s1 =	simm.s32 $0x2300;
	s9 =	simm.s32 $0x11260  }
0x17e: {  	[spmem:s4] =	stream.indirect.scatter.add.f32 [tilespmem:s9], [sflag:$0x1], $0x10, s1, s22, $0xb8;
	[tilespmem:$0x1B110] =	vst v63  }
0x17f: {  	s14 =	simm.s32 $0x2380;
	s21 =	simm.s32 $0x11A30  }
0x180: {  	[spmem:s4] =	stream.indirect.scatter.add.f32 [tilespmem:s21], [sflag:$0x1], $0x10, s14, s22, $0xb8;
	[tilespmem:$0x1B110] =	vst v63  }
0x181: {  	_ =	swait.ge [sflag:s18], $0x7D0  }
0x182: {  	[sflag:s18] =	ssyncset.done $0x0  }
0x183: {  	[sflag:s18] =	ssyncadd.s32 $0xFFFFF830  }
0x184: {  	_ =	swait.ge [sflag:s18], $0x7D0  }
0x185: {  	[sflag:s18] =	ssyncset.done $0x0  }
0x186: {  	[sflag:s18] =	ssyncadd.s32 $0xFFFFF830  }
0x187: {  	_ =	swait.ge [sflag:s18], $0x7D0  }
0x188: {  	[sflag:s18] =	ssyncset.done $0x0  }
0x189: {  	[sflag:s18] =	ssyncadd.s32 $0xFFFFF830  }
0x18a: {  	_ =	swait.ge [sflag:s18], $0x7D0  }
0x18b: {  	[sflag:s18] =	ssyncset.done $0x0  }
0x18c: {  	[sflag:s18] =	ssyncadd.s32 $0xFFFFF830  }
0x18d: {  	_ =	swait.ge [sflag:s18], $0x7D0  }
0x18e: {  	[sflag:s18] =	ssyncset.done $0x0  }
0x18f: {  	[sflag:s18] =	ssyncadd.s32 $0xFFFFF830  }
0x190: {  	_ =	swait.ge [sflag:s18], $0x7D0  }
0x191: {  	[sflag:s18] =	ssyncset.done $0x0  }
0x192: {  	[sflag:s18] =	ssyncadd.s32 $0xFFFFF830  }
0x193: {  	_ =	swait.ge [sflag:s18], $0x7D0  }
0x194: {  	[sflag:s18] =	ssyncset.done $0x0  }
0x195: {  	[sflag:s18] =	ssyncadd.s32 $0xFFFFF830  }
0x196: {  	_ =	swait.ge [sflag:s18], $0x7D0  }
0x197: {  	[sflag:s18] =	ssyncset.done $0x0  }
0x198: {  	s1 =	simm.s32 $0x2400;
	s9 =	simm.s32 $0x12200;
	[sflag:s18] =	ssyncadd.s32 $0xFFFFF830  }
0x199: {  	[spmem:s4] =	stream.indirect.scatter.add.f32 [tilespmem:s9], [sflag:$0x1], $0x10, s1, s22, $0xb8;
	[tilespmem:$0x1B110] =	vst v63  }
0x19a: {  	s14 =	simm.s32 $0x2480;
	s21 =	simm.s32 $0x129D0  }
0x19b: {  	[spmem:s4] =	stream.indirect.scatter.add.f32 [tilespmem:s21], [sflag:$0x1], $0x10, s14, s22, $0xb8;
	[tilespmem:$0x1B110] =	vst v63  }
0x19c: {  	s1 =	simm.s32 $0x2500;
	s9 =	simm.s32 $0x131A0  }
0x19d: {  	[spmem:s4] =	stream.indirect.scatter.add.f32 [tilespmem:s9], [sflag:$0x1], $0x10, s1, s22, $0xb8;
	[tilespmem:$0x1B110] =	vst v63  }
0x19e: {  	s14 =	simm.s32 $0x2580;
	s21 =	simm.s32 $0x13970  }
0x19f: {  	[spmem:s4] =	stream.indirect.scatter.add.f32 [tilespmem:s21], [sflag:$0x1], $0x10, s14, s22, $0xb8;
	[tilespmem:$0x1B110] =	vst v63  }
0x1a0: {  	s1 =	simm.s32 $0x2600;
	s9 =	simm.s32 $0x14140  }
0x1a1: {  	[spmem:s4] =	stream.indirect.scatter.add.f32 [tilespmem:s9], [sflag:$0x1], $0x10, s1, s22, $0xb8;
	[tilespmem:$0x1B110] =	vst v63  }
0x1a2: {  	s14 =	simm.s32 $0x2680;
	s21 =	simm.s32 $0x14910  }
0x1a3: {  	[spmem:s4] =	stream.indirect.scatter.add.f32 [tilespmem:s21], [sflag:$0x1], $0x10, s14, s22, $0xb8;
	[tilespmem:$0x1B110] =	vst v63  }
0x1a4: {  	s9 =	simm.s32 $0x2700;
	s14 =	simm.s32 $0x150E0  }
0x1a5: {  	[spmem:s4] =	stream.indirect.scatter.add.f32 [tilespmem:s14], [sflag:$0x1], $0x10, s9, s22, $0xb8;
	[tilespmem:$0x1B110] =	vst v63  }
0x1a6: {  	s10 =	simm.s32 $0x158B0;
	s21 =	simm.s32 $0x2780  }
0x1a7: {  	[spmem:s4] =	stream.indirect.scatter.add.f32 [tilespmem:s10], [sflag:$0x1], $0x10, s21, s22, $0xb8;
	[tilespmem:$0x1B110] =	vst v63  }
0x1a8: {  	_ =	swait.ge [sflag:s18], $0x7D0  }
0x1a9: {  	[sflag:s18] =	ssyncset.done $0x0  }
0x1aa: {  	[sflag:s18] =	ssyncadd.s32 $0xFFFFF830  }
0x1ab: {  	_ =	swait.ge [sflag:s18], $0x7D0  }
0x1ac: {  	[sflag:s18] =	ssyncset.done $0x0  }
0x1ad: {  	[sflag:s18] =	ssyncadd.s32 $0xFFFFF830  }
0x1ae: {  	_ =	swait.ge [sflag:s18], $0x7D0  }
0x1af: {  	[sflag:s18] =	ssyncset.done $0x0  }
0x1b0: {  	[sflag:s18] =	ssyncadd.s32 $0xFFFFF830  }
0x1b1: {  	_ =	swait.ge [sflag:s18], $0x7D0  }
0x1b2: {  	[sflag:s18] =	ssyncset.done $0x0  }
0x1b3: {  	[sflag:s18] =	ssyncadd.s32 $0xFFFFF830  }
0x1b4: {  	_ =	swait.ge [sflag:s18], $0x7D0  }
0x1b5: {  	[sflag:s18] =	ssyncset.done $0x0  }
0x1b6: {  	[sflag:s18] =	ssyncadd.s32 $0xFFFFF830  }
0x1b7: {  	_ =	swait.ge [sflag:s18], $0x7D0  }
0x1b8: {  	[sflag:s18] =	ssyncset.done $0x0  }
0x1b9: {  	[sflag:s18] =	ssyncadd.s32 $0xFFFFF830  }
0x1ba: {  	_ =	swait.ge [sflag:s18], $0x7D0  }
0x1bb: {  	[sflag:s18] =	ssyncset.done $0x0  }
0x1bc: {  	[sflag:s18] =	ssyncadd.s32 $0xFFFFF830  }
0x1bd: {  	_ =	swait.ge [sflag:s18], $0x7D0  }
0x1be: {  	[sflag:s18] =	ssyncset.done $0x0  }
0x1bf: {  	[sflag:s18] =	ssyncadd.s32 $0xFFFFF830  }
0x1c0: {  	[bflag:$0x0] =	sbarrier.arrive $0xFFFF  }
0x1c1: {  	[tilespmem:s25], [sflag:$0x2] =	stream.linear.gather [spmem:s8], $0x2710, $0x38;
	[tilespmem:$0x1B110] =	vst v63  }
0x1c2: {  	_ =	swait.ge [sflag:s17], $0x2710  }
0x1c3: {  	[sflag:s17] =	ssyncset.done $0x0  }
0x1c4: {  	[sflag:s17] =	ssyncadd.s32 $0xFFFFD8F0  }
0x1c5: {  	s9 =	simm.s32 $0x0;
	v3 =	vld [tilespmem:$0x189B0]  }
0x1c6: {  	s30 =	simm.s32 $0x37A0;
	s13 =	simm.s32 $0x3F70;
	v5 =	vld [tilespmem:s9+$0x16080]  }
0x1c7: {  	s19 =	simm.s32 $0x4740;
	s7 =	simm.s32 $0x4F10;
	s16 =	simm.s32 $0x56E0  }
0x1c8: {  	s24 =	simm.s32 $0x5EB0;
	s26 =	simm.s32 $0x6680;
	s29 =	simm.s32 $0x6E50  }
0x1c9: {  	s31 =	simm.s32 $0x7620;
	s6 =	simm.s32 $0x8D90;
	s20 =	simm.s32 $0x9560  }
0x1ca: {  	s23 =	simm.s32 $0x9D30;
	s11 =	simm.s32 $0xA500;
	s12 =	simm.s32 $0xACD0  }
0x1cb: {  	s28 =	simm.s32 $0xB4A0;
	s15 =	simm.s32 $0xBC70;
	s5 =	simm.s32 $0xD3E0;
	v1 =	vld [tilespmem:$0x189C0];
	v6 =	vadd.f32 v5, v3  }
0x1cc: {  	v4 =	vimm.f32 $0.0e+00;
	s2 =	simm.s32 $0xE380;
	s14 =	simm.s32 $0x80;
	s25 =	simm.s32 $0x40;
	v2 =	vld [tilespmem:$0x189D0];
	v5 =	vimm.f32 $0.0e+00  }
.LBB2_4:
0x1cd: {  	p0 =	sne.s32 s14, $0x9C00;
	v6 =	vmax.f32 v6, $0.0e+00  }
0x1ce: {  	[tilespmem:s9+$0x16080] =	vst v6;
	s9 =	sshra.s32 s25, $0x2;
	v4 =	vadd.f32 v6, v4;
	v6 =	vmul.f32 v6, v6;
	s25 =	smov.u32 s14  }
0x1cf: {  	v7 =	vld [tilespmem:s9+$0x16080]  }
0x1d0: {  	v5 =	vadd.f32 v6, v5  }
.Ltmp1:
0x1d1: {  	(pc) =	sbr.rel @p0 .LBB2_4-.Ltmp1, $3  }
0x1d2: {  	_ =	sdelay $0x1  }
0x1d3: {  	v6 =	vadd.f32 v7, v3  }
0x1d4: {  	s14 =	sadd.s32 $0x40, s14  }
0x1d5: {  	v6 =	vmax.f32 v6, $0.0e+00  }
0x1d6: {  	s14 =	sshra.s32 s25, $0x2;
	[tilespmem:s9+$0x16080] =	vst v6  }
0x1d7: {  	v7 =	vld [tilespmem:s14+$0x16080];
	_ =	sdelay $0x4  }
0x1d8: {  	v3 =	vadd.f32 v7, v3  }
0x1d9: {  	v31 =	vmul.f32 v6, v6  }
0x1da: {  	v4 =	vadd.f32 v6, v4;
	v3 =	vmax.f32 v3, $0.0e+00  }
0x1db: {  	v5 =	vadd.f32 v31, v5;
	v32 =	vmul.f32 v3, v3  }
0x1dc: {  	v4 =	vadd.f32 v3, v4  }
0x1dd: {  	[tilespmem:s14+$0x16080] =	vst v3;
	v3 =	vadd.f32 v32, v5  }
0x1de: {  	[tilespmem:$0x18790] =	vst v4  }
0x1df: {  	s0 =	simm.s32 $0x18790;
	s14 =	rddreg [dreg:$0xa];
	[tilespmem:$0x187A0] =	vst v3  }
0x1e0: {  	[spmem:s14] =	stream.linear.scatter [tilespmem:s0], [sflag:$0x2], $0x20, $0x38;
	[tilespmem:$0x1B110] =	vst v63  }
0x1e1: {  	_ =	swait.ge [sflag:s17], $0x20  }
0x1e2: {  	[sflag:s17] =	ssyncset.done $0x0  }
0x1e3: {  	[sflag:s17] =	ssyncadd.s32 $0xFFFFFFE0  }
0x1e4: {  	[bflag:$0x0] =	sbarrier.arrive $0xFFFF  }
0x1e5: {  	s25 =	simm.s32 $0x187B0;
	s21 =	rddreg [dreg:$0x5]  }
0x1e6: {  	[tilespmem:s25], [sflag:$0x2] =	stream.linear.gather [spmem:s21], $0x200, $0x38;
	[tilespmem:$0x1B110] =	vst v63  }
0x1e7: {  	_ =	swait.ge [sflag:s17], $0x200  }
0x1e8: {  	[sflag:s17] =	ssyncset.done $0x0  }
0x1e9: {  	[sflag:s17] =	ssyncadd.s32 $0xFFFFFE00  }
0x1ea: {  	v3 =	vld [tilespmem:$0x187B0]  }
0x1eb: {  	v33 =	vld [tilespmem:$0x187C0]  }
0x1ec: {  	v34 =	vld [tilespmem:$0x187D0]  }
0x1ed: {  	v35 =	vld [tilespmem:$0x187E0]  }
0x1ee: {  	v36 =	vld [tilespmem:$0x187F0]  }
0x1ef: {  	v8 =	vld [tilespmem:$0x18800];
	v3 =	vadd.f32 $0.0e+00, v3  }
0x1f0: {  	v9 =	vld [tilespmem:$0x18810]  }
0x1f1: {  	v37 =	vld [tilespmem:$0x18820];
	v4 =	vadd.f32 $0.0e+00, v33;
	v3 =	vadd.f32 v34, v3  }
0x1f2: {  	v10 =	vld [tilespmem:$0x18830]  }
0x1f3: {  	v38 =	vld [tilespmem:$0x18840];
	v4 =	vadd.f32 v35, v4;
	v3 =	vadd.f32 v36, v3  }
0x1f4: {  	v39 =	vld [tilespmem:$0x18850]  }
0x1f5: {  	v40 =	vld [tilespmem:$0x18860];
	v4 =	vadd.f32 v8, v4;
	v3 =	vadd.f32 v9, v3  }
0x1f6: {  	v41 =	vld [tilespmem:$0x18870]  }
0x1f7: {  	v42 =	vld [tilespmem:$0x18880];
	v4 =	vadd.f32 v37, v4;
	v3 =	vadd.f32 v10, v3  }
0x1f8: {  	v43 =	vld [tilespmem:$0x18890]  }
0x1f9: {  	v44 =	vld [tilespmem:$0x188A0];
	v4 =	vadd.f32 v38, v4;
	v3 =	vadd.f32 v39, v3  }
0x1fa: {  	v45 =	vld [tilespmem:$0x188B0]  }
0x1fb: {  	v46 =	vld [tilespmem:$0x188C0];
	v4 =	vadd.f32 v40, v4;
	v3 =	vadd.f32 v41, v3  }
0x1fc: {  	v47 =	vld [tilespmem:$0x188D0]  }
0x1fd: {  	v48 =	vld [tilespmem:$0x188E0];
	v4 =	vadd.f32 v42, v4;
	v3 =	vadd.f32 v43, v3  }
0x1fe: {  	v49 =	vld [tilespmem:$0x188F0]  }
0x1ff: {  	v50 =	vld [tilespmem:$0x18900];
	v4 =	vadd.f32 v44, v4;
	v3 =	vadd.f32 v45, v3  }
0x200: {  	v51 =	vld [tilespmem:$0x18910]  }
0x201: {  	v52 =	vld [tilespmem:$0x18920];
	v4 =	vadd.f32 v46, v4;
	v3 =	vadd.f32 v47, v3  }
0x202: {  	v53 =	vld [tilespmem:$0x18930]  }
0x203: {  	v54 =	vld [tilespmem:$0x18940];
	v4 =	vadd.f32 v48, v4;
	v3 =	vadd.f32 v49, v3  }
0x204: {  	v55 =	vld [tilespmem:$0x18950]  }
0x205: {  	v56 =	vld [tilespmem:$0x18960];
	v4 =	vadd.f32 v50, v4;
	v3 =	vadd.f32 v51, v3  }
0x206: {  	v57 =	vld [tilespmem:$0x18970]  }
0x207: {  	v58 =	vld [tilespmem:$0x18980];
	v4 =	vadd.f32 v52, v4;
	v3 =	vadd.f32 v53, v3  }
0x208: {  	v59 =	vld [tilespmem:$0x18990]  }
0x209: {  	v4 =	vadd.f32 v54, v4;
	v3 =	vadd.f32 v55, v3  }
0x20a: {  	v60 =	vld [tilespmem:$0x189A0]  }
0x20b: {  	v4 =	vadd.f32 v56, v4;
	v3 =	vadd.f32 v57, v3;
	_ =	sdelay $0x1  }
0x20c: {  	v4 =	vadd.f32 v58, v4;
	v3 =	vadd.f32 v59, v3;
	_ =	sdelay $0x1  }
0x20d: {  	v4 =	vadd.f32 v60, v4;
	v3 =	vmul.f32 $9.999999740e-05, v3;
	_ =	sdelay $0x1  }
0x20e: {  	v4 =	vmul.f32 $9.999999740e-05, v4;
	v61 =	vmul.f32 v3, v3;
	_ =	sdelay $0x1  }
0x20f: {  	v4 =	vsub.f32 v4, v61;
	_ =	sdelay $0x1  }
0x210: {  	v4 =	vadd.f32 $9.999999740e-06, v4;
	_ =	sdelay $0x1  }
0x211: {  	v62 =	vshra.s32 v4, $0x1;
	v4 =	vmul.f32 $5.000000000e-01, v4  }
0x212: {  	v5 =	vsub.s32 $0x5F3759DF, v62  }
0x213: {  	v63 =	vmul.f32 v5, v4;
	_ =	sdelay $0x1  }
0x214: {  	v6 =	vmul.f32 v5, v63;
	_ =	sdelay $0x1  }
0x215: {  	v6 =	vsub.f32 $1.500000000e+00, v6;
	_ =	sdelay $0x1  }
0x216: {  	v5 =	vmul.f32 v5, v6;
	_ =	sdelay $0x1  }
0x217: {  	v6 =	vmul.f32 v5, v4;
	_ =	sdelay $0x1  }
0x218: {  	v6 =	vmul.f32 v6, v5;
	_ =	sdelay $0x1  }
0x219: {  	v6 =	vsub.f32 $1.500000000e+00, v6;
	_ =	sdelay $0x1  }
0x21a: {  	v5 =	vmul.f32 v6, v5;
	_ =	sdelay $0x1  }
0x21b: {  	v4 =	vmul.f32 v5, v4;
	_ =	sdelay $0x1  }
0x21c: {  	v4 =	vmul.f32 v4, v5;
	_ =	sdelay $0x1  }
0x21d: {  	v4 =	vsub.f32 $1.500000000e+00, v4;
	_ =	sdelay $0x1  }
0x21e: {  	v4 =	vmul.f32 v4, v5;
	_ =	sdelay $0x1  }
0x21f: {  	v1 =	vmul.f32 v4, v1;
	_ =	sdelay $0x1  }
0x220: {  	v3 =	vmul.f32 v1, v3;
	_ =	sdelay $0x1  }
0x221: {  	s9 =	simm.s32 $0x0;
	s14 =	simm.s32 $0x40;
	v2 =	vsub.f32 v2, v3  }
.LBB2_6:
0x222: {  	p0 =	sne.s32 s14, $0x9C00;
	v3 =	vld [tilespmem:s9+$0x16080];
	_ =	sdelay $0x4  }
.Ltmp2:
0x223: {  	v3 =	vmul.f32 v3, v1;
	(pc) =	sbr.rel @p0 .LBB2_6-.Ltmp2, $3  }
0x224: {  	_ = 	snop  }
0x225: {  	v3 =	vadd.f32 v3, v2;
	_ =	sdelay $0x1  }
0x226: {  	[tilespmem:s9+$0x16080] =	vst v3;
	s9 =	sshra.s32 s14, $0x2;
	s14 =	sadd.s32 $0x40, s14  }
0x227: {  	v3 =	vld [tilespmem:s9+$0x16080];
	_ =	sdelay $0x4  }
0x228: {  	v1 =	vmul.f32 v3, v1;
	_ =	sdelay $0x1  }
0x229: {  	v1 =	vadd.f32 v1, v2;
	_ =	sdelay $0x1  }
0x22a: {  	s25 =	simm.s32 $0x16080;
	[tilespmem:s9+$0x16080] =	vst v1  }
0x22b: {  	[spmem:s8] =	stream.linear.scatter [tilespmem:s25], [sflag:$0x2], $0x2710, $0x38;
	[tilespmem:$0x1B110] =	vst v63  }
0x22c: {  	_ =	swait.ge [sflag:s17], $0x2710  }
0x22d: {  	[sflag:s17] =	ssyncset.done $0x0  }
0x22e: {  	[sflag:s17] =	ssyncadd.s32 $0xFFFFD8F0  }
0x22f: {  	[bflag:$0x0] =	sbarrier.arrive $0xFFFF  }
0x230: {  	s9 =	simm.s32 $0x0;
	s14 =	rddreg [dreg:$0xb]  }
0x231: {  	[tilespmem:s9], [sflag:$0x2] =	stream.linear.gather [hbm4b:s14+s9], $0x1400, $0x38;
	[tilespmem:$0x1B110] =	vst v63  }
0x232: {  	_ =	swait.ge [sflag:s17], $0x1400  }
0x233: {  	[sflag:s17] =	ssyncset.done $0x0  }
0x234: {  	s21 =	simm.s32 $0x2800;
	[sflag:s17] =	ssyncadd.s32 $0xFFFFEC00  }
0x235: {  	[tilespmem:s21], [sflag:$0x1] =	stream.indirect.gather [spmem:s4], $0x10, s9, s22, $0xb8;
	[tilespmem:$0x1B110] =	vst v63  }
0x236: {  	s0 =	simm.s32 $0x80;
	s1 =	simm.s32 $0x2FD0  }
0x237: {  	[tilespmem:s1], [sflag:$0x1] =	stream.indirect.gather [spmem:s4], $0x10, s0, s22, $0xb8;
	[tilespmem:$0x1B110] =	vst v63  }
0x238: {  	s10 =	simm.s32 $0x100  }
0x239: {  	[tilespmem:s30], [sflag:$0x1] =	stream.indirect.gather [spmem:s4], $0x10, s10, s22, $0xb8;
	[tilespmem:$0x1B110] =	vst v63  }
0x23a: {  	s30 =	simm.s32 $0x180  }
0x23b: {  	[tilespmem:s13], [sflag:$0x1] =	stream.indirect.gather [spmem:s4], $0x10, s30, s22, $0xb8;
	[tilespmem:$0x1B110] =	vst v63  }
0x23c: {  	s1 =	simm.s32 $0x200  }
0x23d: {  	[tilespmem:s19], [sflag:$0x1] =	stream.indirect.gather [spmem:s4], $0x10, s1, s22, $0xb8;
	[tilespmem:$0x1B110] =	vst v63  }
0x23e: {  	s13 =	simm.s32 $0x280  }
0x23f: {  	[tilespmem:s7], [sflag:$0x1] =	stream.indirect.gather [spmem:s4], $0x10, s13, s22, $0xb8;
	[tilespmem:$0x1B110] =	vst v63  }
0x240: {  	s14 =	simm.s32 $0x300  }
0x241: {  	[tilespmem:s16], [sflag:$0x1] =	stream.indirect.gather [spmem:s4], $0x10, s14, s22, $0xb8;
	[tilespmem:$0x1B110] =	vst v63  }
0x242: {  	s19 =	simm.s32 $0x380  }
0x243: {  	[tilespmem:s24], [sflag:$0x1] =	stream.indirect.gather [spmem:s4], $0x10, s19, s22, $0xb8;
	[tilespmem:$0x1B110] =	vst v63  }
0x244: {  	_ =	swait.ge [sflag:s18], $0x7D0  }
0x245: {  	[sflag:s18] =	ssyncset.done $0x0  }
0x246: {  	[sflag:s18] =	ssyncadd.s32 $0xFFFFF830  }
0x247: {  	_ =	swait.ge [sflag:s18], $0x7D0  }
0x248: {  	[sflag:s18] =	ssyncset.done $0x0  }
0x249: {  	[sflag:s18] =	ssyncadd.s32 $0xFFFFF830  }
0x24a: {  	_ =	swait.ge [sflag:s18], $0x7D0  }
0x24b: {  	[sflag:s18] =	ssyncset.done $0x0  }
0x24c: {  	[sflag:s18] =	ssyncadd.s32 $0xFFFFF830  }
0x24d: {  	_ =	swait.ge [sflag:s18], $0x7D0  }
0x24e: {  	[sflag:s18] =	ssyncset.done $0x0  }
0x24f: {  	[sflag:s18] =	ssyncadd.s32 $0xFFFFF830  }
0x250: {  	_ =	swait.ge [sflag:s18], $0x7D0  }
0x251: {  	[sflag:s18] =	ssyncset.done $0x0  }
0x252: {  	[sflag:s18] =	ssyncadd.s32 $0xFFFFF830  }
0x253: {  	_ =	swait.ge [sflag:s18], $0x7D0  }
0x254: {  	[sflag:s18] =	ssyncset.done $0x0  }
0x255: {  	[sflag:s18] =	ssyncadd.s32 $0xFFFFF830  }
0x256: {  	_ =	swait.ge [sflag:s18], $0x7D0  }
0x257: {  	[sflag:s18] =	ssyncset.done $0x0  }
0x258: {  	[sflag:s18] =	ssyncadd.s32 $0xFFFFF830  }
0x259: {  	_ =	swait.ge [sflag:s18], $0x7D0  }
0x25a: {  	[sflag:s18] =	ssyncset.done $0x0  }
0x25b: {  	s24 =	simm.s32 $0x400;
	[sflag:s18] =	ssyncadd.s32 $0xFFFFF830  }
0x25c: {  	[tilespmem:s26], [sflag:$0x1] =	stream.indirect.gather [spmem:s4], $0x10, s24, s22, $0xb8;
	[tilespmem:$0x1B110] =	vst v63  }
0x25d: {  	s26 =	simm.s32 $0x480  }
0x25e: {  	[tilespmem:s29], [sflag:$0x1] =	stream.indirect.gather [spmem:s4], $0x10, s26, s22, $0xb8;
	[tilespmem:$0x1B110] =	vst v63  }
0x25f: {  	s30 =	simm.s32 $0x500  }
0x260: {  	[tilespmem:s31], [sflag:$0x1] =	stream.indirect.gather [spmem:s4], $0x10, s30, s22, $0xb8;
	[tilespmem:$0x1B110] =	vst v63  }
0x261: {  	s1 =	simm.s32 $0x580;
	s7 =	simm.s32 $0x7DF0  }
0x262: {  	[tilespmem:s7], [sflag:$0x1] =	stream.indirect.gather [spmem:s4], $0x10, s1, s22, $0xb8;
	[tilespmem:$0x1B110] =	vst v63  }
0x263: {  	s13 =	simm.s32 $0x600;
	s14 =	simm.s32 $0x85C0  }
0x264: {  	[tilespmem:s14], [sflag:$0x1] =	stream.indirect.gather [spmem:s4], $0x10, s13, s22, $0xb8;
	[tilespmem:$0x1B110] =	vst v63  }
0x265: {  	s16 =	simm.s32 $0x680  }
0x266: {  	[tilespmem:s6], [sflag:$0x1] =	stream.indirect.gather [spmem:s4], $0x10, s16, s22, $0xb8;
	[tilespmem:$0x1B110] =	vst v63  }
0x267: {  	s19 =	simm.s32 $0x700  }
0x268: {  	[tilespmem:s20], [sflag:$0x1] =	stream.indirect.gather [spmem:s4], $0x10, s19, s22, $0xb8;
	[tilespmem:$0x1B110] =	vst v63  }
0x269: {  	s20 =	simm.s32 $0x780  }
0x26a: {  	[tilespmem:s23], [sflag:$0x1] =	stream.indirect.gather [spmem:s4], $0x10, s20, s22, $0xb8;
	[tilespmem:$0x1B110] =	vst v63  }
0x26b: {  	_ =	swait.ge [sflag:s18], $0x7D0  }
0x26c: {  	[sflag:s18] =	ssyncset.done $0x0  }
0x26d: {  	[sflag:s18] =	ssyncadd.s32 $0xFFFFF830  }
0x26e: {  	_ =	swait.ge [sflag:s18], $0x7D0  }
0x26f: {  	[sflag:s18] =	ssyncset.done $0x0  }
0x270: {  	[sflag:s18] =	ssyncadd.s32 $0xFFFFF830  }
0x271: {  	_ =	swait.ge [sflag:s18], $0x7D0  }
0x272: {  	[sflag:s18] =	ssyncset.done $0x0  }
0x273: {  	[sflag:s18] =	ssyncadd.s32 $0xFFFFF830  }
0x274: {  	_ =	swait.ge [sflag:s18], $0x7D0  }
0x275: {  	[sflag:s18] =	ssyncset.done $0x0  }
0x276: {  	[sflag:s18] =	ssyncadd.s32 $0xFFFFF830  }
0x277: {  	_ =	swait.ge [sflag:s18], $0x7D0  }
0x278: {  	[sflag:s18] =	ssyncset.done $0x0  }
0x279: {  	[sflag:s18] =	ssyncadd.s32 $0xFFFFF830  }
0x27a: {  	_ =	swait.ge [sflag:s18], $0x7D0  }
0x27b: {  	[sflag:s18] =	ssyncset.done $0x0  }
0x27c: {  	[sflag:s18] =	ssyncadd.s32 $0xFFFFF830  }
0x27d: {  	_ =	swait.ge [sflag:s18], $0x7D0  }
0x27e: {  	[sflag:s18] =	ssyncset.done $0x0  }
0x27f: {  	[sflag:s18] =	ssyncadd.s32 $0xFFFFF830  }
0x280: {  	_ =	swait.ge [sflag:s18], $0x7D0  }
0x281: {  	[sflag:s18] =	ssyncset.done $0x0  }
0x282: {  	s23 =	simm.s32 $0x800;
	[sflag:s18] =	ssyncadd.s32 $0xFFFFF830  }
0x283: {  	[tilespmem:s11], [sflag:$0x1] =	stream.indirect.gather [spmem:s4], $0x10, s23, s22, $0xb8;
	[tilespmem:$0x1B110] =	vst v63  }
0x284: {  	s24 =	simm.s32 $0x880  }
0x285: {  	[tilespmem:s12], [sflag:$0x1] =	stream.indirect.gather [spmem:s4], $0x10, s24, s22, $0xb8;
	[tilespmem:$0x1B110] =	vst v63  }
0x286: {  	s26 =	simm.s32 $0x900  }
0x287: {  	[tilespmem:s28], [sflag:$0x1] =	stream.indirect.gather [spmem:s4], $0x10, s26, s22, $0xb8;
	[tilespmem:$0x1B110] =	vst v63  }
0x288: {  	s29 =	simm.s32 $0x980  }
0x289: {  	[tilespmem:s15], [sflag:$0x1] =	stream.indirect.gather [spmem:s4], $0x10, s29, s22, $0xb8;
	[tilespmem:$0x1B110] =	vst v63  }
0x28a: {  	s30 =	simm.s32 $0xA00;
	s31 =	simm.s32 $0xC440  }
0x28b: {  	[tilespmem:s31], [sflag:$0x1] =	stream.indirect.gather [spmem:s4], $0x10, s30, s22, $0xb8;
	[tilespmem:$0x1B110] =	vst v63  }
0x28c: {  	s1 =	simm.s32 $0xA80;
	s6 =	simm.s32 $0xCC10  }
0x28d: {  	[tilespmem:s6], [sflag:$0x1] =	stream.indirect.gather [spmem:s4], $0x10, s1, s22, $0xb8;
	[tilespmem:$0x1B110] =	vst v63  }
0x28e: {  	s7 =	simm.s32 $0xB00  }
0x28f: {  	[tilespmem:s5], [sflag:$0x1] =	stream.indirect.gather [spmem:s4], $0x10, s7, s22, $0xb8;
	[tilespmem:$0x1B110] =	vst v63  }
0x290: {  	s11 =	simm.s32 $0xB80;
	s12 =	simm.s32 $0xDBB0  }
0x291: {  	[tilespmem:s12], [sflag:$0x1] =	stream.indirect.gather [spmem:s4], $0x10, s11, s22, $0xb8;
	[tilespmem:$0x1B110] =	vst v63  }
0x292: {  	_ =	swait.ge [sflag:s18], $0x7D0  }
0x293: {  	[sflag:s18] =	ssyncset.done $0x0  }
0x294: {  	[sflag:s18] =	ssyncadd.s32 $0xFFFFF830  }
0x295: {  	_ =	swait.ge [sflag:s18], $0x7D0  }
0x296: {  	[sflag:s18] =	ssyncset.done $0x0  }
0x297: {  	[sflag:s18] =	ssyncadd.s32 $0xFFFFF830  }
0x298: {  	_ =	swait.ge [sflag:s18], $0x7D0  }
0x299: {  	[sflag:s18] =	ssyncset.done $0x0  }
0x29a: {  	[sflag:s18] =	ssyncadd.s32 $0xFFFFF830  }
0x29b: {  	_ =	swait.ge [sflag:s18], $0x7D0  }
0x29c: {  	[sflag:s18] =	ssyncset.done $0x0  }
0x29d: {  	[sflag:s18] =	ssyncadd.s32 $0xFFFFF830  }
0x29e: {  	_ =	swait.ge [sflag:s18], $0x7D0  }
0x29f: {  	[sflag:s18] =	ssyncset.done $0x0  }
0x2a0: {  	[sflag:s18] =	ssyncadd.s32 $0xFFFFF830  }
0x2a1: {  	_ =	swait.ge [sflag:s18], $0x7D0  }
0x2a2: {  	[sflag:s18] =	ssyncset.done $0x0  }
0x2a3: {  	[sflag:s18] =	ssyncadd.s32 $0xFFFFF830  }
0x2a4: {  	_ =	swait.ge [sflag:s18], $0x7D0  }
0x2a5: {  	[sflag:s18] =	ssyncset.done $0x0  }
0x2a6: {  	[sflag:s18] =	ssyncadd.s32 $0xFFFFF830  }
0x2a7: {  	_ =	swait.ge [sflag:s18], $0x7D0  }
0x2a8: {  	[sflag:s18] =	ssyncset.done $0x0  }
0x2a9: {  	s13 =	simm.s32 $0xC00;
	[sflag:s18] =	ssyncadd.s32 $0xFFFFF830  }
0x2aa: {  	[tilespmem:s2], [sflag:$0x1] =	stream.indirect.gather [spmem:s4], $0x10, s13, s22, $0xb8;
	[tilespmem:$0x1B110] =	vst v63  }
0x2ab: {  	s14 =	simm.s32 $0xC80;
	s15 =	simm.s32 $0xEB50  }
0x2ac: {  	[tilespmem:s15], [sflag:$0x1] =	stream.indirect.gather [spmem:s4], $0x10, s14, s22, $0xb8;
	[tilespmem:$0x1B110] =	vst v63  }
0x2ad: {  	s16 =	simm.s32 $0xD00;
	s19 =	simm.s32 $0xF320  }
0x2ae: {  	[tilespmem:s19], [sflag:$0x1] =	stream.indirect.gather [spmem:s4], $0x10, s16, s22, $0xb8;
	[tilespmem:$0x1B110] =	vst v63  }
0x2af: {  	s20 =	simm.s32 $0xD80;
	s23 =	simm.s32 $0xFAF0  }
0x2b0: {  	[tilespmem:s23], [sflag:$0x1] =	stream.indirect.gather [spmem:s4], $0x10, s20, s22, $0xb8;
	[tilespmem:$0x1B110] =	vst v63  }
0x2b1: {  	s24 =	simm.s32 $0xE00;
	s26 =	simm.s32 $0x102C0  }
0x2b2: {  	[tilespmem:s26], [sflag:$0x1] =	stream.indirect.gather [spmem:s4], $0x10, s24, s22, $0xb8;
	[tilespmem:$0x1B110] =	vst v63  }
0x2b3: {  	s28 =	simm.s32 $0xE80;
	s29 =	simm.s32 $0x10A90  }
0x2b4: {  	[tilespmem:s29], [sflag:$0x1] =	stream.indirect.gather [spmem:s4], $0x10, s28, s22, $0xb8;
	[tilespmem:$0x1B110] =	vst v63  }
0x2b5: {  	s30 =	simm.s32 $0xF00;
	s31 =	simm.s32 $0x11260  }
0x2b6: {  	[tilespmem:s31], [sflag:$0x1] =	stream.indirect.gather [spmem:s4], $0x10, s30, s22, $0xb8;
	[tilespmem:$0x1B110] =	vst v63  }
0x2b7: {  	s1 =	simm.s32 $0xF80;
	s2 =	simm.s32 $0x11A30  }
0x2b8: {  	[tilespmem:s2], [sflag:$0x1] =	stream.indirect.gather [spmem:s4], $0x10, s1, s22, $0xb8;
	[tilespmem:$0x1B110] =	vst v63  }
0x2b9: {  	_ =	swait.ge [sflag:s18], $0x7D0  }
0x2ba: {  	[sflag:s18] =	ssyncset.done $0x0  }
0x2bb: {  	[sflag:s18] =	ssyncadd.s32 $0xFFFFF830  }
0x2bc: {  	_ =	swait.ge [sflag:s18], $0x7D0  }
0x2bd: {  	[sflag:s18] =	ssyncset.done $0x0  }
0x2be: {  	[sflag:s18] =	ssyncadd.s32 $0xFFFFF830  }
0x2bf: {  	_ =	swait.ge [sflag:s18], $0x7D0  }
0x2c0: {  	[sflag:s18] =	ssyncset.done $0x0  }
0x2c1: {  	[sflag:s18] =	ssyncadd.s32 $0xFFFFF830  }
0x2c2: {  	_ =	swait.ge [sflag:s18], $0x7D0  }
0x2c3: {  	[sflag:s18] =	ssyncset.done $0x0  }
0x2c4: {  	[sflag:s18] =	ssyncadd.s32 $0xFFFFF830  }
0x2c5: {  	_ =	swait.ge [sflag:s18], $0x7D0  }
0x2c6: {  	[sflag:s18] =	ssyncset.done $0x0  }
0x2c7: {  	[sflag:s18] =	ssyncadd.s32 $0xFFFFF830  }
0x2c8: {  	_ =	swait.ge [sflag:s18], $0x7D0  }
0x2c9: {  	[sflag:s18] =	ssyncset.done $0x0  }
0x2ca: {  	[sflag:s18] =	ssyncadd.s32 $0xFFFFF830  }
0x2cb: {  	_ =	swait.ge [sflag:s18], $0x7D0  }
0x2cc: {  	[sflag:s18] =	ssyncset.done $0x0  }
0x2cd: {  	[sflag:s18] =	ssyncadd.s32 $0xFFFFF830  }
0x2ce: {  	_ =	swait.ge [sflag:s18], $0x7D0  }
0x2cf: {  	[sflag:s18] =	ssyncset.done $0x0  }
0x2d0: {  	s6 =	simm.s32 $0x12200;
	s5 =	simm.s32 $0x1000;
	[sflag:s18] =	ssyncadd.s32 $0xFFFFF830  }
0x2d1: {  	[tilespmem:s6], [sflag:$0x1] =	stream.indirect.gather [spmem:s4], $0x10, s5, s22, $0xb8;
	[tilespmem:$0x1B110] =	vst v63  }
0x2d2: {  	s7 =	simm.s32 $0x1080;
	s11 =	simm.s32 $0x129D0  }
0x2d3: {  	[tilespmem:s11], [sflag:$0x1] =	stream.indirect.gather [spmem:s4], $0x10, s7, s22, $0xb8;
	[tilespmem:$0x1B110] =	vst v63  }
0x2d4: {  	s12 =	simm.s32 $0x1100;
	s13 =	simm.s32 $0x131A0  }
0x2d5: {  	[tilespmem:s13], [sflag:$0x1] =	stream.indirect.gather [spmem:s4], $0x10, s12, s22, $0xb8;
	[tilespmem:$0x1B110] =	vst v63  }
0x2d6: {  	s14 =	simm.s32 $0x1180;
	s15 =	simm.s32 $0x13970  }
0x2d7: {  	[tilespmem:s15], [sflag:$0x1] =	stream.indirect.gather [spmem:s4], $0x10, s14, s22, $0xb8;
	[tilespmem:$0x1B110] =	vst v63  }
0x2d8: {  	s16 =	simm.s32 $0x1200;
	s19 =	simm.s32 $0x14140  }
0x2d9: {  	[tilespmem:s19], [sflag:$0x1] =	stream.indirect.gather [spmem:s4], $0x10, s16, s22, $0xb8;
	[tilespmem:$0x1B110] =	vst v63  }
0x2da: {  	s20 =	simm.s32 $0x1280;
	s23 =	simm.s32 $0x14910  }
0x2db: {  	[tilespmem:s23], [sflag:$0x1] =	stream.indirect.gather [spmem:s4], $0x10, s20, s22, $0xb8;
	[tilespmem:$0x1B110] =	vst v63  }
0x2dc: {  	s24 =	simm.s32 $0x1300;
	s26 =	simm.s32 $0x150E0  }
0x2dd: {  	[tilespmem:s26], [sflag:$0x1] =	stream.indirect.gather [spmem:s4], $0x10, s24, s22, $0xb8;
	[tilespmem:$0x1B110] =	vst v63  }
0x2de: {  	s28 =	simm.s32 $0x1380;
	s29 =	simm.s32 $0x158B0  }
0x2df: {  	[tilespmem:s29], [sflag:$0x1] =	stream.indirect.gather [spmem:s4], $0x10, s28, s22, $0xb8;
	[tilespmem:$0x1B110] =	vst v63  }
0x2e0: {  	_ =	swait.ge [sflag:s18], $0x7D0  }
0x2e1: {  	[sflag:s18] =	ssyncset.done $0x0  }
0x2e2: {  	[sflag:s18] =	ssyncadd.s32 $0xFFFFF830  }
0x2e3: {  	_ =	swait.ge [sflag:s18], $0x7D0  }
0x2e4: {  	[sflag:s18] =	ssyncset.done $0x0  }
0x2e5: {  	[sflag:s18] =	ssyncadd.s32 $0xFFFFF830  }
0x2e6: {  	_ =	swait.ge [sflag:s18], $0x7D0  }
0x2e7: {  	[sflag:s18] =	ssyncset.done $0x0  }
0x2e8: {  	[sflag:s18] =	ssyncadd.s32 $0xFFFFF830  }
0x2e9: {  	_ =	swait.ge [sflag:s18], $0x7D0  }
0x2ea: {  	[sflag:s18] =	ssyncset.done $0x0  }
0x2eb: {  	[sflag:s18] =	ssyncadd.s32 $0xFFFFF830  }
0x2ec: {  	_ =	swait.ge [sflag:s18], $0x7D0  }
0x2ed: {  	[sflag:s18] =	ssyncset.done $0x0  }
0x2ee: {  	[sflag:s18] =	ssyncadd.s32 $0xFFFFF830  }
0x2ef: {  	_ =	swait.ge [sflag:s18], $0x7D0  }
0x2f0: {  	[sflag:s18] =	ssyncset.done $0x0  }
0x2f1: {  	[sflag:s18] =	ssyncadd.s32 $0xFFFFF830  }
0x2f2: {  	_ =	swait.ge [sflag:s18], $0x7D0  }
0x2f3: {  	[sflag:s18] =	ssyncset.done $0x0  }
0x2f4: {  	[sflag:s18] =	ssyncadd.s32 $0xFFFFF830  }
0x2f5: {  	_ =	swait.ge [sflag:s18], $0x7D0  }
0x2f6: {  	[sflag:s18] =	ssyncset.done $0x0  }
0x2f7: {  	s30 =	rddreg [dreg:$0xc];
	[sflag:s18] =	ssyncadd.s32 $0xFFFFF830  }
0x2f8: {  	[hbm4b:s30+s9] =	stream.linear.scatter [tilespmem:s21], [sflag:$0x2], $0x13880, $0x38;
	[tilespmem:$0x1B110] =	vst v63  }
0x2f9: {  	_ =	swait.ge [sflag:s17], $0x13880  }
0x2fa: {  	s3 =	sadd.s32 $0x1, s3;
	s31 =	rddreg [dreg:$0xd]  }
0x2fb: {  	p0 =	sne.s32 s3, s31  }
.Ltmp3:
0x2fc: {  	_ = 	snop;
	(pc) =	sbr.rel @p0 .LBB2_1-.Ltmp3, $3  }
0x2fd: {  	_ =	sdelay $0x1  }
0x2fe: {  	[sflag:s17] =	ssyncset.done $0x0  }
0x2ff: {  	[sflag:s17] =	ssyncadd.s32 $0xFFFEC780  }
0x300: {  	_ =	sfence.sel $0x180000  }
0x301: {  	[bflag:$0x0] =	sbarrier.arrive $0xFFFF  }
0x302: {  	_ =	strace $0x9000004A  }
0x303: {  	s0 =	stileid.u32;
	[bflag:$0x2] =	sbarrier.arrive $0xFFFF  }
0x304: {  	p0 =	sne.s32 s0, $0x0;
	s0 =	rddreg [dreg:$0x6]  }
0x305: {  	s0 =	sadd.s32 @!p0 $0x100000, s0  }
0x306: {  	[sflag:s0] =	ssyncadd.tile.s32 @!p0 $0x1;
	_ =	shalt  }
.Lfunc_end2:
_tile_overlayer_lowered:
.L_overlay_start_2:
0x307: {  	(tag) =	ssettag $0x2  }
0x308: {  	s0 =	rddreg [dreg:$0x0];
	s2 =	stileid.u32  }
0x309: {  	s1 =	rddreg [dreg:$0x1];
	p0 =	sne.s32 s2, $0x0  }
0x30a: {  	s3 =	rddreg [dreg:$0x2];
	[bflag:$0x3] =	sbarrier.arrive $0xFFFF;
	s2 =	simm.s32 @!p0 $0x1C02  }
0x30b: {  	[timem:s3], [sflag:s2] =	dma.local @!p0 [hbm:s0], s1  }
0x30c: {  	s0 =	simm.s32 @!p0 $0x2  }
0x30d: {  	_ =	swait.ge @!p0 [sflag:s0], s1  }
0x30e: {  	s1 =	ssub.s32 @!p0 $0x0, s1;
	[sflag:s0] =	ssyncset.done @!p0 $0x0  }
0x30f: {  	[sflag:s0] =	ssyncadd.s32 @!p0 s1  }
0x310: {  	[bflag:$0x3] =	sbarrier.arrive $0xFFFF  }
0x311: {  	_ =	shalt  }

// kernel: kernel.13.cloned.1.call-start
scs
__scs_entry_jumppad:
0x0: {  	(pc) =	sbr.rel $0x88, $3  }
0x1: {  	(tag) =	ssettag $0x0;
	lr =	simm.s32 $0x1  }
0x2: {  	[smem:$0x3F96] =	sst lr;
	_ =	strace $0xD0000000  }
0x3: {  	_ = 	snop  }
0x4: {  	_ = 	snop  }
0x5: {  	_ = 	snop  }
0x6: {  	_ = 	snop  }
0x7: {  	_ = 	snop  }
__scs_overlays_trampoline_lowered:
0x8: {  	[smem:$0x3FA5] =	sst s0  }
0x9: {  	[smem:$0x3FA6] =	sst s1  }
0xa: {  	[smem:$0x3FA7] =	sst s2  }
0xb: {  	[smem:$0x3FA8] =	sst s3  }
0xc: {  	[smem:$0x3FA9] =	sst s4  }
0xd: {  	[smem:$0x3FAA] =	sst s5  }
0xe: {  	[smem:$0x3FAB] =	sst s6  }
0xf: {  	[smem:$0x3FAC] =	sst s7  }
0x10: {  	[smem:$0x3FAD] =	sst s8  }
0x11: {  	[smem:$0x3FAE] =	sst s9;
	s0 =	simm.s32 @!p0 $0x0  }
0x12: {  	s1 =	sld [smem:$0x3F94];
	s0 =	simm.s32 @p0 $0x1  }
0x13: {  	[smem:$0x3FAF] =	sst s0;
	s0 =	simm.s32 @!p1 $0x0  }
0x14: {  	s2 =	sld [smem:$0x3F93];
	s0 =	simm.s32 @p1 $0x1  }
0x15: {  	[smem:$0x3FB0] =	sst s0;
	s0 =	simm.s32 @!p2 $0x0  }
0x16: {  	s3 =	sld [smem:$0x3FDB];
	s0 =	simm.s32 @p2 $0x1  }
0x17: {  	s4 =	simm.s32 $0x1BF5;
	[smem:$0x3FB2] =	sst s0  }
0x18: {  	s0 =	sld [smem:$0x3F95];
	_ =	swait.ge [sflag:s4], $0x0  }
0x19: {  	s7 =	sld [smem:$0x3F96]  }
0x1a: {  	s8 =	sadd.s32 $0xFFFFE003, lr  }
0x1b: {  	s9 =	sadd.s32 $0xFFFFFEF7, lr;
	s5 =	simm.s32 $0xFFFFFFFF;
	p2 =	slt.u32 s8, $0xFFFFF086  }
0x1c: {  	p1 =	slt.u32 s9, $0xF7A;
	s5 =	simm.s32 @!p2 $0x0  }
0x1d: {  	s5 =	simm.s32 @p1 $0x1;
	p0 =	seq.s32 s7, s2  }
0x1e: {  	s7 =	smul.u32 @!p0 $0xF7A, s2;
	p2 =	seq.s32 @!p0 s5, $0x0  }
0x1f: {  	s9 =	smul.u32 $0xF7A, s1;
	s8 =	simm.s32 @!p0 $0x1BF5;
	p2 =	por !p2, p0  }
0x20: {  	[sflag:s8] =	ssyncset.s32 @!p0 $0xFFFFF086;
	s6 =	sadd.s32 @!p0 s3, s7;
	s7 =	simm.s32 @!p0 $0x108  }
0x21: {  	s3 =	sadd.s32 s3, s9;
	s6 =	sadd.s32 @!p0 $0x88, s6;
	s7 =	simm.s32 @p2 $0x1082  }
0x22: {  	[simem:s7], [sflag:s8] =	dma.local @!p0 [hbm:s6], $0xF7A  }
0x23: {  	s9 =	sor.u32 $0xD0000000, s2;
	s6 =	simm.s32 $0x108;
	_ =	swait.ge @!p0 [sflag:s8], $0x0  }
0x24: {  	s3 =	sadd.s32 $0x88, s3;
	s6 =	simm.s32 @!p1 $0x1082;
	[sflag:s4] =	ssyncset.s32 $0xFFFFF086  }
0x25: {  	[simem:s6], [sflag:s4] =	dma.local [hbm:s3], $0xF7A  }
0x26: {  	[smem:$0x3F96] =	sst s1;
	(tag) =	ssettag s2;
	_ =	strace s9  }
0x27: {  	s1 =	sld [smem:$0x3FA6]  }
0x28: {  	s2 =	sld [smem:$0x3FA7]  }
0x29: {  	s4 =	sld [smem:$0x3FA9]  }
0x2a: {  	p0 =	seq.s32 s5, $0x0;
	s5 =	sld [smem:$0x3FAA]  }
0x2b: {  	s6 =	sld [smem:$0x3FAB]  }
0x2c: {  	s7 =	sld [smem:$0x3FAC]  }
0x2d: {  	s3 =	simm.s32 $0x108;
	s8 =	sld [smem:$0x3FAD]  }
0x2e: {  	s3 =	simm.s32 @!p0 $0x1082;
	s9 =	sld [smem:$0x3FAE]  }
0x2f: {  	lr =	sadd.s32 s0, s3;
	s0 =	sld [smem:$0x3FA5]  }
0x30: {  	s3 =	sld [smem:$0x3FA8]  }
0x31: {  	[smem:$0x3FB1] =	sst s10  }
0x32: {  	s10 =	sld [smem:$0x3FAF];
	_ =	sdelay $0x3  }
0x33: {  	p0 =	seq.s32 s10, $0x1;
	s10 =	sld [smem:$0x3FB1];
	_ =	sdelay $0x3  }
0x34: {  	[smem:$0x3FB1] =	sst s10  }
0x35: {  	s10 =	sld [smem:$0x3FB0];
	_ =	sdelay $0x3  }
0x36: {  	p1 =	seq.s32 s10, $0x1;
	s10 =	sld [smem:$0x3FB1];
	_ =	sdelay $0x3  }
0x37: {  	[smem:$0x3FB1] =	sst s10  }
0x38: {  	s10 =	sld [smem:$0x3FB2]  }
0x39: {  	_ = 	snop;
	(pc) =	sbr.ind lr, $3  }
0x3a: {  	_ = 	snop  }
0x3b: {  	_ = 	snop  }
0x3c: {  	p2 =	seq.s32 s10, $0x1;
	s10 =	sld [smem:$0x3FB1]  }
0x3d: {  	_ =	shalt  }
0x3e: {  	_ =	shalt  }
0x3f: {  	_ =	shalt  }
0x40: {  	_ =	shalt  }
0x41: {  	_ =	shalt  }
0x42: {  	_ =	shalt  }
0x43: {  	_ =	shalt  }
0x44: {  	_ =	shalt  }
0x45: {  	_ =	shalt  }
0x46: {  	_ =	shalt  }
0x47: {  	_ =	shalt  }
0x48: {  	_ =	shalt  }
0x49: {  	_ =	shalt  }
0x4a: {  	_ =	shalt  }
0x4b: {  	_ =	shalt  }
0x4c: {  	_ =	shalt  }
0x4d: {  	_ =	shalt  }
0x4e: {  	_ =	shalt  }
0x4f: {  	_ =	shalt  }
0x50: {  	_ =	shalt  }
0x51: {  	_ =	shalt  }
0x52: {  	_ =	shalt  }
0x53: {  	_ =	shalt  }
0x54: {  	_ =	shalt  }
0x55: {  	_ =	shalt  }
0x56: {  	_ =	shalt  }
0x57: {  	_ =	shalt  }
0x58: {  	_ =	shalt  }
0x59: {  	_ =	shalt  }
0x5a: {  	_ =	shalt  }
0x5b: {  	_ =	shalt  }
0x5c: {  	_ =	shalt  }
0x5d: {  	_ =	shalt  }
0x5e: {  	_ =	shalt  }
0x5f: {  	_ =	shalt  }
0x60: {  	_ =	shalt  }
0x61: {  	_ =	shalt  }
0x62: {  	_ =	shalt  }
0x63: {  	_ =	shalt  }
0x64: {  	_ =	shalt  }
0x65: {  	_ =	shalt  }
0x66: {  	_ =	shalt  }
0x67: {  	_ =	shalt  }
0x68: {  	_ =	shalt  }
0x69: {  	_ =	shalt  }
0x6a: {  	_ =	shalt  }
0x6b: {  	_ =	shalt  }
0x6c: {  	_ =	shalt  }
0x6d: {  	_ =	shalt  }
0x6e: {  	_ =	shalt  }
0x6f: {  	_ =	shalt  }
0x70: {  	_ =	shalt  }
0x71: {  	_ =	shalt  }
0x72: {  	_ =	shalt  }
0x73: {  	_ =	shalt  }
0x74: {  	_ =	shalt  }
0x75: {  	_ =	shalt  }
0x76: {  	_ =	shalt  }
0x77: {  	_ =	shalt  }
0x78: {  	_ =	shalt  }
0x79: {  	_ =	shalt  }
0x7a: {  	_ =	shalt  }
0x7b: {  	_ =	shalt  }
0x7c: {  	_ =	shalt  }
0x7d: {  	_ =	shalt  }
0x7e: {  	_ =	shalt  }
0x7f: {  	_ =	shalt  }
0x80: {  	_ =	shalt  }
0x81: {  	_ =	shalt  }
0x82: {  	_ =	shalt  }
0x83: {  	_ =	shalt  }
0x84: {  	_ =	shalt  }
0x85: {  	_ =	shalt  }
0x86: {  	_ =	shalt  }
0x87: {  	_ =	shalt  }
.Lfunc_end0:
.L_simem_size_0:
called_computation.2_lowered:
.L_overlay_start_0:
0x88: {  	s2 =	sld [smem:$0x3FD9]  }
0x89: {  	s3 =	sld [smem:$0x3FFE];
	_ =	sdelay $0x1  }
0x8a: {  	s1 =	srdreg.scid  }
0x8b: {  	s0 =	sand.u32 $0x1, s1  }
0x8c: {  	s17 =	sshll.u32 s0, $0xA;
	s2 =	sadd.s32 s3, s2  }
0x8d: {  	s2 =	sadd.s32 s2, s17  }
0x8e: {  	[smem:$0x3FBD] =	sst s2  }
0x8f: {  	_ = 	snop  }
0x90: {  	s2 =	sld [smem:$0x3FBF]  }
0x91: {  	s18 =	sld [smem:$0x3FD0];
	(tm) =	ssettm $0x1  }
0x92: {  	s4 =	sld [smem:$0x3FFB];
	_ =	sdelay $0x3  }
0x93: {  	_ =	strace s4  }
0x94: {  	s4 =	sld [smem:$0x3FFC];
	_ =	sdelay $0x3  }
0x95: {  	_ =	strace s4  }
0x96: {  	s4 =	sld [smem:$0x3FFD];
	_ =	sdelay $0x3  }
0x97: {  	_ =	strace s4  }
0x98: {  	_ =	strace $0x8FFFFFFF  }
0x99: {  	s19 =	sld [smem:$0x3FDB];
	_ =	sdelay $0x1  }
0x9a: {  	s5 =	simm.s32 $_scs_section_size  }
0x9b: {  	s6 =	simm.s32 $_size__tile_overlayer_lowered;
	s7 =	simm.s32 $_tile_overlayer_lowered  }
0x9c: {  	s22 =	simm.s32 $0x1BFF;
	s21 =	sshll.u32 s7, $0x1;
	s4 =	sadd.s32 s5, s19  }
0x9d: {  	s8 =	simm.s32 $0x0;
	s20 =	sshll.u32 s6, $0x1;
	s6 =	sadd.s32 s21, s4  }
0x9e: {  	[timem:s8], [sflag:s22] =	dma.local [hbm:s6], s20  }
0x9f: {  	_ =	swait.ge [sflag:s22], s20  }
0xa0: {  	s5 =	ssub.s32 $0x0, s20;
	[sflag:s22] =	ssyncset.done $0x0  }
0xa1: {  	[sflag:s22] =	ssyncadd.s32 s5;
	_ =	sdelay $0x1  }
0xa2: {  	s23 =	simm.s32 $0x1B8B  }
0xa3: {  	_ =	swait.ge [sflag:s23], $0x1  }
0xa4: {  	[sflag:s23] =	ssyncset.done $0x0  }
0xa5: {  	s25 =	simm.s32 $0x1B8E;
	s24 =	sld [smem:$0x3FFE];
	[sflag:s23] =	ssyncadd.s32 $0xFFFFFFFF  }
0xa6: {  	s26 =	simm.s32 $execute0_lowered;
	[smem:$0x3FD2] =	sst s25  }
0xa7: {  	s6 =	sshll.u32 s26, $0x1;
	_ =	strace $0x8000004C;
	[dreg:$0x1] =	wrdreg $0xFFFFFFFF  }
0xa8: {  	s28 =	simm.s32 $_size_execute0_lowered;
	s4 =	sadd.s32 s4, s6;
	[dreg:$0x0] =	wrdreg $0x0  }
0xa9: {  	s6 =	sshll.u32 s28, $0x1;
	[dreg:$0x2] =	wrdreg s4  }
0xaa: {  	[dreg:$0x3] =	wrdreg s6  }
0xab: {  	[dreg:$0x4] =	wrdreg $0xC0  }
0xac: {  	_ =	task [dreg:s8], $0x5FFFF  }
0xad: {  	[dreg:$0x1] =	wrdreg $0xFFFFFFFF  }
0xae: {  	[dreg:$0x0] =	wrdreg $0x60  }
0xaf: {  	[dreg:$0x2] =	wrdreg s24  }
0xb0: {  	[dreg:$0x3] =	wrdreg s2  }
0xb1: {  	[dreg:$0x4] =	wrdreg s18  }
0xb2: {  	[dreg:$0x5] =	wrdreg $0x187A00  }
0xb3: {  	[dreg:$0x6] =	wrdreg $0x9  }
0xb4: {  	_ =	task.clear_ibuf [dreg:s8], $0x7FFFF;
	_ =	strace $0x9000004C  }
0xb5: {  	s29 =	simm.s32 $0x9;
	_ =	strace $0x8000004E  }
0xb6: {  	_ =	swait.ge [sflag:s29], $0x1  }
0xb7: {  	[sflag:s29] =	ssyncadd.s32 $0xFFFFFFFF  }
0xb8: {  	_ =	strace $0x9000004E  }
0xb9: {  	_ =	sfence  }
0xba: {  	s30 =	sld [smem:$0x0];
	_ =	sdelay $0x2  }
0xbb: {  	s31 =	sshll.u32 s1, $0xD;
	s1 =	sshrl.u32 s1, $0x2  }
0xbc: {  	s3 =	sand.u32 $0x4000, s31;
	s1 =	sadd.s32 s1, s30  }
0xbd: {  	s0 =	sor.u32 s3, s0;
	s1 =	sshll.u32 s1, $0x11  }
0xbe: {  	s0 =	sor.u32 s1, s0  }
0xbf: {  	s0 =	sadd.s32 $0x8F2B, s0  }
0xc0: {  	[sflag:s0] =	ssyncadd.remote.s32 $0x1  }
0xc1: {  	_ =	sfence.sel $0xFFFF  }
0xc2: {  	[dreg:$0x0] =	wrdreg $0xFFFFFFFF;
	(pc) =	sbr.abs _section_cstart, $3  }
0xc3: {  	[dreg:$0x1] =	wrdreg $0xFFFFFFFF  }
0xc4: {  	_ =	task.clear_ibuf [dreg:s8], $0x2FFFF;
	_ =	strace $0x9FFFFFFF  }
0xc5: {  	(tm) =	ssettm $0x7FFFFFFF  }
tec
execute0_lowered:
.L_overlay_start_1:
0x0: {  	(tag) =	ssettag $0x1  }
0x1: {  	s0 =	rddreg [dreg:$0x0]  }
0x2: {  	s1 =	rddreg [dreg:$0x2]  }
0x3: {  	s3 =	rddreg [dreg:$0x3];
	s2 =	simm.s32 $0x0  }
0x4: {  	s10 =	stileid.u32;
	s4 =	srdreg.scid;
	s13 =	simm.s32 $0x2  }
0x5: {  	s16 =	simm.s32 $0x7D;
	s18 =	simm.s32 $0x4740;
	s11 =	simm.s32 $0x7620  }
0x6: {  	s29 =	simm.s32 $0x8D90;
	s31 =	simm.s32 $0x9560;
	s19 =	smul.u32 $0x500, s10  }
0x7: {  	s14 =	simm.s32 $0xA500;
	s28 =	simm.s32 $0xBC70;
	s5 =	smul.u32 $0x9C40, s10  }
0x8: {  	s17 =	simm.s32 $0xCC10;
	s12 =	simm.s32 $0xD3E0;
	s6 =	smul.u32 $0x4E20, s10  }
0x9: {  	s15 =	simm.s32 $0xDBB0;
	[smem:$0x7FF] =	sst s2;
	s9 =	smul.u32 $0x27100, s10  }
0xa: {  	s4 =	sand.u32 $0x1, s4;
	s7 =	sadd.s32 $0x2400, s0;
	s10 =	smul.u32 $0x139, s10  }
0xb: {  	_ =	strace $0x8000004D;
	s8 =	ssub.s32 $0x2, s4;
	s4 =	smul.u32 $0x1388, s4  }
0xc: {  	s0 =	sadd.s32 s19, s0;
	s20 =	sshrl.u32 s8, $0x1;
	s5 =	sshrl.u32 s5, $0x2  }
0xd: {  	s21 =	smin.u32 s10, $0x124F;
	s22 =	sadd.s32 s7, s6;
	s23 =	sshrl.u32 s9, $0x3  }
0xe: {  	s6 =	simm.s32 $0x37A0;
	s9 =	simm.s32 $0x5EB0;
	s10 =	simm.s32 $0x6680  }
0xf: {  	s19 =	simm.s32 $0xACD0;
	s2 =	ssub.s32 s8, s20;
	s5 =	sadd.s32 s5, s3  }
0x10: {  	s0 =	sadd.s32 $0x55600, s0;
	[dreg:$0x7] =	wrdreg s22;
	s24 =	sadd.s32 s7, s23  }
0x11: {  	s7 =	simm.s32 $0x3F70;
	s8 =	simm.s32 $0x4F10;
	s20 =	simm.s32 $0x56E0  }
0x12: {  	s22 =	simm.s32 $0x6E50;
	s23 =	simm.s32 $0xB4A0;
	[dreg:$0x5] =	wrdreg s5  }
0x13: {  	[dreg:$0x6] =	wrdreg s0;
	s0 =	sadd.s32 s4, s21;
	s4 =	sadd.s32 $0x2710, s24  }
0x14: {  	s30 =	smax.u32 s2, $0x1;
	s5 =	simm.s32 $0x2FD0;
	s24 =	simm.s32 $0x7DF0  }
0x15: {  	s25 =	sshll.u32 s0, $0x4;
	s0 =	sshll.u32 s0, $0x1;
	[dreg:$0x8] =	wrdreg s4  }
0x16: {  	[dreg:$0xb] =	wrdreg s30;
	s26 =	sadd.s32 s25, s3;
	s0 =	sadd.s32 s1, s0  }
0x17: {  	s1 =	simm.s32 $0x16080;
	s25 =	simm.s32 $0x0;
	[dreg:$0x9] =	wrdreg s26  }
0x18: {  	v0 =	vimm.f32 $0.0e+00;
	[dreg:$0xa] =	wrdreg s0;
	s0 =	simm.s32 $0x1;
	s26 =	simm.s32 $0x85C0  }
.LBB2_1:
0x19: {  	s4 =	simm.s32 $0x40;
	s30 =	simm.s32 $0x0  }
.LBB2_2:
0x1a: {  	p0 =	sne.s32 s4, $0x9C00;
	[tilespmem:s30+$0x16080] =	vst v0;
	s30 =	smov.u32 s4;
	s4 =	sadd.s32 $0x40, s4  }
.Ltmp0:
0x1b: {  	(pc) =	sbr.rel @p0 .LBB2_2-.Ltmp0, $2  }
0x1c: {  	_ =	sdelay $0x2  }
0x1d: {  	s30 =	sshra.s32 s30, $0x2  }
0x1e: {  	[tilespmem:s30+$0x16080] =	vst v0;
	s4 =	rddreg [dreg:$0x5]  }
0x1f: {  	[spmem:s4] =	stream.linear.scatter [tilespmem:s1], [sflag:$0x2], $0x2710, $0x38;
	[tilespmem:$0x1AEB0] =	vst v63  }
0x20: {  	_ =	swait.ge [sflag:s13], $0x2710  }
0x21: {  	[sflag:s13] =	ssyncset.done $0x0  }
0x22: {  	[sflag:s13] =	ssyncadd.s32 $0xFFFFD8F0  }
0x23: {  	s21 =	simm.s32 $0x18790;
	s4 =	simm.s32 $0x0;
	s30 =	rddreg [dreg:$0x1]  }
0x24: {  	[tilespmem:s21], [sflag:$0x2] =	stream.linear.gather [hbm4b:s30+s4], $0x10, $0x38;
	[tilespmem:$0x1AEB0] =	vst v63  }
0x25: {  	_ =	swait.ge [sflag:s13], $0x10  }
0x26: {  	[sflag:s13] =	ssyncset.done $0x0  }
0x27: {  	s30 =	rddreg [dreg:$0x6];
	[sflag:s13] =	ssyncadd.s32 $0xFFFFFFF0  }
0x28: {  	[tilespmem:s4], [sflag:$0x2] =	stream.linear.gather [hbm4b:s30+s4], $0x2800, $0x38;
	[tilespmem:$0x1AEB0] =	vst v63  }
0x29: {  	_ =	swait.ge [sflag:s13], $0x2800  }
0x2a: {  	[sflag:s13] =	ssyncset.done $0x0  }
0x2b: {  	[sflag:s13] =	ssyncadd.s32 $0xFFFFD800  }
0x2c: {  	[bflag:$0x0] =	sbarrier.arrive $0xFFFF  }
0x2d: {  	s1 =	simm.s32 $0x2800;
	s30 =	rddreg [dreg:$0x7]  }
0x2e: {  	[tilespmem:s1], [sflag:$0x2] =	stream.linear.gather [hbm4b:s30+s4], $0x13880, $0x38;
	[tilespmem:$0x1AEB0] =	vst v63  }
0x2f: {  	_ =	swait.ge [sflag:s13], $0x13880  }
0x30: {  	[sflag:s13] =	ssyncset.done $0x0  }
0x31: {  	[sflag:s13] =	ssyncadd.s32 $0xFFFEC780  }
0x32: {  	[spmem:s3] =	stream.indirect.scatter.add.f32 [tilespmem:s1], [sflag:$0x1], $0x10, s4, s16, $0xb8;
	[tilespmem:$0x1AEB0] =	vst v63  }
0x33: {  	s2 =	simm.s32 $0x80  }
0x34: {  	[spmem:s3] =	stream.indirect.scatter.add.f32 [tilespmem:s5], [sflag:$0x1], $0x10, s2, s16, $0xb8;
	[tilespmem:$0x1AEB0] =	vst v63  }
0x35: {  	s2 =	simm.s32 $0x100  }
0x36: {  	[spmem:s3] =	stream.indirect.scatter.add.f32 [tilespmem:s6], [sflag:$0x1], $0x10, s2, s16, $0xb8;
	[tilespmem:$0x1AEB0] =	vst v63  }
0x37: {  	s2 =	simm.s32 $0x180  }
0x38: {  	[spmem:s3] =	stream.indirect.scatter.add.f32 [tilespmem:s7], [sflag:$0x1], $0x10, s2, s16, $0xb8;
	[tilespmem:$0x1AEB0] =	vst v63  }
0x39: {  	s2 =	simm.s32 $0x200  }
0x3a: {  	[spmem:s3] =	stream.indirect.scatter.add.f32 [tilespmem:s18], [sflag:$0x1], $0x10, s2, s16, $0xb8;
	[tilespmem:$0x1AEB0] =	vst v63  }
0x3b: {  	s2 =	simm.s32 $0x280  }
0x3c: {  	[spmem:s3] =	stream.indirect.scatter.add.f32 [tilespmem:s8], [sflag:$0x1], $0x10, s2, s16, $0xb8;
	[tilespmem:$0x1AEB0] =	vst v63  }
0x3d: {  	s2 =	simm.s32 $0x300  }
0x3e: {  	[spmem:s3] =	stream.indirect.scatter.add.f32 [tilespmem:s20], [sflag:$0x1], $0x10, s2, s16, $0xb8;
	[tilespmem:$0x1AEB0] =	vst v63  }
0x3f: {  	s2 =	simm.s32 $0x380  }
0x40: {  	[spmem:s3] =	stream.indirect.scatter.add.f32 [tilespmem:s9], [sflag:$0x1], $0x10, s2, s16, $0xb8;
	[tilespmem:$0x1AEB0] =	vst v63  }
0x41: {  	_ =	swait.ge [sflag:s0], $0x7D0  }
0x42: {  	[sflag:s0] =	ssyncset.done $0x0  }
0x43: {  	[sflag:s0] =	ssyncadd.s32 $0xFFFFF830  }
0x44: {  	_ =	swait.ge [sflag:s0], $0x7D0  }
0x45: {  	[sflag:s0] =	ssyncset.done $0x0  }
0x46: {  	[sflag:s0] =	ssyncadd.s32 $0xFFFFF830  }
0x47: {  	_ =	swait.ge [sflag:s0], $0x7D0  }
0x48: {  	[sflag:s0] =	ssyncset.done $0x0  }
0x49: {  	[sflag:s0] =	ssyncadd.s32 $0xFFFFF830  }
0x4a: {  	_ =	swait.ge [sflag:s0], $0x7D0  }
0x4b: {  	[sflag:s0] =	ssyncset.done $0x0  }
0x4c: {  	[sflag:s0] =	ssyncadd.s32 $0xFFFFF830  }
0x4d: {  	_ =	swait.ge [sflag:s0], $0x7D0  }
0x4e: {  	[sflag:s0] =	ssyncset.done $0x0  }
0x4f: {  	[sflag:s0] =	ssyncadd.s32 $0xFFFFF830  }
0x50: {  	_ =	swait.ge [sflag:s0], $0x7D0  }
0x51: {  	[sflag:s0] =	ssyncset.done $0x0  }
0x52: {  	[sflag:s0] =	ssyncadd.s32 $0xFFFFF830  }
0x53: {  	_ =	swait.ge [sflag:s0], $0x7D0  }
0x54: {  	[sflag:s0] =	ssyncset.done $0x0  }
0x55: {  	[sflag:s0] =	ssyncadd.s32 $0xFFFFF830  }
0x56: {  	_ =	swait.ge [sflag:s0], $0x7D0  }
0x57: {  	[sflag:s0] =	ssyncset.done $0x0  }
0x58: {  	s2 =	simm.s32 $0x400;
	[sflag:s0] =	ssyncadd.s32 $0xFFFFF830  }
0x59: {  	[spmem:s3] =	stream.indirect.scatter.add.f32 [tilespmem:s10], [sflag:$0x1], $0x10, s2, s16, $0xb8;
	[tilespmem:$0x1AEB0] =	vst v63  }
0x5a: {  	s2 =	simm.s32 $0x480  }
0x5b: {  	[spmem:s3] =	stream.indirect.scatter.add.f32 [tilespmem:s22], [sflag:$0x1], $0x10, s2, s16, $0xb8;
	[tilespmem:$0x1AEB0] =	vst v63  }
0x5c: {  	s2 =	simm.s32 $0x500  }
0x5d: {  	[spmem:s3] =	stream.indirect.scatter.add.f32 [tilespmem:s11], [sflag:$0x1], $0x10, s2, s16, $0xb8;
	[tilespmem:$0x1AEB0] =	vst v63  }
0x5e: {  	s2 =	simm.s32 $0x580  }
0x5f: {  	[spmem:s3] =	stream.indirect.scatter.add.f32 [tilespmem:s24], [sflag:$0x1], $0x10, s2, s16, $0xb8;
	[tilespmem:$0x1AEB0] =	vst v63  }
0x60: {  	s2 =	simm.s32 $0x600  }
0x61: {  	[spmem:s3] =	stream.indirect.scatter.add.f32 [tilespmem:s26], [sflag:$0x1], $0x10, s2, s16, $0xb8;
	[tilespmem:$0x1AEB0] =	vst v63  }
0x62: {  	s2 =	simm.s32 $0x680  }
0x63: {  	[spmem:s3] =	stream.indirect.scatter.add.f32 [tilespmem:s29], [sflag:$0x1], $0x10, s2, s16, $0xb8;
	[tilespmem:$0x1AEB0] =	vst v63  }
0x64: {  	s2 =	simm.s32 $0x700  }
0x65: {  	[spmem:s3] =	stream.indirect.scatter.add.f32 [tilespmem:s31], [sflag:$0x1], $0x10, s2, s16, $0xb8;
	[tilespmem:$0x1AEB0] =	vst v63  }
0x66: {  	s21 =	simm.s32 $0x780;
	s2 =	simm.s32 $0x9D30  }
0x67: {  	[spmem:s3] =	stream.indirect.scatter.add.f32 [tilespmem:s2], [sflag:$0x1], $0x10, s21, s16, $0xb8;
	[tilespmem:$0x1AEB0] =	vst v63  }
0x68: {  	_ =	swait.ge [sflag:s0], $0x7D0  }
0x69: {  	[sflag:s0] =	ssyncset.done $0x0  }
0x6a: {  	[sflag:s0] =	ssyncadd.s32 $0xFFFFF830  }
0x6b: {  	_ =	swait.ge [sflag:s0], $0x7D0  }
0x6c: {  	[sflag:s0] =	ssyncset.done $0x0  }
0x6d: {  	[sflag:s0] =	ssyncadd.s32 $0xFFFFF830  }
0x6e: {  	_ =	swait.ge [sflag:s0], $0x7D0  }
0x6f: {  	[sflag:s0] =	ssyncset.done $0x0  }
0x70: {  	[sflag:s0] =	ssyncadd.s32 $0xFFFFF830  }
0x71: {  	_ =	swait.ge [sflag:s0], $0x7D0  }
0x72: {  	[sflag:s0] =	ssyncset.done $0x0  }
0x73: {  	[sflag:s0] =	ssyncadd.s32 $0xFFFFF830  }
0x74: {  	_ =	swait.ge [sflag:s0], $0x7D0  }
0x75: {  	[sflag:s0] =	ssyncset.done $0x0  }
0x76: {  	[sflag:s0] =	ssyncadd.s32 $0xFFFFF830  }
0x77: {  	_ =	swait.ge [sflag:s0], $0x7D0  }
0x78: {  	[sflag:s0] =	ssyncset.done $0x0  }
0x79: {  	[sflag:s0] =	ssyncadd.s32 $0xFFFFF830  }
0x7a: {  	_ =	swait.ge [sflag:s0], $0x7D0  }
0x7b: {  	[sflag:s0] =	ssyncset.done $0x0  }
0x7c: {  	[sflag:s0] =	ssyncadd.s32 $0xFFFFF830  }
0x7d: {  	_ =	swait.ge [sflag:s0], $0x7D0  }
0x7e: {  	[sflag:s0] =	ssyncset.done $0x0  }
0x7f: {  	s2 =	simm.s32 $0x800;
	[sflag:s0] =	ssyncadd.s32 $0xFFFFF830  }
0x80: {  	[spmem:s3] =	stream.indirect.scatter.add.f32 [tilespmem:s14], [sflag:$0x1], $0x10, s2, s16, $0xb8;
	[tilespmem:$0x1AEB0] =	vst v63  }
0x81: {  	s2 =	simm.s32 $0x880  }
0x82: {  	[spmem:s3] =	stream.indirect.scatter.add.f32 [tilespmem:s19], [sflag:$0x1], $0x10, s2, s16, $0xb8;
	[tilespmem:$0x1AEB0] =	vst v63  }
0x83: {  	s2 =	simm.s32 $0x900  }
0x84: {  	[spmem:s3] =	stream.indirect.scatter.add.f32 [tilespmem:s23], [sflag:$0x1], $0x10, s2, s16, $0xb8;
	[tilespmem:$0x1AEB0] =	vst v63  }
0x85: {  	s2 =	simm.s32 $0x980  }
0x86: {  	[spmem:s3] =	stream.indirect.scatter.add.f32 [tilespmem:s28], [sflag:$0x1], $0x10, s2, s16, $0xb8;
	[tilespmem:$0x1AEB0] =	vst v63  }
0x87: {  	s21 =	simm.s32 $0xA00;
	s2 =	simm.s32 $0xC440  }
0x88: {  	[spmem:s3] =	stream.indirect.scatter.add.f32 [tilespmem:s2], [sflag:$0x1], $0x10, s21, s16, $0xb8;
	[tilespmem:$0x1AEB0] =	vst v63  }
0x89: {  	s21 =	simm.s32 $0xA80  }
0x8a: {  	[spmem:s3] =	stream.indirect.scatter.add.f32 [tilespmem:s17], [sflag:$0x1], $0x10, s21, s16, $0xb8;
	[tilespmem:$0x1AEB0] =	vst v63  }
0x8b: {  	s21 =	simm.s32 $0xB00  }
0x8c: {  	[spmem:s3] =	stream.indirect.scatter.add.f32 [tilespmem:s12], [sflag:$0x1], $0x10, s21, s16, $0xb8;
	[tilespmem:$0x1AEB0] =	vst v63  }
0x8d: {  	s21 =	simm.s32 $0xB80  }
0x8e: {  	[spmem:s3] =	stream.indirect.scatter.add.f32 [tilespmem:s15], [sflag:$0x1], $0x10, s21, s16, $0xb8;
	[tilespmem:$0x1AEB0] =	vst v63  }
0x8f: {  	_ =	swait.ge [sflag:s0], $0x7D0  }
0x90: {  	[sflag:s0] =	ssyncset.done $0x0  }
0x91: {  	[sflag:s0] =	ssyncadd.s32 $0xFFFFF830  }
0x92: {  	_ =	swait.ge [sflag:s0], $0x7D0  }
0x93: {  	[sflag:s0] =	ssyncset.done $0x0  }
0x94: {  	[sflag:s0] =	ssyncadd.s32 $0xFFFFF830  }
0x95: {  	_ =	swait.ge [sflag:s0], $0x7D0  }
0x96: {  	[sflag:s0] =	ssyncset.done $0x0  }
0x97: {  	[sflag:s0] =	ssyncadd.s32 $0xFFFFF830  }
0x98: {  	_ =	swait.ge [sflag:s0], $0x7D0  }
0x99: {  	[sflag:s0] =	ssyncset.done $0x0  }
0x9a: {  	[sflag:s0] =	ssyncadd.s32 $0xFFFFF830  }
0x9b: {  	_ =	swait.ge [sflag:s0], $0x7D0  }
0x9c: {  	[sflag:s0] =	ssyncset.done $0x0  }
0x9d: {  	[sflag:s0] =	ssyncadd.s32 $0xFFFFF830  }
0x9e: {  	_ =	swait.ge [sflag:s0], $0x7D0  }
0x9f: {  	[sflag:s0] =	ssyncset.done $0x0  }
0xa0: {  	[sflag:s0] =	ssyncadd.s32 $0xFFFFF830  }
0xa1: {  	_ =	swait.ge [sflag:s0], $0x7D0  }
0xa2: {  	[sflag:s0] =	ssyncset.done $0x0  }
0xa3: {  	[sflag:s0] =	ssyncadd.s32 $0xFFFFF830  }
0xa4: {  	_ =	swait.ge [sflag:s0], $0x7D0  }
0xa5: {  	[sflag:s0] =	ssyncset.done $0x0  }
0xa6: {  	s30 =	simm.s32 $0xE380;
	s21 =	simm.s32 $0xC00;
	[sflag:s0] =	ssyncadd.s32 $0xFFFFF830  }
0xa7: {  	[spmem:s3] =	stream.indirect.scatter.add.f32 [tilespmem:s30], [sflag:$0x1], $0x10, s21, s16, $0xb8;
	[tilespmem:$0x1AEB0] =	vst v63  }
0xa8: {  	s21 =	simm.s32 $0xC80;
	s30 =	simm.s32 $0xEB50  }
0xa9: {  	[spmem:s3] =	stream.indirect.scatter.add.f32 [tilespmem:s30], [sflag:$0x1], $0x10, s21, s16, $0xb8;
	[tilespmem:$0x1AEB0] =	vst v63  }
0xaa: {  	s21 =	simm.s32 $0xD00;
	s30 =	simm.s32 $0xF320  }
0xab: {  	[spmem:s3] =	stream.indirect.scatter.add.f32 [tilespmem:s30], [sflag:$0x1], $0x10, s21, s16, $0xb8;
	[tilespmem:$0x1AEB0] =	vst v63  }
0xac: {  	s21 =	simm.s32 $0xD80;
	s30 =	simm.s32 $0xFAF0  }
0xad: {  	[spmem:s3] =	stream.indirect.scatter.add.f32 [tilespmem:s30], [sflag:$0x1], $0x10, s21, s16, $0xb8;
	[tilespmem:$0x1AEB0] =	vst v63  }
0xae: {  	s21 =	simm.s32 $0xE00;
	s30 =	simm.s32 $0x102C0  }
0xaf: {  	[spmem:s3] =	stream.indirect.scatter.add.f32 [tilespmem:s30], [sflag:$0x1], $0x10, s21, s16, $0xb8;
	[tilespmem:$0x1AEB0] =	vst v63  }
0xb0: {  	s21 =	simm.s32 $0xE80;
	s30 =	simm.s32 $0x10A90  }
0xb1: {  	[spmem:s3] =	stream.indirect.scatter.add.f32 [tilespmem:s30], [sflag:$0x1], $0x10, s21, s16, $0xb8;
	[tilespmem:$0x1AEB0] =	vst v63  }
0xb2: {  	s21 =	simm.s32 $0xF00;
	s30 =	simm.s32 $0x11260  }
0xb3: {  	[spmem:s3] =	stream.indirect.scatter.add.f32 [tilespmem:s30], [sflag:$0x1], $0x10, s21, s16, $0xb8;
	[tilespmem:$0x1AEB0] =	vst v63  }
0xb4: {  	s21 =	simm.s32 $0xF80;
	s30 =	simm.s32 $0x11A30  }
0xb5: {  	[spmem:s3] =	stream.indirect.scatter.add.f32 [tilespmem:s30], [sflag:$0x1], $0x10, s21, s16, $0xb8;
	[tilespmem:$0x1AEB0] =	vst v63  }
0xb6: {  	_ =	swait.ge [sflag:s0], $0x7D0  }
0xb7: {  	[sflag:s0] =	ssyncset.done $0x0  }
0xb8: {  	[sflag:s0] =	ssyncadd.s32 $0xFFFFF830  }
0xb9: {  	_ =	swait.ge [sflag:s0], $0x7D0  }
0xba: {  	[sflag:s0] =	ssyncset.done $0x0  }
0xbb: {  	[sflag:s0] =	ssyncadd.s32 $0xFFFFF830  }
0xbc: {  	_ =	swait.ge [sflag:s0], $0x7D0  }
0xbd: {  	[sflag:s0] =	ssyncset.done $0x0  }
0xbe: {  	[sflag:s0] =	ssyncadd.s32 $0xFFFFF830  }
0xbf: {  	_ =	swait.ge [sflag:s0], $0x7D0  }
0xc0: {  	[sflag:s0] =	ssyncset.done $0x0  }
0xc1: {  	[sflag:s0] =	ssyncadd.s32 $0xFFFFF830  }
0xc2: {  	_ =	swait.ge [sflag:s0], $0x7D0  }
0xc3: {  	[sflag:s0] =	ssyncset.done $0x0  }
0xc4: {  	[sflag:s0] =	ssyncadd.s32 $0xFFFFF830  }
0xc5: {  	_ =	swait.ge [sflag:s0], $0x7D0  }
0xc6: {  	[sflag:s0] =	ssyncset.done $0x0  }
0xc7: {  	[sflag:s0] =	ssyncadd.s32 $0xFFFFF830  }
0xc8: {  	_ =	swait.ge [sflag:s0], $0x7D0  }
0xc9: {  	[sflag:s0] =	ssyncset.done $0x0  }
0xca: {  	[sflag:s0] =	ssyncadd.s32 $0xFFFFF830  }
0xcb: {  	_ =	swait.ge [sflag:s0], $0x7D0  }
0xcc: {  	[sflag:s0] =	ssyncset.done $0x0  }
0xcd: {  	s21 =	simm.s32 $0x1000;
	s30 =	simm.s32 $0x12200;
	[sflag:s0] =	ssyncadd.s32 $0xFFFFF830  }
0xce: {  	[spmem:s3] =	stream.indirect.scatter.add.f32 [tilespmem:s30], [sflag:$0x1], $0x10, s21, s16, $0xb8;
	[tilespmem:$0x1AEB0] =	vst v63  }
0xcf: {  	s21 =	simm.s32 $0x1080;
	s30 =	simm.s32 $0x129D0  }
0xd0: {  	[spmem:s3] =	stream.indirect.scatter.add.f32 [tilespmem:s30], [sflag:$0x1], $0x10, s21, s16, $0xb8;
	[tilespmem:$0x1AEB0] =	vst v63  }
0xd1: {  	s21 =	simm.s32 $0x1100;
	s30 =	simm.s32 $0x131A0  }
0xd2: {  	[spmem:s3] =	stream.indirect.scatter.add.f32 [tilespmem:s30], [sflag:$0x1], $0x10, s21, s16, $0xb8;
	[tilespmem:$0x1AEB0] =	vst v63  }
0xd3: {  	s21 =	simm.s32 $0x1180;
	s30 =	simm.s32 $0x13970  }
0xd4: {  	[spmem:s3] =	stream.indirect.scatter.add.f32 [tilespmem:s30], [sflag:$0x1], $0x10, s21, s16, $0xb8;
	[tilespmem:$0x1AEB0] =	vst v63  }
0xd5: {  	s21 =	simm.s32 $0x1200;
	s30 =	simm.s32 $0x14140  }
0xd6: {  	[spmem:s3] =	stream.indirect.scatter.add.f32 [tilespmem:s30], [sflag:$0x1], $0x10, s21, s16, $0xb8;
	[tilespmem:$0x1AEB0] =	vst v63  }
0xd7: {  	s21 =	simm.s32 $0x1280;
	s30 =	simm.s32 $0x14910  }
0xd8: {  	[spmem:s3] =	stream.indirect.scatter.add.f32 [tilespmem:s30], [sflag:$0x1], $0x10, s21, s16, $0xb8;
	[tilespmem:$0x1AEB0] =	vst v63  }
0xd9: {  	s21 =	simm.s32 $0x1300;
	s30 =	simm.s32 $0x150E0  }
0xda: {  	[spmem:s3] =	stream.indirect.scatter.add.f32 [tilespmem:s30], [sflag:$0x1], $0x10, s21, s16, $0xb8;
	[tilespmem:$0x1AEB0] =	vst v63  }
0xdb: {  	s21 =	simm.s32 $0x1380;
	s30 =	simm.s32 $0x158B0  }
0xdc: {  	[spmem:s3] =	stream.indirect.scatter.add.f32 [tilespmem:s30], [sflag:$0x1], $0x10, s21, s16, $0xb8;
	[tilespmem:$0x1AEB0] =	vst v63  }
0xdd: {  	_ =	swait.ge [sflag:s0], $0x7D0  }
0xde: {  	[sflag:s0] =	ssyncset.done $0x0  }
0xdf: {  	[sflag:s0] =	ssyncadd.s32 $0xFFFFF830  }
0xe0: {  	_ =	swait.ge [sflag:s0], $0x7D0  }
0xe1: {  	[sflag:s0] =	ssyncset.done $0x0  }
0xe2: {  	[sflag:s0] =	ssyncadd.s32 $0xFFFFF830  }
0xe3: {  	_ =	swait.ge [sflag:s0], $0x7D0  }
0xe4: {  	[sflag:s0] =	ssyncset.done $0x0  }
0xe5: {  	[sflag:s0] =	ssyncadd.s32 $0xFFFFF830  }
0xe6: {  	_ =	swait.ge [sflag:s0], $0x7D0  }
0xe7: {  	[sflag:s0] =	ssyncset.done $0x0  }
0xe8: {  	[sflag:s0] =	ssyncadd.s32 $0xFFFFF830  }
0xe9: {  	_ =	swait.ge [sflag:s0], $0x7D0  }
0xea: {  	[sflag:s0] =	ssyncset.done $0x0  }
0xeb: {  	[sflag:s0] =	ssyncadd.s32 $0xFFFFF830  }
0xec: {  	_ =	swait.ge [sflag:s0], $0x7D0  }
0xed: {  	[sflag:s0] =	ssyncset.done $0x0  }
0xee: {  	[sflag:s0] =	ssyncadd.s32 $0xFFFFF830  }
0xef: {  	_ =	swait.ge [sflag:s0], $0x7D0  }
0xf0: {  	[sflag:s0] =	ssyncset.done $0x0  }
0xf1: {  	[sflag:s0] =	ssyncadd.s32 $0xFFFFF830  }
0xf2: {  	_ =	swait.ge [sflag:s0], $0x7D0  }
0xf3: {  	[sflag:s0] =	ssyncset.done $0x0  }
0xf4: {  	s30 =	rddreg [dreg:$0x8];
	[sflag:s0] =	ssyncadd.s32 $0xFFFFF830  }
0xf5: {  	[tilespmem:s1], [sflag:$0x2] =	stream.linear.gather [hbm4b:s30+s4], $0x13880, $0x38;
	[tilespmem:$0x1AEB0] =	vst v63  }
0xf6: {  	_ =	swait.ge [sflag:s13], $0x13880  }
0xf7: {  	[sflag:s13] =	ssyncset.done $0x0  }
0xf8: {  	s4 =	simm.s32 $0x1400;
	[sflag:s13] =	ssyncadd.s32 $0xFFFEC780  }
0xf9: {  	[spmem:s3] =	stream.indirect.scatter.add.f32 [tilespmem:s1], [sflag:$0x1], $0x10, s4, s16, $0xb8;
	[tilespmem:$0x1AEB0] =	vst v63  }
0xfa: {  	s4 =	simm.s32 $0x1480  }
0xfb: {  	[spmem:s3] =	stream.indirect.scatter.add.f32 [tilespmem:s5], [sflag:$0x1], $0x10, s4, s16, $0xb8;
	[tilespmem:$0x1AEB0] =	vst v63  }
0xfc: {  	s4 =	simm.s32 $0x1500  }
0xfd: {  	[spmem:s3] =	stream.indirect.scatter.add.f32 [tilespmem:s6], [sflag:$0x1], $0x10, s4, s16, $0xb8;
	[tilespmem:$0x1AEB0] =	vst v63  }
0xfe: {  	s4 =	simm.s32 $0x1580  }
0xff: {  	[spmem:s3] =	stream.indirect.scatter.add.f32 [tilespmem:s7], [sflag:$0x1], $0x10, s4, s16, $0xb8;
	[tilespmem:$0x1AEB0] =	vst v63  }
0x100: {  	s4 =	simm.s32 $0x1600  }
0x101: {  	[spmem:s3] =	stream.indirect.scatter.add.f32 [tilespmem:s18], [sflag:$0x1], $0x10, s4, s16, $0xb8;
	[tilespmem:$0x1AEB0] =	vst v63  }
0x102: {  	s4 =	simm.s32 $0x1680  }
0x103: {  	[spmem:s3] =	stream.indirect.scatter.add.f32 [tilespmem:s8], [sflag:$0x1], $0x10, s4, s16, $0xb8;
	[tilespmem:$0x1AEB0] =	vst v63  }
0x104: {  	s4 =	simm.s32 $0x1700  }
0x105: {  	[spmem:s3] =	stream.indirect.scatter.add.f32 [tilespmem:s20], [sflag:$0x1], $0x10, s4, s16, $0xb8;
	[tilespmem:$0x1AEB0] =	vst v63  }
0x106: {  	s4 =	simm.s32 $0x1780  }
0x107: {  	[spmem:s3] =	stream.indirect.scatter.add.f32 [tilespmem:s9], [sflag:$0x1], $0x10, s4, s16, $0xb8;
	[tilespmem:$0x1AEB0] =	vst v63  }
0x108: {  	_ =	swait.ge [sflag:s0], $0x7D0  }
0x109: {  	[sflag:s0] =	ssyncset.done $0x0  }
0x10a: {  	[sflag:s0] =	ssyncadd.s32 $0xFFFFF830  }
0x10b: {  	_ =	swait.ge [sflag:s0], $0x7D0  }
0x10c: {  	[sflag:s0] =	ssyncset.done $0x0  }
0x10d: {  	[sflag:s0] =	ssyncadd.s32 $0xFFFFF830  }
0x10e: {  	_ =	swait.ge [sflag:s0], $0x7D0  }
0x10f: {  	[sflag:s0] =	ssyncset.done $0x0  }
0x110: {  	[sflag:s0] =	ssyncadd.s32 $0xFFFFF830  }
0x111: {  	_ =	swait.ge [sflag:s0], $0x7D0  }
0x112: {  	[sflag:s0] =	ssyncset.done $0x0  }
0x113: {  	[sflag:s0] =	ssyncadd.s32 $0xFFFFF830  }
0x114: {  	_ =	swait.ge [sflag:s0], $0x7D0  }
0x115: {  	[sflag:s0] =	ssyncset.done $0x0  }
0x116: {  	[sflag:s0] =	ssyncadd.s32 $0xFFFFF830  }
0x117: {  	_ =	swait.ge [sflag:s0], $0x7D0  }
0x118: {  	[sflag:s0] =	ssyncset.done $0x0  }
0x119: {  	[sflag:s0] =	ssyncadd.s32 $0xFFFFF830  }
0x11a: {  	_ =	swait.ge [sflag:s0], $0x7D0  }
0x11b: {  	[sflag:s0] =	ssyncset.done $0x0  }
0x11c: {  	[sflag:s0] =	ssyncadd.s32 $0xFFFFF830  }
0x11d: {  	_ =	swait.ge [sflag:s0], $0x7D0  }
0x11e: {  	[sflag:s0] =	ssyncset.done $0x0  }
0x11f: {  	s4 =	simm.s32 $0x1800;
	[sflag:s0] =	ssyncadd.s32 $0xFFFFF830  }
0x120: {  	[spmem:s3] =	stream.indirect.scatter.add.f32 [tilespmem:s10], [sflag:$0x1], $0x10, s4, s16, $0xb8;
	[tilespmem:$0x1AEB0] =	vst v63  }
0x121: {  	s4 =	simm.s32 $0x1880  }
0x122: {  	[spmem:s3] =	stream.indirect.scatter.add.f32 [tilespmem:s22], [sflag:$0x1], $0x10, s4, s16, $0xb8;
	[tilespmem:$0x1AEB0] =	vst v63  }
0x123: {  	s4 =	simm.s32 $0x1900  }
0x124: {  	[spmem:s3] =	stream.indirect.scatter.add.f32 [tilespmem:s11], [sflag:$0x1], $0x10, s4, s16, $0xb8;
	[tilespmem:$0x1AEB0] =	vst v63  }
0x125: {  	s4 =	simm.s32 $0x1980  }
0x126: {  	[spmem:s3] =	stream.indirect.scatter.add.f32 [tilespmem:s24], [sflag:$0x1], $0x10, s4, s16, $0xb8;
	[tilespmem:$0x1AEB0] =	vst v63  }
0x127: {  	s4 =	simm.s32 $0x1A00  }
0x128: {  	[spmem:s3] =	stream.indirect.scatter.add.f32 [tilespmem:s26], [sflag:$0x1], $0x10, s4, s16, $0xb8;
	[tilespmem:$0x1AEB0] =	vst v63  }
0x129: {  	s4 =	simm.s32 $0x1A80  }
0x12a: {  	[spmem:s3] =	stream.indirect.scatter.add.f32 [tilespmem:s29], [sflag:$0x1], $0x10, s4, s16, $0xb8;
	[tilespmem:$0x1AEB0] =	vst v63  }
0x12b: {  	s4 =	simm.s32 $0x1B00  }
0x12c: {  	[spmem:s3] =	stream.indirect.scatter.add.f32 [tilespmem:s31], [sflag:$0x1], $0x10, s4, s16, $0xb8;
	[tilespmem:$0x1AEB0] =	vst v63  }
0x12d: {  	s1 =	simm.s32 $0x1B80;
	s4 =	simm.s32 $0x9D30  }
0x12e: {  	[spmem:s3] =	stream.indirect.scatter.add.f32 [tilespmem:s4], [sflag:$0x1], $0x10, s1, s16, $0xb8;
	[tilespmem:$0x1AEB0] =	vst v63  }
0x12f: {  	_ =	swait.ge [sflag:s0], $0x7D0  }
0x130: {  	[sflag:s0] =	ssyncset.done $0x0  }
0x131: {  	[sflag:s0] =	ssyncadd.s32 $0xFFFFF830  }
0x132: {  	_ =	swait.ge [sflag:s0], $0x7D0  }
0x133: {  	[sflag:s0] =	ssyncset.done $0x0  }
0x134: {  	[sflag:s0] =	ssyncadd.s32 $0xFFFFF830  }
0x135: {  	_ =	swait.ge [sflag:s0], $0x7D0  }
0x136: {  	[sflag:s0] =	ssyncset.done $0x0  }
0x137: {  	[sflag:s0] =	ssyncadd.s32 $0xFFFFF830  }
0x138: {  	_ =	swait.ge [sflag:s0], $0x7D0  }
0x139: {  	[sflag:s0] =	ssyncset.done $0x0  }
0x13a: {  	[sflag:s0] =	ssyncadd.s32 $0xFFFFF830  }
0x13b: {  	_ =	swait.ge [sflag:s0], $0x7D0  }
0x13c: {  	[sflag:s0] =	ssyncset.done $0x0  }
0x13d: {  	[sflag:s0] =	ssyncadd.s32 $0xFFFFF830  }
0x13e: {  	_ =	swait.ge [sflag:s0], $0x7D0  }
0x13f: {  	[sflag:s0] =	ssyncset.done $0x0  }
0x140: {  	[sflag:s0] =	ssyncadd.s32 $0xFFFFF830  }
0x141: {  	_ =	swait.ge [sflag:s0], $0x7D0  }
0x142: {  	[sflag:s0] =	ssyncset.done $0x0  }
0x143: {  	[sflag:s0] =	ssyncadd.s32 $0xFFFFF830  }
0x144: {  	_ =	swait.ge [sflag:s0], $0x7D0  }
0x145: {  	[sflag:s0] =	ssyncset.done $0x0  }
0x146: {  	s4 =	simm.s32 $0x1C00;
	[sflag:s0] =	ssyncadd.s32 $0xFFFFF830  }
0x147: {  	[spmem:s3] =	stream.indirect.scatter.add.f32 [tilespmem:s14], [sflag:$0x1], $0x10, s4, s16, $0xb8;
	[tilespmem:$0x1AEB0] =	vst v63  }
0x148: {  	s4 =	simm.s32 $0x1C80  }
0x149: {  	[spmem:s3] =	stream.indirect.scatter.add.f32 [tilespmem:s19], [sflag:$0x1], $0x10, s4, s16, $0xb8;
	[tilespmem:$0x1AEB0] =	vst v63  }
0x14a: {  	s4 =	simm.s32 $0x1D00  }
0x14b: {  	[spmem:s3] =	stream.indirect.scatter.add.f32 [tilespmem:s23], [sflag:$0x1], $0x10, s4, s16, $0xb8;
	[tilespmem:$0x1AEB0] =	vst v63  }
0x14c: {  	s4 =	simm.s32 $0x1D80  }
0x14d: {  	[spmem:s3] =	stream.indirect.scatter.add.f32 [tilespmem:s28], [sflag:$0x1], $0x10, s4, s16, $0xb8;
	[tilespmem:$0x1AEB0] =	vst v63  }
0x14e: {  	s4 =	simm.s32 $0x1E00  }
0x14f: {  	[spmem:s3] =	stream.indirect.scatter.add.f32 [tilespmem:s2], [sflag:$0x1], $0x10, s4, s16, $0xb8;
	[tilespmem:$0x1AEB0] =	vst v63  }
0x150: {  	s4 =	simm.s32 $0x1E80  }
0x151: {  	[spmem:s3] =	stream.indirect.scatter.add.f32 [tilespmem:s17], [sflag:$0x1], $0x10, s4, s16, $0xb8;
	[tilespmem:$0x1AEB0] =	vst v63  }
0x152: {  	s4 =	simm.s32 $0x1F00  }
0x153: {  	[spmem:s3] =	stream.indirect.scatter.add.f32 [tilespmem:s12], [sflag:$0x1], $0x10, s4, s16, $0xb8;
	[tilespmem:$0x1AEB0] =	vst v63  }
0x154: {  	s4 =	simm.s32 $0x1F80  }
0x155: {  	[spmem:s3] =	stream.indirect.scatter.add.f32 [tilespmem:s15], [sflag:$0x1], $0x10, s4, s16, $0xb8;
	[tilespmem:$0x1AEB0] =	vst v63  }
0x156: {  	_ =	swait.ge [sflag:s0], $0x7D0  }
0x157: {  	[sflag:s0] =	ssyncset.done $0x0  }
0x158: {  	[sflag:s0] =	ssyncadd.s32 $0xFFFFF830  }
0x159: {  	_ =	swait.ge [sflag:s0], $0x7D0  }
0x15a: {  	[sflag:s0] =	ssyncset.done $0x0  }
0x15b: {  	[sflag:s0] =	ssyncadd.s32 $0xFFFFF830  }
0x15c: {  	_ =	swait.ge [sflag:s0], $0x7D0  }
0x15d: {  	[sflag:s0] =	ssyncset.done $0x0  }
0x15e: {  	[sflag:s0] =	ssyncadd.s32 $0xFFFFF830  }
0x15f: {  	_ =	swait.ge [sflag:s0], $0x7D0  }
0x160: {  	[sflag:s0] =	ssyncset.done $0x0  }
0x161: {  	[sflag:s0] =	ssyncadd.s32 $0xFFFFF830  }
0x162: {  	_ =	swait.ge [sflag:s0], $0x7D0  }
0x163: {  	[sflag:s0] =	ssyncset.done $0x0  }
0x164: {  	[sflag:s0] =	ssyncadd.s32 $0xFFFFF830  }
0x165: {  	_ =	swait.ge [sflag:s0], $0x7D0  }
0x166: {  	[sflag:s0] =	ssyncset.done $0x0  }
0x167: {  	[sflag:s0] =	ssyncadd.s32 $0xFFFFF830  }
0x168: {  	_ =	swait.ge [sflag:s0], $0x7D0  }
0x169: {  	[sflag:s0] =	ssyncset.done $0x0  }
0x16a: {  	[sflag:s0] =	ssyncadd.s32 $0xFFFFF830  }
0x16b: {  	_ =	swait.ge [sflag:s0], $0x7D0  }
0x16c: {  	[sflag:s0] =	ssyncset.done $0x0  }
0x16d: {  	s2 =	simm.s32 $0x2000;
	s4 =	simm.s32 $0xE380;
	[sflag:s0] =	ssyncadd.s32 $0xFFFFF830  }
0x16e: {  	[spmem:s3] =	stream.indirect.scatter.add.f32 [tilespmem:s4], [sflag:$0x1], $0x10, s2, s16, $0xb8;
	[tilespmem:$0x1AEB0] =	vst v63  }
0x16f: {  	s2 =	simm.s32 $0x2080;
	s4 =	simm.s32 $0xEB50  }
0x170: {  	[spmem:s3] =	stream.indirect.scatter.add.f32 [tilespmem:s4], [sflag:$0x1], $0x10, s2, s16, $0xb8;
	[tilespmem:$0x1AEB0] =	vst v63  }
0x171: {  	s2 =	simm.s32 $0x2100;
	s4 =	simm.s32 $0xF320  }
0x172: {  	[spmem:s3] =	stream.indirect.scatter.add.f32 [tilespmem:s4], [sflag:$0x1], $0x10, s2, s16, $0xb8;
	[tilespmem:$0x1AEB0] =	vst v63  }
0x173: {  	s2 =	simm.s32 $0x2180;
	s4 =	simm.s32 $0xFAF0  }
0x174: {  	[spmem:s3] =	stream.indirect.scatter.add.f32 [tilespmem:s4], [sflag:$0x1], $0x10, s2, s16, $0xb8;
	[tilespmem:$0x1AEB0] =	vst v63  }
0x175: {  	s2 =	simm.s32 $0x2200;
	s4 =	simm.s32 $0x102C0  }
0x176: {  	[spmem:s3] =	stream.indirect.scatter.add.f32 [tilespmem:s4], [sflag:$0x1], $0x10, s2, s16, $0xb8;
	[tilespmem:$0x1AEB0] =	vst v63  }
0x177: {  	s2 =	simm.s32 $0x2280;
	s4 =	simm.s32 $0x10A90  }
0x178: {  	[spmem:s3] =	stream.indirect.scatter.add.f32 [tilespmem:s4], [sflag:$0x1], $0x10, s2, s16, $0xb8;
	[tilespmem:$0x1AEB0] =	vst v63  }
0x179: {  	s2 =	simm.s32 $0x2300;
	s4 =	simm.s32 $0x11260  }
0x17a: {  	[spmem:s3] =	stream.indirect.scatter.add.f32 [tilespmem:s4], [sflag:$0x1], $0x10, s2, s16, $0xb8;
	[tilespmem:$0x1AEB0] =	vst v63  }
0x17b: {  	s2 =	simm.s32 $0x2380;
	s4 =	simm.s32 $0x11A30  }
0x17c: {  	[spmem:s3] =	stream.indirect.scatter.add.f32 [tilespmem:s4], [sflag:$0x1], $0x10, s2, s16, $0xb8;
	[tilespmem:$0x1AEB0] =	vst v63  }
0x17d: {  	_ =	swait.ge [sflag:s0], $0x7D0  }
0x17e: {  	[sflag:s0] =	ssyncset.done $0x0  }
0x17f: {  	[sflag:s0] =	ssyncadd.s32 $0xFFFFF830  }
0x180: {  	_ =	swait.ge [sflag:s0], $0x7D0  }
0x181: {  	[sflag:s0] =	ssyncset.done $0x0  }
0x182: {  	[sflag:s0] =	ssyncadd.s32 $0xFFFFF830  }
0x183: {  	_ =	swait.ge [sflag:s0], $0x7D0  }
0x184: {  	[sflag:s0] =	ssyncset.done $0x0  }
0x185: {  	[sflag:s0] =	ssyncadd.s32 $0xFFFFF830  }
0x186: {  	_ =	swait.ge [sflag:s0], $0x7D0  }
0x187: {  	[sflag:s0] =	ssyncset.done $0x0  }
0x188: {  	[sflag:s0] =	ssyncadd.s32 $0xFFFFF830  }
0x189: {  	_ =	swait.ge [sflag:s0], $0x7D0  }
0x18a: {  	[sflag:s0] =	ssyncset.done $0x0  }
0x18b: {  	[sflag:s0] =	ssyncadd.s32 $0xFFFFF830  }
0x18c: {  	_ =	swait.ge [sflag:s0], $0x7D0  }
0x18d: {  	[sflag:s0] =	ssyncset.done $0x0  }
0x18e: {  	[sflag:s0] =	ssyncadd.s32 $0xFFFFF830  }
0x18f: {  	_ =	swait.ge [sflag:s0], $0x7D0  }
0x190: {  	[sflag:s0] =	ssyncset.done $0x0  }
0x191: {  	[sflag:s0] =	ssyncadd.s32 $0xFFFFF830  }
0x192: {  	_ =	swait.ge [sflag:s0], $0x7D0  }
0x193: {  	[sflag:s0] =	ssyncset.done $0x0  }
0x194: {  	s2 =	simm.s32 $0x2400;
	s4 =	simm.s32 $0x12200;
	[sflag:s0] =	ssyncadd.s32 $0xFFFFF830  }
0x195: {  	[spmem:s3] =	stream.indirect.scatter.add.f32 [tilespmem:s4], [sflag:$0x1], $0x10, s2, s16, $0xb8;
	[tilespmem:$0x1AEB0] =	vst v63  }
0x196: {  	s2 =	simm.s32 $0x2480;
	s4 =	simm.s32 $0x129D0  }
0x197: {  	[spmem:s3] =	stream.indirect.scatter.add.f32 [tilespmem:s4], [sflag:$0x1], $0x10, s2, s16, $0xb8;
	[tilespmem:$0x1AEB0] =	vst v63  }
0x198: {  	s2 =	simm.s32 $0x2500;
	s4 =	simm.s32 $0x131A0  }
0x199: {  	[spmem:s3] =	stream.indirect.scatter.add.f32 [tilespmem:s4], [sflag:$0x1], $0x10, s2, s16, $0xb8;
	[tilespmem:$0x1AEB0] =	vst v63  }
0x19a: {  	s2 =	simm.s32 $0x2580;
	s4 =	simm.s32 $0x13970  }
0x19b: {  	[spmem:s3] =	stream.indirect.scatter.add.f32 [tilespmem:s4], [sflag:$0x1], $0x10, s2, s16, $0xb8;
	[tilespmem:$0x1AEB0] =	vst v63  }
0x19c: {  	s2 =	simm.s32 $0x2600;
	s4 =	simm.s32 $0x14140  }
0x19d: {  	[spmem:s3] =	stream.indirect.scatter.add.f32 [tilespmem:s4], [sflag:$0x1], $0x10, s2, s16, $0xb8;
	[tilespmem:$0x1AEB0] =	vst v63  }
0x19e: {  	s2 =	simm.s32 $0x2680;
	s4 =	simm.s32 $0x14910  }
0x19f: {  	[spmem:s3] =	stream.indirect.scatter.add.f32 [tilespmem:s4], [sflag:$0x1], $0x10, s2, s16, $0xb8;
	[tilespmem:$0x1AEB0] =	vst v63  }
0x1a0: {  	s2 =	simm.s32 $0x2700;
	s4 =	simm.s32 $0x150E0  }
0x1a1: {  	[spmem:s3] =	stream.indirect.scatter.add.f32 [tilespmem:s4], [sflag:$0x1], $0x10, s2, s16, $0xb8;
	[tilespmem:$0x1AEB0] =	vst v63  }
0x1a2: {  	s21 =	simm.s32 $0x158B0;
	s4 =	simm.s32 $0x2780  }
0x1a3: {  	[spmem:s3] =	stream.indirect.scatter.add.f32 [tilespmem:s21], [sflag:$0x1], $0x10, s4, s16, $0xb8;
	[tilespmem:$0x1AEB0] =	vst v63  }
0x1a4: {  	_ =	swait.ge [sflag:s0], $0x7D0  }
0x1a5: {  	[sflag:s0] =	ssyncset.done $0x0  }
0x1a6: {  	[sflag:s0] =	ssyncadd.s32 $0xFFFFF830  }
0x1a7: {  	_ =	swait.ge [sflag:s0], $0x7D0  }
0x1a8: {  	[sflag:s0] =	ssyncset.done $0x0  }
0x1a9: {  	[sflag:s0] =	ssyncadd.s32 $0xFFFFF830  }
0x1aa: {  	_ =	swait.ge [sflag:s0], $0x7D0  }
0x1ab: {  	[sflag:s0] =	ssyncset.done $0x0  }
0x1ac: {  	[sflag:s0] =	ssyncadd.s32 $0xFFFFF830  }
0x1ad: {  	_ =	swait.ge [sflag:s0], $0x7D0  }
0x1ae: {  	[sflag:s0] =	ssyncset.done $0x0  }
0x1af: {  	[sflag:s0] =	ssyncadd.s32 $0xFFFFF830  }
0x1b0: {  	_ =	swait.ge [sflag:s0], $0x7D0  }
0x1b1: {  	[sflag:s0] =	ssyncset.done $0x0  }
0x1b2: {  	[sflag:s0] =	ssyncadd.s32 $0xFFFFF830  }
0x1b3: {  	_ =	swait.ge [sflag:s0], $0x7D0  }
0x1b4: {  	[sflag:s0] =	ssyncset.done $0x0  }
0x1b5: {  	[sflag:s0] =	ssyncadd.s32 $0xFFFFF830  }
0x1b6: {  	_ =	swait.ge [sflag:s0], $0x7D0  }
0x1b7: {  	[sflag:s0] =	ssyncset.done $0x0  }
0x1b8: {  	[sflag:s0] =	ssyncadd.s32 $0xFFFFF830  }
0x1b9: {  	_ =	swait.ge [sflag:s0], $0x7D0  }
0x1ba: {  	[sflag:s0] =	ssyncset.done $0x0  }
0x1bb: {  	[sflag:s0] =	ssyncadd.s32 $0xFFFFF830  }
0x1bc: {  	[bflag:$0x0] =	sbarrier.arrive $0xFFFF  }
0x1bd: {  	s1 =	simm.s32 $0x16080;
	s21 =	rddreg [dreg:$0x9]  }
0x1be: {  	[tilespmem:s1], [sflag:$0x2] =	stream.linear.gather [spmem:s21], $0x1390, $0x38;
	[tilespmem:$0x1AEB0] =	vst v63  }
0x1bf: {  	_ =	swait.ge [sflag:s13], $0x1390  }
0x1c0: {  	[sflag:s13] =	ssyncset.done $0x0  }
0x1c1: {  	[sflag:s13] =	ssyncadd.s32 $0xFFFFEC70  }
0x1c2: {  	s30 =	simm.s32 $0x40;
	s4 =	simm.s32 $0x0;
	v1 =	vld [tilespmem:$0x18790]  }
.LBB2_4:
0x1c3: {  	p0 =	sne.s32 s30, $0x4E00;
	v2 =	vld [tilespmem:s4+$0x16080];
	_ =	sdelay $0x4  }
0x1c4: {  	v2 =	vadd.f32 v2, v1;
	_ =	sdelay $0x1  }
0x1c5: {  	(xrf0) =	vmax.scan.msk.f32 $0xffff, v2;
	_ =	sdelay $0x5  }
0x1c6: {  	v3, _, _ =	vpop (xrf0)  }
0x1c7: {  	v3 =	vbroadcast v3, $0xF;
	_ =	sdelay $0x1  }
0x1c8: {  	v2 =	vsub.f32 v2, v3;
	_ =	sdelay $0x1  }
0x1c9: {  	v3 =	vmul.f32 $1.442695020e+00, v2;
	_ =	sdelay $0x1  }
0x1ca: {  	(erf) = vpow2.f32 v3;
	_ =	sdelay $0x8  }
0x1cb: {  	v3 =	vpop (erf)  }
0x1cc: {  	(xrf2) =	vadd.scan.msk.f32 $0xffff, v3;
	_ =	sdelay $0x9  }
0x1cd: {  	v3, _, _ =	vpop (xrf2)  }
0x1ce: {  	v3 =	vbroadcast v3, $0xF;
	_ =	sdelay $0x1  }
0x1cf: {  	v4 =	vand.u32 $0x7FFFFF, v3  }
0x1d0: {  	v4 =	vor.u32 $0x3F800000, v4  }
0x1d1: {  	v4 =	vadd.f32 $-1.000000000e+00, v4;
	_ =	sdelay $0x1  }
0x1d2: {  	v5 =	vmul.f32 $-3.333333430e-01, v4;
	_ =	sdelay $0x1  }
0x1d3: {  	v5 =	vadd.f32 $5.000000000e-01, v5;
	_ =	sdelay $0x1  }
0x1d4: {  	v6 =	vshra.s32 v3, $0x17;
	v5 =	vmul.f32 v5, v4  }
0x1d5: {  	v6 =	vadd.s32 $0xFFFFFF81, v6  }
0x1d6: {  	v6 =	vcvt.s32.f32 v6;
	v5 =	vsub.f32 $1.000000000e+00, v5;
	_ =	sdelay $0x1  }
0x1d7: {  	v6 =	vmul.f32 $6.931471820e-01, v6;
	v4 =	vmul.f32 v5, v4;
	_ =	sdelay $0x1  }
0x1d8: {  	v4 =	vadd.f32 v4, v6;
	_ =	sdelay $0x1  }
0x1d9: {  	v5 =	vsub.f32 $0.0e+00, v4;
	_ =	sdelay $0x1  }
0x1da: {  	v5 =	vmul.f32 $1.442695020e+00, v5;
	_ =	sdelay $0x1  }
0x1db: {  	(erf) = vpow2.f32 v5;
	_ =	sdelay $0x8  }
0x1dc: {  	v5 =	vpop (erf)  }
0x1dd: {  	v5 =	vmul.f32 v5, v3;
	_ =	sdelay $0x1  }
0x1de: {  	v4 =	vadd.f32 v5, v4;
	_ =	sdelay $0x1  }
0x1df: {  	v4 =	vadd.f32 $-1.000000000e+00, v4;
	_ =	sdelay $0x1  }
0x1e0: {  	v5 =	vsub.f32 $0.0e+00, v4;
	_ =	sdelay $0x1  }
0x1e1: {  	v5 =	vmul.f32 $1.442695020e+00, v5;
	_ =	sdelay $0x1  }
0x1e2: {  	(erf) = vpow2.f32 v5;
	_ =	sdelay $0x8  }
0x1e3: {  	v5 =	vpop (erf)  }
0x1e4: {  	v5 =	vmul.f32 v5, v3;
	_ =	sdelay $0x1  }
0x1e5: {  	v4 =	vadd.f32 v5, v4;
	_ =	sdelay $0x1  }
0x1e6: {  	v4 =	vadd.f32 $-1.000000000e+00, v4;
	_ =	sdelay $0x1  }
0x1e7: {  	v5 =	vsub.f32 $0.0e+00, v4;
	_ =	sdelay $0x1  }
0x1e8: {  	v5 =	vmul.f32 $1.442695020e+00, v5;
	_ =	sdelay $0x1  }
0x1e9: {  	(erf) = vpow2.f32 v5;
	_ =	sdelay $0x8  }
0x1ea: {  	v5 =	vpop (erf)  }
0x1eb: {  	v3 =	vmul.f32 v5, v3;
	_ =	sdelay $0x1  }
0x1ec: {  	v3 =	vadd.f32 v3, v4;
	_ =	sdelay $0x1  }
.Ltmp1:
0x1ed: {  	v3 =	vadd.f32 $-1.000000000e+00, v3;
	(pc) =	sbr.rel @p0 .LBB2_4-.Ltmp1, $3  }
0x1ee: {  	_ = 	snop  }
0x1ef: {  	v2 =	vsub.f32 v2, v3;
	_ =	sdelay $0x1  }
0x1f0: {  	[tilespmem:s4+$0x16080] =	vst v2;
	s4 =	sshra.s32 s30, $0x2;
	s30 =	sadd.s32 $0x40, s30  }
0x1f1: {  	v2 =	vld [tilespmem:s4+$0x16080];
	_ =	sdelay $0x4  }
0x1f2: {  	v1 =	vadd.f32 v2, v1;
	_ =	sdelay $0x1  }
0x1f3: {  	(xrf0) =	vmax.scan.msk.f32 $0xffff, v1;
	_ =	sdelay $0x5  }
0x1f4: {  	v2, _, _ =	vpop (xrf0)  }
0x1f5: {  	v2 =	vbroadcast v2, $0xF;
	_ =	sdelay $0x1  }
0x1f6: {  	v1 =	vsub.f32 v1, v2;
	_ =	sdelay $0x1  }
0x1f7: {  	v2 =	vmul.f32 $1.442695020e+00, v1;
	_ =	sdelay $0x1  }
0x1f8: {  	(erf) = vpow2.f32 v2;
	_ =	sdelay $0x8  }
0x1f9: {  	v2 =	vpop (erf)  }
0x1fa: {  	(xrf2) =	vadd.scan.msk.f32 $0xffff, v2;
	_ =	sdelay $0x9  }
0x1fb: {  	v2, _, _ =	vpop (xrf2)  }
0x1fc: {  	v2 =	vbroadcast v2, $0xF;
	_ =	sdelay $0x1  }
0x1fd: {  	v3 =	vand.u32 $0x7FFFFF, v2  }
0x1fe: {  	v3 =	vor.u32 $0x3F800000, v3  }
0x1ff: {  	v3 =	vadd.f32 $-1.000000000e+00, v3;
	_ =	sdelay $0x1  }
0x200: {  	v4 =	vmul.f32 $-3.333333430e-01, v3;
	_ =	sdelay $0x1  }
0x201: {  	v4 =	vadd.f32 $5.000000000e-01, v4;
	_ =	sdelay $0x1  }
0x202: {  	v5 =	vshra.s32 v2, $0x17;
	v4 =	vmul.f32 v4, v3  }
0x203: {  	v5 =	vadd.s32 $0xFFFFFF81, v5  }
0x204: {  	v5 =	vcvt.s32.f32 v5;
	v4 =	vsub.f32 $1.000000000e+00, v4;
	_ =	sdelay $0x1  }
0x205: {  	v5 =	vmul.f32 $6.931471820e-01, v5;
	v3 =	vmul.f32 v4, v3;
	_ =	sdelay $0x1  }
0x206: {  	v3 =	vadd.f32 v3, v5;
	_ =	sdelay $0x1  }
0x207: {  	v61 =	vsub.f32 $0.0e+00, v3;
	_ =	sdelay $0x1  }
0x208: {  	v4 =	vmul.f32 $1.442695020e+00, v61;
	_ =	sdelay $0x1  }
0x209: {  	(erf) = vpow2.f32 v4;
	_ =	sdelay $0x8  }
0x20a: {  	v4 =	vpop (erf)  }
0x20b: {  	v4 =	vmul.f32 v4, v2;
	_ =	sdelay $0x1  }
0x20c: {  	v3 =	vadd.f32 v4, v3;
	_ =	sdelay $0x1  }
0x20d: {  	v3 =	vadd.f32 $-1.000000000e+00, v3;
	_ =	sdelay $0x1  }
0x20e: {  	v62 =	vsub.f32 $0.0e+00, v3;
	_ =	sdelay $0x1  }
0x20f: {  	v4 =	vmul.f32 $1.442695020e+00, v62;
	_ =	sdelay $0x1  }
0x210: {  	(erf) = vpow2.f32 v4;
	_ =	sdelay $0x8  }
0x211: {  	v4 =	vpop (erf)  }
0x212: {  	v4 =	vmul.f32 v4, v2;
	_ =	sdelay $0x1  }
0x213: {  	v3 =	vadd.f32 v4, v3;
	_ =	sdelay $0x1  }
0x214: {  	v3 =	vadd.f32 $-1.000000000e+00, v3;
	_ =	sdelay $0x1  }
0x215: {  	v63 =	vsub.f32 $0.0e+00, v3;
	_ =	sdelay $0x1  }
0x216: {  	v4 =	vmul.f32 $1.442695020e+00, v63;
	_ =	sdelay $0x1  }
0x217: {  	(erf) = vpow2.f32 v4;
	_ =	sdelay $0x8  }
0x218: {  	v4 =	vpop (erf)  }
0x219: {  	v2 =	vmul.f32 v4, v2;
	_ =	sdelay $0x1  }
0x21a: {  	v2 =	vadd.f32 v2, v3;
	_ =	sdelay $0x1  }
0x21b: {  	v2 =	vadd.f32 $-1.000000000e+00, v2;
	_ =	sdelay $0x1  }
0x21c: {  	v1 =	vsub.f32 v1, v2;
	_ =	sdelay $0x1  }
0x21d: {  	s21 =	simm.s32 $0x0;
	s30 =	rddreg [dreg:$0xa];
	[tilespmem:s4+$0x16080] =	vst v1  }
0x21e: {  	[hbm4b:s30+s21] =	stream.linear.scatter [tilespmem:s1], [sflag:$0x2], $0x1390, $0x38;
	[tilespmem:$0x1AEB0] =	vst v63  }
0x21f: {  	_ =	swait.ge [sflag:s13], $0x1390  }
0x220: {  	s25 =	sadd.s32 $0x1, s25;
	s30 =	rddreg [dreg:$0xb]  }
0x221: {  	p0 =	sne.s32 s25, s30  }
.Ltmp2:
0x222: {  	_ = 	snop;
	(pc) =	sbr.rel @p0 .LBB2_1-.Ltmp2, $3  }
0x223: {  	_ =	sdelay $0x1  }
0x224: {  	[sflag:s13] =	ssyncset.done $0x0  }
0x225: {  	[sflag:s13] =	ssyncadd.s32 $0xFFFFEC70  }
0x226: {  	_ =	sfence.sel $0x180000  }
0x227: {  	[bflag:$0x0] =	sbarrier.arrive $0xFFFF  }
0x228: {  	_ =	strace $0x9000004D  }
0x229: {  	s0 =	stileid.u32;
	[bflag:$0x2] =	sbarrier.arrive $0xFFFF  }
0x22a: {  	p0 =	sne.s32 s0, $0x0;
	s0 =	rddreg [dreg:$0x4]  }
0x22b: {  	s0 =	sadd.s32 @!p0 $0x100000, s0  }
0x22c: {  	[sflag:s0] =	ssyncadd.tile.s32 @!p0 $0x1;
	_ =	shalt  }
.Lfunc_end2:
_tile_overlayer_lowered:
.L_overlay_start_2:
0x22d: {  	(tag) =	ssettag $0x2  }
0x22e: {  	s0 =	rddreg [dreg:$0x0];
	s2 =	stileid.u32  }
0x22f: {  	s1 =	rddreg [dreg:$0x1];
	p0 =	sne.s32 s2, $0x0  }
0x230: {  	s3 =	rddreg [dreg:$0x2];
	[bflag:$0x3] =	sbarrier.arrive $0xFFFF;
	s2 =	simm.s32 @!p0 $0x1C02  }
0x231: {  	[timem:s3], [sflag:s2] =	dma.local @!p0 [hbm:s0], s1  }
0x232: {  	s0 =	simm.s32 @!p0 $0x2  }
0x233: {  	_ =	swait.ge @!p0 [sflag:s0], s1  }
0x234: {  	s1 =	ssub.s32 @!p0 $0x0, s1;
	[sflag:s0] =	ssyncset.done @!p0 $0x0  }
0x235: {  	[sflag:s0] =	ssyncadd.s32 @!p0 s1  }
0x236: {  	[bflag:$0x3] =	sbarrier.arrive $0xFFFF  }
0x237: {  	_ =	shalt  }

// kernel: kernel.7.cloned.1.call-start
scs
__scs_entry_jumppad:
0x0: {  	(pc) =	sbr.rel $0x88, $3  }
0x1: {  	(tag) =	ssettag $0x0;
	lr =	simm.s32 $0x1  }
0x2: {  	[smem:$0x3F96] =	sst lr;
	_ =	strace $0xD0000000  }
0x3: {  	_ = 	snop  }
0x4: {  	_ = 	snop  }
0x5: {  	_ = 	snop  }
0x6: {  	_ = 	snop  }
0x7: {  	_ = 	snop  }
__scs_overlays_trampoline_lowered:
0x8: {  	[smem:$0x3FA5] =	sst s0  }
0x9: {  	[smem:$0x3FA6] =	sst s1  }
0xa: {  	[smem:$0x3FA7] =	sst s2  }
0xb: {  	[smem:$0x3FA8] =	sst s3  }
0xc: {  	[smem:$0x3FA9] =	sst s4  }
0xd: {  	[smem:$0x3FAA] =	sst s5  }
0xe: {  	[smem:$0x3FAB] =	sst s6  }
0xf: {  	[smem:$0x3FAC] =	sst s7  }
0x10: {  	[smem:$0x3FAD] =	sst s8  }
0x11: {  	[smem:$0x3FAE] =	sst s9;
	s0 =	simm.s32 @!p0 $0x0  }
0x12: {  	s1 =	sld [smem:$0x3F94];
	s0 =	simm.s32 @p0 $0x1  }
0x13: {  	[smem:$0x3FAF] =	sst s0;
	s0 =	simm.s32 @!p1 $0x0  }
0x14: {  	s2 =	sld [smem:$0x3F93];
	s0 =	simm.s32 @p1 $0x1  }
0x15: {  	[smem:$0x3FB0] =	sst s0;
	s0 =	simm.s32 @!p2 $0x0  }
0x16: {  	s3 =	sld [smem:$0x3FDB];
	s0 =	simm.s32 @p2 $0x1  }
0x17: {  	s4 =	simm.s32 $0x1BF5;
	[smem:$0x3FB2] =	sst s0  }
0x18: {  	s0 =	sld [smem:$0x3F95];
	_ =	swait.ge [sflag:s4], $0x0  }
0x19: {  	s7 =	sld [smem:$0x3F96]  }
0x1a: {  	s8 =	sadd.s32 $0xFFFFE003, lr  }
0x1b: {  	s9 =	sadd.s32 $0xFFFFFEF7, lr;
	s5 =	simm.s32 $0xFFFFFFFF;
	p2 =	slt.u32 s8, $0xFFFFF086  }
0x1c: {  	p1 =	slt.u32 s9, $0xF7A;
	s5 =	simm.s32 @!p2 $0x0  }
0x1d: {  	s5 =	simm.s32 @p1 $0x1;
	p0 =	seq.s32 s7, s2  }
0x1e: {  	s7 =	smul.u32 @!p0 $0xF7A, s2;
	p2 =	seq.s32 @!p0 s5, $0x0  }
0x1f: {  	s9 =	smul.u32 $0xF7A, s1;
	s8 =	simm.s32 @!p0 $0x1BF5;
	p2 =	por !p2, p0  }
0x20: {  	[sflag:s8] =	ssyncset.s32 @!p0 $0xFFFFF086;
	s6 =	sadd.s32 @!p0 s3, s7;
	s7 =	simm.s32 @!p0 $0x108  }
0x21: {  	s3 =	sadd.s32 s3, s9;
	s6 =	sadd.s32 @!p0 $0x88, s6;
	s7 =	simm.s32 @p2 $0x1082  }
0x22: {  	[simem:s7], [sflag:s8] =	dma.local @!p0 [hbm:s6], $0xF7A  }
0x23: {  	s9 =	sor.u32 $0xD0000000, s2;
	s6 =	simm.s32 $0x108;
	_ =	swait.ge @!p0 [sflag:s8], $0x0  }
0x24: {  	s3 =	sadd.s32 $0x88, s3;
	s6 =	simm.s32 @!p1 $0x1082;
	[sflag:s4] =	ssyncset.s32 $0xFFFFF086  }
0x25: {  	[simem:s6], [sflag:s4] =	dma.local [hbm:s3], $0xF7A  }
0x26: {  	[smem:$0x3F96] =	sst s1;
	(tag) =	ssettag s2;
	_ =	strace s9  }
0x27: {  	s1 =	sld [smem:$0x3FA6]  }
0x28: {  	s2 =	sld [smem:$0x3FA7]  }
0x29: {  	s4 =	sld [smem:$0x3FA9]  }
0x2a: {  	p0 =	seq.s32 s5, $0x0;
	s5 =	sld [smem:$0x3FAA]  }
0x2b: {  	s6 =	sld [smem:$0x3FAB]  }
0x2c: {  	s7 =	sld [smem:$0x3FAC]  }
0x2d: {  	s3 =	simm.s32 $0x108;
	s8 =	sld [smem:$0x3FAD]  }
0x2e: {  	s3 =	simm.s32 @!p0 $0x1082;
	s9 =	sld [smem:$0x3FAE]  }
0x2f: {  	lr =	sadd.s32 s0, s3;
	s0 =	sld [smem:$0x3FA5]  }
0x30: {  	s3 =	sld [smem:$0x3FA8]  }
0x31: {  	[smem:$0x3FB1] =	sst s10  }
0x32: {  	s10 =	sld [smem:$0x3FAF];
	_ =	sdelay $0x3  }
0x33: {  	p0 =	seq.s32 s10, $0x1;
	s10 =	sld [smem:$0x3FB1];
	_ =	sdelay $0x3  }
0x34: {  	[smem:$0x3FB1] =	sst s10  }
0x35: {  	s10 =	sld [smem:$0x3FB0];
	_ =	sdelay $0x3  }
0x36: {  	p1 =	seq.s32 s10, $0x1;
	s10 =	sld [smem:$0x3FB1];
	_ =	sdelay $0x3  }
0x37: {  	[smem:$0x3FB1] =	sst s10  }
0x38: {  	s10 =	sld [smem:$0x3FB2]  }
0x39: {  	_ = 	snop;
	(pc) =	sbr.ind lr, $3  }
0x3a: {  	_ = 	snop  }
0x3b: {  	_ = 	snop  }
0x3c: {  	p2 =	seq.s32 s10, $0x1;
	s10 =	sld [smem:$0x3FB1]  }
0x3d: {  	_ =	shalt  }
0x3e: {  	_ =	shalt  }
0x3f: {  	_ =	shalt  }
0x40: {  	_ =	shalt  }
0x41: {  	_ =	shalt  }
0x42: {  	_ =	shalt  }
0x43: {  	_ =	shalt  }
0x44: {  	_ =	shalt  }
0x45: {  	_ =	shalt  }
0x46: {  	_ =	shalt  }
0x47: {  	_ =	shalt  }
0x48: {  	_ =	shalt  }
0x49: {  	_ =	shalt  }
0x4a: {  	_ =	shalt  }
0x4b: {  	_ =	shalt  }
0x4c: {  	_ =	shalt  }
0x4d: {  	_ =	shalt  }
0x4e: {  	_ =	shalt  }
0x4f: {  	_ =	shalt  }
0x50: {  	_ =	shalt  }
0x51: {  	_ =	shalt  }
0x52: {  	_ =	shalt  }
0x53: {  	_ =	shalt  }
0x54: {  	_ =	shalt  }
0x55: {  	_ =	shalt  }
0x56: {  	_ =	shalt  }
0x57: {  	_ =	shalt  }
0x58: {  	_ =	shalt  }
0x59: {  	_ =	shalt  }
0x5a: {  	_ =	shalt  }
0x5b: {  	_ =	shalt  }
0x5c: {  	_ =	shalt  }
0x5d: {  	_ =	shalt  }
0x5e: {  	_ =	shalt  }
0x5f: {  	_ =	shalt  }
0x60: {  	_ =	shalt  }
0x61: {  	_ =	shalt  }
0x62: {  	_ =	shalt  }
0x63: {  	_ =	shalt  }
0x64: {  	_ =	shalt  }
0x65: {  	_ =	shalt  }
0x66: {  	_ =	shalt  }
0x67: {  	_ =	shalt  }
0x68: {  	_ =	shalt  }
0x69: {  	_ =	shalt  }
0x6a: {  	_ =	shalt  }
0x6b: {  	_ =	shalt  }
0x6c: {  	_ =	shalt  }
0x6d: {  	_ =	shalt  }
0x6e: {  	_ =	shalt  }
0x6f: {  	_ =	shalt  }
0x70: {  	_ =	shalt  }
0x71: {  	_ =	shalt  }
0x72: {  	_ =	shalt  }
0x73: {  	_ =	shalt  }
0x74: {  	_ =	shalt  }
0x75: {  	_ =	shalt  }
0x76: {  	_ =	shalt  }
0x77: {  	_ =	shalt  }
0x78: {  	_ =	shalt  }
0x79: {  	_ =	shalt  }
0x7a: {  	_ =	shalt  }
0x7b: {  	_ =	shalt  }
0x7c: {  	_ =	shalt  }
0x7d: {  	_ =	shalt  }
0x7e: {  	_ =	shalt  }
0x7f: {  	_ =	shalt  }
0x80: {  	_ =	shalt  }
0x81: {  	_ =	shalt  }
0x82: {  	_ =	shalt  }
0x83: {  	_ =	shalt  }
0x84: {  	_ =	shalt  }
0x85: {  	_ =	shalt  }
0x86: {  	_ =	shalt  }
0x87: {  	_ =	shalt  }
.Lfunc_end0:
.L_simem_size_0:
called_computation_lowered:
.L_overlay_start_0:
0x88: {  	s2 =	sld [smem:$0x3FD9]  }
0x89: {  	s3 =	sld [smem:$0x3FFE];
	_ =	sdelay $0x1  }
0x8a: {  	s1 =	srdreg.scid  }
0x8b: {  	s0 =	sand.u32 $0x1, s1  }
0x8c: {  	s17 =	sshll.u32 s0, $0xA;
	s2 =	sadd.s32 s3, s2  }
0x8d: {  	s2 =	sadd.s32 s2, s17  }
0x8e: {  	[smem:$0x3FBD] =	sst s2  }
0x8f: {  	_ = 	snop  }
0x90: {  	s2 =	sld [smem:$0x3FD0];
	(tm) =	ssettm $0x1  }
0x91: {  	s18 =	sld [smem:$0x3FFB];
	_ =	sdelay $0x3  }
0x92: {  	_ =	strace s18  }
0x93: {  	s3 =	sld [smem:$0x3FFC];
	_ =	sdelay $0x3  }
0x94: {  	_ =	strace s3  }
0x95: {  	s3 =	sld [smem:$0x3FFD];
	_ =	sdelay $0x3  }
0x96: {  	_ =	strace s3  }
0x97: {  	_ =	strace $0x8FFFFFFF  }
0x98: {  	s19 =	sld [smem:$0x3FDB];
	_ =	sdelay $0x1  }
0x99: {  	s4 =	simm.s32 $_scs_section_size  }
0x9a: {  	s5 =	simm.s32 $_size__tile_overlayer_lowered;
	s6 =	simm.s32 $_tile_overlayer_lowered  }
0x9b: {  	s22 =	simm.s32 $0x1BFF;
	s21 =	sshll.u32 s6, $0x1;
	s3 =	sadd.s32 s4, s19  }
0x9c: {  	s7 =	simm.s32 $0x0;
	s20 =	sshll.u32 s5, $0x1;
	s5 =	sadd.s32 s21, s3  }
0x9d: {  	[timem:s7], [sflag:s22] =	dma.local [hbm:s5], s20  }
0x9e: {  	_ =	swait.ge [sflag:s22], s20  }
0x9f: {  	s4 =	ssub.s32 $0x0, s20;
	[sflag:s22] =	ssyncset.done $0x0  }
0xa0: {  	[sflag:s22] =	ssyncadd.s32 s4;
	_ =	sdelay $0x1  }
0xa1: {  	s23 =	simm.s32 $0x1B8B  }
0xa2: {  	_ =	swait.ge [sflag:s23], $0x1  }
0xa3: {  	[sflag:s23] =	ssyncset.done $0x0  }
0xa4: {  	s25 =	simm.s32 $0x1B8E;
	s24 =	sld [smem:$0x3FFE];
	[sflag:s23] =	ssyncadd.s32 $0xFFFFFFFF  }
0xa5: {  	s26 =	simm.s32 $execute0_lowered;
	[smem:$0x3FD2] =	sst s25  }
0xa6: {  	s5 =	sshll.u32 s26, $0x1;
	_ =	strace $0x80000046;
	[dreg:$0x1] =	wrdreg $0xFFFFFFFF  }
0xa7: {  	s28 =	simm.s32 $_size_execute0_lowered;
	s3 =	sadd.s32 s3, s5;
	[dreg:$0x0] =	wrdreg $0x0  }
0xa8: {  	s5 =	sshll.u32 s28, $0x1;
	[dreg:$0x2] =	wrdreg s3  }
0xa9: {  	[dreg:$0x3] =	wrdreg s5  }
0xaa: {  	[dreg:$0x4] =	wrdreg $0xC0  }
0xab: {  	_ =	task [dreg:s7], $0x5FFFF  }
0xac: {  	[dreg:$0x1] =	wrdreg $0xFFFFFFFF  }
0xad: {  	[dreg:$0x0] =	wrdreg $0x60  }
0xae: {  	[dreg:$0x2] =	wrdreg s2  }
0xaf: {  	[dreg:$0x3] =	wrdreg s24  }
0xb0: {  	[dreg:$0x4] =	wrdreg $0x9  }
0xb1: {  	_ =	task.clear_ibuf [dreg:s7], $0x5FFFF;
	_ =	strace $0x90000046  }
0xb2: {  	s29 =	simm.s32 $0x9;
	_ =	strace $0x80000048  }
0xb3: {  	_ =	swait.ge [sflag:s29], $0x1  }
0xb4: {  	[sflag:s29] =	ssyncadd.s32 $0xFFFFFFFF  }
0xb5: {  	_ =	strace $0x90000048  }
0xb6: {  	_ =	sfence  }
0xb7: {  	s30 =	sld [smem:$0x0];
	_ =	sdelay $0x2  }
0xb8: {  	s31 =	sshll.u32 s1, $0xD;
	s1 =	sshrl.u32 s1, $0x2  }
0xb9: {  	s3 =	sand.u32 $0x4000, s31;
	s1 =	sadd.s32 s1, s30  }
0xba: {  	s0 =	sor.u32 s3, s0;
	s1 =	sshll.u32 s1, $0x11  }
0xbb: {  	s0 =	sor.u32 s1, s0  }
0xbc: {  	s0 =	sadd.s32 $0x8F2B, s0  }
0xbd: {  	[sflag:s0] =	ssyncadd.remote.s32 $0x1  }
0xbe: {  	_ =	sfence.sel $0xFFFF  }
0xbf: {  	[dreg:$0x0] =	wrdreg $0xFFFFFFFF;
	(pc) =	sbr.abs _section_cstart, $3  }
0xc0: {  	[dreg:$0x1] =	wrdreg $0xFFFFFFFF  }
0xc1: {  	_ =	task.clear_ibuf [dreg:s7], $0x2FFFF;
	_ =	strace $0x9FFFFFFF  }
0xc2: {  	(tm) =	ssettm $0x7FFFFFFF  }
0xc3: {  	_ =	shalt  }
tec
execute0_lowered:
.L_overlay_start_1:
0x0: {  	(tag) =	ssettag $0x1  }
0x1: {  	s0 =	srdreg.scid  }
0x2: {  	s1 =	sand.u32 $0x1, s0  }
0x3: {  	s15 =	stileid.u32;
	s3 =	rddreg [dreg:$0x0];
	s2 =	sshll.u32 s1, $0x4  }
0x4: {  	s5 =	rddreg [dreg:$0x1];
	s4 =	sor.u32 s15, s2;
	s2 =	simm.s32 $0x0  }
0x5: {  	s17 =	simm.s32 $0x80;
	[smem:$0x7FF] =	sst s2  }
0x6: {  	s18 =	simm.s32 $0x1BD0;
	_ =	strace $0x80000047;
	[dreg:$0x5] =	wrdreg s17  }
0x7: {  	s19 =	simm.s32 $0x100;
	[dreg:$0x6] =	wrdreg s18  }
0x8: {  	s20 =	simm.s32 $0x23A0;
	[dreg:$0x7] =	wrdreg s19  }
0x9: {  	s21 =	simm.s32 $0x180;
	[dreg:$0x8] =	wrdreg s20  }
0xa: {  	s22 =	simm.s32 $0x2B70;
	[dreg:$0x9] =	wrdreg s21  }
0xb: {  	s23 =	simm.s32 $0x200;
	[dreg:$0xa] =	wrdreg s22  }
0xc: {  	s24 =	simm.s32 $0x3340;
	[dreg:$0xb] =	wrdreg s23  }
0xd: {  	s25 =	simm.s32 $0x280;
	[dreg:$0xc] =	wrdreg s24  }
0xe: {  	s26 =	simm.s32 $0x3B10;
	[dreg:$0xd] =	wrdreg s25  }
0xf: {  	s0 =	simm.s32 $0x300;
	[dreg:$0xe] =	wrdreg s26  }
0x10: {  	s7 =	simm.s32 $0x4AB0;
	[dreg:$0xf] =	wrdreg s0  }
0x11: {  	s8 =	simm.s32 $0x400;
	[dreg:$0x12] =	wrdreg s7  }
0x12: {  	s9 =	simm.s32 $0x5280;
	[dreg:$0x13] =	wrdreg s8  }
0x13: {  	s10 =	simm.s32 $0x480;
	[dreg:$0x14] =	wrdreg s9  }
0x14: {  	s11 =	simm.s32 $0x5A50;
	[dreg:$0x15] =	wrdreg s10  }
0x15: {  	s12 =	simm.s32 $0x500;
	[dreg:$0x16] =	wrdreg s11  }
0x16: {  	s13 =	simm.s32 $0x6220;
	[dreg:$0x17] =	wrdreg s12  }
0x17: {  	s14 =	simm.s32 $0x580;
	[dreg:$0x18] =	wrdreg s13  }
0x18: {  	s15 =	simm.s32 $0x69F0;
	[dreg:$0x19] =	wrdreg s14  }
0x19: {  	[dreg:$0x1a] =	wrdreg s15;
	s17 =	simm.s32 $0x71C0  }
0x1a: {  	s18 =	simm.s32 $0x680;
	[dreg:$0x1c] =	wrdreg s17  }
0x1b: {  	s19 =	simm.s32 $0x7990;
	[dreg:$0x1d] =	wrdreg s18  }
0x1c: {  	s20 =	simm.s32 $0x700;
	[dreg:$0x1e] =	wrdreg s19  }
0x1d: {  	s21 =	simm.s32 $0x8160;
	[dreg:$0x1f] =	wrdreg s20  }
0x1e: {  	s22 =	simm.s32 $0x780;
	[smem:$0x7E2] =	sst s21  }
0x1f: {  	s23 =	simm.s32 $0x8930;
	[smem:$0x7E4] =	sst s22  }
0x20: {  	s24 =	simm.s32 $0x800;
	[smem:$0x7E3] =	sst s23  }
0x21: {  	s25 =	simm.s32 $0x9100;
	[smem:$0x7E9] =	sst s24  }
0x22: {  	s26 =	simm.s32 $0x880;
	[smem:$0x7EB] =	sst s25  }
0x23: {  	s0 =	simm.s32 $0x98D0;
	[smem:$0x7E8] =	sst s26  }
0x24: {  	s7 =	simm.s32 $0x980;
	[smem:$0x7E7] =	sst s0  }
0x25: {  	s8 =	simm.s32 $0xA870;
	[smem:$0x7EF] =	sst s7  }
0x26: {  	s9 =	simm.s32 $0xA00;
	[smem:$0x7EC] =	sst s8  }
0x27: {  	s10 =	simm.s32 $0xB040;
	[smem:$0x7F0] =	sst s9  }
0x28: {  	s11 =	simm.s32 $0xA80;
	[smem:$0x7EE] =	sst s10  }
0x29: {  	s12 =	simm.s32 $0xB810;
	[smem:$0x7F1] =	sst s11  }
0x2a: {  	s6 =	smul.u32 $0x280, s4;
	s13 =	simm.s32 $0xB00;
	[smem:$0x7ED] =	sst s12  }
0x2b: {  	s4 =	smul.u32 $0x2710, s4;
	s14 =	simm.s32 $0xBFE0;
	[smem:$0x7F2] =	sst s13  }
0x2c: {  	s15 =	simm.s32 $0xB80;
	s6 =	sadd.s32 s6, s5;
	[smem:$0x7E5] =	sst s14  }
0x2d: {  	s4 =	sadd.s32 s4, s5;
	s5 =	simm.s32 $0x42E0;
	[smem:$0x7F4] =	sst s15  }
0x2e: {  	s17 =	simm.s32 $0xC00;
	[dreg:$0x10] =	wrdreg s5  }
0x2f: {  	s18 =	simm.s32 $0xCF80;
	[smem:$0x7F5] =	sst s17  }
0x30: {  	s19 =	simm.s32 $0xC80;
	[smem:$0x7F6] =	sst s18  }
0x31: {  	s20 =	simm.s32 $0xD750;
	[smem:$0x7F9] =	sst s19  }
0x32: {  	s21 =	simm.s32 $0xD00;
	[smem:$0x7F7] =	sst s20  }
0x33: {  	s22 =	simm.s32 $0xDF20;
	[smem:$0x7FA] =	sst s21  }
0x34: {  	s23 =	simm.s32 $0xD80;
	[smem:$0x7F8] =	sst s22  }
0x35: {  	s24 =	simm.s32 $0xE6F0;
	[smem:$0x7FC] =	sst s23  }
0x36: {  	s25 =	simm.s32 $0xE00;
	[smem:$0x7FB] =	sst s24  }
0x37: {  	s16 =	sadd.s32 $0x2400, s6;
	[smem:$0x7FD] =	sst s25  }
0x38: {  	s4 =	sadd.s32 $0x7400, s4;
	[dreg:$0x3] =	wrdreg s16  }
0x39: {  	s6 =	simm.s32 $0x380;
	[dreg:$0x4] =	wrdreg s4  }
0x3a: {  	s5 =	simm.s32 $0x900;
	[dreg:$0x11] =	wrdreg s6  }
0x3b: {  	s16 =	simm.s32 $0x600;
	[smem:$0x7E6] =	sst s5  }
0x3c: {  	s6 =	simm.s32 $0xA0A0;
	[dreg:$0x1b] =	wrdreg s16  }
0x3d: {  	[smem:$0x7EA] =	sst s6  }
0x3e: {  	s16 =	simm.s32 $0xC7B0;
	s5 =	rddreg [dreg:$0x3]  }
0x3f: {  	s4 =	simm.s32 $0x2;
	[smem:$0x7F3] =	sst s16  }
0x40: {  	[tilespmem:s2], [sflag:$0x2] =	stream.linear.gather [hbm4b:s5+s2], $0x1400, $0x38;
	[tilespmem:$0x14C80] =	vst v63  }
0x41: {  	_ =	swait.ge [sflag:s4], $0x1400  }
0x42: {  	s26 =	rddreg [dreg:$0x9]  }
0x43: {  	s8 =	rddreg [dreg:$0xe]  }
0x44: {  	s9 =	rddreg [dreg:$0xa]  }
0x45: {  	s10 =	rddreg [dreg:$0x7]  }
0x46: {  	s11 =	rddreg [dreg:$0x5]  }
0x47: {  	s7 =	simm.s32 $0x7D;
	s12 =	rddreg [dreg:$0x8];
	[sflag:s4] =	ssyncset.done $0x0  }
0x48: {  	s5 =	simm.s32 $0x1400;
	s13 =	rddreg [dreg:$0x6];
	[sflag:s4] =	ssyncadd.s32 $0xFFFFEC00  }
0x49: {  	[tilespmem:s5], [sflag:$0x1] =	stream.indirect.gather [hbm4b:s3+s7], $0x10, s2, s7, $0xb8;
	[tilespmem:$0x14C80] =	vst v63  }
0x4a: {  	s14 =	rddreg [dreg:$0xc]  }
0x4b: {  	[tilespmem:s13], [sflag:$0x1] =	stream.indirect.gather [hbm4b:s3+s7], $0x10, s11, s7, $0xb8;
	[tilespmem:$0x14C80] =	vst v63  }
0x4c: {  	s15 =	rddreg [dreg:$0xb]  }
0x4d: {  	[tilespmem:s12], [sflag:$0x1] =	stream.indirect.gather [hbm4b:s3+s7], $0x10, s10, s7, $0xb8;
	[tilespmem:$0x14C80] =	vst v63  }
0x4e: {  	s0 =	rddreg [dreg:$0xd]  }
0x4f: {  	[tilespmem:s9], [sflag:$0x1] =	stream.indirect.gather [hbm4b:s3+s7], $0x10, s26, s7, $0xb8;
	[tilespmem:$0x14C80] =	vst v63  }
0x50: {  	s16 =	rddreg [dreg:$0x11]  }
0x51: {  	[tilespmem:s14], [sflag:$0x1] =	stream.indirect.gather [hbm4b:s3+s7], $0x10, s15, s7, $0xb8;
	[tilespmem:$0x14C80] =	vst v63  }
0x52: {  	s13 =	rddreg [dreg:$0xf]  }
0x53: {  	[tilespmem:s8], [sflag:$0x1] =	stream.indirect.gather [hbm4b:s3+s7], $0x10, s0, s7, $0xb8;
	[tilespmem:$0x14C80] =	vst v63  }
0x54: {  	s12 =	rddreg [dreg:$0x10]  }
0x55: {  	[tilespmem:s12], [sflag:$0x1] =	stream.indirect.gather [hbm4b:s3+s7], $0x10, s13, s7, $0xb8;
	[tilespmem:$0x14C80] =	vst v63  }
0x56: {  	s6 =	simm.s32 $0x1;
	s17 =	rddreg [dreg:$0x12]  }
0x57: {  	[tilespmem:s17], [sflag:$0x1] =	stream.indirect.gather [hbm4b:s3+s7], $0x10, s16, s7, $0xb8;
	[tilespmem:$0x14C80] =	vst v63  }
0x58: {  	_ =	swait.ge [sflag:s6], $0x7D0  }
0x59: {  	[sflag:s6] =	ssyncset.done $0x0  }
0x5a: {  	[sflag:s6] =	ssyncadd.s32 $0xFFFFF830  }
0x5b: {  	_ =	swait.ge [sflag:s6], $0x7D0  }
0x5c: {  	[sflag:s6] =	ssyncset.done $0x0  }
0x5d: {  	[sflag:s6] =	ssyncadd.s32 $0xFFFFF830  }
0x5e: {  	_ =	swait.ge [sflag:s6], $0x7D0  }
0x5f: {  	[sflag:s6] =	ssyncset.done $0x0  }
0x60: {  	[sflag:s6] =	ssyncadd.s32 $0xFFFFF830  }
0x61: {  	_ =	swait.ge [sflag:s6], $0x7D0  }
0x62: {  	[sflag:s6] =	ssyncset.done $0x0  }
0x63: {  	[sflag:s6] =	ssyncadd.s32 $0xFFFFF830  }
0x64: {  	_ =	swait.ge [sflag:s6], $0x7D0  }
0x65: {  	[sflag:s6] =	ssyncset.done $0x0  }
0x66: {  	[sflag:s6] =	ssyncadd.s32 $0xFFFFF830  }
0x67: {  	_ =	swait.ge [sflag:s6], $0x7D0  }
0x68: {  	[sflag:s6] =	ssyncset.done $0x0  }
0x69: {  	[sflag:s6] =	ssyncadd.s32 $0xFFFFF830  }
0x6a: {  	_ =	swait.ge [sflag:s6], $0x7D0  }
0x6b: {  	[sflag:s6] =	ssyncset.done $0x0  }
0x6c: {  	[sflag:s6] =	ssyncadd.s32 $0xFFFFF830  }
0x6d: {  	_ =	swait.ge [sflag:s6], $0x7D0  }
0x6e: {  	s18 =	rddreg [dreg:$0x17]  }
0x6f: {  	s19 =	rddreg [dreg:$0x19]  }
0x70: {  	s20 =	rddreg [dreg:$0x1b]  }
0x71: {  	s21 =	rddreg [dreg:$0x16]  }
0x72: {  	s22 =	rddreg [dreg:$0x15]  }
0x73: {  	s23 =	rddreg [dreg:$0x13]  }
0x74: {  	s24 =	rddreg [dreg:$0x14]  }
0x75: {  	s25 =	rddreg [dreg:$0x1a]  }
0x76: {  	[sflag:s6] =	ssyncset.done $0x0;
	s16 =	rddreg [dreg:$0x18]  }
0x77: {  	s17 =	rddreg [dreg:$0x1c];
	[sflag:s6] =	ssyncadd.s32 $0xFFFFF830  }
0x78: {  	[tilespmem:s24], [sflag:$0x1] =	stream.indirect.gather [hbm4b:s3+s7], $0x10, s23, s7, $0xb8;
	[tilespmem:$0x14C80] =	vst v63  }
0x79: {  	s26 =	rddreg [dreg:$0x1f]  }
0x7a: {  	[tilespmem:s21], [sflag:$0x1] =	stream.indirect.gather [hbm4b:s3+s7], $0x10, s22, s7, $0xb8;
	[tilespmem:$0x14C80] =	vst v63  }
0x7b: {  	s0 =	sld [smem:$0x7E2]  }
0x7c: {  	[tilespmem:s16], [sflag:$0x1] =	stream.indirect.gather [hbm4b:s3+s7], $0x10, s18, s7, $0xb8;
	[tilespmem:$0x14C80] =	vst v63  }
0x7d: {  	s12 =	rddreg [dreg:$0x1e]  }
0x7e: {  	[tilespmem:s25], [sflag:$0x1] =	stream.indirect.gather [hbm4b:s3+s7], $0x10, s19, s7, $0xb8;
	[tilespmem:$0x14C80] =	vst v63  }
0x7f: {  	s14 =	rddreg [dreg:$0x1d]  }
0x80: {  	[tilespmem:s17], [sflag:$0x1] =	stream.indirect.gather [hbm4b:s3+s7], $0x10, s20, s7, $0xb8;
	[tilespmem:$0x14C80] =	vst v63  }
0x81: {  	s15 =	sld [smem:$0x7E3]  }
0x82: {  	[tilespmem:s12], [sflag:$0x1] =	stream.indirect.gather [hbm4b:s3+s7], $0x10, s14, s7, $0xb8;
	[tilespmem:$0x14C80] =	vst v63  }
0x83: {  	s16 =	sld [smem:$0x7E4]  }
0x84: {  	[tilespmem:s0], [sflag:$0x1] =	stream.indirect.gather [hbm4b:s3+s7], $0x10, s26, s7, $0xb8;
	[tilespmem:$0x14C80] =	vst v63  }
0x85: {  	_ = 	snop  }
0x86: {  	[tilespmem:s15], [sflag:$0x1] =	stream.indirect.gather [hbm4b:s3+s7], $0x10, s16, s7, $0xb8;
	[tilespmem:$0x14C80] =	vst v63  }
0x87: {  	_ =	swait.ge [sflag:s6], $0x7D0  }
0x88: {  	[sflag:s6] =	ssyncset.done $0x0  }
0x89: {  	[sflag:s6] =	ssyncadd.s32 $0xFFFFF830  }
0x8a: {  	_ =	swait.ge [sflag:s6], $0x7D0  }
0x8b: {  	[sflag:s6] =	ssyncset.done $0x0  }
0x8c: {  	[sflag:s6] =	ssyncadd.s32 $0xFFFFF830  }
0x8d: {  	_ =	swait.ge [sflag:s6], $0x7D0  }
0x8e: {  	[sflag:s6] =	ssyncset.done $0x0  }
0x8f: {  	[sflag:s6] =	ssyncadd.s32 $0xFFFFF830  }
0x90: {  	_ =	swait.ge [sflag:s6], $0x7D0  }
0x91: {  	[sflag:s6] =	ssyncset.done $0x0  }
0x92: {  	[sflag:s6] =	ssyncadd.s32 $0xFFFFF830  }
0x93: {  	_ =	swait.ge [sflag:s6], $0x7D0  }
0x94: {  	[sflag:s6] =	ssyncset.done $0x0  }
0x95: {  	[sflag:s6] =	ssyncadd.s32 $0xFFFFF830  }
0x96: {  	_ =	swait.ge [sflag:s6], $0x7D0  }
0x97: {  	[sflag:s6] =	ssyncset.done $0x0  }
0x98: {  	[sflag:s6] =	ssyncadd.s32 $0xFFFFF830  }
0x99: {  	_ =	swait.ge [sflag:s6], $0x7D0  }
0x9a: {  	[sflag:s6] =	ssyncset.done $0x0  }
0x9b: {  	[sflag:s6] =	ssyncadd.s32 $0xFFFFF830  }
0x9c: {  	_ =	swait.ge [sflag:s6], $0x7D0  }
0x9d: {  	s8 =	sld [smem:$0x7E5]  }
0x9e: {  	s17 =	sld [smem:$0x7E6]  }
0x9f: {  	s20 =	sld [smem:$0x7E7]  }
0xa0: {  	s21 =	sld [smem:$0x7E8]  }
0xa1: {  	s22 =	sld [smem:$0x7E9]  }
0xa2: {  	s23 =	sld [smem:$0x7EA]  }
0xa3: {  	s24 =	sld [smem:$0x7EB]  }
0xa4: {  	s25 =	sld [smem:$0x7EC]  }
0xa5: {  	[sflag:s6] =	ssyncset.done $0x0;
	s26 =	sld [smem:$0x7ED]  }
0xa6: {  	s0 =	sld [smem:$0x7EE];
	[sflag:s6] =	ssyncadd.s32 $0xFFFFF830  }
0xa7: {  	[tilespmem:s24], [sflag:$0x1] =	stream.indirect.gather [hbm4b:s3+s7], $0x10, s22, s7, $0xb8;
	[tilespmem:$0x14C80] =	vst v63  }
0xa8: {  	s18 =	sld [smem:$0x7EF]  }
0xa9: {  	[tilespmem:s20], [sflag:$0x1] =	stream.indirect.gather [hbm4b:s3+s7], $0x10, s21, s7, $0xb8;
	[tilespmem:$0x14C80] =	vst v63  }
0xaa: {  	s19 =	sld [smem:$0x7F0]  }
0xab: {  	[tilespmem:s23], [sflag:$0x1] =	stream.indirect.gather [hbm4b:s3+s7], $0x10, s17, s7, $0xb8;
	[tilespmem:$0x14C80] =	vst v63  }
0xac: {  	s22 =	sld [smem:$0x7F3]  }
0xad: {  	[tilespmem:s25], [sflag:$0x1] =	stream.indirect.gather [hbm4b:s3+s7], $0x10, s18, s7, $0xb8;
	[tilespmem:$0x14C80] =	vst v63  }
0xae: {  	s20 =	sld [smem:$0x7F1]  }
0xaf: {  	[tilespmem:s0], [sflag:$0x1] =	stream.indirect.gather [hbm4b:s3+s7], $0x10, s19, s7, $0xb8;
	[tilespmem:$0x14C80] =	vst v63  }
0xb0: {  	s21 =	sld [smem:$0x7F2]  }
0xb1: {  	[tilespmem:s26], [sflag:$0x1] =	stream.indirect.gather [hbm4b:s3+s7], $0x10, s20, s7, $0xb8;
	[tilespmem:$0x14C80] =	vst v63  }
0xb2: {  	s23 =	sld [smem:$0x7F4]  }
0xb3: {  	[tilespmem:s8], [sflag:$0x1] =	stream.indirect.gather [hbm4b:s3+s7], $0x10, s21, s7, $0xb8;
	[tilespmem:$0x14C80] =	vst v63  }
0xb4: {  	_ = 	snop  }
0xb5: {  	[tilespmem:s22], [sflag:$0x1] =	stream.indirect.gather [hbm4b:s3+s7], $0x10, s23, s7, $0xb8;
	[tilespmem:$0x14C80] =	vst v63  }
0xb6: {  	_ =	swait.ge [sflag:s6], $0x7D0  }
0xb7: {  	[sflag:s6] =	ssyncset.done $0x0  }
0xb8: {  	[sflag:s6] =	ssyncadd.s32 $0xFFFFF830  }
0xb9: {  	_ =	swait.ge [sflag:s6], $0x7D0  }
0xba: {  	[sflag:s6] =	ssyncset.done $0x0  }
0xbb: {  	[sflag:s6] =	ssyncadd.s32 $0xFFFFF830  }
0xbc: {  	_ =	swait.ge [sflag:s6], $0x7D0  }
0xbd: {  	[sflag:s6] =	ssyncset.done $0x0  }
0xbe: {  	[sflag:s6] =	ssyncadd.s32 $0xFFFFF830  }
0xbf: {  	_ =	swait.ge [sflag:s6], $0x7D0  }
0xc0: {  	[sflag:s6] =	ssyncset.done $0x0  }
0xc1: {  	[sflag:s6] =	ssyncadd.s32 $0xFFFFF830  }
0xc2: {  	_ =	swait.ge [sflag:s6], $0x7D0  }
0xc3: {  	[sflag:s6] =	ssyncset.done $0x0  }
0xc4: {  	[sflag:s6] =	ssyncadd.s32 $0xFFFFF830  }
0xc5: {  	_ =	swait.ge [sflag:s6], $0x7D0  }
0xc6: {  	[sflag:s6] =	ssyncset.done $0x0  }
0xc7: {  	[sflag:s6] =	ssyncadd.s32 $0xFFFFF830  }
0xc8: {  	_ =	swait.ge [sflag:s6], $0x7D0  }
0xc9: {  	[sflag:s6] =	ssyncset.done $0x0  }
0xca: {  	[sflag:s6] =	ssyncadd.s32 $0xFFFFF830  }
0xcb: {  	_ =	swait.ge [sflag:s6], $0x7D0  }
0xcc: {  	s24 =	sld [smem:$0x7F5]  }
0xcd: {  	s25 =	sld [smem:$0x7F6]  }
0xce: {  	s26 =	sld [smem:$0x7F7]  }
0xcf: {  	s0 =	sld [smem:$0x7F8]  }
0xd0: {  	[sflag:s6] =	ssyncset.done $0x0;
	s13 =	sld [smem:$0x7F9]  }
0xd1: {  	s14 =	sld [smem:$0x7FA];
	[sflag:s6] =	ssyncadd.s32 $0xFFFFF830  }
0xd2: {  	[tilespmem:s25], [sflag:$0x1] =	stream.indirect.gather [hbm4b:s3+s7], $0x10, s24, s7, $0xb8;
	[tilespmem:$0x14C80] =	vst v63  }
0xd3: {  	s15 =	sld [smem:$0x7FB]  }
0xd4: {  	[tilespmem:s26], [sflag:$0x1] =	stream.indirect.gather [hbm4b:s3+s7], $0x10, s13, s7, $0xb8;
	[tilespmem:$0x14C80] =	vst v63  }
0xd5: {  	s16 =	sld [smem:$0x7FC]  }
0xd6: {  	[tilespmem:s0], [sflag:$0x1] =	stream.indirect.gather [hbm4b:s3+s7], $0x10, s14, s7, $0xb8;
	[tilespmem:$0x14C80] =	vst v63  }
0xd7: {  	s17 =	sld [smem:$0x7FD]  }
0xd8: {  	[tilespmem:s15], [sflag:$0x1] =	stream.indirect.gather [hbm4b:s3+s7], $0x10, s16, s7, $0xb8;
	[tilespmem:$0x14C80] =	vst v63  }
0xd9: {  	s18 =	simm.s32 $0xEEC0  }
0xda: {  	[tilespmem:s18], [sflag:$0x1] =	stream.indirect.gather [hbm4b:s3+s7], $0x10, s17, s7, $0xb8;
	[tilespmem:$0x14C80] =	vst v63  }
0xdb: {  	s19 =	simm.s32 $0xE80;
	s20 =	simm.s32 $0xF690  }
0xdc: {  	[tilespmem:s20], [sflag:$0x1] =	stream.indirect.gather [hbm4b:s3+s7], $0x10, s19, s7, $0xb8;
	[tilespmem:$0x14C80] =	vst v63  }
0xdd: {  	s21 =	simm.s32 $0xF00;
	s22 =	simm.s32 $0xFE60  }
0xde: {  	[tilespmem:s22], [sflag:$0x1] =	stream.indirect.gather [hbm4b:s3+s7], $0x10, s21, s7, $0xb8;
	[tilespmem:$0x14C80] =	vst v63  }
0xdf: {  	s23 =	simm.s32 $0xF80;
	s24 =	simm.s32 $0x10630  }
0xe0: {  	[tilespmem:s24], [sflag:$0x1] =	stream.indirect.gather [hbm4b:s3+s7], $0x10, s23, s7, $0xb8;
	[tilespmem:$0x14C80] =	vst v63  }
0xe1: {  	_ =	swait.ge [sflag:s6], $0x7D0  }
0xe2: {  	[sflag:s6] =	ssyncset.done $0x0  }
0xe3: {  	[sflag:s6] =	ssyncadd.s32 $0xFFFFF830  }
0xe4: {  	_ =	swait.ge [sflag:s6], $0x7D0  }
0xe5: {  	[sflag:s6] =	ssyncset.done $0x0  }
0xe6: {  	[sflag:s6] =	ssyncadd.s32 $0xFFFFF830  }
0xe7: {  	_ =	swait.ge [sflag:s6], $0x7D0  }
0xe8: {  	[sflag:s6] =	ssyncset.done $0x0  }
0xe9: {  	[sflag:s6] =	ssyncadd.s32 $0xFFFFF830  }
0xea: {  	_ =	swait.ge [sflag:s6], $0x7D0  }
0xeb: {  	[sflag:s6] =	ssyncset.done $0x0  }
0xec: {  	[sflag:s6] =	ssyncadd.s32 $0xFFFFF830  }
0xed: {  	_ =	swait.ge [sflag:s6], $0x7D0  }
0xee: {  	[sflag:s6] =	ssyncset.done $0x0  }
0xef: {  	[sflag:s6] =	ssyncadd.s32 $0xFFFFF830  }
0xf0: {  	_ =	swait.ge [sflag:s6], $0x7D0  }
0xf1: {  	[sflag:s6] =	ssyncset.done $0x0  }
0xf2: {  	[sflag:s6] =	ssyncadd.s32 $0xFFFFF830  }
0xf3: {  	_ =	swait.ge [sflag:s6], $0x7D0  }
0xf4: {  	[sflag:s6] =	ssyncset.done $0x0  }
0xf5: {  	[sflag:s6] =	ssyncadd.s32 $0xFFFFF830  }
0xf6: {  	_ =	swait.ge [sflag:s6], $0x7D0  }
0xf7: {  	[sflag:s6] =	ssyncset.done $0x0  }
0xf8: {  	s25 =	simm.s32 $0x1000;
	s26 =	simm.s32 $0x10E00;
	[sflag:s6] =	ssyncadd.s32 $0xFFFFF830  }
0xf9: {  	[tilespmem:s26], [sflag:$0x1] =	stream.indirect.gather [hbm4b:s3+s7], $0x10, s25, s7, $0xb8;
	[tilespmem:$0x14C80] =	vst v63  }
0xfa: {  	s17 =	simm.s32 $0x1080;
	s18 =	simm.s32 $0x115D0  }
0xfb: {  	[tilespmem:s18], [sflag:$0x1] =	stream.indirect.gather [hbm4b:s3+s7], $0x10, s17, s7, $0xb8;
	[tilespmem:$0x14C80] =	vst v63  }
0xfc: {  	s1 =	ssub.s32 $0x2, s1;
	s19 =	simm.s32 $0x1100;
	s20 =	simm.s32 $0x11DA0  }
0xfd: {  	[tilespmem:s20], [sflag:$0x1] =	stream.indirect.gather [hbm4b:s3+s7], $0x10, s19, s7, $0xb8;
	[tilespmem:$0x14C80] =	vst v63  }
0xfe: {  	s30 =	sshrl.u32 s1, $0x1;
	s21 =	simm.s32 $0x1180;
	s22 =	simm.s32 $0x12570  }
0xff: {  	[tilespmem:s22], [sflag:$0x1] =	stream.indirect.gather [hbm4b:s3+s7], $0x10, s21, s7, $0xb8;
	[tilespmem:$0x14C80] =	vst v63  }
0x100: {  	s1 =	ssub.s32 s1, s30;
	s23 =	simm.s32 $0x1200;
	s24 =	simm.s32 $0x12D40  }
0x101: {  	[tilespmem:s24], [sflag:$0x1] =	stream.indirect.gather [hbm4b:s3+s7], $0x10, s23, s7, $0xb8;
	[tilespmem:$0x14C80] =	vst v63  }
0x102: {  	s1 =	smax.u32 s1, $0x1;
	s25 =	simm.s32 $0x1280;
	s26 =	simm.s32 $0x13510  }
0x103: {  	[tilespmem:s26], [sflag:$0x1] =	stream.indirect.gather [hbm4b:s3+s7], $0x10, s25, s7, $0xb8;
	[tilespmem:$0x14C80] =	vst v63  }
0x104: {  	s28 =	simm.s32 $0x1300;
	s29 =	simm.s32 $0x13CE0;
	p0 =	sne.s32 s1, $0x1  }
0x105: {  	[tilespmem:s29], [sflag:$0x1] =	stream.indirect.gather [hbm4b:s3+s7], $0x10, s28, s7, $0xb8;
	[tilespmem:$0x14C80] =	vst v63  }
.Ltmp0:
0x106: {  	s31 =	simm.s32 $0x144B0;
	s30 =	simm.s32 $0x1380;
	(pc) =	sbr.rel @!p0 .LBB2_2-.Ltmp0, $4  }
0x107: {  	[tilespmem:s31], [sflag:$0x1] =	stream.indirect.gather [hbm4b:s3+s7], $0x10, s30, s7, $0xb8;
	[tilespmem:$0x14C80] =	vst v63  }
0x108: {  	_ =	swait.ge [sflag:s6], $0x7D0  }
0x109: {  	[sflag:s6] =	ssyncset.done $0x0  }
0x10a: {  	s1 =	sadd.s32 $0xFFFFFFFF, s1;
	[sflag:s6] =	ssyncadd.s32 $0xFFFFF830  }
.LBB2_1:
0x10b: {  	_ =	swait.ge [sflag:s6], $0x7D0  }
0x10c: {  	[sflag:s6] =	ssyncset.done $0x0  }
0x10d: {  	[sflag:s6] =	ssyncadd.s32 $0xFFFFF830  }
0x10e: {  	_ =	swait.ge [sflag:s6], $0x7D0  }
0x10f: {  	[sflag:s6] =	ssyncset.done $0x0  }
0x110: {  	[sflag:s6] =	ssyncadd.s32 $0xFFFFF830  }
0x111: {  	_ =	swait.ge [sflag:s6], $0x7D0  }
0x112: {  	[sflag:s6] =	ssyncset.done $0x0  }
0x113: {  	[sflag:s6] =	ssyncadd.s32 $0xFFFFF830  }
0x114: {  	_ =	swait.ge [sflag:s6], $0x7D0  }
0x115: {  	[sflag:s6] =	ssyncset.done $0x0  }
0x116: {  	[sflag:s6] =	ssyncadd.s32 $0xFFFFF830  }
0x117: {  	_ =	swait.ge [sflag:s6], $0x7D0  }
0x118: {  	[sflag:s6] =	ssyncset.done $0x0  }
0x119: {  	[sflag:s6] =	ssyncadd.s32 $0xFFFFF830  }
0x11a: {  	_ =	swait.ge [sflag:s6], $0x7D0  }
0x11b: {  	[sflag:s6] =	ssyncset.done $0x0  }
0x11c: {  	[sflag:s6] =	ssyncadd.s32 $0xFFFFF830  }
0x11d: {  	_ =	swait.ge [sflag:s6], $0x7D0  }
0x11e: {  	[sflag:s6] =	ssyncset.done $0x0  }
0x11f: {  	s0 =	rddreg [dreg:$0x4];
	[sflag:s6] =	ssyncadd.s32 $0xFFFFF830  }
0x120: {  	[hbm4b:s0+s2] =	stream.linear.scatter [tilespmem:s5], [sflag:$0x2], $0x13880, $0x38;
	[tilespmem:$0x14C80] =	vst v63  }
0x121: {  	_ =	swait.ge [sflag:s4], $0x13880  }
0x122: {  	[sflag:s4] =	ssyncset.done $0x0  }
0x123: {  	s15 =	rddreg [dreg:$0x3];
	[sflag:s4] =	ssyncadd.s32 $0xFFFEC780  }
0x124: {  	[tilespmem:s2], [sflag:$0x2] =	stream.linear.gather [hbm4b:s15+s2], $0x1400, $0x38;
	[tilespmem:$0x14C80] =	vst v63  }
0x125: {  	_ =	swait.ge [sflag:s4], $0x1400  }
0x126: {  	s16 =	rddreg [dreg:$0x9]  }
0x127: {  	s8 =	rddreg [dreg:$0xe]  }
0x128: {  	s9 =	rddreg [dreg:$0xa]  }
0x129: {  	s10 =	rddreg [dreg:$0x7]  }
0x12a: {  	s11 =	rddreg [dreg:$0x5]  }
0x12b: {  	s12 =	rddreg [dreg:$0x8];
	[sflag:s4] =	ssyncset.done $0x0  }
0x12c: {  	s13 =	rddreg [dreg:$0x6];
	[sflag:s4] =	ssyncadd.s32 $0xFFFFEC00  }
0x12d: {  	[tilespmem:s5], [sflag:$0x1] =	stream.indirect.gather [hbm4b:s3+s7], $0x10, s2, s7, $0xb8;
	[tilespmem:$0x14C80] =	vst v63  }
0x12e: {  	s14 =	rddreg [dreg:$0xc]  }
0x12f: {  	[tilespmem:s13], [sflag:$0x1] =	stream.indirect.gather [hbm4b:s3+s7], $0x10, s11, s7, $0xb8;
	[tilespmem:$0x14C80] =	vst v63  }
0x130: {  	s15 =	rddreg [dreg:$0xb]  }
0x131: {  	[tilespmem:s12], [sflag:$0x1] =	stream.indirect.gather [hbm4b:s3+s7], $0x10, s10, s7, $0xb8;
	[tilespmem:$0x14C80] =	vst v63  }
0x132: {  	s11 =	rddreg [dreg:$0xd]  }
0x133: {  	[tilespmem:s9], [sflag:$0x1] =	stream.indirect.gather [hbm4b:s3+s7], $0x10, s16, s7, $0xb8;
	[tilespmem:$0x14C80] =	vst v63  }
0x134: {  	s13 =	rddreg [dreg:$0xf]  }
0x135: {  	[tilespmem:s14], [sflag:$0x1] =	stream.indirect.gather [hbm4b:s3+s7], $0x10, s15, s7, $0xb8;
	[tilespmem:$0x14C80] =	vst v63  }
0x136: {  	s10 =	rddreg [dreg:$0x10]  }
0x137: {  	[tilespmem:s8], [sflag:$0x1] =	stream.indirect.gather [hbm4b:s3+s7], $0x10, s11, s7, $0xb8;
	[tilespmem:$0x14C80] =	vst v63  }
0x138: {  	s12 =	rddreg [dreg:$0x12]  }
0x139: {  	[tilespmem:s10], [sflag:$0x1] =	stream.indirect.gather [hbm4b:s3+s7], $0x10, s13, s7, $0xb8;
	[tilespmem:$0x14C80] =	vst v63  }
0x13a: {  	s16 =	rddreg [dreg:$0x11]  }
0x13b: {  	[tilespmem:s12], [sflag:$0x1] =	stream.indirect.gather [hbm4b:s3+s7], $0x10, s16, s7, $0xb8;
	[tilespmem:$0x14C80] =	vst v63  }
0x13c: {  	_ =	swait.ge [sflag:s6], $0x7D0  }
0x13d: {  	[sflag:s6] =	ssyncset.done $0x0  }
0x13e: {  	[sflag:s6] =	ssyncadd.s32 $0xFFFFF830  }
0x13f: {  	_ =	swait.ge [sflag:s6], $0x7D0  }
0x140: {  	[sflag:s6] =	ssyncset.done $0x0  }
0x141: {  	[sflag:s6] =	ssyncadd.s32 $0xFFFFF830  }
0x142: {  	_ =	swait.ge [sflag:s6], $0x7D0  }
0x143: {  	[sflag:s6] =	ssyncset.done $0x0  }
0x144: {  	[sflag:s6] =	ssyncadd.s32 $0xFFFFF830  }
0x145: {  	_ =	swait.ge [sflag:s6], $0x7D0  }
0x146: {  	[sflag:s6] =	ssyncset.done $0x0  }
0x147: {  	[sflag:s6] =	ssyncadd.s32 $0xFFFFF830  }
0x148: {  	_ =	swait.ge [sflag:s6], $0x7D0  }
0x149: {  	[sflag:s6] =	ssyncset.done $0x0  }
0x14a: {  	[sflag:s6] =	ssyncadd.s32 $0xFFFFF830  }
0x14b: {  	_ =	swait.ge [sflag:s6], $0x7D0  }
0x14c: {  	[sflag:s6] =	ssyncset.done $0x0  }
0x14d: {  	[sflag:s6] =	ssyncadd.s32 $0xFFFFF830  }
0x14e: {  	_ =	swait.ge [sflag:s6], $0x7D0  }
0x14f: {  	[sflag:s6] =	ssyncset.done $0x0  }
0x150: {  	[sflag:s6] =	ssyncadd.s32 $0xFFFFF830  }
0x151: {  	_ =	swait.ge [sflag:s6], $0x7D0  }
0x152: {  	s0 =	rddreg [dreg:$0x17]  }
0x153: {  	s8 =	rddreg [dreg:$0x19]  }
0x154: {  	s9 =	rddreg [dreg:$0x1b]  }
0x155: {  	s10 =	rddreg [dreg:$0x16]  }
0x156: {  	s11 =	rddreg [dreg:$0x15]  }
0x157: {  	s12 =	rddreg [dreg:$0x13]  }
0x158: {  	s13 =	rddreg [dreg:$0x14]  }
0x159: {  	s14 =	rddreg [dreg:$0x1a]  }
0x15a: {  	[sflag:s6] =	ssyncset.done $0x0;
	s15 =	rddreg [dreg:$0x18]  }
0x15b: {  	s16 =	rddreg [dreg:$0x1c];
	[sflag:s6] =	ssyncadd.s32 $0xFFFFF830  }
0x15c: {  	[tilespmem:s13], [sflag:$0x1] =	stream.indirect.gather [hbm4b:s3+s7], $0x10, s12, s7, $0xb8;
	[tilespmem:$0x14C80] =	vst v63  }
0x15d: {  	s12 =	rddreg [dreg:$0x1f]  }
0x15e: {  	[tilespmem:s10], [sflag:$0x1] =	stream.indirect.gather [hbm4b:s3+s7], $0x10, s11, s7, $0xb8;
	[tilespmem:$0x14C80] =	vst v63  }
0x15f: {  	s13 =	rddreg [dreg:$0x1e]  }
0x160: {  	[tilespmem:s15], [sflag:$0x1] =	stream.indirect.gather [hbm4b:s3+s7], $0x10, s0, s7, $0xb8;
	[tilespmem:$0x14C80] =	vst v63  }
0x161: {  	s10 =	sld [smem:$0x7E2]  }
0x162: {  	[tilespmem:s14], [sflag:$0x1] =	stream.indirect.gather [hbm4b:s3+s7], $0x10, s8, s7, $0xb8;
	[tilespmem:$0x14C80] =	vst v63  }
0x163: {  	s11 =	sld [smem:$0x7E4]  }
0x164: {  	[tilespmem:s16], [sflag:$0x1] =	stream.indirect.gather [hbm4b:s3+s7], $0x10, s9, s7, $0xb8;
	[tilespmem:$0x14C80] =	vst v63  }
0x165: {  	s15 =	rddreg [dreg:$0x1d]  }
0x166: {  	[tilespmem:s13], [sflag:$0x1] =	stream.indirect.gather [hbm4b:s3+s7], $0x10, s15, s7, $0xb8;
	[tilespmem:$0x14C80] =	vst v63  }
0x167: {  	s16 =	sld [smem:$0x7E3]  }
0x168: {  	[tilespmem:s10], [sflag:$0x1] =	stream.indirect.gather [hbm4b:s3+s7], $0x10, s12, s7, $0xb8;
	[tilespmem:$0x14C80] =	vst v63  }
0x169: {  	_ = 	snop  }
0x16a: {  	[tilespmem:s16], [sflag:$0x1] =	stream.indirect.gather [hbm4b:s3+s7], $0x10, s11, s7, $0xb8;
	[tilespmem:$0x14C80] =	vst v63  }
0x16b: {  	_ =	swait.ge [sflag:s6], $0x7D0  }
0x16c: {  	[sflag:s6] =	ssyncset.done $0x0  }
0x16d: {  	[sflag:s6] =	ssyncadd.s32 $0xFFFFF830  }
0x16e: {  	_ =	swait.ge [sflag:s6], $0x7D0  }
0x16f: {  	[sflag:s6] =	ssyncset.done $0x0  }
0x170: {  	[sflag:s6] =	ssyncadd.s32 $0xFFFFF830  }
0x171: {  	_ =	swait.ge [sflag:s6], $0x7D0  }
0x172: {  	[sflag:s6] =	ssyncset.done $0x0  }
0x173: {  	[sflag:s6] =	ssyncadd.s32 $0xFFFFF830  }
0x174: {  	_ =	swait.ge [sflag:s6], $0x7D0  }
0x175: {  	[sflag:s6] =	ssyncset.done $0x0  }
0x176: {  	[sflag:s6] =	ssyncadd.s32 $0xFFFFF830  }
0x177: {  	_ =	swait.ge [sflag:s6], $0x7D0  }
0x178: {  	[sflag:s6] =	ssyncset.done $0x0  }
0x179: {  	[sflag:s6] =	ssyncadd.s32 $0xFFFFF830  }
0x17a: {  	_ =	swait.ge [sflag:s6], $0x7D0  }
0x17b: {  	[sflag:s6] =	ssyncset.done $0x0  }
0x17c: {  	[sflag:s6] =	ssyncadd.s32 $0xFFFFF830  }
0x17d: {  	_ =	swait.ge [sflag:s6], $0x7D0  }
0x17e: {  	[sflag:s6] =	ssyncset.done $0x0  }
0x17f: {  	[sflag:s6] =	ssyncadd.s32 $0xFFFFF830  }
0x180: {  	_ =	swait.ge [sflag:s6], $0x7D0  }
0x181: {  	s0 =	sld [smem:$0x7E5]  }
0x182: {  	s8 =	sld [smem:$0x7E6]  }
0x183: {  	s9 =	sld [smem:$0x7E7]  }
0x184: {  	s10 =	sld [smem:$0x7E8]  }
0x185: {  	s11 =	sld [smem:$0x7E9]  }
0x186: {  	s12 =	sld [smem:$0x7EA]  }
0x187: {  	s13 =	sld [smem:$0x7EB]  }
0x188: {  	s14 =	sld [smem:$0x7EC]  }
0x189: {  	[sflag:s6] =	ssyncset.done $0x0;
	s15 =	sld [smem:$0x7ED]  }
0x18a: {  	s16 =	sld [smem:$0x7EE];
	[sflag:s6] =	ssyncadd.s32 $0xFFFFF830  }
0x18b: {  	[tilespmem:s13], [sflag:$0x1] =	stream.indirect.gather [hbm4b:s3+s7], $0x10, s11, s7, $0xb8;
	[tilespmem:$0x14C80] =	vst v63  }
0x18c: {  	s13 =	sld [smem:$0x7EF]  }
0x18d: {  	[tilespmem:s9], [sflag:$0x1] =	stream.indirect.gather [hbm4b:s3+s7], $0x10, s10, s7, $0xb8;
	[tilespmem:$0x14C80] =	vst v63  }
0x18e: {  	s10 =	sld [smem:$0x7F0]  }
0x18f: {  	[tilespmem:s12], [sflag:$0x1] =	stream.indirect.gather [hbm4b:s3+s7], $0x10, s8, s7, $0xb8;
	[tilespmem:$0x14C80] =	vst v63  }
0x190: {  	s12 =	sld [smem:$0x7F1]  }
0x191: {  	[tilespmem:s14], [sflag:$0x1] =	stream.indirect.gather [hbm4b:s3+s7], $0x10, s13, s7, $0xb8;
	[tilespmem:$0x14C80] =	vst v63  }
0x192: {  	s13 =	sld [smem:$0x7F2]  }
0x193: {  	[tilespmem:s16], [sflag:$0x1] =	stream.indirect.gather [hbm4b:s3+s7], $0x10, s10, s7, $0xb8;
	[tilespmem:$0x14C80] =	vst v63  }
0x194: {  	s14 =	sld [smem:$0x7F3]  }
0x195: {  	[tilespmem:s15], [sflag:$0x1] =	stream.indirect.gather [hbm4b:s3+s7], $0x10, s12, s7, $0xb8;
	[tilespmem:$0x14C80] =	vst v63  }
0x196: {  	s16 =	sld [smem:$0x7F4]  }
0x197: {  	[tilespmem:s0], [sflag:$0x1] =	stream.indirect.gather [hbm4b:s3+s7], $0x10, s13, s7, $0xb8;
	[tilespmem:$0x14C80] =	vst v63  }
0x198: {  	_ = 	snop  }
0x199: {  	[tilespmem:s14], [sflag:$0x1] =	stream.indirect.gather [hbm4b:s3+s7], $0x10, s16, s7, $0xb8;
	[tilespmem:$0x14C80] =	vst v63  }
0x19a: {  	_ =	swait.ge [sflag:s6], $0x7D0  }
0x19b: {  	[sflag:s6] =	ssyncset.done $0x0  }
0x19c: {  	[sflag:s6] =	ssyncadd.s32 $0xFFFFF830  }
0x19d: {  	_ =	swait.ge [sflag:s6], $0x7D0  }
0x19e: {  	[sflag:s6] =	ssyncset.done $0x0  }
0x19f: {  	[sflag:s6] =	ssyncadd.s32 $0xFFFFF830  }
0x1a0: {  	_ =	swait.ge [sflag:s6], $0x7D0  }
0x1a1: {  	[sflag:s6] =	ssyncset.done $0x0  }
0x1a2: {  	[sflag:s6] =	ssyncadd.s32 $0xFFFFF830  }
0x1a3: {  	_ =	swait.ge [sflag:s6], $0x7D0  }
0x1a4: {  	[sflag:s6] =	ssyncset.done $0x0  }
0x1a5: {  	[sflag:s6] =	ssyncadd.s32 $0xFFFFF830  }
0x1a6: {  	_ =	swait.ge [sflag:s6], $0x7D0  }
0x1a7: {  	[sflag:s6] =	ssyncset.done $0x0  }
0x1a8: {  	[sflag:s6] =	ssyncadd.s32 $0xFFFFF830  }
0x1a9: {  	_ =	swait.ge [sflag:s6], $0x7D0  }
0x1aa: {  	[sflag:s6] =	ssyncset.done $0x0  }
0x1ab: {  	[sflag:s6] =	ssyncadd.s32 $0xFFFFF830  }
0x1ac: {  	_ =	swait.ge [sflag:s6], $0x7D0  }
0x1ad: {  	[sflag:s6] =	ssyncset.done $0x0  }
0x1ae: {  	[sflag:s6] =	ssyncadd.s32 $0xFFFFF830  }
0x1af: {  	_ =	swait.ge [sflag:s6], $0x7D0  }
0x1b0: {  	s8 =	sld [smem:$0x7F5]  }
0x1b1: {  	s9 =	sld [smem:$0x7F6]  }
0x1b2: {  	s11 =	sld [smem:$0x7F7]  }
0x1b3: {  	s10 =	sld [smem:$0x7F8]  }
0x1b4: {  	[sflag:s6] =	ssyncset.done $0x0;
	s12 =	sld [smem:$0x7F9]  }
0x1b5: {  	s13 =	sld [smem:$0x7FA];
	[sflag:s6] =	ssyncadd.s32 $0xFFFFF830  }
0x1b6: {  	[tilespmem:s9], [sflag:$0x1] =	stream.indirect.gather [hbm4b:s3+s7], $0x10, s8, s7, $0xb8;
	[tilespmem:$0x14C80] =	vst v63  }
0x1b7: {  	s16 =	sld [smem:$0x7FB]  }
0x1b8: {  	[tilespmem:s11], [sflag:$0x1] =	stream.indirect.gather [hbm4b:s3+s7], $0x10, s12, s7, $0xb8;
	[tilespmem:$0x14C80] =	vst v63  }
0x1b9: {  	s14 =	sld [smem:$0x7FC]  }
0x1ba: {  	[tilespmem:s10], [sflag:$0x1] =	stream.indirect.gather [hbm4b:s3+s7], $0x10, s13, s7, $0xb8;
	[tilespmem:$0x14C80] =	vst v63  }
0x1bb: {  	s15 =	sld [smem:$0x7FD]  }
0x1bc: {  	[tilespmem:s16], [sflag:$0x1] =	stream.indirect.gather [hbm4b:s3+s7], $0x10, s14, s7, $0xb8;
	[tilespmem:$0x14C80] =	vst v63  }
0x1bd: {  	s16 =	simm.s32 $0xEEC0  }
0x1be: {  	[tilespmem:s16], [sflag:$0x1] =	stream.indirect.gather [hbm4b:s3+s7], $0x10, s15, s7, $0xb8;
	[tilespmem:$0x14C80] =	vst v63  }
0x1bf: {  	s9 =	simm.s32 $0xE80;
	s10 =	simm.s32 $0xF690  }
0x1c0: {  	[tilespmem:s10], [sflag:$0x1] =	stream.indirect.gather [hbm4b:s3+s7], $0x10, s9, s7, $0xb8;
	[tilespmem:$0x14C80] =	vst v63  }
0x1c1: {  	s11 =	simm.s32 $0xF00;
	s12 =	simm.s32 $0xFE60  }
0x1c2: {  	[tilespmem:s12], [sflag:$0x1] =	stream.indirect.gather [hbm4b:s3+s7], $0x10, s11, s7, $0xb8;
	[tilespmem:$0x14C80] =	vst v63  }
0x1c3: {  	s13 =	simm.s32 $0xF80;
	s14 =	simm.s32 $0x10630  }
0x1c4: {  	[tilespmem:s14], [sflag:$0x1] =	stream.indirect.gather [hbm4b:s3+s7], $0x10, s13, s7, $0xb8;
	[tilespmem:$0x14C80] =	vst v63  }
0x1c5: {  	_ =	swait.ge [sflag:s6], $0x7D0  }
0x1c6: {  	[sflag:s6] =	ssyncset.done $0x0  }
0x1c7: {  	[sflag:s6] =	ssyncadd.s32 $0xFFFFF830  }
0x1c8: {  	_ =	swait.ge [sflag:s6], $0x7D0  }
0x1c9: {  	[sflag:s6] =	ssyncset.done $0x0  }
0x1ca: {  	[sflag:s6] =	ssyncadd.s32 $0xFFFFF830  }
0x1cb: {  	_ =	swait.ge [sflag:s6], $0x7D0  }
0x1cc: {  	[sflag:s6] =	ssyncset.done $0x0  }
0x1cd: {  	[sflag:s6] =	ssyncadd.s32 $0xFFFFF830  }
0x1ce: {  	_ =	swait.ge [sflag:s6], $0x7D0  }
0x1cf: {  	[sflag:s6] =	ssyncset.done $0x0  }
0x1d0: {  	[sflag:s6] =	ssyncadd.s32 $0xFFFFF830  }
0x1d1: {  	_ =	swait.ge [sflag:s6], $0x7D0  }
0x1d2: {  	[sflag:s6] =	ssyncset.done $0x0  }
0x1d3: {  	[sflag:s6] =	ssyncadd.s32 $0xFFFFF830  }
0x1d4: {  	_ =	swait.ge [sflag:s6], $0x7D0  }
0x1d5: {  	[sflag:s6] =	ssyncset.done $0x0  }
0x1d6: {  	[sflag:s6] =	ssyncadd.s32 $0xFFFFF830  }
0x1d7: {  	_ =	swait.ge [sflag:s6], $0x7D0  }
0x1d8: {  	[sflag:s6] =	ssyncset.done $0x0  }
0x1d9: {  	[sflag:s6] =	ssyncadd.s32 $0xFFFFF830  }
0x1da: {  	_ =	swait.ge [sflag:s6], $0x7D0  }
0x1db: {  	[sflag:s6] =	ssyncset.done $0x0  }
0x1dc: {  	s15 =	simm.s32 $0x1000;
	s16 =	simm.s32 $0x10E00;
	[sflag:s6] =	ssyncadd.s32 $0xFFFFF830  }
0x1dd: {  	[tilespmem:s16], [sflag:$0x1] =	stream.indirect.gather [hbm4b:s3+s7], $0x10, s15, s7, $0xb8;
	[tilespmem:$0x14C80] =	vst v63  }
0x1de: {  	_ = 	snop  }
0x1df: {  	[tilespmem:s18], [sflag:$0x1] =	stream.indirect.gather [hbm4b:s3+s7], $0x10, s17, s7, $0xb8;
	[tilespmem:$0x14C80] =	vst v63  }
0x1e0: {  	_ = 	snop  }
0x1e1: {  	[tilespmem:s20], [sflag:$0x1] =	stream.indirect.gather [hbm4b:s3+s7], $0x10, s19, s7, $0xb8;
	[tilespmem:$0x14C80] =	vst v63  }
0x1e2: {  	_ = 	snop  }
0x1e3: {  	[tilespmem:s22], [sflag:$0x1] =	stream.indirect.gather [hbm4b:s3+s7], $0x10, s21, s7, $0xb8;
	[tilespmem:$0x14C80] =	vst v63  }
0x1e4: {  	_ = 	snop  }
0x1e5: {  	[tilespmem:s24], [sflag:$0x1] =	stream.indirect.gather [hbm4b:s3+s7], $0x10, s23, s7, $0xb8;
	[tilespmem:$0x14C80] =	vst v63  }
0x1e6: {  	_ = 	snop  }
0x1e7: {  	[tilespmem:s26], [sflag:$0x1] =	stream.indirect.gather [hbm4b:s3+s7], $0x10, s25, s7, $0xb8;
	[tilespmem:$0x14C80] =	vst v63  }
0x1e8: {  	p0 =	sne.s32 s1, $0x1  }
0x1e9: {  	[tilespmem:s29], [sflag:$0x1] =	stream.indirect.gather [hbm4b:s3+s7], $0x10, s28, s7, $0xb8;
	[tilespmem:$0x14C80] =	vst v63  }
.Ltmp1:
0x1ea: {  	_ = 	snop;
	(pc) =	sbr.rel @p0 .LBB2_1-.Ltmp1, $4  }
0x1eb: {  	[tilespmem:s31], [sflag:$0x1] =	stream.indirect.gather [hbm4b:s3+s7], $0x10, s30, s7, $0xb8;
	[tilespmem:$0x14C80] =	vst v63  }
0x1ec: {  	_ =	swait.ge [sflag:s6], $0x7D0  }
0x1ed: {  	[sflag:s6] =	ssyncset.done $0x0  }
0x1ee: {  	s1 =	sadd.s32 $0xFFFFFFFF, s1;
	[sflag:s6] =	ssyncadd.s32 $0xFFFFF830  }
.LBB2_2:
0x1ef: {  	_ =	swait.ge [sflag:s6], $0x7D0  }
0x1f0: {  	[sflag:s6] =	ssyncset.done $0x0  }
0x1f1: {  	[sflag:s6] =	ssyncadd.s32 $0xFFFFF830  }
0x1f2: {  	_ =	swait.ge [sflag:s6], $0x7D0  }
0x1f3: {  	[sflag:s6] =	ssyncset.done $0x0  }
0x1f4: {  	[sflag:s6] =	ssyncadd.s32 $0xFFFFF830  }
0x1f5: {  	_ =	swait.ge [sflag:s6], $0x7D0  }
0x1f6: {  	[sflag:s6] =	ssyncset.done $0x0  }
0x1f7: {  	[sflag:s6] =	ssyncadd.s32 $0xFFFFF830  }
0x1f8: {  	_ =	swait.ge [sflag:s6], $0x7D0  }
0x1f9: {  	[sflag:s6] =	ssyncset.done $0x0  }
0x1fa: {  	[sflag:s6] =	ssyncadd.s32 $0xFFFFF830  }
0x1fb: {  	_ =	swait.ge [sflag:s6], $0x7D0  }
0x1fc: {  	[sflag:s6] =	ssyncset.done $0x0  }
0x1fd: {  	[sflag:s6] =	ssyncadd.s32 $0xFFFFF830  }
0x1fe: {  	_ =	swait.ge [sflag:s6], $0x7D0  }
0x1ff: {  	[sflag:s6] =	ssyncset.done $0x0  }
0x200: {  	[sflag:s6] =	ssyncadd.s32 $0xFFFFF830  }
0x201: {  	_ =	swait.ge [sflag:s6], $0x7D0  }
0x202: {  	[sflag:s6] =	ssyncset.done $0x0  }
0x203: {  	s0 =	rddreg [dreg:$0x4];
	[sflag:s6] =	ssyncadd.s32 $0xFFFFF830  }
0x204: {  	[hbm4b:s0+s2] =	stream.linear.scatter [tilespmem:s5], [sflag:$0x2], $0x13880, $0x38;
	[tilespmem:$0x14C80] =	vst v63  }
0x205: {  	_ =	swait.ge [sflag:s4], $0x13880  }
0x206: {  	[sflag:s4] =	ssyncset.done $0x0  }
0x207: {  	[sflag:s4] =	ssyncadd.s32 $0xFFFEC780  }
0x208: {  	_ =	sfence.sel $0x180000  }
0x209: {  	[bflag:$0x0] =	sbarrier.arrive $0xFFFF  }
0x20a: {  	_ =	strace $0x90000047  }
0x20b: {  	s31 =	stileid.u32;
	[bflag:$0x2] =	sbarrier.arrive $0xFFFF  }
0x20c: {  	p0 =	sne.s32 s31, $0x0;
	s0 =	rddreg [dreg:$0x2]  }
0x20d: {  	s0 =	sadd.s32 @!p0 $0x100000, s0  }
0x20e: {  	[sflag:s0] =	ssyncadd.tile.s32 @!p0 $0x1;
	_ =	shalt  }
.Lfunc_end2:
_tile_overlayer_lowered:
.L_overlay_start_2:
0x20f: {  	(tag) =	ssettag $0x2  }
0x210: {  	s0 =	rddreg [dreg:$0x0];
	s2 =	stileid.u32  }
0x211: {  	s1 =	rddreg [dreg:$0x1];
	p0 =	sne.s32 s2, $0x0  }
0x212: {  	s3 =	rddreg [dreg:$0x2];
	[bflag:$0x3] =	sbarrier.arrive $0xFFFF;
	s2 =	simm.s32 @!p0 $0x1C02  }
0x213: {  	[timem:s3], [sflag:s2] =	dma.local @!p0 [hbm:s0], s1  }
0x214: {  	s0 =	simm.s32 @!p0 $0x2  }
0x215: {  	_ =	swait.ge @!p0 [sflag:s0], s1  }
0x216: {  	s1 =	ssub.s32 @!p0 $0x0, s1;
	[sflag:s0] =	ssyncset.done @!p0 $0x0  }
0x217: {  	[sflag:s0] =	ssyncadd.s32 @!p0 s1  }
0x218: {  	[bflag:$0x3] =	sbarrier.arrive $0xFFFF  }
0x219: {  	_ =	shalt  }

</sc_bundles>
